<compile_context>
chip_gen: v7x
topology: tpu7x:2x2x1
jax: 0.10.2.dev20260603
libtpu: 0.0.44.dev20260713+nightly
codegen_flags: <defaults>
</compile_context>

<pallas_src>
import math

import jax
import jax.numpy as jnp
from jax import lax
from jax.experimental import pallas as pl
from jax.experimental.pallas import tpu as pltpu
from jax.experimental.pallas import tpu_sc as plsc

N_ROWS = 20000
N_CLS = 91
NP = 20480
HALF = NP // 2
HV = HALF // 16
FOLD = 20
BV = 2 * (HV // FOLD)
CAND_CAP = 512
DEEP_CAP = 24
DLIST = 48
OUT_W = 304
NEG_INF = float("-inf")


def _rowstats_body(x_ref, m_ref, a_ref, m2_ref):
    pid = pl.program_id(0)
    c0 = pid * 4
    x0 = x_ref[0]
    x1 = x_ref[1]
    x2 = x_ref[2]
    x3 = jnp.where(c0 + 3 >= N_CLS, NEG_INF, x_ref[3])
    m01 = jnp.maximum(x0, x1)
    i01 = jnp.where(x1 > x0, c0 + 1, c0)
    n01 = jnp.minimum(x0, x1)
    m23 = jnp.maximum(x2, x3)
    i23 = jnp.where(x3 > x2, c0 + 3, c0 + 2)
    n23 = jnp.minimum(x2, x3)
    s1 = jnp.maximum(m01, m23)
    i4 = jnp.where(m23 > m01, i23, i01)
    s2 = jnp.maximum(jnp.minimum(m01, m23), jnp.maximum(n01, n23))

    @pl.when(pid == 0)
    def _init():
        m_ref[:, :N_ROWS] = s1
        m_ref[:, N_ROWS:] = jnp.full((16, NP - N_ROWS), NEG_INF, jnp.float32)
        a_ref[:, :N_ROWS] = i4
        a_ref[:, N_ROWS:] = jnp.zeros((16, NP - N_ROWS), jnp.int32)
        m2_ref[:, :N_ROWS] = s2
        m2_ref[:, N_ROWS:] = jnp.full((16, NP - N_ROWS), NEG_INF, jnp.float32)

    @pl.when(pid > 0)
    def _upd():
        mo = m_ref[:, :N_ROWS]
        m2o = m2_ref[:, :N_ROWS]
        better = s1 > mo
        m_ref[:, :N_ROWS] = jnp.maximum(mo, s1)
        a_ref[:, :N_ROWS] = jnp.where(better, i4, a_ref[:, :N_ROWS])
        m2_ref[:, :N_ROWS] = jnp.maximum(
            jnp.minimum(mo, s1), jnp.maximum(m2o, s2)
        )


def _key(x):
    b = lax.bitcast_convert_type(x, jnp.uint32)
    flip = jnp.where(x < 0.0, jnp.uint32(0xFFFFFFFF), jnp.uint32(0x80000000))
    return b ^ flip


def _unkey(u):
    flip = jnp.where(
        u >= jnp.uint32(0x80000000), jnp.uint32(0x80000000), jnp.uint32(0xFFFFFFFF)
    )
    return lax.bitcast_convert_type(u ^ flip, jnp.float32)


def _shuf(x, idx):
    dn = lax.GatherDimensionNumbers(
        offset_dims=(), collapsed_slice_dims=(0,), start_index_map=(0,)
    )
    return lax.gather(
        x,
        idx[:, None],
        dimension_numbers=dn,
        slice_sizes=(1,),
        mode=lax.GatherScatterMode.PROMISE_IN_BOUNDS,
    )


def _scalar(v):
    return jnp.max(v)


def _popcount(m):
    return _scalar(plsc.all_reduce_population_count(m))


def _fdiv(x_i32, d):
    return (x_i32.astype(jnp.float32) / jnp.float32(d)).astype(jnp.int32)


def _sc_body(rm_hbm, am_hbm, m2_hbm, lt_hbm, boxes_hbm, ts_hbm,
             scores_out, labels_out, boxes_out,
             rm_v, am_v, m2_v, gmax_v, sortk_v, sortv_v,
             dchunk_v, dai_v, deepstage_v, boxstage_v, boxidx_v,
             scores_v, labels_v, boxout_v, ts_v, sem):
    nc = 2
    wid = lax.axis_index("s") * nc + lax.axis_index("c")
    lane = lax.iota(jnp.int32, 16)

    @pl.when(wid < 16)
    def _work():
        b = wid
        pltpu.sync_copy(ts_hbm.at[b], ts_v)

        def stage_half(h):
            sl = pl.ds(h * HALF, HALF)
            pltpu.sync_copy(rm_hbm.at[b].at[sl], rm_v)
            pltpu.sync_copy(am_hbm.at[b].at[sl], am_v)
            pltpu.sync_copy(m2_hbm.at[b].at[sl], m2_v)

        def fold_half(h):
            def gfold(j, _):
                def inner(k, acc):
                    return jnp.maximum(acc, rm_v[pl.ds((j * FOLD + k) * 16, 16)])

                acc = lax.fori_loop(
                    0, FOLD, inner, jnp.full((16,), NEG_INF, jnp.float32)
                )
                gmax_v[pl.ds((h * (BV // 2) + j) * 16, 16)] = _key(acc)
                return 0

            lax.fori_loop(0, BV // 2, gfold, 0)

        stage_half(0)
        fold_half(0)
        stage_half(1)
        fold_half(1)

        def count_ge(T):
            def cbody(i, acc):
                k = gmax_v[pl.ds(i * 16, 16)]
                return acc + jnp.where(k >= T, 1, 0).astype(jnp.int32)

            accv = lax.fori_loop(0, BV, cbody, jnp.zeros((16,), jnp.int32))
            return jnp.sum(accv)

        def bis_body(i, T):
            bit = 31 - i
            cand = T | (jnp.uint32(1) << bit.astype(jnp.uint32))
            c = count_ge(cand)
            return jnp.where(c >= 300, cand, T)

        t2 = lax.fori_loop(0, 24, bis_body, jnp.uint32(0))

        def zero_body(j, _):
            sortk_v[pl.ds(j * 16, 16)] = jnp.zeros((16,), jnp.uint32)
            sortv_v[pl.ds(j * 16, 16)] = jnp.zeros((16,), jnp.int32)
            return 0

        lax.fori_loop(0, CAND_CAP // 16, zero_body, 0)

        def dinit_body(j, _):
            dchunk_v[pl.ds(j * 16, 16)] = j * 16 + lane
            dai_v[pl.ds(j * 16, 16)] = jnp.full((16,), -1, jnp.int32)
            return 0

        lax.fori_loop(0, DLIST // 16, dinit_body, 0)

        def compact_half(h, carry):
            def cmp_body(i, carry):
                off, offd = carry
                x = rm_v[pl.ds(i * 16, 16)]
                u = _key(x)
                m = u >= t2

                def do_store(carry):
                    off, offd = carry
                    am = am_v[pl.ds(i * 16, 16)]
                    row = h * HALF + i * 16 + lane
                    fl = row * N_CLS + am
                    offc = jnp.minimum(off, CAND_CAP - 16)
                    plsc.store_compressed(sortk_v.at[pl.ds(offc, 16)], u, mask=m)
                    plsc.store_compressed(sortv_v.at[pl.ds(offc, 16)], fl, mask=m)
                    m2u = _key(m2_v[pl.ds(i * 16, 16)])
                    md = m & (m2u >= t2)
                    offdc = jnp.minimum(offd, DLIST - 16)
                    plsc.store_compressed(
                        dchunk_v.at[pl.ds(offdc, 16)], row, mask=md
                    )
                    plsc.store_compressed(dai_v.at[pl.ds(offdc, 16)], fl, mask=md)
                    return off + _popcount(m), offd + _popcount(md)

                return lax.cond(jnp.any(m), do_store, lambda cr: cr, carry)

            return lax.fori_loop(0, HV, cmp_body, carry)

        carry = compact_half(1, (jnp.int32(0), jnp.int32(0)))
        stage_half(0)
        n_cand, n_deep = compact_half(0, carry)
        n_deep = jnp.minimum(n_deep, DEEP_CAP)

        def deep_scan(dc, off):
            zero16 = jnp.zeros((16,), jnp.int32)
            r_vec = plsc.load_gather(dchunk_v, [zero16 + dc])
            ai = plsc.load_gather(dai_v, [zero16 + dc])
            r_s = jnp.max(r_vec)
            r128 = jnp.minimum((r_s >> 7) << 7, N_ROWS - 128)
            col = r_s - r128
            src0 = pl.multiple_of(r128, 128)
            pltpu.sync_copy(lt_hbm.at[:, b, pl.ds(src0, 128)], deepstage_v)

            def kb(k, off):
                cls = k * 16 + lane
                v = plsc.load_gather(
                    deepstage_v, [jnp.minimum(cls, N_CLS), zero16 + col]
                )
                u = _key(v)
                fl = r_vec * N_CLS + cls
                m = (cls < N_CLS) & (u >= t2) & (fl != ai)

                def dstore(off):
                    offc = jnp.minimum(off, CAND_CAP - 16)
                    plsc.store_compressed(sortk_v.at[pl.ds(offc, 16)], u, mask=m)
                    plsc.store_compressed(sortv_v.at[pl.ds(offc, 16)], fl, mask=m)
                    return off + _popcount(m)

                return lax.cond(jnp.any(m), dstore, lambda o: o, off)

            return lax.fori_loop(0, 6, kb, off)

        n_cand = lax.fori_loop(0, n_deep, deep_scan, n_cand)

        nv = CAND_CAP // 16

        def inter_stage(ksz, j):
            jb = j // 16
            s = int(math.log2(jb)) if jb > 0 else 0

            def pair_body(t, _):
                v = ((t >> s) << (s + 1)) | (t & (jb - 1))
                p = v | jb
                ka = sortk_v[pl.ds(v * 16, 16)]
                va = sortv_v[pl.ds(v * 16, 16)]
                kb_ = sortk_v[pl.ds(p * 16, 16)]
                vb = sortv_v[pl.ds(p * 16, 16)]
                dir_asc = ((v * 16) & ksz) == 0
                lo_before = (ka > kb_) | ((ka == kb_) & (va < vb))
                swap = lo_before ^ dir_asc
                sortk_v[pl.ds(v * 16, 16)] = jnp.where(swap, kb_, ka)
                sortv_v[pl.ds(v * 16, 16)] = jnp.where(swap, vb, va)
                sortk_v[pl.ds(p * 16, 16)] = jnp.where(swap, ka, kb_)
                sortv_v[pl.ds(p * 16, 16)] = jnp.where(swap, va, vb)
                return 0

            lax.fori_loop(0, nv // 2, pair_body, 0)

        def intra_stage(ksz, j):
            pidx = lane ^ j

            def vreg_body(v, _):
                ka = sortk_v[pl.ds(v * 16, 16)]
                va = sortv_v[pl.ds(v * 16, 16)]
                kb_ = _shuf(ka, pidx)
                vb = _shuf(va, pidx)
                am_lower = (lane & j) == 0
                klo = jnp.where(am_lower, ka, kb_)
                khi = jnp.where(am_lower, kb_, ka)
                vlo = jnp.where(am_lower, va, vb)
                vhi = jnp.where(am_lower, vb, va)
                dir_asc = (((v * 16 + lane) & ksz) == 0)
                lo_before = (klo > khi) | ((klo == khi) & (vlo < vhi))
                swap = lo_before ^ dir_asc
                sortk_v[pl.ds(v * 16, 16)] = jnp.where(swap, kb_, ka)
                sortv_v[pl.ds(v * 16, 16)] = jnp.where(swap, vb, va)
                return 0

            lax.fori_loop(0, nv, vreg_body, 0)

        ksz = 2
        while ksz <= CAND_CAP:
            j = ksz // 2
            while j >= 1:
                if j >= 16:
                    inter_stage(ksz, j)
                else:
                    intra_stage(ksz, j)
                j //= 2
            ksz *= 2

        def out_body(jv, _):
            sl = pl.ds(jv * 16, 16)
            u = sortk_v[sl]
            fl = sortv_v[sl]
            x = _unkey(u)
            scores_v[sl] = 1.0 / (1.0 + jnp.exp(-x))
            br = _fdiv(fl, N_CLS)
            labels_v[sl] = fl - br * N_CLS
            boxidx_v[sl] = br
            return 0

        lax.fori_loop(0, OUT_W // 16, out_body, 0)

        pltpu.sync_copy(scores_v, scores_out.at[b])
        pltpu.sync_copy(labels_v, labels_out.at[b])

        pltpu.sync_copy(boxes_hbm.at[b], boxstage_v)
        sc_vec = _shuf(ts_v[pl.ds(0, 16)], (lane & 1) ^ 1)

        def box_body(jv, _):
            pos = jv * 16 + lane
            q = pos & 3
            br = plsc.load_gather(boxidx_v, [pos >> 2])
            v = plsc.load_gather(boxstage_v, [q, br])
            vp = plsc.load_gather(boxstage_v, [q ^ 2, br])
            xy = jnp.where(q < 2, v - 0.5 * vp, vp + 0.5 * v)
            boxout_v[pl.ds(jv * 16, 16)] = xy * sc_vec
            return 0

        lax.fori_loop(0, OUT_W * 4 // 16, box_body, 0)
        pltpu.sync_copy(boxout_v, boxes_out.at[b])


def _run_sc(rm, am, m2, lt, boxes_t, ts_pad):
    mesh = plsc.VectorSubcoreMesh(core_axis_name="c", subcore_axis_name="s")
    f = pl.kernel(
        _sc_body,
        mesh=mesh,
        compiler_params=pltpu.CompilerParams(needs_layout_passes=False),
        out_type=[
            jax.ShapeDtypeStruct((16, OUT_W), jnp.float32),
            jax.ShapeDtypeStruct((16, OUT_W), jnp.int32),
            jax.ShapeDtypeStruct((16, OUT_W * 4), jnp.float32),
        ],
        scratch_types=[
            pltpu.VMEM((HALF,), jnp.float32),
            pltpu.VMEM((HALF,), jnp.int32),
            pltpu.VMEM((HALF,), jnp.float32),
            pltpu.VMEM((BV * 16,), jnp.uint32),
            pltpu.VMEM((CAND_CAP,), jnp.uint32),
            pltpu.VMEM((CAND_CAP,), jnp.int32),
            pltpu.VMEM((DLIST,), jnp.int32),
            pltpu.VMEM((DLIST,), jnp.int32),
            pltpu.VMEM((92, 128), jnp.float32),
            pltpu.VMEM((4, N_ROWS), jnp.float32),
            pltpu.VMEM((OUT_W,), jnp.int32),
            pltpu.VMEM((OUT_W,), jnp.float32),
            pltpu.VMEM((OUT_W,), jnp.int32),
            pltpu.VMEM((OUT_W * 4,), jnp.float32),
            pltpu.VMEM((16,), jnp.float32),
            pltpu.SemaphoreType.DMA,
        ],
    )
    return f(rm, am, m2, lt, boxes_t, ts_pad)


def kernel(pred_logits, pred_boxes, target_sizes):
    bs, n, c = pred_logits.shape
    lt = jnp.transpose(pred_logits, (2, 0, 1))
    rm, am, m2 = pl.pallas_call(
        _rowstats_body,
        grid=(c // 4,),
        in_specs=[pl.BlockSpec((4, bs, n), lambda cc: (cc, 0, 0))],
        out_specs=[pl.BlockSpec((bs, NP), lambda cc: (0, 0))] * 3,
        out_shape=[
            jax.ShapeDtypeStruct((bs, NP), jnp.float32),
            jax.ShapeDtypeStruct((bs, NP), jnp.int32),
            jax.ShapeDtypeStruct((bs, NP), jnp.float32),
        ],
    )(lt)

    boxes_t = jnp.transpose(pred_boxes, (0, 2, 1))
    ts_pad = jnp.pad(target_sizes, ((0, 0), (0, 14)))

    scores_p, labels_p, boxes_p = _run_sc(rm, am, m2, lt, boxes_t, ts_pad)
    scores = scores_p[:, :300]
    labels = labels_p[:, :300]
    boxes = boxes_p.reshape(bs, OUT_W, 4)[:, :300]
    return scores, labels, boxes

# --- scband reference (transcript-rebuilt; emitter-appended) ---
"""Pipeline reference for scband-post-process-deformable-58282706207163 (READ-ONLY COPY).

The authoritative reference and input builder live on the scoring server;
editing this copy changes nothing except your own understanding.
"""

import jax, jax.numpy as jnp
import numpy as np


def box_cxcywh_to_xyxy(x):
    cx, cy, w, h = x[..., 0], x[..., 1], x[..., 2], x[..., 3]
    return jnp.stack([cx - 0.5 * w, cy - 0.5 * h, cx + 0.5 * w, cy + 0.5 * h], axis=-1)


def setup_inputs(seed: int = 0) -> dict:
    key = jax.random.key(seed)
    k1, k2, k3 = jax.random.split(key, 3)
    pred_logits = jax.random.normal(k1, (16, 20000, 92), dtype=jnp.float32)
    pred_boxes = jax.random.uniform(k2, (16, 20000, 4), dtype=jnp.float32)
    target_sizes = jax.random.uniform(k3, (16, 2), dtype=jnp.float32)
    return {"pred_logits": pred_logits, "pred_boxes": pred_boxes, "target_sizes": target_sizes}


def reference(pred_logits, pred_boxes, target_sizes):
    # out_logits drops the last (background) class slot
    out_logits = pred_logits[..., :-1]
    bs = pred_logits.shape[0]
    cat_num = out_logits.shape[2]
    prob = jax.nn.sigmoid(out_logits)
    topk_values, topk_indexes = jax.lax.top_k(prob.reshape(bs, -1), 300)
    scores = topk_values
    topk_boxes = topk_indexes // cat_num
    labels = topk_indexes % cat_num
    boxes = box_cxcywh_to_xyxy(pred_boxes)
    idx = jnp.broadcast_to(topk_boxes[:, :, None], (bs, 300, 4))
    boxes = jnp.take_along_axis(boxes, idx, axis=1)
    img_h = target_sizes[:, 0]
    img_w = target_sizes[:, 1]
    scale_fct = jnp.stack([img_w, img_h, img_w, img_h], axis=1)
    boxes = boxes * scale_fct[:, None, :]
    return scores, labels, boxes

if __name__ == "__main__":
    import jax
    _d = setup_inputs()
    print(jax.jit(kernel)(*tuple(_d.values())))

</pallas_src>

<mosaic_0001>
#map = affine_map<(d0, d1) -> (0, 0)>
#map1 = affine_map<(d0, d1) -> (0, 0, 0)>
module attributes {stable_mosaic.version = 14 : i64} {
  func.func @_sc_body(%arg0: i32, %arg1: i32, %arg2: memref<16x20480xf32, #tpu.memory_space<hbm>>, %arg3: memref<16x20480xi32, #tpu.memory_space<hbm>>, %arg4: memref<16x20480xf32, #tpu.memory_space<hbm>>, %arg5: memref<92x16x20000xf32, #tpu.memory_space<hbm>>, %arg6: memref<16x4x20000xf32, #tpu.memory_space<hbm>>, %arg7: memref<16x16xf32, #tpu.memory_space<hbm>>, %arg8: memref<16x304xf32, #tpu.memory_space<hbm>>, %arg9: memref<16x304xi32, #tpu.memory_space<hbm>>, %arg10: memref<16x1216xf32, #tpu.memory_space<hbm>>, %arg11: memref<10240xf32, #tpu.memory_space<vmem>>, %arg12: memref<10240xi32, #tpu.memory_space<vmem>>, %arg13: memref<10240xf32, #tpu.memory_space<vmem>>, %arg14: memref<1024xi32, #tpu.memory_space<vmem>>, %arg15: memref<512xi32, #tpu.memory_space<vmem>>, %arg16: memref<512xi32, #tpu.memory_space<vmem>>, %arg17: memref<48xi32, #tpu.memory_space<vmem>>, %arg18: memref<48xi32, #tpu.memory_space<vmem>>, %arg19: memref<92x128xf32, #tpu.memory_space<vmem>>, %arg20: memref<4x20000xf32, #tpu.memory_space<vmem>>, %arg21: memref<304xi32, #tpu.memory_space<vmem>>, %arg22: memref<304xf32, #tpu.memory_space<vmem>>, %arg23: memref<304xi32, #tpu.memory_space<vmem>>, %arg24: memref<1216xf32, #tpu.memory_space<vmem>>, %arg25: memref<16xf32, #tpu.memory_space<vmem>>, %arg26: memref<!tpu.dma_semaphore, #tpu.memory_space<semaphore_mem>>) attributes {dimension_semantics = [#tpu.dimension_semantics<core_parallel>, #tpu.dimension_semantics<subcore_parallel>], iteration_bounds = array<i64: 2, 16>, scalar_prefetch = 0 : i64, scratch_operands = 16 : i64, tpu.core_type = #tpu.core_type<sc_vector_subcore>, window_params = [{transform_indices = #map}, {transform_indices = #map}, {transform_indices = #map}, {transform_indices = #map1}, {transform_indices = #map1}, {transform_indices = #map}, {transform_indices = #map}, {transform_indices = #map}, {transform_indices = #map}]} {
    %mul3A = arith.constant 2 : i32
    %mul3A_0 = arith.muli %arg1, %mul3A : i32
    %add3A = arith.addi %mul3A_0, %arg0 : i32
    %iota3A = tpu.iota {dimensions = array<i32: 0>} : vector<16xi32>
    %lt3A = arith.constant 16 : i32
    %lt3A_1 = arith.cmpi slt, %add3A, %lt3A : i32
    %convert_element_type3A = arith.extui %lt3A_1 : i1 to i32
    %cond3A = arith.constant 0 : i32
    %cond3A_2 = arith.cmpi ne, %convert_element_type3A, %cond3A : i32
    scf.if %cond3A_2 {
      "tpu.region"() ({
        %run_scoped3A = tpu.sem_alloc : memref<!tpu.dma_semaphore, #tpu.memory_space<semaphore_mem>>
        %dma_start3A = arith.constant 0 : i32
        %dma_start3A_487 = tpu.memref_slice %arg7[%add3A, %dma_start3A] : memref<16x16xf32, #tpu.memory_space<hbm>> -> memref<1x16xf32, #tpu.memory_space<hbm>>
        %dma_start3A_488 = tpu.memref_squeeze %dma_start3A_487 : memref<1x16xf32, #tpu.memory_space<hbm>> -> memref<16xf32, #tpu.memory_space<hbm>>
        %dma_start3A_489 = arith.constant 0 : i32
        %dma_start3A_490 = tpu.memref_slice %arg7[%add3A, %dma_start3A_489] : memref<16x16xf32, #tpu.memory_space<hbm>> -> memref<1x16xf32, #tpu.memory_space<hbm>>
        %dma_start3A_491 = tpu.memref_squeeze %dma_start3A_490 : memref<1x16xf32, #tpu.memory_space<hbm>> -> memref<16xf32, #tpu.memory_space<hbm>>
        tpu.enqueue_dma source(%dma_start3A_491 : memref<16xf32, #tpu.memory_space<hbm>>) target(%arg25 : memref<16xf32, #tpu.memory_space<vmem>>) target_semaphore(%run_scoped3A : memref<!tpu.dma_semaphore, #tpu.memory_space<semaphore_mem>>)
        %dma_wait3A = arith.constant 0 : i32
        %dma_wait3A_492 = tpu.memref_slice %arg7[%add3A, %dma_wait3A] : memref<16x16xf32, #tpu.memory_space<hbm>> -> memref<1x16xf32, #tpu.memory_space<hbm>>
        %dma_wait3A_493 = tpu.memref_squeeze %dma_wait3A_492 : memref<1x16xf32, #tpu.memory_space<hbm>> -> memref<16xf32, #tpu.memory_space<hbm>>
        %dma_wait3A_494 = arith.constant 0 : i32
        %dma_wait3A_495 = tpu.memref_slice %arg7[%add3A, %dma_wait3A_494] : memref<16x16xf32, #tpu.memory_space<hbm>> -> memref<1x16xf32, #tpu.memory_space<hbm>>
        %dma_wait3A_496 = tpu.memref_squeeze %dma_wait3A_495 : memref<1x16xf32, #tpu.memory_space<hbm>> -> memref<16xf32, #tpu.memory_space<hbm>>
        tpu.wait_dma2 semaphore(%run_scoped3A : memref<!tpu.dma_semaphore, #tpu.memory_space<semaphore_mem>>) src(%dma_wait3A_496 : memref<16xf32, #tpu.memory_space<hbm>>) dst(%arg25 : memref<16xf32, #tpu.memory_space<vmem>>)
        tpu.yield
      }) : () -> ()
      "tpu.region"() ({
        %run_scoped3A = tpu.sem_alloc : memref<!tpu.dma_semaphore, #tpu.memory_space<semaphore_mem>>
        %dma_start3A = arith.constant 0 : i32
        %dma_start3A_487 = tpu.memref_slice %arg2[%add3A, %dma_start3A] : memref<16x20480xf32, #tpu.memory_space<hbm>> -> memref<1x20480xf32, #tpu.memory_space<hbm>>
        %dma_start3A_488 = tpu.memref_squeeze %dma_start3A_487 : memref<1x20480xf32, #tpu.memory_space<hbm>> -> memref<20480xf32, #tpu.memory_space<hbm>>
        %dma_start3A_489 = arith.constant 0 : i32
        %dma_start3A_490 = tpu.memref_slice %dma_start3A_488[%dma_start3A_489] : memref<20480xf32, #tpu.memory_space<hbm>> -> memref<10240xf32, #tpu.memory_space<hbm>>
        %dma_start3A_491 = arith.constant 0 : i32
        %dma_start3A_492 = tpu.memref_slice %arg2[%add3A, %dma_start3A_491] : memref<16x20480xf32, #tpu.memory_space<hbm>> -> memref<1x20480xf32, #tpu.memory_space<hbm>>
        %dma_start3A_493 = tpu.memref_squeeze %dma_start3A_492 : memref<1x20480xf32, #tpu.memory_space<hbm>> -> memref<20480xf32, #tpu.memory_space<hbm>>
        %dma_start3A_494 = arith.constant 0 : i32
        %dma_start3A_495 = tpu.memref_slice %dma_start3A_493[%dma_start3A_494] : memref<20480xf32, #tpu.memory_space<hbm>> -> memref<10240xf32, #tpu.memory_space<hbm>>
        tpu.enqueue_dma source(%dma_start3A_495 : memref<10240xf32, #tpu.memory_space<hbm>>) target(%arg11 : memref<10240xf32, #tpu.memory_space<vmem>>) target_semaphore(%run_scoped3A : memref<!tpu.dma_semaphore, #tpu.memory_space<semaphore_mem>>)
        %dma_wait3A = arith.constant 0 : i32
        %dma_wait3A_496 = tpu.memref_slice %arg2[%add3A, %dma_wait3A] : memref<16x20480xf32, #tpu.memory_space<hbm>> -> memref<1x20480xf32, #tpu.memory_space<hbm>>
        %dma_wait3A_497 = tpu.memref_squeeze %dma_wait3A_496 : memref<1x20480xf32, #tpu.memory_space<hbm>> -> memref<20480xf32, #tpu.memory_space<hbm>>
        %dma_wait3A_498 = arith.constant 0 : i32
        %dma_wait3A_499 = tpu.memref_slice %dma_wait3A_497[%dma_wait3A_498] : memref<20480xf32, #tpu.memory_space<hbm>> -> memref<10240xf32, #tpu.memory_space<hbm>>
        %dma_wait3A_500 = arith.constant 0 : i32
        %dma_wait3A_501 = tpu.memref_slice %arg2[%add3A, %dma_wait3A_500] : memref<16x20480xf32, #tpu.memory_space<hbm>> -> memref<1x20480xf32, #tpu.memory_space<hbm>>
        %dma_wait3A_502 = tpu.memref_squeeze %dma_wait3A_501 : memref<1x20480xf32, #tpu.memory_space<hbm>> -> memref<20480xf32, #tpu.memory_space<hbm>>
        %dma_wait3A_503 = arith.constant 0 : i32
        %dma_wait3A_504 = tpu.memref_slice %dma_wait3A_502[%dma_wait3A_503] : memref<20480xf32, #tpu.memory_space<hbm>> -> memref<10240xf32, #tpu.memory_space<hbm>>
        tpu.wait_dma2 semaphore(%run_scoped3A : memref<!tpu.dma_semaphore, #tpu.memory_space<semaphore_mem>>) src(%dma_wait3A_504 : memref<10240xf32, #tpu.memory_space<hbm>>) dst(%arg11 : memref<10240xf32, #tpu.memory_space<vmem>>)
        tpu.yield
      }) : () -> ()
      "tpu.region"() ({
        %run_scoped3A = tpu.sem_alloc : memref<!tpu.dma_semaphore, #tpu.memory_space<semaphore_mem>>
        %dma_start3A = arith.constant 0 : i32
        %dma_start3A_487 = tpu.memref_slice %arg3[%add3A, %dma_start3A] : memref<16x20480xi32, #tpu.memory_space<hbm>> -> memref<1x20480xi32, #tpu.memory_space<hbm>>
        %dma_start3A_488 = tpu.memref_squeeze %dma_start3A_487 : memref<1x20480xi32, #tpu.memory_space<hbm>> -> memref<20480xi32, #tpu.memory_space<hbm>>
        %dma_start3A_489 = arith.constant 0 : i32
        %dma_start3A_490 = tpu.memref_slice %dma_start3A_488[%dma_start3A_489] : memref<20480xi32, #tpu.memory_space<hbm>> -> memref<10240xi32, #tpu.memory_space<hbm>>
        %dma_start3A_491 = arith.constant 0 : i32
        %dma_start3A_492 = tpu.memref_slice %arg3[%add3A, %dma_start3A_491] : memref<16x20480xi32, #tpu.memory_space<hbm>> -> memref<1x20480xi32, #tpu.memory_space<hbm>>
        %dma_start3A_493 = tpu.memref_squeeze %dma_start3A_492 : memref<1x20480xi32, #tpu.memory_space<hbm>> -> memref<20480xi32, #tpu.memory_space<hbm>>
        %dma_start3A_494 = arith.constant 0 : i32
        %dma_start3A_495 = tpu.memref_slice %dma_start3A_493[%dma_start3A_494] : memref<20480xi32, #tpu.memory_space<hbm>> -> memref<10240xi32, #tpu.memory_space<hbm>>
        tpu.enqueue_dma source(%dma_start3A_495 : memref<10240xi32, #tpu.memory_space<hbm>>) target(%arg12 : memref<10240xi32, #tpu.memory_space<vmem>>) target_semaphore(%run_scoped3A : memref<!tpu.dma_semaphore, #tpu.memory_space<semaphore_mem>>)
        %dma_wait3A = arith.constant 0 : i32
        %dma_wait3A_496 = tpu.memref_slice %arg3[%add3A, %dma_wait3A] : memref<16x20480xi32, #tpu.memory_space<hbm>> -> memref<1x20480xi32, #tpu.memory_space<hbm>>
        %dma_wait3A_497 = tpu.memref_squeeze %dma_wait3A_496 : memref<1x20480xi32, #tpu.memory_space<hbm>> -> memref<20480xi32, #tpu.memory_space<hbm>>
        %dma_wait3A_498 = arith.constant 0 : i32
        %dma_wait3A_499 = tpu.memref_slice %dma_wait3A_497[%dma_wait3A_498] : memref<20480xi32, #tpu.memory_space<hbm>> -> memref<10240xi32, #tpu.memory_space<hbm>>
        %dma_wait3A_500 = arith.constant 0 : i32
        %dma_wait3A_501 = tpu.memref_slice %arg3[%add3A, %dma_wait3A_500] : memref<16x20480xi32, #tpu.memory_space<hbm>> -> memref<1x20480xi32, #tpu.memory_space<hbm>>
        %dma_wait3A_502 = tpu.memref_squeeze %dma_wait3A_501 : memref<1x20480xi32, #tpu.memory_space<hbm>> -> memref<20480xi32, #tpu.memory_space<hbm>>
        %dma_wait3A_503 = arith.constant 0 : i32
        %dma_wait3A_504 = tpu.memref_slice %dma_wait3A_502[%dma_wait3A_503] : memref<20480xi32, #tpu.memory_space<hbm>> -> memref<10240xi32, #tpu.memory_space<hbm>>
        tpu.wait_dma2 semaphore(%run_scoped3A : memref<!tpu.dma_semaphore, #tpu.memory_space<semaphore_mem>>) src(%dma_wait3A_504 : memref<10240xi32, #tpu.memory_space<hbm>>) dst(%arg12 : memref<10240xi32, #tpu.memory_space<vmem>>)
        tpu.yield
      }) : () -> ()
      "tpu.region"() ({
        %run_scoped3A = tpu.sem_alloc : memref<!tpu.dma_semaphore, #tpu.memory_space<semaphore_mem>>
        %dma_start3A = arith.constant 0 : i32
        %dma_start3A_487 = tpu.memref_slice %arg4[%add3A, %dma_start3A] : memref<16x20480xf32, #tpu.memory_space<hbm>> -> memref<1x20480xf32, #tpu.memory_space<hbm>>
        %dma_start3A_488 = tpu.memref_squeeze %dma_start3A_487 : memref<1x20480xf32, #tpu.memory_space<hbm>> -> memref<20480xf32, #tpu.memory_space<hbm>>
        %dma_start3A_489 = arith.constant 0 : i32
        %dma_start3A_490 = tpu.memref_slice %dma_start3A_488[%dma_start3A_489] : memref<20480xf32, #tpu.memory_space<hbm>> -> memref<10240xf32, #tpu.memory_space<hbm>>
        %dma_start3A_491 = arith.constant 0 : i32
        %dma_start3A_492 = tpu.memref_slice %arg4[%add3A, %dma_start3A_491] : memref<16x20480xf32, #tpu.memory_space<hbm>> -> memref<1x20480xf32, #tpu.memory_space<hbm>>
        %dma_start3A_493 = tpu.memref_squeeze %dma_start3A_492 : memref<1x20480xf32, #tpu.memory_space<hbm>> -> memref<20480xf32, #tpu.memory_space<hbm>>
        %dma_start3A_494 = arith.constant 0 : i32
        %dma_start3A_495 = tpu.memref_slice %dma_start3A_493[%dma_start3A_494] : memref<20480xf32, #tpu.memory_space<hbm>> -> memref<10240xf32, #tpu.memory_space<hbm>>
        tpu.enqueue_dma source(%dma_start3A_495 : memref<10240xf32, #tpu.memory_space<hbm>>) target(%arg13 : memref<10240xf32, #tpu.memory_space<vmem>>) target_semaphore(%run_scoped3A : memref<!tpu.dma_semaphore, #tpu.memory_space<semaphore_mem>>)
        %dma_wait3A = arith.constant 0 : i32
        %dma_wait3A_496 = tpu.memref_slice %arg4[%add3A, %dma_wait3A] : memref<16x20480xf32, #tpu.memory_space<hbm>> -> memref<1x20480xf32, #tpu.memory_space<hbm>>
        %dma_wait3A_497 = tpu.memref_squeeze %dma_wait3A_496 : memref<1x20480xf32, #tpu.memory_space<hbm>> -> memref<20480xf32, #tpu.memory_space<hbm>>
        %dma_wait3A_498 = arith.constant 0 : i32
        %dma_wait3A_499 = tpu.memref_slice %dma_wait3A_497[%dma_wait3A_498] : memref<20480xf32, #tpu.memory_space<hbm>> -> memref<10240xf32, #tpu.memory_space<hbm>>
        %dma_wait3A_500 = arith.constant 0 : i32
        %dma_wait3A_501 = tpu.memref_slice %arg4[%add3A, %dma_wait3A_500] : memref<16x20480xf32, #tpu.memory_space<hbm>> -> memref<1x20480xf32, #tpu.memory_space<hbm>>
        %dma_wait3A_502 = tpu.memref_squeeze %dma_wait3A_501 : memref<1x20480xf32, #tpu.memory_space<hbm>> -> memref<20480xf32, #tpu.memory_space<hbm>>
        %dma_wait3A_503 = arith.constant 0 : i32
        %dma_wait3A_504 = tpu.memref_slice %dma_wait3A_502[%dma_wait3A_503] : memref<20480xf32, #tpu.memory_space<hbm>> -> memref<10240xf32, #tpu.memory_space<hbm>>
        tpu.wait_dma2 semaphore(%run_scoped3A : memref<!tpu.dma_semaphore, #tpu.memory_space<semaphore_mem>>) src(%dma_wait3A_504 : memref<10240xf32, #tpu.memory_space<hbm>>) dst(%arg13 : memref<10240xf32, #tpu.memory_space<vmem>>)
        tpu.yield
      }) : () -> ()
      %scan3A = arith.constant 0 : i32
      %scan3A_3 = arith.constant 0 : i32
      %scan3A_4 = arith.constant 32 : i32
      %scan3A_5 = arith.addi %scan3A_3, %scan3A_4 : i32
      %scan3A_6 = arith.constant 1 : i32
      %scan3A_7 = scf.for %scan3A_487 = %scan3A_3 to %scan3A_5 step %scan3A_6 iter_args(%scan3A_488 = %scan3A) -> (i32)  : i32 {
        %broadcast_in_dim3A_489 = arith.constant 0xFF800000 : f32
        %broadcast_in_dim3A_490 = vector.broadcast %broadcast_in_dim3A_489 : f32 to vector<16xf32>
        %scan3A_491 = arith.constant 0 : i32
        %scan3A_492 = arith.constant 20 : i32
        %scan3A_493 = arith.addi %scan3A_491, %scan3A_492 : i32
        %scan3A_494 = arith.constant 1 : i32
        %scan3A_495 = scf.for %scan3A_510 = %scan3A_491 to %scan3A_493 step %scan3A_494 iter_args(%scan3A_511 = %broadcast_in_dim3A_490) -> (vector<16xf32>)  : i32 {
          %mul3A_512 = arith.constant 20 : i32
          %mul3A_513 = arith.muli %scan3A_487, %mul3A_512 : i32
          %add3A_514 = arith.addi %mul3A_513, %scan3A_510 : i32
          %mul3A_515 = arith.constant 16 : i32
          %mul3A_516 = arith.muli %add3A_514, %mul3A_515 : i32
          %get3A_517 = arith.index_cast %mul3A_516 : i32 to index
          %get3A_518 = tpu.vector_load %arg11[%get3A_517] {strides = array<i32>} : memref<10240xf32, #tpu.memory_space<vmem>>, vector<16xf32>,
          %max3A = arith.maximumf %scan3A_511, %get3A_518 : vector<16xf32>
          scf.yield %max3A : vector<16xf32>
        }
        %scan3A_496 = arith.constant 20 : i32
        %bitcast_convert_type3A = tpu.bitcast %scan3A_495 : vector<16xf32> -> vector<16xi32>
        %lt3A_497 = arith.constant 0.000000e+00 : f32
        %lt3A_498 = vector.broadcast %lt3A_497 : f32 to vector<16xf32>
        %lt3A_499 = arith.cmpf olt, %scan3A_495, %lt3A_498 : vector<16xf32>
        %jit3A = arith.constant -1 : i32
        %jit3A_500 = arith.constant -2147483648 : i32
        %broadcast_in_dim3A_501 = vector.broadcast %jit3A : i32 to vector<16xi32>
        %broadcast_in_dim3A_502 = vector.broadcast %jit3A_500 : i32 to vector<16xi32>
        %select_n3A = arith.select %lt3A_499, %broadcast_in_dim3A_501, %broadcast_in_dim3A_502 : vector<16xi1>, vector<16xi32>
        %xor3A_503 = arith.xori %bitcast_convert_type3A, %select_n3A : vector<16xi32>
        %add3A_504 = arith.constant 0 : i32
        %add3A_505 = arith.addi %add3A_504, %scan3A_487 : i32
        %mul3A_506 = arith.constant 16 : i32
        %mul3A_507 = arith.muli %add3A_505, %mul3A_506 : i32
        %swap3A = arith.index_cast %mul3A_507 : i32 to index
        %swap3A_508 = tpu.vector_load %arg14[%swap3A] {strides = array<i32>} : memref<1024xi32, #tpu.memory_space<vmem>>, vector<16xi32>,
        tpu.vector_store %arg14[%swap3A], %xor3A_503 {strides = array<i32>} : memref<1024xi32, #tpu.memory_space<vmem>>, vector<16xi32>,
        %scan3A_509 = arith.constant 0 : i32
        scf.yield %scan3A_509 : i32
      }
      %scan3A_8 = arith.constant 32 : i32
      "tpu.region"() ({
        %run_scoped3A = tpu.sem_alloc : memref<!tpu.dma_semaphore, #tpu.memory_space<semaphore_mem>>
        %dma_start3A = arith.constant 0 : i32
        %dma_start3A_487 = tpu.memref_slice %arg2[%add3A, %dma_start3A] : memref<16x20480xf32, #tpu.memory_space<hbm>> -> memref<1x20480xf32, #tpu.memory_space<hbm>>
        %dma_start3A_488 = tpu.memref_squeeze %dma_start3A_487 : memref<1x20480xf32, #tpu.memory_space<hbm>> -> memref<20480xf32, #tpu.memory_space<hbm>>
        %dma_start3A_489 = arith.constant 10240 : i32
        %dma_start3A_490 = tpu.memref_slice %dma_start3A_488[%dma_start3A_489] : memref<20480xf32, #tpu.memory_space<hbm>> -> memref<10240xf32, #tpu.memory_space<hbm>>
        %dma_start3A_491 = arith.constant 0 : i32
        %dma_start3A_492 = tpu.memref_slice %arg2[%add3A, %dma_start3A_491] : memref<16x20480xf32, #tpu.memory_space<hbm>> -> memref<1x20480xf32, #tpu.memory_space<hbm>>
        %dma_start3A_493 = tpu.memref_squeeze %dma_start3A_492 : memref<1x20480xf32, #tpu.memory_space<hbm>> -> memref<20480xf32, #tpu.memory_space<hbm>>
        %dma_start3A_494 = arith.constant 10240 : i32
        %dma_start3A_495 = tpu.memref_slice %dma_start3A_493[%dma_start3A_494] : memref<20480xf32, #tpu.memory_space<hbm>> -> memref<10240xf32, #tpu.memory_space<hbm>>
        tpu.enqueue_dma source(%dma_start3A_495 : memref<10240xf32, #tpu.memory_space<hbm>>) target(%arg11 : memref<10240xf32, #tpu.memory_space<vmem>>) target_semaphore(%run_scoped3A : memref<!tpu.dma_semaphore, #tpu.memory_space<semaphore_mem>>)
        %dma_wait3A = arith.constant 0 : i32
        %dma_wait3A_496 = tpu.memref_slice %arg2[%add3A, %dma_wait3A] : memref<16x20480xf32, #tpu.memory_space<hbm>> -> memref<1x20480xf32, #tpu.memory_space<hbm>>
        %dma_wait3A_497 = tpu.memref_squeeze %dma_wait3A_496 : memref<1x20480xf32, #tpu.memory_space<hbm>> -> memref<20480xf32, #tpu.memory_space<hbm>>
        %dma_wait3A_498 = arith.constant 10240 : i32
        %dma_wait3A_499 = tpu.memref_slice %dma_wait3A_497[%dma_wait3A_498] : memref<20480xf32, #tpu.memory_space<hbm>> -> memref<10240xf32, #tpu.memory_space<hbm>>
        %dma_wait3A_500 = arith.constant 0 : i32
        %dma_wait3A_501 = tpu.memref_slice %arg2[%add3A, %dma_wait3A_500] : memref<16x20480xf32, #tpu.memory_space<hbm>> -> memref<1x20480xf32, #tpu.memory_space<hbm>>
        %dma_wait3A_502 = tpu.memref_squeeze %dma_wait3A_501 : memref<1x20480xf32, #tpu.memory_space<hbm>> -> memref<20480xf32, #tpu.memory_space<hbm>>
        %dma_wait3A_503 = arith.constant 10240 : i32
        %dma_wait3A_504 = tpu.memref_slice %dma_wait3A_502[%dma_wait3A_503] : memref<20480xf32, #tpu.memory_space<hbm>> -> memref<10240xf32, #tpu.memory_space<hbm>>
        tpu.wait_dma2 semaphore(%run_scoped3A : memref<!tpu.dma_semaphore, #tpu.memory_space<semaphore_mem>>) src(%dma_wait3A_504 : memref<10240xf32, #tpu.memory_space<hbm>>) dst(%arg11 : memref<10240xf32, #tpu.memory_space<vmem>>)
        tpu.yield
      }) : () -> ()
      "tpu.region"() ({
        %run_scoped3A = tpu.sem_alloc : memref<!tpu.dma_semaphore, #tpu.memory_space<semaphore_mem>>
        %dma_start3A = arith.constant 0 : i32
        %dma_start3A_487 = tpu.memref_slice %arg3[%add3A, %dma_start3A] : memref<16x20480xi32, #tpu.memory_space<hbm>> -> memref<1x20480xi32, #tpu.memory_space<hbm>>
        %dma_start3A_488 = tpu.memref_squeeze %dma_start3A_487 : memref<1x20480xi32, #tpu.memory_space<hbm>> -> memref<20480xi32, #tpu.memory_space<hbm>>
        %dma_start3A_489 = arith.constant 10240 : i32
        %dma_start3A_490 = tpu.memref_slice %dma_start3A_488[%dma_start3A_489] : memref<20480xi32, #tpu.memory_space<hbm>> -> memref<10240xi32, #tpu.memory_space<hbm>>
        %dma_start3A_491 = arith.constant 0 : i32
        %dma_start3A_492 = tpu.memref_slice %arg3[%add3A, %dma_start3A_491] : memref<16x20480xi32, #tpu.memory_space<hbm>> -> memref<1x20480xi32, #tpu.memory_space<hbm>>
        %dma_start3A_493 = tpu.memref_squeeze %dma_start3A_492 : memref<1x20480xi32, #tpu.memory_space<hbm>> -> memref<20480xi32, #tpu.memory_space<hbm>>
        %dma_start3A_494 = arith.constant 10240 : i32
        %dma_start3A_495 = tpu.memref_slice %dma_start3A_493[%dma_start3A_494] : memref<20480xi32, #tpu.memory_space<hbm>> -> memref<10240xi32, #tpu.memory_space<hbm>>
        tpu.enqueue_dma source(%dma_start3A_495 : memref<10240xi32, #tpu.memory_space<hbm>>) target(%arg12 : memref<10240xi32, #tpu.memory_space<vmem>>) target_semaphore(%run_scoped3A : memref<!tpu.dma_semaphore, #tpu.memory_space<semaphore_mem>>)
        %dma_wait3A = arith.constant 0 : i32
        %dma_wait3A_496 = tpu.memref_slice %arg3[%add3A, %dma_wait3A] : memref<16x20480xi32, #tpu.memory_space<hbm>> -> memref<1x20480xi32, #tpu.memory_space<hbm>>
        %dma_wait3A_497 = tpu.memref_squeeze %dma_wait3A_496 : memref<1x20480xi32, #tpu.memory_space<hbm>> -> memref<20480xi32, #tpu.memory_space<hbm>>
        %dma_wait3A_498 = arith.constant 10240 : i32
        %dma_wait3A_499 = tpu.memref_slice %dma_wait3A_497[%dma_wait3A_498] : memref<20480xi32, #tpu.memory_space<hbm>> -> memref<10240xi32, #tpu.memory_space<hbm>>
        %dma_wait3A_500 = arith.constant 0 : i32
        %dma_wait3A_501 = tpu.memref_slice %arg3[%add3A, %dma_wait3A_500] : memref<16x20480xi32, #tpu.memory_space<hbm>> -> memref<1x20480xi32, #tpu.memory_space<hbm>>
        %dma_wait3A_502 = tpu.memref_squeeze %dma_wait3A_501 : memref<1x20480xi32, #tpu.memory_space<hbm>> -> memref<20480xi32, #tpu.memory_space<hbm>>
        %dma_wait3A_503 = arith.constant 10240 : i32
        %dma_wait3A_504 = tpu.memref_slice %dma_wait3A_502[%dma_wait3A_503] : memref<20480xi32, #tpu.memory_space<hbm>> -> memref<10240xi32, #tpu.memory_space<hbm>>
        tpu.wait_dma2 semaphore(%run_scoped3A : memref<!tpu.dma_semaphore, #tpu.memory_space<semaphore_mem>>) src(%dma_wait3A_504 : memref<10240xi32, #tpu.memory_space<hbm>>) dst(%arg12 : memref<10240xi32, #tpu.memory_space<vmem>>)
        tpu.yield
      }) : () -> ()
      "tpu.region"() ({
        %run_scoped3A = tpu.sem_alloc : memref<!tpu.dma_semaphore, #tpu.memory_space<semaphore_mem>>
        %dma_start3A = arith.constant 0 : i32
        %dma_start3A_487 = tpu.memref_slice %arg4[%add3A, %dma_start3A] : memref<16x20480xf32, #tpu.memory_space<hbm>> -> memref<1x20480xf32, #tpu.memory_space<hbm>>
        %dma_start3A_488 = tpu.memref_squeeze %dma_start3A_487 : memref<1x20480xf32, #tpu.memory_space<hbm>> -> memref<20480xf32, #tpu.memory_space<hbm>>
        %dma_start3A_489 = arith.constant 10240 : i32
        %dma_start3A_490 = tpu.memref_slice %dma_start3A_488[%dma_start3A_489] : memref<20480xf32, #tpu.memory_space<hbm>> -> memref<10240xf32, #tpu.memory_space<hbm>>
        %dma_start3A_491 = arith.constant 0 : i32
        %dma_start3A_492 = tpu.memref_slice %arg4[%add3A, %dma_start3A_491] : memref<16x20480xf32, #tpu.memory_space<hbm>> -> memref<1x20480xf32, #tpu.memory_space<hbm>>
        %dma_start3A_493 = tpu.memref_squeeze %dma_start3A_492 : memref<1x20480xf32, #tpu.memory_space<hbm>> -> memref<20480xf32, #tpu.memory_space<hbm>>
        %dma_start3A_494 = arith.constant 10240 : i32
        %dma_start3A_495 = tpu.memref_slice %dma_start3A_493[%dma_start3A_494] : memref<20480xf32, #tpu.memory_space<hbm>> -> memref<10240xf32, #tpu.memory_space<hbm>>
        tpu.enqueue_dma source(%dma_start3A_495 : memref<10240xf32, #tpu.memory_space<hbm>>) target(%arg13 : memref<10240xf32, #tpu.memory_space<vmem>>) target_semaphore(%run_scoped3A : memref<!tpu.dma_semaphore, #tpu.memory_space<semaphore_mem>>)
        %dma_wait3A = arith.constant 0 : i32
        %dma_wait3A_496 = tpu.memref_slice %arg4[%add3A, %dma_wait3A] : memref<16x20480xf32, #tpu.memory_space<hbm>> -> memref<1x20480xf32, #tpu.memory_space<hbm>>
        %dma_wait3A_497 = tpu.memref_squeeze %dma_wait3A_496 : memref<1x20480xf32, #tpu.memory_space<hbm>> -> memref<20480xf32, #tpu.memory_space<hbm>>
        %dma_wait3A_498 = arith.constant 10240 : i32
        %dma_wait3A_499 = tpu.memref_slice %dma_wait3A_497[%dma_wait3A_498] : memref<20480xf32, #tpu.memory_space<hbm>> -> memref<10240xf32, #tpu.memory_space<hbm>>
        %dma_wait3A_500 = arith.constant 0 : i32
        %dma_wait3A_501 = tpu.memref_slice %arg4[%add3A, %dma_wait3A_500] : memref<16x20480xf32, #tpu.memory_space<hbm>> -> memref<1x20480xf32, #tpu.memory_space<hbm>>
        %dma_wait3A_502 = tpu.memref_squeeze %dma_wait3A_501 : memref<1x20480xf32, #tpu.memory_space<hbm>> -> memref<20480xf32, #tpu.memory_space<hbm>>
        %dma_wait3A_503 = arith.constant 10240 : i32
        %dma_wait3A_504 = tpu.memref_slice %dma_wait3A_502[%dma_wait3A_503] : memref<20480xf32, #tpu.memory_space<hbm>> -> memref<10240xf32, #tpu.memory_space<hbm>>
        tpu.wait_dma2 semaphore(%run_scoped3A : memref<!tpu.dma_semaphore, #tpu.memory_space<semaphore_mem>>) src(%dma_wait3A_504 : memref<10240xf32, #tpu.memory_space<hbm>>) dst(%arg13 : memref<10240xf32, #tpu.memory_space<vmem>>)
        tpu.yield
      }) : () -> ()
      %scan3A_9 = arith.constant 0 : i32
      %scan3A_10 = arith.constant 0 : i32
      %scan3A_11 = arith.constant 32 : i32
      %scan3A_12 = arith.addi %scan3A_10, %scan3A_11 : i32
      %scan3A_13 = arith.constant 1 : i32
      %scan3A_14 = scf.for %scan3A_487 = %scan3A_10 to %scan3A_12 step %scan3A_13 iter_args(%scan3A_488 = %scan3A_9) -> (i32)  : i32 {
        %broadcast_in_dim3A_489 = arith.constant 0xFF800000 : f32
        %broadcast_in_dim3A_490 = vector.broadcast %broadcast_in_dim3A_489 : f32 to vector<16xf32>
        %scan3A_491 = arith.constant 0 : i32
        %scan3A_492 = arith.constant 20 : i32
        %scan3A_493 = arith.addi %scan3A_491, %scan3A_492 : i32
        %scan3A_494 = arith.constant 1 : i32
        %scan3A_495 = scf.for %scan3A_510 = %scan3A_491 to %scan3A_493 step %scan3A_494 iter_args(%scan3A_511 = %broadcast_in_dim3A_490) -> (vector<16xf32>)  : i32 {
          %mul3A_512 = arith.constant 20 : i32
          %mul3A_513 = arith.muli %scan3A_487, %mul3A_512 : i32
          %add3A_514 = arith.addi %mul3A_513, %scan3A_510 : i32
          %mul3A_515 = arith.constant 16 : i32
          %mul3A_516 = arith.muli %add3A_514, %mul3A_515 : i32
          %get3A_517 = arith.index_cast %mul3A_516 : i32 to index
          %get3A_518 = tpu.vector_load %arg11[%get3A_517] {strides = array<i32>} : memref<10240xf32, #tpu.memory_space<vmem>>, vector<16xf32>,
          %max3A = arith.maximumf %scan3A_511, %get3A_518 : vector<16xf32>
          scf.yield %max3A : vector<16xf32>
        }
        %scan3A_496 = arith.constant 20 : i32
        %bitcast_convert_type3A = tpu.bitcast %scan3A_495 : vector<16xf32> -> vector<16xi32>
        %lt3A_497 = arith.constant 0.000000e+00 : f32
        %lt3A_498 = vector.broadcast %lt3A_497 : f32 to vector<16xf32>
        %lt3A_499 = arith.cmpf olt, %scan3A_495, %lt3A_498 : vector<16xf32>
        %jit3A = arith.constant -1 : i32
        %jit3A_500 = arith.constant -2147483648 : i32
        %broadcast_in_dim3A_501 = vector.broadcast %jit3A : i32 to vector<16xi32>
        %broadcast_in_dim3A_502 = vector.broadcast %jit3A_500 : i32 to vector<16xi32>
        %select_n3A = arith.select %lt3A_499, %broadcast_in_dim3A_501, %broadcast_in_dim3A_502 : vector<16xi1>, vector<16xi32>
        %xor3A_503 = arith.xori %bitcast_convert_type3A, %select_n3A : vector<16xi32>
        %add3A_504 = arith.constant 32 : i32
        %add3A_505 = arith.addi %add3A_504, %scan3A_487 : i32
        %mul3A_506 = arith.constant 16 : i32
        %mul3A_507 = arith.muli %add3A_505, %mul3A_506 : i32
        %swap3A = arith.index_cast %mul3A_507 : i32 to index
        %swap3A_508 = tpu.vector_load %arg14[%swap3A] {strides = array<i32>} : memref<1024xi32, #tpu.memory_space<vmem>>, vector<16xi32>,
        tpu.vector_store %arg14[%swap3A], %xor3A_503 {strides = array<i32>} : memref<1024xi32, #tpu.memory_space<vmem>>, vector<16xi32>,
        %scan3A_509 = arith.constant 0 : i32
        scf.yield %scan3A_509 : i32
      }
      %scan3A_15 = arith.constant 32 : i32
      %scan3A_16 = arith.constant 0 : i32
      %scan3A_17 = arith.constant 0 : i32
      %scan3A_18 = arith.constant 24 : i32
      %scan3A_19 = arith.addi %scan3A_17, %scan3A_18 : i32
      %scan3A_20 = arith.constant 1 : i32
      %scan3A_21 = scf.for %scan3A_487 = %scan3A_17 to %scan3A_19 step %scan3A_20 iter_args(%scan3A_488 = %scan3A_16) -> (i32)  : i32 {
        %sub3A = arith.constant 31 : i32
        %sub3A_489 = arith.subi %sub3A, %scan3A_487 : i32
        %shift_left3A = arith.constant 1 : i32
        %shift_left3A_490 = arith.shli %shift_left3A, %sub3A_489 : i32
        %or3A = arith.ori %scan3A_488, %shift_left3A_490 : i32
        %broadcast_in_dim3A_491 = arith.constant 0 : i32
        %broadcast_in_dim3A_492 = vector.broadcast %broadcast_in_dim3A_491 : i32 to vector<16xi32>
        %scan3A_493 = arith.constant 0 : i32
        %scan3A_494 = arith.constant 64 : i32
        %scan3A_495 = arith.addi %scan3A_493, %scan3A_494 : i32
        %scan3A_496 = arith.constant 1 : i32
        %scan3A_497 = scf.for %scan3A_503 = %scan3A_493 to %scan3A_495 step %scan3A_496 iter_args(%scan3A_504 = %broadcast_in_dim3A_492) -> (vector<16xi32>)  : i32 {
          %mul3A_505 = arith.constant 16 : i32
          %mul3A_506 = arith.muli %scan3A_503, %mul3A_505 : i32
          %get3A_507 = arith.index_cast %mul3A_506 : i32 to index
          %get3A_508 = tpu.vector_load %arg14[%get3A_507] {strides = array<i32>} : memref<1024xi32, #tpu.memory_space<vmem>>, vector<16xi32>,
          %ge3A_509 = vector.broadcast %or3A : i32 to vector<16xi32>
          %ge3A_510 = arith.cmpi uge, %get3A_508, %ge3A_509 : vector<16xi32>
          %jit3A = arith.constant 1 : i32
          %jit3A_511 = arith.constant 0 : i32
          %broadcast_in_dim3A_512 = vector.broadcast %jit3A : i32 to vector<16xi32>
          %broadcast_in_dim3A_513 = vector.broadcast %jit3A_511 : i32 to vector<16xi32>
          %select_n3A_514 = arith.select %ge3A_510, %broadcast_in_dim3A_512, %broadcast_in_dim3A_513 : vector<16xi1>, vector<16xi32>
          %add3A_515 = arith.addi %scan3A_504, %select_n3A_514 : vector<16xi32>
          scf.yield %add3A_515 : vector<16xi32>
        }
        %scan3A_498 = arith.constant 64 : i32
        %reduce_sum3A = arith.constant true
        %reduce_sum3A_499 = vector.broadcast %reduce_sum3A : i1 to vector<16xi1>
        %reduce_sum3A_500 = tpu.scan <sum>, %scan3A_497 masked %reduce_sum3A_499 : vector<16xi32>, vector<16xi1> -> vector<16xi32>
        %reduce_sum3A_501 = vector.extract %reduce_sum3A_500[15] : i32 from vector<16xi32>
        %ge3A = arith.constant 300 : i32
        %ge3A_502 = arith.cmpi sge, %reduce_sum3A_501, %ge3A : i32
        %select_n3A = arith.select %ge3A_502, %or3A, %scan3A_488 : i32
        scf.yield %select_n3A : i32
      }
      %scan3A_22 = arith.constant 24 : i32
      %scan3A_23 = arith.constant 0 : i32
      %scan3A_24 = arith.constant 0 : i32
      %scan3A_25 = arith.constant 32 : i32
      %scan3A_26 = arith.addi %scan3A_24, %scan3A_25 : i32
      %scan3A_27 = arith.constant 1 : i32
      %scan3A_28 = scf.for %scan3A_487 = %scan3A_24 to %scan3A_26 step %scan3A_27 iter_args(%scan3A_488 = %scan3A_23) -> (i32)  : i32 {
        %broadcast_in_dim3A_489 = arith.constant 0 : i32
        %broadcast_in_dim3A_490 = vector.broadcast %broadcast_in_dim3A_489 : i32 to vector<16xi32>
        %mul3A_491 = arith.constant 16 : i32
        %mul3A_492 = arith.muli %scan3A_487, %mul3A_491 : i32
        %swap3A = arith.index_cast %mul3A_492 : i32 to index
        %swap3A_493 = tpu.vector_load %arg15[%swap3A] {strides = array<i32>} : memref<512xi32, #tpu.memory_space<vmem>>, vector<16xi32>,
        tpu.vector_store %arg15[%swap3A], %broadcast_in_dim3A_490 {strides = array<i32>} : memref<512xi32, #tpu.memory_space<vmem>>, vector<16xi32>,
        %broadcast_in_dim3A_494 = arith.constant 0 : i32
        %broadcast_in_dim3A_495 = vector.broadcast %broadcast_in_dim3A_494 : i32 to vector<16xi32>
        %mul3A_496 = arith.constant 16 : i32
        %mul3A_497 = arith.muli %scan3A_487, %mul3A_496 : i32
        %swap3A_498 = arith.index_cast %mul3A_497 : i32 to index
        %swap3A_499 = tpu.vector_load %arg16[%swap3A_498] {strides = array<i32>} : memref<512xi32, #tpu.memory_space<vmem>>, vector<16xi32>,
        tpu.vector_store %arg16[%swap3A_498], %broadcast_in_dim3A_495 {strides = array<i32>} : memref<512xi32, #tpu.memory_space<vmem>>, vector<16xi32>,
        %scan3A_500 = arith.constant 0 : i32
        scf.yield %scan3A_500 : i32
      }
      %scan3A_29 = arith.constant 32 : i32
      %scan3A_30 = arith.constant 0 : i32
      %scan3A_31 = arith.constant 0 : i32
      %scan3A_32 = arith.constant 3 : i32
      %scan3A_33 = arith.addi %scan3A_31, %scan3A_32 : i32
      %scan3A_34 = arith.constant 1 : i32
      %scan3A_35 = scf.for %scan3A_487 = %scan3A_31 to %scan3A_33 step %scan3A_34 iter_args(%scan3A_488 = %scan3A_30) -> (i32)  : i32 {
        %mul3A_489 = arith.constant 16 : i32
        %mul3A_490 = arith.muli %scan3A_487, %mul3A_489 : i32
        %add3A_491 = vector.broadcast %mul3A_490 : i32 to vector<16xi32>
        %add3A_492 = arith.addi %add3A_491, %iota3A : vector<16xi32>
        %mul3A_493 = arith.constant 16 : i32
        %mul3A_494 = arith.muli %scan3A_487, %mul3A_493 : i32
        %swap3A = arith.index_cast %mul3A_494 : i32 to index
        %swap3A_495 = tpu.vector_load %arg17[%swap3A] {strides = array<i32>} : memref<48xi32, #tpu.memory_space<vmem>>, vector<16xi32>,
        tpu.vector_store %arg17[%swap3A], %add3A_492 {strides = array<i32>} : memref<48xi32, #tpu.memory_space<vmem>>, vector<16xi32>,
        %broadcast_in_dim3A_496 = arith.constant -1 : i32
        %broadcast_in_dim3A_497 = vector.broadcast %broadcast_in_dim3A_496 : i32 to vector<16xi32>
        %mul3A_498 = arith.constant 16 : i32
        %mul3A_499 = arith.muli %scan3A_487, %mul3A_498 : i32
        %swap3A_500 = arith.index_cast %mul3A_499 : i32 to index
        %swap3A_501 = tpu.vector_load %arg18[%swap3A_500] {strides = array<i32>} : memref<48xi32, #tpu.memory_space<vmem>>, vector<16xi32>,
        tpu.vector_store %arg18[%swap3A_500], %broadcast_in_dim3A_497 {strides = array<i32>} : memref<48xi32, #tpu.memory_space<vmem>>, vector<16xi32>,
        %scan3A_502 = arith.constant 0 : i32
        scf.yield %scan3A_502 : i32
      }
      %scan3A_36 = arith.constant 3 : i32
      %scan3A_37 = arith.constant 0 : i32
      %scan3A_38 = arith.constant 0 : i32
      %scan3A_39 = arith.constant 0 : i32
      %scan3A_40 = arith.constant 640 : i32
      %scan3A_41 = arith.addi %scan3A_39, %scan3A_40 : i32
      %scan3A_42 = arith.constant 1 : i32
      %scan3A_43:2 = scf.for %scan3A_487 = %scan3A_39 to %scan3A_41 step %scan3A_42 iter_args(%scan3A_488 = %scan3A_37, %scan3A_489 = %scan3A_38) -> (i32, i32)  : i32 {
        %mul3A_490 = arith.constant 16 : i32
        %mul3A_491 = arith.muli %scan3A_487, %mul3A_490 : i32
        %get3A_492 = arith.index_cast %mul3A_491 : i32 to index
        %get3A_493 = tpu.vector_load %arg11[%get3A_492] {strides = array<i32>} : memref<10240xf32, #tpu.memory_space<vmem>>, vector<16xf32>,
        %bitcast_convert_type3A = tpu.bitcast %get3A_493 : vector<16xf32> -> vector<16xi32>
        %lt3A_494 = arith.constant 0.000000e+00 : f32
        %lt3A_495 = vector.broadcast %lt3A_494 : f32 to vector<16xf32>
        %lt3A_496 = arith.cmpf olt, %get3A_493, %lt3A_495 : vector<16xf32>
        %jit3A = arith.constant -1 : i32
        %jit3A_497 = arith.constant -2147483648 : i32
        %broadcast_in_dim3A_498 = vector.broadcast %jit3A : i32 to vector<16xi32>
        %broadcast_in_dim3A_499 = vector.broadcast %jit3A_497 : i32 to vector<16xi32>
        %select_n3A = arith.select %lt3A_496, %broadcast_in_dim3A_498, %broadcast_in_dim3A_499 : vector<16xi1>, vector<16xi32>
        %xor3A_500 = arith.xori %bitcast_convert_type3A, %select_n3A : vector<16xi32>
        %ge3A = vector.broadcast %scan3A_21 : i32 to vector<16xi32>
        %ge3A_501 = arith.cmpi uge, %xor3A_500, %ge3A : vector<16xi32>
        %reduce_or3A = arith.constant 1.000000e+00 : f32
        %reduce_or3A_502 = arith.constant 0.000000e+00 : f32
        %reduce_or3A_503 = vector.broadcast %reduce_or3A : f32 to vector<16xf32>
        %reduce_or3A_504 = vector.broadcast %reduce_or3A_502 : f32 to vector<16xf32>
        %reduce_or3A_505 = arith.select %ge3A_501, %reduce_or3A_503, %reduce_or3A_504 : vector<16xi1>, vector<16xf32>
        %reduce_or3A_506 = arith.constant true
        %reduce_or3A_507 = vector.broadcast %reduce_or3A_506 : i1 to vector<16xi1>
        %reduce_or3A_508 = tpu.scan <max>, %reduce_or3A_505 masked %reduce_or3A_507 : vector<16xf32>, vector<16xi1> -> vector<16xf32>
        %reduce_or3A_509 = vector.extract %reduce_or3A_508[15] : f32 from vector<16xf32>
        %reduce_or3A_510 = arith.constant 0.000000e+00 : f32
        %reduce_or3A_511 = arith.cmpf ogt, %reduce_or3A_509, %reduce_or3A_510 : f32
        %convert_element_type3A_512 = arith.extui %reduce_or3A_511 : i1 to i32
        %cond3A_513 = arith.constant 0 : i32
        %cond3A_514 = arith.cmpi ne, %convert_element_type3A_512, %cond3A_513 : i32
        %cond3A_515:2 = scf.if %cond3A_514 -> (i32, i32) {
          %mul3A_516 = arith.constant 16 : i32
          %mul3A_517 = arith.muli %scan3A_487, %mul3A_516 : i32
          %get3A_518 = arith.index_cast %mul3A_517 : i32 to index
          %get3A_519 = tpu.vector_load %arg12[%get3A_518] {strides = array<i32>} : memref<10240xi32, #tpu.memory_space<vmem>>, vector<16xi32>,
          %mul3A_520 = arith.constant 16 : i32
          %mul3A_521 = arith.muli %scan3A_487, %mul3A_520 : i32
          %add3A_522 = arith.constant 10240 : i32
          %add3A_523 = arith.addi %add3A_522, %mul3A_521 : i32
          %add3A_524 = vector.broadcast %add3A_523 : i32 to vector<16xi32>
          %add3A_525 = arith.addi %add3A_524, %iota3A : vector<16xi32>
          %mul3A_526 = arith.constant 91 : i32
          %mul3A_527 = vector.broadcast %mul3A_526 : i32 to vector<16xi32>
          %mul3A_528 = arith.muli %add3A_525, %mul3A_527 : vector<16xi32>
          %add3A_529 = arith.addi %mul3A_528, %get3A_519 : vector<16xi32>
          %min3A_530 = arith.constant 496 : i32
          %min3A_531 = arith.minsi %scan3A_488, %min3A_530 : i32
          %swap3A = arith.index_cast %min3A_531 : i32 to index
          %swap3A_532 = tpu.vector_load %arg15[%swap3A] masked %ge3A_501 {strides = array<i32>} : memref<512xi32, #tpu.memory_space<vmem>>, vector<16xi32>, vector<16xi1>
          tpu.vector_store %arg15[%swap3A], %xor3A_500 masked %ge3A_501 {strides = array<i32>} : memref<512xi32, #tpu.memory_space<vmem>>, vector<16xi32>, vector<16xi1>
          %swap3A_533 = arith.index_cast %min3A_531 : i32 to index
          %swap3A_534 = tpu.vector_load %arg16[%swap3A_533] masked %ge3A_501 {strides = array<i32>} : memref<512xi32, #tpu.memory_space<vmem>>, vector<16xi32>, vector<16xi1>
          tpu.vector_store %arg16[%swap3A_533], %add3A_529 masked %ge3A_501 {strides = array<i32>} : memref<512xi32, #tpu.memory_space<vmem>>, vector<16xi32>, vector<16xi1>
          %mul3A_535 = arith.constant 16 : i32
          %mul3A_536 = arith.muli %scan3A_487, %mul3A_535 : i32
          %get3A_537 = arith.index_cast %mul3A_536 : i32 to index
          %get3A_538 = tpu.vector_load %arg13[%get3A_537] {strides = array<i32>} : memref<10240xf32, #tpu.memory_space<vmem>>, vector<16xf32>,
          %bitcast_convert_type3A_539 = tpu.bitcast %get3A_538 : vector<16xf32> -> vector<16xi32>
          %lt3A_540 = arith.constant 0.000000e+00 : f32
          %lt3A_541 = vector.broadcast %lt3A_540 : f32 to vector<16xf32>
          %lt3A_542 = arith.cmpf olt, %get3A_538, %lt3A_541 : vector<16xf32>
          %jit3A_543 = arith.constant -1 : i32
          %jit3A_544 = arith.constant -2147483648 : i32
          %broadcast_in_dim3A_545 = vector.broadcast %jit3A_543 : i32 to vector<16xi32>
          %broadcast_in_dim3A_546 = vector.broadcast %jit3A_544 : i32 to vector<16xi32>
          %select_n3A_547 = arith.select %lt3A_542, %broadcast_in_dim3A_545, %broadcast_in_dim3A_546 : vector<16xi1>, vector<16xi32>
          %xor3A_548 = arith.xori %bitcast_convert_type3A_539, %select_n3A_547 : vector<16xi32>
          %ge3A_549 = vector.broadcast %scan3A_21 : i32 to vector<16xi32>
          %ge3A_550 = arith.cmpi uge, %xor3A_548, %ge3A_549 : vector<16xi32>
          %and3A_551 = arith.andi %ge3A_501, %ge3A_550 : vector<16xi1>
          %min3A_552 = arith.constant 32 : i32
          %min3A_553 = arith.minsi %scan3A_489, %min3A_552 : i32
          %swap3A_554 = arith.index_cast %min3A_553 : i32 to index
          %swap3A_555 = tpu.vector_load %arg17[%swap3A_554] masked %and3A_551 {strides = array<i32>} : memref<48xi32, #tpu.memory_space<vmem>>, vector<16xi32>, vector<16xi1>
          tpu.vector_store %arg17[%swap3A_554], %add3A_525 masked %and3A_551 {strides = array<i32>} : memref<48xi32, #tpu.memory_space<vmem>>, vector<16xi32>, vector<16xi1>
          %swap3A_556 = arith.index_cast %min3A_553 : i32 to index
          %swap3A_557 = tpu.vector_load %arg18[%swap3A_556] masked %and3A_551 {strides = array<i32>} : memref<48xi32, #tpu.memory_space<vmem>>, vector<16xi32>, vector<16xi1>
          tpu.vector_store %arg18[%swap3A_556], %add3A_529 masked %and3A_551 {strides = array<i32>} : memref<48xi32, #tpu.memory_space<vmem>>, vector<16xi32>, vector<16xi1>
          %all_reduce_population_count3A = tpu.all_reduce %ge3A_501 {dim = 0 : i64, kind = #tpu.reduction_kind<sum>} : vector<16xi1> -> vector<16xi32>
          %reduce_max3A = arith.constant true
          %reduce_max3A_558 = vector.broadcast %reduce_max3A : i1 to vector<16xi1>
          %reduce_max3A_559 = arith.constant -2147483648 : i32
          %reduce_max3A_560 = vector.broadcast %reduce_max3A_559 : i32 to vector<16xi32>
          %reduce_max3A_561 = arith.xori %all_reduce_population_count3A, %reduce_max3A_560 : vector<16xi32>
          %reduce_max3A_562 = tpu.scan <max>, %reduce_max3A_561 masked %reduce_max3A_558 : vector<16xi32>, vector<16xi1> -> vector<16xi32>
          %reduce_max3A_563 = arith.xori %reduce_max3A_562, %reduce_max3A_560 : vector<16xi32>
          %reduce_max3A_564 = vector.extract %reduce_max3A_563[15] : i32 from vector<16xi32>
          %add3A_565 = arith.addi %scan3A_488, %reduce_max3A_564 : i32
          %all_reduce_population_count3A_566 = tpu.all_reduce %and3A_551 {dim = 0 : i64, kind = #tpu.reduction_kind<sum>} : vector<16xi1> -> vector<16xi32>
          %reduce_max3A_567 = arith.constant true
          %reduce_max3A_568 = vector.broadcast %reduce_max3A_567 : i1 to vector<16xi1>
          %reduce_max3A_569 = arith.constant -2147483648 : i32
          %reduce_max3A_570 = vector.broadcast %reduce_max3A_569 : i32 to vector<16xi32>
          %reduce_max3A_571 = arith.xori %all_reduce_population_count3A_566, %reduce_max3A_570 : vector<16xi32>
          %reduce_max3A_572 = tpu.scan <max>, %reduce_max3A_571 masked %reduce_max3A_568 : vector<16xi32>, vector<16xi1> -> vector<16xi32>
          %reduce_max3A_573 = arith.xori %reduce_max3A_572, %reduce_max3A_570 : vector<16xi32>
          %reduce_max3A_574 = vector.extract %reduce_max3A_573[15] : i32 from vector<16xi32>
          %add3A_575 = arith.addi %scan3A_489, %reduce_max3A_574 : i32
          scf.yield %add3A_565, %add3A_575 : i32, i32
        } else {
          scf.yield %scan3A_488, %scan3A_489 : i32, i32
        }
        scf.yield %cond3A_515#0, %cond3A_515#1 : i32, i32
      }
      %scan3A_44 = arith.constant 640 : i32
      "tpu.region"() ({
        %run_scoped3A = tpu.sem_alloc : memref<!tpu.dma_semaphore, #tpu.memory_space<semaphore_mem>>
        %dma_start3A = arith.constant 0 : i32
        %dma_start3A_487 = tpu.memref_slice %arg2[%add3A, %dma_start3A] : memref<16x20480xf32, #tpu.memory_space<hbm>> -> memref<1x20480xf32, #tpu.memory_space<hbm>>
        %dma_start3A_488 = tpu.memref_squeeze %dma_start3A_487 : memref<1x20480xf32, #tpu.memory_space<hbm>> -> memref<20480xf32, #tpu.memory_space<hbm>>
        %dma_start3A_489 = arith.constant 0 : i32
        %dma_start3A_490 = tpu.memref_slice %dma_start3A_488[%dma_start3A_489] : memref<20480xf32, #tpu.memory_space<hbm>> -> memref<10240xf32, #tpu.memory_space<hbm>>
        %dma_start3A_491 = arith.constant 0 : i32
        %dma_start3A_492 = tpu.memref_slice %arg2[%add3A, %dma_start3A_491] : memref<16x20480xf32, #tpu.memory_space<hbm>> -> memref<1x20480xf32, #tpu.memory_space<hbm>>
        %dma_start3A_493 = tpu.memref_squeeze %dma_start3A_492 : memref<1x20480xf32, #tpu.memory_space<hbm>> -> memref<20480xf32, #tpu.memory_space<hbm>>
        %dma_start3A_494 = arith.constant 0 : i32
        %dma_start3A_495 = tpu.memref_slice %dma_start3A_493[%dma_start3A_494] : memref<20480xf32, #tpu.memory_space<hbm>> -> memref<10240xf32, #tpu.memory_space<hbm>>
        tpu.enqueue_dma source(%dma_start3A_495 : memref<10240xf32, #tpu.memory_space<hbm>>) target(%arg11 : memref<10240xf32, #tpu.memory_space<vmem>>) target_semaphore(%run_scoped3A : memref<!tpu.dma_semaphore, #tpu.memory_space<semaphore_mem>>)
        %dma_wait3A = arith.constant 0 : i32
        %dma_wait3A_496 = tpu.memref_slice %arg2[%add3A, %dma_wait3A] : memref<16x20480xf32, #tpu.memory_space<hbm>> -> memref<1x20480xf32, #tpu.memory_space<hbm>>
        %dma_wait3A_497 = tpu.memref_squeeze %dma_wait3A_496 : memref<1x20480xf32, #tpu.memory_space<hbm>> -> memref<20480xf32, #tpu.memory_space<hbm>>
        %dma_wait3A_498 = arith.constant 0 : i32
        %dma_wait3A_499 = tpu.memref_slice %dma_wait3A_497[%dma_wait3A_498] : memref<20480xf32, #tpu.memory_space<hbm>> -> memref<10240xf32, #tpu.memory_space<hbm>>
        %dma_wait3A_500 = arith.constant 0 : i32
        %dma_wait3A_501 = tpu.memref_slice %arg2[%add3A, %dma_wait3A_500] : memref<16x20480xf32, #tpu.memory_space<hbm>> -> memref<1x20480xf32, #tpu.memory_space<hbm>>
        %dma_wait3A_502 = tpu.memref_squeeze %dma_wait3A_501 : memref<1x20480xf32, #tpu.memory_space<hbm>> -> memref<20480xf32, #tpu.memory_space<hbm>>
        %dma_wait3A_503 = arith.constant 0 : i32
        %dma_wait3A_504 = tpu.memref_slice %dma_wait3A_502[%dma_wait3A_503] : memref<20480xf32, #tpu.memory_space<hbm>> -> memref<10240xf32, #tpu.memory_space<hbm>>
        tpu.wait_dma2 semaphore(%run_scoped3A : memref<!tpu.dma_semaphore, #tpu.memory_space<semaphore_mem>>) src(%dma_wait3A_504 : memref<10240xf32, #tpu.memory_space<hbm>>) dst(%arg11 : memref<10240xf32, #tpu.memory_space<vmem>>)
        tpu.yield
      }) : () -> ()
      "tpu.region"() ({
        %run_scoped3A = tpu.sem_alloc : memref<!tpu.dma_semaphore, #tpu.memory_space<semaphore_mem>>
        %dma_start3A = arith.constant 0 : i32
        %dma_start3A_487 = tpu.memref_slice %arg3[%add3A, %dma_start3A] : memref<16x20480xi32, #tpu.memory_space<hbm>> -> memref<1x20480xi32, #tpu.memory_space<hbm>>
        %dma_start3A_488 = tpu.memref_squeeze %dma_start3A_487 : memref<1x20480xi32, #tpu.memory_space<hbm>> -> memref<20480xi32, #tpu.memory_space<hbm>>
        %dma_start3A_489 = arith.constant 0 : i32
        %dma_start3A_490 = tpu.memref_slice %dma_start3A_488[%dma_start3A_489] : memref<20480xi32, #tpu.memory_space<hbm>> -> memref<10240xi32, #tpu.memory_space<hbm>>
        %dma_start3A_491 = arith.constant 0 : i32
        %dma_start3A_492 = tpu.memref_slice %arg3[%add3A, %dma_start3A_491] : memref<16x20480xi32, #tpu.memory_space<hbm>> -> memref<1x20480xi32, #tpu.memory_space<hbm>>
        %dma_start3A_493 = tpu.memref_squeeze %dma_start3A_492 : memref<1x20480xi32, #tpu.memory_space<hbm>> -> memref<20480xi32, #tpu.memory_space<hbm>>
        %dma_start3A_494 = arith.constant 0 : i32
        %dma_start3A_495 = tpu.memref_slice %dma_start3A_493[%dma_start3A_494] : memref<20480xi32, #tpu.memory_space<hbm>> -> memref<10240xi32, #tpu.memory_space<hbm>>
        tpu.enqueue_dma source(%dma_start3A_495 : memref<10240xi32, #tpu.memory_space<hbm>>) target(%arg12 : memref<10240xi32, #tpu.memory_space<vmem>>) target_semaphore(%run_scoped3A : memref<!tpu.dma_semaphore, #tpu.memory_space<semaphore_mem>>)
        %dma_wait3A = arith.constant 0 : i32
        %dma_wait3A_496 = tpu.memref_slice %arg3[%add3A, %dma_wait3A] : memref<16x20480xi32, #tpu.memory_space<hbm>> -> memref<1x20480xi32, #tpu.memory_space<hbm>>
        %dma_wait3A_497 = tpu.memref_squeeze %dma_wait3A_496 : memref<1x20480xi32, #tpu.memory_space<hbm>> -> memref<20480xi32, #tpu.memory_space<hbm>>
        %dma_wait3A_498 = arith.constant 0 : i32
        %dma_wait3A_499 = tpu.memref_slice %dma_wait3A_497[%dma_wait3A_498] : memref<20480xi32, #tpu.memory_space<hbm>> -> memref<10240xi32, #tpu.memory_space<hbm>>
        %dma_wait3A_500 = arith.constant 0 : i32
        %dma_wait3A_501 = tpu.memref_slice %arg3[%add3A, %dma_wait3A_500] : memref<16x20480xi32, #tpu.memory_space<hbm>> -> memref<1x20480xi32, #tpu.memory_space<hbm>>
        %dma_wait3A_502 = tpu.memref_squeeze %dma_wait3A_501 : memref<1x20480xi32, #tpu.memory_space<hbm>> -> memref<20480xi32, #tpu.memory_space<hbm>>
        %dma_wait3A_503 = arith.constant 0 : i32
        %dma_wait3A_504 = tpu.memref_slice %dma_wait3A_502[%dma_wait3A_503] : memref<20480xi32, #tpu.memory_space<hbm>> -> memref<10240xi32, #tpu.memory_space<hbm>>
        tpu.wait_dma2 semaphore(%run_scoped3A : memref<!tpu.dma_semaphore, #tpu.memory_space<semaphore_mem>>) src(%dma_wait3A_504 : memref<10240xi32, #tpu.memory_space<hbm>>) dst(%arg12 : memref<10240xi32, #tpu.memory_space<vmem>>)
        tpu.yield
      }) : () -> ()
      "tpu.region"() ({
        %run_scoped3A = tpu.sem_alloc : memref<!tpu.dma_semaphore, #tpu.memory_space<semaphore_mem>>
        %dma_start3A = arith.constant 0 : i32
        %dma_start3A_487 = tpu.memref_slice %arg4[%add3A, %dma_start3A] : memref<16x20480xf32, #tpu.memory_space<hbm>> -> memref<1x20480xf32, #tpu.memory_space<hbm>>
        %dma_start3A_488 = tpu.memref_squeeze %dma_start3A_487 : memref<1x20480xf32, #tpu.memory_space<hbm>> -> memref<20480xf32, #tpu.memory_space<hbm>>
        %dma_start3A_489 = arith.constant 0 : i32
        %dma_start3A_490 = tpu.memref_slice %dma_start3A_488[%dma_start3A_489] : memref<20480xf32, #tpu.memory_space<hbm>> -> memref<10240xf32, #tpu.memory_space<hbm>>
        %dma_start3A_491 = arith.constant 0 : i32
        %dma_start3A_492 = tpu.memref_slice %arg4[%add3A, %dma_start3A_491] : memref<16x20480xf32, #tpu.memory_space<hbm>> -> memref<1x20480xf32, #tpu.memory_space<hbm>>
        %dma_start3A_493 = tpu.memref_squeeze %dma_start3A_492 : memref<1x20480xf32, #tpu.memory_space<hbm>> -> memref<20480xf32, #tpu.memory_space<hbm>>
        %dma_start3A_494 = arith.constant 0 : i32
        %dma_start3A_495 = tpu.memref_slice %dma_start3A_493[%dma_start3A_494] : memref<20480xf32, #tpu.memory_space<hbm>> -> memref<10240xf32, #tpu.memory_space<hbm>>
        tpu.enqueue_dma source(%dma_start3A_495 : memref<10240xf32, #tpu.memory_space<hbm>>) target(%arg13 : memref<10240xf32, #tpu.memory_space<vmem>>) target_semaphore(%run_scoped3A : memref<!tpu.dma_semaphore, #tpu.memory_space<semaphore_mem>>)
        %dma_wait3A = arith.constant 0 : i32
        %dma_wait3A_496 = tpu.memref_slice %arg4[%add3A, %dma_wait3A] : memref<16x20480xf32, #tpu.memory_space<hbm>> -> memref<1x20480xf32, #tpu.memory_space<hbm>>
        %dma_wait3A_497 = tpu.memref_squeeze %dma_wait3A_496 : memref<1x20480xf32, #tpu.memory_space<hbm>> -> memref<20480xf32, #tpu.memory_space<hbm>>
        %dma_wait3A_498 = arith.constant 0 : i32
        %dma_wait3A_499 = tpu.memref_slice %dma_wait3A_497[%dma_wait3A_498] : memref<20480xf32, #tpu.memory_space<hbm>> -> memref<10240xf32, #tpu.memory_space<hbm>>
        %dma_wait3A_500 = arith.constant 0 : i32
        %dma_wait3A_501 = tpu.memref_slice %arg4[%add3A, %dma_wait3A_500] : memref<16x20480xf32, #tpu.memory_space<hbm>> -> memref<1x20480xf32, #tpu.memory_space<hbm>>
        %dma_wait3A_502 = tpu.memref_squeeze %dma_wait3A_501 : memref<1x20480xf32, #tpu.memory_space<hbm>> -> memref<20480xf32, #tpu.memory_space<hbm>>
        %dma_wait3A_503 = arith.constant 0 : i32
        %dma_wait3A_504 = tpu.memref_slice %dma_wait3A_502[%dma_wait3A_503] : memref<20480xf32, #tpu.memory_space<hbm>> -> memref<10240xf32, #tpu.memory_space<hbm>>
        tpu.wait_dma2 semaphore(%run_scoped3A : memref<!tpu.dma_semaphore, #tpu.memory_space<semaphore_mem>>) src(%dma_wait3A_504 : memref<10240xf32, #tpu.memory_space<hbm>>) dst(%arg13 : memref<10240xf32, #tpu.memory_space<vmem>>)
        tpu.yield
      }) : () -> ()
      %scan3A_45 = arith.constant 0 : i32
      %scan3A_46 = arith.constant 640 : i32
      %scan3A_47 = arith.addi %scan3A_45, %scan3A_46 : i32
      %scan3A_48 = arith.constant 1 : i32
      %scan3A_49:2 = scf.for %scan3A_487 = %scan3A_45 to %scan3A_47 step %scan3A_48 iter_args(%scan3A_488 = %scan3A_43#0, %scan3A_489 = %scan3A_43#1) -> (i32, i32)  : i32 {
        %mul3A_490 = arith.constant 16 : i32
        %mul3A_491 = arith.muli %scan3A_487, %mul3A_490 : i32
        %get3A_492 = arith.index_cast %mul3A_491 : i32 to index
        %get3A_493 = tpu.vector_load %arg11[%get3A_492] {strides = array<i32>} : memref<10240xf32, #tpu.memory_space<vmem>>, vector<16xf32>,
        %bitcast_convert_type3A = tpu.bitcast %get3A_493 : vector<16xf32> -> vector<16xi32>
        %lt3A_494 = arith.constant 0.000000e+00 : f32
        %lt3A_495 = vector.broadcast %lt3A_494 : f32 to vector<16xf32>
        %lt3A_496 = arith.cmpf olt, %get3A_493, %lt3A_495 : vector<16xf32>
        %jit3A = arith.constant -1 : i32
        %jit3A_497 = arith.constant -2147483648 : i32
        %broadcast_in_dim3A_498 = vector.broadcast %jit3A : i32 to vector<16xi32>
        %broadcast_in_dim3A_499 = vector.broadcast %jit3A_497 : i32 to vector<16xi32>
        %select_n3A = arith.select %lt3A_496, %broadcast_in_dim3A_498, %broadcast_in_dim3A_499 : vector<16xi1>, vector<16xi32>
        %xor3A_500 = arith.xori %bitcast_convert_type3A, %select_n3A : vector<16xi32>
        %ge3A = vector.broadcast %scan3A_21 : i32 to vector<16xi32>
        %ge3A_501 = arith.cmpi uge, %xor3A_500, %ge3A : vector<16xi32>
        %reduce_or3A = arith.constant 1.000000e+00 : f32
        %reduce_or3A_502 = arith.constant 0.000000e+00 : f32
        %reduce_or3A_503 = vector.broadcast %reduce_or3A : f32 to vector<16xf32>
        %reduce_or3A_504 = vector.broadcast %reduce_or3A_502 : f32 to vector<16xf32>
        %reduce_or3A_505 = arith.select %ge3A_501, %reduce_or3A_503, %reduce_or3A_504 : vector<16xi1>, vector<16xf32>
        %reduce_or3A_506 = arith.constant true
        %reduce_or3A_507 = vector.broadcast %reduce_or3A_506 : i1 to vector<16xi1>
        %reduce_or3A_508 = tpu.scan <max>, %reduce_or3A_505 masked %reduce_or3A_507 : vector<16xf32>, vector<16xi1> -> vector<16xf32>
        %reduce_or3A_509 = vector.extract %reduce_or3A_508[15] : f32 from vector<16xf32>
        %reduce_or3A_510 = arith.constant 0.000000e+00 : f32
        %reduce_or3A_511 = arith.cmpf ogt, %reduce_or3A_509, %reduce_or3A_510 : f32
        %convert_element_type3A_512 = arith.extui %reduce_or3A_511 : i1 to i32
        %cond3A_513 = arith.constant 0 : i32
        %cond3A_514 = arith.cmpi ne, %convert_element_type3A_512, %cond3A_513 : i32
        %cond3A_515:2 = scf.if %cond3A_514 -> (i32, i32) {
          %mul3A_516 = arith.constant 16 : i32
          %mul3A_517 = arith.muli %scan3A_487, %mul3A_516 : i32
          %get3A_518 = arith.index_cast %mul3A_517 : i32 to index
          %get3A_519 = tpu.vector_load %arg12[%get3A_518] {strides = array<i32>} : memref<10240xi32, #tpu.memory_space<vmem>>, vector<16xi32>,
          %mul3A_520 = arith.constant 16 : i32
          %mul3A_521 = arith.muli %scan3A_487, %mul3A_520 : i32
          %add3A_522 = arith.constant 0 : i32
          %add3A_523 = arith.addi %add3A_522, %mul3A_521 : i32
          %add3A_524 = vector.broadcast %add3A_523 : i32 to vector<16xi32>
          %add3A_525 = arith.addi %add3A_524, %iota3A : vector<16xi32>
          %mul3A_526 = arith.constant 91 : i32
          %mul3A_527 = vector.broadcast %mul3A_526 : i32 to vector<16xi32>
          %mul3A_528 = arith.muli %add3A_525, %mul3A_527 : vector<16xi32>
          %add3A_529 = arith.addi %mul3A_528, %get3A_519 : vector<16xi32>
          %min3A_530 = arith.constant 496 : i32
          %min3A_531 = arith.minsi %scan3A_488, %min3A_530 : i32
          %swap3A = arith.index_cast %min3A_531 : i32 to index
          %swap3A_532 = tpu.vector_load %arg15[%swap3A] masked %ge3A_501 {strides = array<i32>} : memref<512xi32, #tpu.memory_space<vmem>>, vector<16xi32>, vector<16xi1>
          tpu.vector_store %arg15[%swap3A], %xor3A_500 masked %ge3A_501 {strides = array<i32>} : memref<512xi32, #tpu.memory_space<vmem>>, vector<16xi32>, vector<16xi1>
          %swap3A_533 = arith.index_cast %min3A_531 : i32 to index
          %swap3A_534 = tpu.vector_load %arg16[%swap3A_533] masked %ge3A_501 {strides = array<i32>} : memref<512xi32, #tpu.memory_space<vmem>>, vector<16xi32>, vector<16xi1>
          tpu.vector_store %arg16[%swap3A_533], %add3A_529 masked %ge3A_501 {strides = array<i32>} : memref<512xi32, #tpu.memory_space<vmem>>, vector<16xi32>, vector<16xi1>
          %mul3A_535 = arith.constant 16 : i32
          %mul3A_536 = arith.muli %scan3A_487, %mul3A_535 : i32
          %get3A_537 = arith.index_cast %mul3A_536 : i32 to index
          %get3A_538 = tpu.vector_load %arg13[%get3A_537] {strides = array<i32>} : memref<10240xf32, #tpu.memory_space<vmem>>, vector<16xf32>,
          %bitcast_convert_type3A_539 = tpu.bitcast %get3A_538 : vector<16xf32> -> vector<16xi32>
          %lt3A_540 = arith.constant 0.000000e+00 : f32
          %lt3A_541 = vector.broadcast %lt3A_540 : f32 to vector<16xf32>
          %lt3A_542 = arith.cmpf olt, %get3A_538, %lt3A_541 : vector<16xf32>
          %jit3A_543 = arith.constant -1 : i32
          %jit3A_544 = arith.constant -2147483648 : i32
          %broadcast_in_dim3A_545 = vector.broadcast %jit3A_543 : i32 to vector<16xi32>
          %broadcast_in_dim3A_546 = vector.broadcast %jit3A_544 : i32 to vector<16xi32>
          %select_n3A_547 = arith.select %lt3A_542, %broadcast_in_dim3A_545, %broadcast_in_dim3A_546 : vector<16xi1>, vector<16xi32>
          %xor3A_548 = arith.xori %bitcast_convert_type3A_539, %select_n3A_547 : vector<16xi32>
          %ge3A_549 = vector.broadcast %scan3A_21 : i32 to vector<16xi32>
          %ge3A_550 = arith.cmpi uge, %xor3A_548, %ge3A_549 : vector<16xi32>
          %and3A_551 = arith.andi %ge3A_501, %ge3A_550 : vector<16xi1>
          %min3A_552 = arith.constant 32 : i32
          %min3A_553 = arith.minsi %scan3A_489, %min3A_552 : i32
          %swap3A_554 = arith.index_cast %min3A_553 : i32 to index
          %swap3A_555 = tpu.vector_load %arg17[%swap3A_554] masked %and3A_551 {strides = array<i32>} : memref<48xi32, #tpu.memory_space<vmem>>, vector<16xi32>, vector<16xi1>
          tpu.vector_store %arg17[%swap3A_554], %add3A_525 masked %and3A_551 {strides = array<i32>} : memref<48xi32, #tpu.memory_space<vmem>>, vector<16xi32>, vector<16xi1>
          %swap3A_556 = arith.index_cast %min3A_553 : i32 to index
          %swap3A_557 = tpu.vector_load %arg18[%swap3A_556] masked %and3A_551 {strides = array<i32>} : memref<48xi32, #tpu.memory_space<vmem>>, vector<16xi32>, vector<16xi1>
          tpu.vector_store %arg18[%swap3A_556], %add3A_529 masked %and3A_551 {strides = array<i32>} : memref<48xi32, #tpu.memory_space<vmem>>, vector<16xi32>, vector<16xi1>
          %all_reduce_population_count3A = tpu.all_reduce %ge3A_501 {dim = 0 : i64, kind = #tpu.reduction_kind<sum>} : vector<16xi1> -> vector<16xi32>
          %reduce_max3A = arith.constant true
          %reduce_max3A_558 = vector.broadcast %reduce_max3A : i1 to vector<16xi1>
          %reduce_max3A_559 = arith.constant -2147483648 : i32
          %reduce_max3A_560 = vector.broadcast %reduce_max3A_559 : i32 to vector<16xi32>
          %reduce_max3A_561 = arith.xori %all_reduce_population_count3A, %reduce_max3A_560 : vector<16xi32>
          %reduce_max3A_562 = tpu.scan <max>, %reduce_max3A_561 masked %reduce_max3A_558 : vector<16xi32>, vector<16xi1> -> vector<16xi32>
          %reduce_max3A_563 = arith.xori %reduce_max3A_562, %reduce_max3A_560 : vector<16xi32>
          %reduce_max3A_564 = vector.extract %reduce_max3A_563[15] : i32 from vector<16xi32>
          %add3A_565 = arith.addi %scan3A_488, %reduce_max3A_564 : i32
          %all_reduce_population_count3A_566 = tpu.all_reduce %and3A_551 {dim = 0 : i64, kind = #tpu.reduction_kind<sum>} : vector<16xi1> -> vector<16xi32>
          %reduce_max3A_567 = arith.constant true
          %reduce_max3A_568 = vector.broadcast %reduce_max3A_567 : i1 to vector<16xi1>
          %reduce_max3A_569 = arith.constant -2147483648 : i32
          %reduce_max3A_570 = vector.broadcast %reduce_max3A_569 : i32 to vector<16xi32>
          %reduce_max3A_571 = arith.xori %all_reduce_population_count3A_566, %reduce_max3A_570 : vector<16xi32>
          %reduce_max3A_572 = tpu.scan <max>, %reduce_max3A_571 masked %reduce_max3A_568 : vector<16xi32>, vector<16xi1> -> vector<16xi32>
          %reduce_max3A_573 = arith.xori %reduce_max3A_572, %reduce_max3A_570 : vector<16xi32>
          %reduce_max3A_574 = vector.extract %reduce_max3A_573[15] : i32 from vector<16xi32>
          %add3A_575 = arith.addi %scan3A_489, %reduce_max3A_574 : i32
          scf.yield %add3A_565, %add3A_575 : i32, i32
        } else {
          scf.yield %scan3A_488, %scan3A_489 : i32, i32
        }
        scf.yield %cond3A_515#0, %cond3A_515#1 : i32, i32
      }
      %scan3A_50 = arith.constant 640 : i32
      %min3A = arith.constant 24 : i32
      %min3A_51 = arith.minsi %scan3A_49#1, %min3A : i32
      %while3A = arith.constant 0 : i32
      %while3A_52 = arith.subi %min3A_51, %while3A : i32
      %while3A_53 = arith.addi %while3A, %while3A_52 : i32
      %while3A_54 = arith.constant 1 : i32
      %while3A_55 = arith.divsi %while3A_52, %while3A_54 : i32
      %while3A_56 = arith.muli %while3A_55, %while3A_54 : i32
      %while3A_57 = arith.addi %while3A, %while3A_56 : i32
      %while3A_58 = arith.constant 1 : i32
      %while3A_59 = scf.for %while3A_487 = %while3A to %while3A_57 step %while3A_58 iter_args(%while3A_488 = %scan3A_49#0) -> (i32)  : i32 {
        %broadcast_in_dim3A_489 = arith.constant 0 : i32
        %broadcast_in_dim3A_490 = vector.broadcast %broadcast_in_dim3A_489 : i32 to vector<16xi32>
        %add3A_491 = vector.broadcast %while3A_487 : i32 to vector<16xi32>
        %add3A_492 = arith.addi %broadcast_in_dim3A_490, %add3A_491 : vector<16xi32>
        %gather3A_493 = tpu.vector_load_idx %arg17[%add3A_492] : memref<48xi32, #tpu.memory_space<vmem>>[vector<16xi32>], vector<16xi32>,
        %add3A_494 = vector.broadcast %while3A_487 : i32 to vector<16xi32>
        %add3A_495 = arith.addi %broadcast_in_dim3A_490, %add3A_494 : vector<16xi32>
        %gather3A_496 = tpu.vector_load_idx %arg18[%add3A_495] : memref<48xi32, #tpu.memory_space<vmem>>[vector<16xi32>], vector<16xi32>,
        %reduce_max3A = arith.constant true
        %reduce_max3A_497 = vector.broadcast %reduce_max3A : i1 to vector<16xi1>
        %reduce_max3A_498 = arith.constant -2147483648 : i32
        %reduce_max3A_499 = vector.broadcast %reduce_max3A_498 : i32 to vector<16xi32>
        %reduce_max3A_500 = arith.xori %gather3A_493, %reduce_max3A_499 : vector<16xi32>
        %reduce_max3A_501 = tpu.scan <max>, %reduce_max3A_500 masked %reduce_max3A_497 : vector<16xi32>, vector<16xi1> -> vector<16xi32>
        %reduce_max3A_502 = arith.xori %reduce_max3A_501, %reduce_max3A_499 : vector<16xi32>
        %reduce_max3A_503 = vector.extract %reduce_max3A_502[15] : i32 from vector<16xi32>
        %shift_right_arithmetic3A = arith.constant 7 : i32
        %shift_right_arithmetic3A_504 = arith.shrsi %reduce_max3A_503, %shift_right_arithmetic3A : i32
        %shift_left3A = arith.constant 7 : i32
        %shift_left3A_505 = arith.shli %shift_right_arithmetic3A_504, %shift_left3A : i32
        %min3A_506 = arith.constant 19872 : i32
        %min3A_507 = arith.minsi %shift_left3A_505, %min3A_506 : i32
        %sub3A = arith.subi %reduce_max3A_503, %min3A_507 : i32
        %multiple_of3A = tpu.assume_multiple %min3A_507, 128 : i32
        "tpu.region"() ({
          %run_scoped3A = tpu.sem_alloc : memref<!tpu.dma_semaphore, #tpu.memory_space<semaphore_mem>>
          %dma_start3A = arith.constant 0 : i32
          %dma_start3A_514 = tpu.memref_slice %arg5[%dma_start3A, %add3A, %multiple_of3A] : memref<92x16x20000xf32, #tpu.memory_space<hbm>> -> memref<92x1x128xf32, #tpu.memory_space<hbm>>
          %dma_start3A_515 = tpu.memref_squeeze %dma_start3A_514 : memref<92x1x128xf32, #tpu.memory_space<hbm>> -> memref<92x128xf32, #tpu.memory_space<hbm>>
          %dma_start3A_516 = arith.constant 0 : i32
          %dma_start3A_517 = tpu.memref_slice %arg5[%dma_start3A_516, %add3A, %multiple_of3A] : memref<92x16x20000xf32, #tpu.memory_space<hbm>> -> memref<92x1x128xf32, #tpu.memory_space<hbm>>
          %dma_start3A_518 = tpu.memref_squeeze %dma_start3A_517 : memref<92x1x128xf32, #tpu.memory_space<hbm>> -> memref<92x128xf32, #tpu.memory_space<hbm>>
          tpu.enqueue_dma source(%dma_start3A_518 : memref<92x128xf32, #tpu.memory_space<hbm>>) target(%arg19 : memref<92x128xf32, #tpu.memory_space<vmem>>) target_semaphore(%run_scoped3A : memref<!tpu.dma_semaphore, #tpu.memory_space<semaphore_mem>>)
          %dma_wait3A = arith.constant 0 : i32
          %dma_wait3A_519 = tpu.memref_slice %arg5[%dma_wait3A, %add3A, %multiple_of3A] : memref<92x16x20000xf32, #tpu.memory_space<hbm>> -> memref<92x1x128xf32, #tpu.memory_space<hbm>>
          %dma_wait3A_520 = tpu.memref_squeeze %dma_wait3A_519 : memref<92x1x128xf32, #tpu.memory_space<hbm>> -> memref<92x128xf32, #tpu.memory_space<hbm>>
          %dma_wait3A_521 = arith.constant 0 : i32
          %dma_wait3A_522 = tpu.memref_slice %arg5[%dma_wait3A_521, %add3A, %multiple_of3A] : memref<92x16x20000xf32, #tpu.memory_space<hbm>> -> memref<92x1x128xf32, #tpu.memory_space<hbm>>
          %dma_wait3A_523 = tpu.memref_squeeze %dma_wait3A_522 : memref<92x1x128xf32, #tpu.memory_space<hbm>> -> memref<92x128xf32, #tpu.memory_space<hbm>>
          tpu.wait_dma2 semaphore(%run_scoped3A : memref<!tpu.dma_semaphore, #tpu.memory_space<semaphore_mem>>) src(%dma_wait3A_523 : memref<92x128xf32, #tpu.memory_space<hbm>>) dst(%arg19 : memref<92x128xf32, #tpu.memory_space<vmem>>)
          tpu.yield
        }) : () -> ()
        %scan3A_508 = arith.constant 0 : i32
        %scan3A_509 = arith.constant 6 : i32
        %scan3A_510 = arith.addi %scan3A_508, %scan3A_509 : i32
        %scan3A_511 = arith.constant 1 : i32
        %scan3A_512 = scf.for %scan3A_514 = %scan3A_508 to %scan3A_510 step %scan3A_511 iter_args(%scan3A_515 = %while3A_488) -> (i32)  : i32 {
          %mul3A_516 = arith.constant 16 : i32
          %mul3A_517 = arith.muli %scan3A_514, %mul3A_516 : i32
          %add3A_518 = vector.broadcast %mul3A_517 : i32 to vector<16xi32>
          %add3A_519 = arith.addi %add3A_518, %iota3A : vector<16xi32>
          %min3A_520 = arith.constant 91 : i32
          %min3A_521 = vector.broadcast %min3A_520 : i32 to vector<16xi32>
          %min3A_522 = arith.minsi %add3A_519, %min3A_521 : vector<16xi32>
          %add3A_523 = vector.broadcast %sub3A : i32 to vector<16xi32>
          %add3A_524 = arith.addi %broadcast_in_dim3A_490, %add3A_523 : vector<16xi32>
          %gather3A_525 = tpu.vector_load_idx %arg19[%min3A_522, %add3A_524] : memref<92x128xf32, #tpu.memory_space<vmem>>[vector<16xi32>, vector<16xi32>], vector<16xf32>,
          %bitcast_convert_type3A = tpu.bitcast %gather3A_525 : vector<16xf32> -> vector<16xi32>
          %lt3A_526 = arith.constant 0.000000e+00 : f32
          %lt3A_527 = vector.broadcast %lt3A_526 : f32 to vector<16xf32>
          %lt3A_528 = arith.cmpf olt, %gather3A_525, %lt3A_527 : vector<16xf32>
          %jit3A = arith.constant -1 : i32
          %jit3A_529 = arith.constant -2147483648 : i32
          %broadcast_in_dim3A_530 = vector.broadcast %jit3A : i32 to vector<16xi32>
          %broadcast_in_dim3A_531 = vector.broadcast %jit3A_529 : i32 to vector<16xi32>
          %select_n3A = arith.select %lt3A_528, %broadcast_in_dim3A_530, %broadcast_in_dim3A_531 : vector<16xi1>, vector<16xi32>
          %xor3A_532 = arith.xori %bitcast_convert_type3A, %select_n3A : vector<16xi32>
          %mul3A_533 = arith.constant 91 : i32
          %mul3A_534 = vector.broadcast %mul3A_533 : i32 to vector<16xi32>
          %mul3A_535 = arith.muli %gather3A_493, %mul3A_534 : vector<16xi32>
          %add3A_536 = arith.addi %mul3A_535, %add3A_519 : vector<16xi32>
          %lt3A_537 = arith.constant 91 : i32
          %lt3A_538 = vector.broadcast %lt3A_537 : i32 to vector<16xi32>
          %lt3A_539 = arith.cmpi slt, %add3A_519, %lt3A_538 : vector<16xi32>
          %ge3A = vector.broadcast %scan3A_21 : i32 to vector<16xi32>
          %ge3A_540 = arith.cmpi uge, %xor3A_532, %ge3A : vector<16xi32>
          %and3A_541 = arith.andi %lt3A_539, %ge3A_540 : vector<16xi1>
          %ne3A = arith.cmpi ne, %add3A_536, %gather3A_496 : vector<16xi32>
          %and3A_542 = arith.andi %and3A_541, %ne3A : vector<16xi1>
          %reduce_or3A = arith.constant 1.000000e+00 : f32
          %reduce_or3A_543 = arith.constant 0.000000e+00 : f32
          %reduce_or3A_544 = vector.broadcast %reduce_or3A : f32 to vector<16xf32>
          %reduce_or3A_545 = vector.broadcast %reduce_or3A_543 : f32 to vector<16xf32>
          %reduce_or3A_546 = arith.select %and3A_542, %reduce_or3A_544, %reduce_or3A_545 : vector<16xi1>, vector<16xf32>
          %reduce_or3A_547 = arith.constant true
          %reduce_or3A_548 = vector.broadcast %reduce_or3A_547 : i1 to vector<16xi1>
          %reduce_or3A_549 = tpu.scan <max>, %reduce_or3A_546 masked %reduce_or3A_548 : vector<16xf32>, vector<16xi1> -> vector<16xf32>
          %reduce_or3A_550 = vector.extract %reduce_or3A_549[15] : f32 from vector<16xf32>
          %reduce_or3A_551 = arith.constant 0.000000e+00 : f32
          %reduce_or3A_552 = arith.cmpf ogt, %reduce_or3A_550, %reduce_or3A_551 : f32
          %convert_element_type3A_553 = arith.extui %reduce_or3A_552 : i1 to i32
          %cond3A_554 = arith.constant 0 : i32
          %cond3A_555 = arith.cmpi ne, %convert_element_type3A_553, %cond3A_554 : i32
          %cond3A_556 = scf.if %cond3A_555 -> (i32) {
            %min3A_557 = arith.constant 496 : i32
            %min3A_558 = arith.minsi %scan3A_515, %min3A_557 : i32
            %swap3A = arith.index_cast %min3A_558 : i32 to index
            %swap3A_559 = tpu.vector_load %arg15[%swap3A] masked %and3A_542 {strides = array<i32>} : memref<512xi32, #tpu.memory_space<vmem>>, vector<16xi32>, vector<16xi1>
            tpu.vector_store %arg15[%swap3A], %xor3A_532 masked %and3A_542 {strides = array<i32>} : memref<512xi32, #tpu.memory_space<vmem>>, vector<16xi32>, vector<16xi1>
            %swap3A_560 = arith.index_cast %min3A_558 : i32 to index
            %swap3A_561 = tpu.vector_load %arg16[%swap3A_560] masked %and3A_542 {strides = array<i32>} : memref<512xi32, #tpu.memory_space<vmem>>, vector<16xi32>, vector<16xi1>
            tpu.vector_store %arg16[%swap3A_560], %add3A_536 masked %and3A_542 {strides = array<i32>} : memref<512xi32, #tpu.memory_space<vmem>>, vector<16xi32>, vector<16xi1>
            %all_reduce_population_count3A = tpu.all_reduce %and3A_542 {dim = 0 : i64, kind = #tpu.reduction_kind<sum>} : vector<16xi1> -> vector<16xi32>
            %reduce_max3A_562 = arith.constant true
            %reduce_max3A_563 = vector.broadcast %reduce_max3A_562 : i1 to vector<16xi1>
            %reduce_max3A_564 = arith.constant -2147483648 : i32
            %reduce_max3A_565 = vector.broadcast %reduce_max3A_564 : i32 to vector<16xi32>
            %reduce_max3A_566 = arith.xori %all_reduce_population_count3A, %reduce_max3A_565 : vector<16xi32>
            %reduce_max3A_567 = tpu.scan <max>, %reduce_max3A_566 masked %reduce_max3A_563 : vector<16xi32>, vector<16xi1> -> vector<16xi32>
            %reduce_max3A_568 = arith.xori %reduce_max3A_567, %reduce_max3A_565 : vector<16xi32>
            %reduce_max3A_569 = vector.extract %reduce_max3A_568[15] : i32 from vector<16xi32>
            %add3A_570 = arith.addi %scan3A_515, %reduce_max3A_569 : i32
            scf.yield %add3A_570 : i32
          } else {
            scf.yield %scan3A_515 : i32
          }
          scf.yield %cond3A_556 : i32
        }
        %scan3A_513 = arith.constant 6 : i32
        scf.yield %scan3A_512 : i32
      }
      %while3A_60 = arith.constant 1 : i32
      %while3A_61 = scf.for %while3A_487 = %while3A_57 to %while3A_53 step %while3A_60 iter_args(%while3A_488 = %while3A_59) -> (i32)  : i32 {
        %broadcast_in_dim3A_489 = arith.constant 0 : i32
        %broadcast_in_dim3A_490 = vector.broadcast %broadcast_in_dim3A_489 : i32 to vector<16xi32>
        %add3A_491 = vector.broadcast %while3A_487 : i32 to vector<16xi32>
        %add3A_492 = arith.addi %broadcast_in_dim3A_490, %add3A_491 : vector<16xi32>
        %gather3A_493 = tpu.vector_load_idx %arg17[%add3A_492] : memref<48xi32, #tpu.memory_space<vmem>>[vector<16xi32>], vector<16xi32>,
        %add3A_494 = vector.broadcast %while3A_487 : i32 to vector<16xi32>
        %add3A_495 = arith.addi %broadcast_in_dim3A_490, %add3A_494 : vector<16xi32>
        %gather3A_496 = tpu.vector_load_idx %arg18[%add3A_495] : memref<48xi32, #tpu.memory_space<vmem>>[vector<16xi32>], vector<16xi32>,
        %reduce_max3A = arith.constant true
        %reduce_max3A_497 = vector.broadcast %reduce_max3A : i1 to vector<16xi1>
        %reduce_max3A_498 = arith.constant -2147483648 : i32
        %reduce_max3A_499 = vector.broadcast %reduce_max3A_498 : i32 to vector<16xi32>
        %reduce_max3A_500 = arith.xori %gather3A_493, %reduce_max3A_499 : vector<16xi32>
        %reduce_max3A_501 = tpu.scan <max>, %reduce_max3A_500 masked %reduce_max3A_497 : vector<16xi32>, vector<16xi1> -> vector<16xi32>
        %reduce_max3A_502 = arith.xori %reduce_max3A_501, %reduce_max3A_499 : vector<16xi32>
        %reduce_max3A_503 = vector.extract %reduce_max3A_502[15] : i32 from vector<16xi32>
        %shift_right_arithmetic3A = arith.constant 7 : i32
        %shift_right_arithmetic3A_504 = arith.shrsi %reduce_max3A_503, %shift_right_arithmetic3A : i32
        %shift_left3A = arith.constant 7 : i32
        %shift_left3A_505 = arith.shli %shift_right_arithmetic3A_504, %shift_left3A : i32
        %min3A_506 = arith.constant 19872 : i32
        %min3A_507 = arith.minsi %shift_left3A_505, %min3A_506 : i32
        %sub3A = arith.subi %reduce_max3A_503, %min3A_507 : i32
        %multiple_of3A = tpu.assume_multiple %min3A_507, 128 : i32
        "tpu.region"() ({
          %run_scoped3A = tpu.sem_alloc : memref<!tpu.dma_semaphore, #tpu.memory_space<semaphore_mem>>
          %dma_start3A = arith.constant 0 : i32
          %dma_start3A_514 = tpu.memref_slice %arg5[%dma_start3A, %add3A, %multiple_of3A] : memref<92x16x20000xf32, #tpu.memory_space<hbm>> -> memref<92x1x128xf32, #tpu.memory_space<hbm>>
          %dma_start3A_515 = tpu.memref_squeeze %dma_start3A_514 : memref<92x1x128xf32, #tpu.memory_space<hbm>> -> memref<92x128xf32, #tpu.memory_space<hbm>>
          %dma_start3A_516 = arith.constant 0 : i32
          %dma_start3A_517 = tpu.memref_slice %arg5[%dma_start3A_516, %add3A, %multiple_of3A] : memref<92x16x20000xf32, #tpu.memory_space<hbm>> -> memref<92x1x128xf32, #tpu.memory_space<hbm>>
          %dma_start3A_518 = tpu.memref_squeeze %dma_start3A_517 : memref<92x1x128xf32, #tpu.memory_space<hbm>> -> memref<92x128xf32, #tpu.memory_space<hbm>>
          tpu.enqueue_dma source(%dma_start3A_518 : memref<92x128xf32, #tpu.memory_space<hbm>>) target(%arg19 : memref<92x128xf32, #tpu.memory_space<vmem>>) target_semaphore(%run_scoped3A : memref<!tpu.dma_semaphore, #tpu.memory_space<semaphore_mem>>)
          %dma_wait3A = arith.constant 0 : i32
          %dma_wait3A_519 = tpu.memref_slice %arg5[%dma_wait3A, %add3A, %multiple_of3A] : memref<92x16x20000xf32, #tpu.memory_space<hbm>> -> memref<92x1x128xf32, #tpu.memory_space<hbm>>
          %dma_wait3A_520 = tpu.memref_squeeze %dma_wait3A_519 : memref<92x1x128xf32, #tpu.memory_space<hbm>> -> memref<92x128xf32, #tpu.memory_space<hbm>>
          %dma_wait3A_521 = arith.constant 0 : i32
          %dma_wait3A_522 = tpu.memref_slice %arg5[%dma_wait3A_521, %add3A, %multiple_of3A] : memref<92x16x20000xf32, #tpu.memory_space<hbm>> -> memref<92x1x128xf32, #tpu.memory_space<hbm>>
          %dma_wait3A_523 = tpu.memref_squeeze %dma_wait3A_522 : memref<92x1x128xf32, #tpu.memory_space<hbm>> -> memref<92x128xf32, #tpu.memory_space<hbm>>
          tpu.wait_dma2 semaphore(%run_scoped3A : memref<!tpu.dma_semaphore, #tpu.memory_space<semaphore_mem>>) src(%dma_wait3A_523 : memref<92x128xf32, #tpu.memory_space<hbm>>) dst(%arg19 : memref<92x128xf32, #tpu.memory_space<vmem>>)
          tpu.yield
        }) : () -> ()
        %scan3A_508 = arith.constant 0 : i32
        %scan3A_509 = arith.constant 6 : i32
        %scan3A_510 = arith.addi %scan3A_508, %scan3A_509 : i32
        %scan3A_511 = arith.constant 1 : i32
        %scan3A_512 = scf.for %scan3A_514 = %scan3A_508 to %scan3A_510 step %scan3A_511 iter_args(%scan3A_515 = %while3A_488) -> (i32)  : i32 {
          %mul3A_516 = arith.constant 16 : i32
          %mul3A_517 = arith.muli %scan3A_514, %mul3A_516 : i32
          %add3A_518 = vector.broadcast %mul3A_517 : i32 to vector<16xi32>
          %add3A_519 = arith.addi %add3A_518, %iota3A : vector<16xi32>
          %min3A_520 = arith.constant 91 : i32
          %min3A_521 = vector.broadcast %min3A_520 : i32 to vector<16xi32>
          %min3A_522 = arith.minsi %add3A_519, %min3A_521 : vector<16xi32>
          %add3A_523 = vector.broadcast %sub3A : i32 to vector<16xi32>
          %add3A_524 = arith.addi %broadcast_in_dim3A_490, %add3A_523 : vector<16xi32>
          %gather3A_525 = tpu.vector_load_idx %arg19[%min3A_522, %add3A_524] : memref<92x128xf32, #tpu.memory_space<vmem>>[vector<16xi32>, vector<16xi32>], vector<16xf32>,
          %bitcast_convert_type3A = tpu.bitcast %gather3A_525 : vector<16xf32> -> vector<16xi32>
          %lt3A_526 = arith.constant 0.000000e+00 : f32
          %lt3A_527 = vector.broadcast %lt3A_526 : f32 to vector<16xf32>
          %lt3A_528 = arith.cmpf olt, %gather3A_525, %lt3A_527 : vector<16xf32>
          %jit3A = arith.constant -1 : i32
          %jit3A_529 = arith.constant -2147483648 : i32
          %broadcast_in_dim3A_530 = vector.broadcast %jit3A : i32 to vector<16xi32>
          %broadcast_in_dim3A_531 = vector.broadcast %jit3A_529 : i32 to vector<16xi32>
          %select_n3A = arith.select %lt3A_528, %broadcast_in_dim3A_530, %broadcast_in_dim3A_531 : vector<16xi1>, vector<16xi32>
          %xor3A_532 = arith.xori %bitcast_convert_type3A, %select_n3A : vector<16xi32>
          %mul3A_533 = arith.constant 91 : i32
          %mul3A_534 = vector.broadcast %mul3A_533 : i32 to vector<16xi32>
          %mul3A_535 = arith.muli %gather3A_493, %mul3A_534 : vector<16xi32>
          %add3A_536 = arith.addi %mul3A_535, %add3A_519 : vector<16xi32>
          %lt3A_537 = arith.constant 91 : i32
          %lt3A_538 = vector.broadcast %lt3A_537 : i32 to vector<16xi32>
          %lt3A_539 = arith.cmpi slt, %add3A_519, %lt3A_538 : vector<16xi32>
          %ge3A = vector.broadcast %scan3A_21 : i32 to vector<16xi32>
          %ge3A_540 = arith.cmpi uge, %xor3A_532, %ge3A : vector<16xi32>
          %and3A_541 = arith.andi %lt3A_539, %ge3A_540 : vector<16xi1>
          %ne3A = arith.cmpi ne, %add3A_536, %gather3A_496 : vector<16xi32>
          %and3A_542 = arith.andi %and3A_541, %ne3A : vector<16xi1>
          %reduce_or3A = arith.constant 1.000000e+00 : f32
          %reduce_or3A_543 = arith.constant 0.000000e+00 : f32
          %reduce_or3A_544 = vector.broadcast %reduce_or3A : f32 to vector<16xf32>
          %reduce_or3A_545 = vector.broadcast %reduce_or3A_543 : f32 to vector<16xf32>
          %reduce_or3A_546 = arith.select %and3A_542, %reduce_or3A_544, %reduce_or3A_545 : vector<16xi1>, vector<16xf32>
          %reduce_or3A_547 = arith.constant true
          %reduce_or3A_548 = vector.broadcast %reduce_or3A_547 : i1 to vector<16xi1>
          %reduce_or3A_549 = tpu.scan <max>, %reduce_or3A_546 masked %reduce_or3A_548 : vector<16xf32>, vector<16xi1> -> vector<16xf32>
          %reduce_or3A_550 = vector.extract %reduce_or3A_549[15] : f32 from vector<16xf32>
          %reduce_or3A_551 = arith.constant 0.000000e+00 : f32
          %reduce_or3A_552 = arith.cmpf ogt, %reduce_or3A_550, %reduce_or3A_551 : f32
          %convert_element_type3A_553 = arith.extui %reduce_or3A_552 : i1 to i32
          %cond3A_554 = arith.constant 0 : i32
          %cond3A_555 = arith.cmpi ne, %convert_element_type3A_553, %cond3A_554 : i32
          %cond3A_556 = scf.if %cond3A_555 -> (i32) {
            %min3A_557 = arith.constant 496 : i32
            %min3A_558 = arith.minsi %scan3A_515, %min3A_557 : i32
            %swap3A = arith.index_cast %min3A_558 : i32 to index
            %swap3A_559 = tpu.vector_load %arg15[%swap3A] masked %and3A_542 {strides = array<i32>} : memref<512xi32, #tpu.memory_space<vmem>>, vector<16xi32>, vector<16xi1>
            tpu.vector_store %arg15[%swap3A], %xor3A_532 masked %and3A_542 {strides = array<i32>} : memref<512xi32, #tpu.memory_space<vmem>>, vector<16xi32>, vector<16xi1>
            %swap3A_560 = arith.index_cast %min3A_558 : i32 to index
            %swap3A_561 = tpu.vector_load %arg16[%swap3A_560] masked %and3A_542 {strides = array<i32>} : memref<512xi32, #tpu.memory_space<vmem>>, vector<16xi32>, vector<16xi1>
            tpu.vector_store %arg16[%swap3A_560], %add3A_536 masked %and3A_542 {strides = array<i32>} : memref<512xi32, #tpu.memory_space<vmem>>, vector<16xi32>, vector<16xi1>
            %all_reduce_population_count3A = tpu.all_reduce %and3A_542 {dim = 0 : i64, kind = #tpu.reduction_kind<sum>} : vector<16xi1> -> vector<16xi32>
            %reduce_max3A_562 = arith.constant true
            %reduce_max3A_563 = vector.broadcast %reduce_max3A_562 : i1 to vector<16xi1>
            %reduce_max3A_564 = arith.constant -2147483648 : i32
            %reduce_max3A_565 = vector.broadcast %reduce_max3A_564 : i32 to vector<16xi32>
            %reduce_max3A_566 = arith.xori %all_reduce_population_count3A, %reduce_max3A_565 : vector<16xi32>
            %reduce_max3A_567 = tpu.scan <max>, %reduce_max3A_566 masked %reduce_max3A_563 : vector<16xi32>, vector<16xi1> -> vector<16xi32>
            %reduce_max3A_568 = arith.xori %reduce_max3A_567, %reduce_max3A_565 : vector<16xi32>
            %reduce_max3A_569 = vector.extract %reduce_max3A_568[15] : i32 from vector<16xi32>
            %add3A_570 = arith.addi %scan3A_515, %reduce_max3A_569 : i32
            scf.yield %add3A_570 : i32
          } else {
            scf.yield %scan3A_515 : i32
          }
          scf.yield %cond3A_556 : i32
        }
        %scan3A_513 = arith.constant 6 : i32
        scf.yield %scan3A_512 : i32
      }
      %xor3A = arith.constant 1 : i32
      %xor3A_62 = vector.broadcast %xor3A : i32 to vector<16xi32>
      %xor3A_63 = arith.xori %iota3A, %xor3A_62 : vector<16xi32>
      %scan3A_64 = arith.constant 0 : i32
      %scan3A_65 = arith.constant 0 : i32
      %scan3A_66 = arith.constant 32 : i32
      %scan3A_67 = arith.addi %scan3A_65, %scan3A_66 : i32
      %scan3A_68 = arith.constant 1 : i32
      %scan3A_69 = scf.for %scan3A_487 = %scan3A_65 to %scan3A_67 step %scan3A_68 iter_args(%scan3A_488 = %scan3A_64) -> (i32)  : i32 {
        %mul3A_489 = arith.constant 16 : i32
        %mul3A_490 = arith.muli %scan3A_487, %mul3A_489 : i32
        %get3A_491 = arith.index_cast %mul3A_490 : i32 to index
        %get3A_492 = tpu.vector_load %arg15[%get3A_491] {strides = array<i32>} : memref<512xi32, #tpu.memory_space<vmem>>, vector<16xi32>,
        %mul3A_493 = arith.constant 16 : i32
        %mul3A_494 = arith.muli %scan3A_487, %mul3A_493 : i32
        %get3A_495 = arith.index_cast %mul3A_494 : i32 to index
        %get3A_496 = tpu.vector_load %arg16[%get3A_495] {strides = array<i32>} : memref<512xi32, #tpu.memory_space<vmem>>, vector<16xi32>,
        %broadcast_in_dim3A_497 = vector.shape_cast %xor3A_63 : vector<16xi32> to vector<16x1xi32>
        %gather3A_498 = vector.shape_cast %broadcast_in_dim3A_497 : vector<16x1xi32> to vector<16xi32>
        %gather3A_499 = tpu.dynamic_gather %get3A_492[%gather3A_498] in [0] : vector<16xi32>, vector<16xi32> -> vector<16xi32>
        %broadcast_in_dim3A_500 = vector.shape_cast %xor3A_63 : vector<16xi32> to vector<16x1xi32>
        %gather3A_501 = vector.shape_cast %broadcast_in_dim3A_500 : vector<16x1xi32> to vector<16xi32>
        %gather3A_502 = tpu.dynamic_gather %get3A_496[%gather3A_501] in [0] : vector<16xi32>, vector<16xi32> -> vector<16xi32>
        %and3A_503 = arith.constant 1 : i32
        %and3A_504 = vector.broadcast %and3A_503 : i32 to vector<16xi32>
        %and3A_505 = arith.andi %iota3A, %and3A_504 : vector<16xi32>
        %eq3A = arith.constant 0 : i32
        %eq3A_506 = vector.broadcast %eq3A : i32 to vector<16xi32>
        %eq3A_507 = arith.cmpi eq, %and3A_505, %eq3A_506 : vector<16xi32>
        %select_n3A = arith.select %eq3A_507, %get3A_492, %gather3A_499 : vector<16xi1>, vector<16xi32>
        %select_n3A_508 = arith.select %eq3A_507, %gather3A_499, %get3A_492 : vector<16xi1>, vector<16xi32>
        %select_n3A_509 = arith.select %eq3A_507, %get3A_496, %gather3A_502 : vector<16xi1>, vector<16xi32>
        %select_n3A_510 = arith.select %eq3A_507, %gather3A_502, %get3A_496 : vector<16xi1>, vector<16xi32>
        %mul3A_511 = arith.constant 16 : i32
        %mul3A_512 = arith.muli %scan3A_487, %mul3A_511 : i32
        %add3A_513 = vector.broadcast %mul3A_512 : i32 to vector<16xi32>
        %add3A_514 = arith.addi %add3A_513, %iota3A : vector<16xi32>
        %and3A_515 = arith.constant 2 : i32
        %and3A_516 = vector.broadcast %and3A_515 : i32 to vector<16xi32>
        %and3A_517 = arith.andi %add3A_514, %and3A_516 : vector<16xi32>
        %eq3A_518 = arith.constant 0 : i32
        %eq3A_519 = vector.broadcast %eq3A_518 : i32 to vector<16xi32>
        %eq3A_520 = arith.cmpi eq, %and3A_517, %eq3A_519 : vector<16xi32>
        %gt3A = arith.cmpi ugt, %select_n3A, %select_n3A_508 : vector<16xi32>
        %eq3A_521 = arith.cmpi eq, %select_n3A, %select_n3A_508 : vector<16xi32>
        %lt3A_522 = arith.cmpi slt, %select_n3A_509, %select_n3A_510 : vector<16xi32>
        %and3A_523 = arith.andi %eq3A_521, %lt3A_522 : vector<16xi1>
        %or3A = arith.ori %gt3A, %and3A_523 : vector<16xi1>
        %xor3A_524 = arith.xori %or3A, %eq3A_520 : vector<16xi1>
        %select_n3A_525 = arith.select %xor3A_524, %gather3A_499, %get3A_492 : vector<16xi1>, vector<16xi32>
        %mul3A_526 = arith.constant 16 : i32
        %mul3A_527 = arith.muli %scan3A_487, %mul3A_526 : i32
        %swap3A = arith.index_cast %mul3A_527 : i32 to index
        %swap3A_528 = tpu.vector_load %arg15[%swap3A] {strides = array<i32>} : memref<512xi32, #tpu.memory_space<vmem>>, vector<16xi32>,
        tpu.vector_store %arg15[%swap3A], %select_n3A_525 {strides = array<i32>} : memref<512xi32, #tpu.memory_space<vmem>>, vector<16xi32>,
        %select_n3A_529 = arith.select %xor3A_524, %gather3A_502, %get3A_496 : vector<16xi1>, vector<16xi32>
        %mul3A_530 = arith.constant 16 : i32
        %mul3A_531 = arith.muli %scan3A_487, %mul3A_530 : i32
        %swap3A_532 = arith.index_cast %mul3A_531 : i32 to index
        %swap3A_533 = tpu.vector_load %arg16[%swap3A_532] {strides = array<i32>} : memref<512xi32, #tpu.memory_space<vmem>>, vector<16xi32>,
        tpu.vector_store %arg16[%swap3A_532], %select_n3A_529 {strides = array<i32>} : memref<512xi32, #tpu.memory_space<vmem>>, vector<16xi32>,
        %scan3A_534 = arith.constant 0 : i32
        scf.yield %scan3A_534 : i32
      }
      %scan3A_70 = arith.constant 32 : i32
      %xor3A_71 = arith.constant 2 : i32
      %xor3A_72 = vector.broadcast %xor3A_71 : i32 to vector<16xi32>
      %xor3A_73 = arith.xori %iota3A, %xor3A_72 : vector<16xi32>
      %scan3A_74 = arith.constant 0 : i32
      %scan3A_75 = arith.constant 0 : i32
      %scan3A_76 = arith.constant 32 : i32
      %scan3A_77 = arith.addi %scan3A_75, %scan3A_76 : i32
      %scan3A_78 = arith.constant 1 : i32
      %scan3A_79 = scf.for %scan3A_487 = %scan3A_75 to %scan3A_77 step %scan3A_78 iter_args(%scan3A_488 = %scan3A_74) -> (i32)  : i32 {
        %mul3A_489 = arith.constant 16 : i32
        %mul3A_490 = arith.muli %scan3A_487, %mul3A_489 : i32
        %get3A_491 = arith.index_cast %mul3A_490 : i32 to index
        %get3A_492 = tpu.vector_load %arg15[%get3A_491] {strides = array<i32>} : memref<512xi32, #tpu.memory_space<vmem>>, vector<16xi32>,
        %mul3A_493 = arith.constant 16 : i32
        %mul3A_494 = arith.muli %scan3A_487, %mul3A_493 : i32
        %get3A_495 = arith.index_cast %mul3A_494 : i32 to index
        %get3A_496 = tpu.vector_load %arg16[%get3A_495] {strides = array<i32>} : memref<512xi32, #tpu.memory_space<vmem>>, vector<16xi32>,
        %broadcast_in_dim3A_497 = vector.shape_cast %xor3A_73 : vector<16xi32> to vector<16x1xi32>
        %gather3A_498 = vector.shape_cast %broadcast_in_dim3A_497 : vector<16x1xi32> to vector<16xi32>
        %gather3A_499 = tpu.dynamic_gather %get3A_492[%gather3A_498] in [0] : vector<16xi32>, vector<16xi32> -> vector<16xi32>
        %broadcast_in_dim3A_500 = vector.shape_cast %xor3A_73 : vector<16xi32> to vector<16x1xi32>
        %gather3A_501 = vector.shape_cast %broadcast_in_dim3A_500 : vector<16x1xi32> to vector<16xi32>
        %gather3A_502 = tpu.dynamic_gather %get3A_496[%gather3A_501] in [0] : vector<16xi32>, vector<16xi32> -> vector<16xi32>
        %and3A_503 = arith.constant 2 : i32
        %and3A_504 = vector.broadcast %and3A_503 : i32 to vector<16xi32>
        %and3A_505 = arith.andi %iota3A, %and3A_504 : vector<16xi32>
        %eq3A = arith.constant 0 : i32
        %eq3A_506 = vector.broadcast %eq3A : i32 to vector<16xi32>
        %eq3A_507 = arith.cmpi eq, %and3A_505, %eq3A_506 : vector<16xi32>
        %select_n3A = arith.select %eq3A_507, %get3A_492, %gather3A_499 : vector<16xi1>, vector<16xi32>
        %select_n3A_508 = arith.select %eq3A_507, %gather3A_499, %get3A_492 : vector<16xi1>, vector<16xi32>
        %select_n3A_509 = arith.select %eq3A_507, %get3A_496, %gather3A_502 : vector<16xi1>, vector<16xi32>
        %select_n3A_510 = arith.select %eq3A_507, %gather3A_502, %get3A_496 : vector<16xi1>, vector<16xi32>
        %mul3A_511 = arith.constant 16 : i32
        %mul3A_512 = arith.muli %scan3A_487, %mul3A_511 : i32
        %add3A_513 = vector.broadcast %mul3A_512 : i32 to vector<16xi32>
        %add3A_514 = arith.addi %add3A_513, %iota3A : vector<16xi32>
        %and3A_515 = arith.constant 4 : i32
        %and3A_516 = vector.broadcast %and3A_515 : i32 to vector<16xi32>
        %and3A_517 = arith.andi %add3A_514, %and3A_516 : vector<16xi32>
        %eq3A_518 = arith.constant 0 : i32
        %eq3A_519 = vector.broadcast %eq3A_518 : i32 to vector<16xi32>
        %eq3A_520 = arith.cmpi eq, %and3A_517, %eq3A_519 : vector<16xi32>
        %gt3A = arith.cmpi ugt, %select_n3A, %select_n3A_508 : vector<16xi32>
        %eq3A_521 = arith.cmpi eq, %select_n3A, %select_n3A_508 : vector<16xi32>
        %lt3A_522 = arith.cmpi slt, %select_n3A_509, %select_n3A_510 : vector<16xi32>
        %and3A_523 = arith.andi %eq3A_521, %lt3A_522 : vector<16xi1>
        %or3A = arith.ori %gt3A, %and3A_523 : vector<16xi1>
        %xor3A_524 = arith.xori %or3A, %eq3A_520 : vector<16xi1>
        %select_n3A_525 = arith.select %xor3A_524, %gather3A_499, %get3A_492 : vector<16xi1>, vector<16xi32>
        %mul3A_526 = arith.constant 16 : i32
        %mul3A_527 = arith.muli %scan3A_487, %mul3A_526 : i32
        %swap3A = arith.index_cast %mul3A_527 : i32 to index
        %swap3A_528 = tpu.vector_load %arg15[%swap3A] {strides = array<i32>} : memref<512xi32, #tpu.memory_space<vmem>>, vector<16xi32>,
        tpu.vector_store %arg15[%swap3A], %select_n3A_525 {strides = array<i32>} : memref<512xi32, #tpu.memory_space<vmem>>, vector<16xi32>,
        %select_n3A_529 = arith.select %xor3A_524, %gather3A_502, %get3A_496 : vector<16xi1>, vector<16xi32>
        %mul3A_530 = arith.constant 16 : i32
        %mul3A_531 = arith.muli %scan3A_487, %mul3A_530 : i32
        %swap3A_532 = arith.index_cast %mul3A_531 : i32 to index
        %swap3A_533 = tpu.vector_load %arg16[%swap3A_532] {strides = array<i32>} : memref<512xi32, #tpu.memory_space<vmem>>, vector<16xi32>,
        tpu.vector_store %arg16[%swap3A_532], %select_n3A_529 {strides = array<i32>} : memref<512xi32, #tpu.memory_space<vmem>>, vector<16xi32>,
        %scan3A_534 = arith.constant 0 : i32
        scf.yield %scan3A_534 : i32
      }
      %scan3A_80 = arith.constant 32 : i32
      %xor3A_81 = arith.constant 1 : i32
      %xor3A_82 = vector.broadcast %xor3A_81 : i32 to vector<16xi32>
      %xor3A_83 = arith.xori %iota3A, %xor3A_82 : vector<16xi32>
      %scan3A_84 = arith.constant 0 : i32
      %scan3A_85 = arith.constant 0 : i32
      %scan3A_86 = arith.constant 32 : i32
      %scan3A_87 = arith.addi %scan3A_85, %scan3A_86 : i32
      %scan3A_88 = arith.constant 1 : i32
      %scan3A_89 = scf.for %scan3A_487 = %scan3A_85 to %scan3A_87 step %scan3A_88 iter_args(%scan3A_488 = %scan3A_84) -> (i32)  : i32 {
        %mul3A_489 = arith.constant 16 : i32
        %mul3A_490 = arith.muli %scan3A_487, %mul3A_489 : i32
        %get3A_491 = arith.index_cast %mul3A_490 : i32 to index
        %get3A_492 = tpu.vector_load %arg15[%get3A_491] {strides = array<i32>} : memref<512xi32, #tpu.memory_space<vmem>>, vector<16xi32>,
        %mul3A_493 = arith.constant 16 : i32
        %mul3A_494 = arith.muli %scan3A_487, %mul3A_493 : i32
        %get3A_495 = arith.index_cast %mul3A_494 : i32 to index
        %get3A_496 = tpu.vector_load %arg16[%get3A_495] {strides = array<i32>} : memref<512xi32, #tpu.memory_space<vmem>>, vector<16xi32>,
        %broadcast_in_dim3A_497 = vector.shape_cast %xor3A_83 : vector<16xi32> to vector<16x1xi32>
        %gather3A_498 = vector.shape_cast %broadcast_in_dim3A_497 : vector<16x1xi32> to vector<16xi32>
        %gather3A_499 = tpu.dynamic_gather %get3A_492[%gather3A_498] in [0] : vector<16xi32>, vector<16xi32> -> vector<16xi32>
        %broadcast_in_dim3A_500 = vector.shape_cast %xor3A_83 : vector<16xi32> to vector<16x1xi32>
        %gather3A_501 = vector.shape_cast %broadcast_in_dim3A_500 : vector<16x1xi32> to vector<16xi32>
        %gather3A_502 = tpu.dynamic_gather %get3A_496[%gather3A_501] in [0] : vector<16xi32>, vector<16xi32> -> vector<16xi32>
        %and3A_503 = arith.constant 1 : i32
        %and3A_504 = vector.broadcast %and3A_503 : i32 to vector<16xi32>
        %and3A_505 = arith.andi %iota3A, %and3A_504 : vector<16xi32>
        %eq3A = arith.constant 0 : i32
        %eq3A_506 = vector.broadcast %eq3A : i32 to vector<16xi32>
        %eq3A_507 = arith.cmpi eq, %and3A_505, %eq3A_506 : vector<16xi32>
        %select_n3A = arith.select %eq3A_507, %get3A_492, %gather3A_499 : vector<16xi1>, vector<16xi32>
        %select_n3A_508 = arith.select %eq3A_507, %gather3A_499, %get3A_492 : vector<16xi1>, vector<16xi32>
        %select_n3A_509 = arith.select %eq3A_507, %get3A_496, %gather3A_502 : vector<16xi1>, vector<16xi32>
        %select_n3A_510 = arith.select %eq3A_507, %gather3A_502, %get3A_496 : vector<16xi1>, vector<16xi32>
        %mul3A_511 = arith.constant 16 : i32
        %mul3A_512 = arith.muli %scan3A_487, %mul3A_511 : i32
        %add3A_513 = vector.broadcast %mul3A_512 : i32 to vector<16xi32>
        %add3A_514 = arith.addi %add3A_513, %iota3A : vector<16xi32>
        %and3A_515 = arith.constant 4 : i32
        %and3A_516 = vector.broadcast %and3A_515 : i32 to vector<16xi32>
        %and3A_517 = arith.andi %add3A_514, %and3A_516 : vector<16xi32>
        %eq3A_518 = arith.constant 0 : i32
        %eq3A_519 = vector.broadcast %eq3A_518 : i32 to vector<16xi32>
        %eq3A_520 = arith.cmpi eq, %and3A_517, %eq3A_519 : vector<16xi32>
        %gt3A = arith.cmpi ugt, %select_n3A, %select_n3A_508 : vector<16xi32>
        %eq3A_521 = arith.cmpi eq, %select_n3A, %select_n3A_508 : vector<16xi32>
        %lt3A_522 = arith.cmpi slt, %select_n3A_509, %select_n3A_510 : vector<16xi32>
        %and3A_523 = arith.andi %eq3A_521, %lt3A_522 : vector<16xi1>
        %or3A = arith.ori %gt3A, %and3A_523 : vector<16xi1>
        %xor3A_524 = arith.xori %or3A, %eq3A_520 : vector<16xi1>
        %select_n3A_525 = arith.select %xor3A_524, %gather3A_499, %get3A_492 : vector<16xi1>, vector<16xi32>
        %mul3A_526 = arith.constant 16 : i32
        %mul3A_527 = arith.muli %scan3A_487, %mul3A_526 : i32
        %swap3A = arith.index_cast %mul3A_527 : i32 to index
        %swap3A_528 = tpu.vector_load %arg15[%swap3A] {strides = array<i32>} : memref<512xi32, #tpu.memory_space<vmem>>, vector<16xi32>,
        tpu.vector_store %arg15[%swap3A], %select_n3A_525 {strides = array<i32>} : memref<512xi32, #tpu.memory_space<vmem>>, vector<16xi32>,
        %select_n3A_529 = arith.select %xor3A_524, %gather3A_502, %get3A_496 : vector<16xi1>, vector<16xi32>
        %mul3A_530 = arith.constant 16 : i32
        %mul3A_531 = arith.muli %scan3A_487, %mul3A_530 : i32
        %swap3A_532 = arith.index_cast %mul3A_531 : i32 to index
        %swap3A_533 = tpu.vector_load %arg16[%swap3A_532] {strides = array<i32>} : memref<512xi32, #tpu.memory_space<vmem>>, vector<16xi32>,
        tpu.vector_store %arg16[%swap3A_532], %select_n3A_529 {strides = array<i32>} : memref<512xi32, #tpu.memory_space<vmem>>, vector<16xi32>,
        %scan3A_534 = arith.constant 0 : i32
        scf.yield %scan3A_534 : i32
      }
      %scan3A_90 = arith.constant 32 : i32
      %xor3A_91 = arith.constant 4 : i32
      %xor3A_92 = vector.broadcast %xor3A_91 : i32 to vector<16xi32>
      %xor3A_93 = arith.xori %iota3A, %xor3A_92 : vector<16xi32>
      %scan3A_94 = arith.constant 0 : i32
      %scan3A_95 = arith.constant 0 : i32
      %scan3A_96 = arith.constant 32 : i32
      %scan3A_97 = arith.addi %scan3A_95, %scan3A_96 : i32
      %scan3A_98 = arith.constant 1 : i32
      %scan3A_99 = scf.for %scan3A_487 = %scan3A_95 to %scan3A_97 step %scan3A_98 iter_args(%scan3A_488 = %scan3A_94) -> (i32)  : i32 {
        %mul3A_489 = arith.constant 16 : i32
        %mul3A_490 = arith.muli %scan3A_487, %mul3A_489 : i32
        %get3A_491 = arith.index_cast %mul3A_490 : i32 to index
        %get3A_492 = tpu.vector_load %arg15[%get3A_491] {strides = array<i32>} : memref<512xi32, #tpu.memory_space<vmem>>, vector<16xi32>,
        %mul3A_493 = arith.constant 16 : i32
        %mul3A_494 = arith.muli %scan3A_487, %mul3A_493 : i32
        %get3A_495 = arith.index_cast %mul3A_494 : i32 to index
        %get3A_496 = tpu.vector_load %arg16[%get3A_495] {strides = array<i32>} : memref<512xi32, #tpu.memory_space<vmem>>, vector<16xi32>,
        %broadcast_in_dim3A_497 = vector.shape_cast %xor3A_93 : vector<16xi32> to vector<16x1xi32>
        %gather3A_498 = vector.shape_cast %broadcast_in_dim3A_497 : vector<16x1xi32> to vector<16xi32>
        %gather3A_499 = tpu.dynamic_gather %get3A_492[%gather3A_498] in [0] : vector<16xi32>, vector<16xi32> -> vector<16xi32>
        %broadcast_in_dim3A_500 = vector.shape_cast %xor3A_93 : vector<16xi32> to vector<16x1xi32>
        %gather3A_501 = vector.shape_cast %broadcast_in_dim3A_500 : vector<16x1xi32> to vector<16xi32>
        %gather3A_502 = tpu.dynamic_gather %get3A_496[%gather3A_501] in [0] : vector<16xi32>, vector<16xi32> -> vector<16xi32>
        %and3A_503 = arith.constant 4 : i32
        %and3A_504 = vector.broadcast %and3A_503 : i32 to vector<16xi32>
        %and3A_505 = arith.andi %iota3A, %and3A_504 : vector<16xi32>
        %eq3A = arith.constant 0 : i32
        %eq3A_506 = vector.broadcast %eq3A : i32 to vector<16xi32>
        %eq3A_507 = arith.cmpi eq, %and3A_505, %eq3A_506 : vector<16xi32>
        %select_n3A = arith.select %eq3A_507, %get3A_492, %gather3A_499 : vector<16xi1>, vector<16xi32>
        %select_n3A_508 = arith.select %eq3A_507, %gather3A_499, %get3A_492 : vector<16xi1>, vector<16xi32>
        %select_n3A_509 = arith.select %eq3A_507, %get3A_496, %gather3A_502 : vector<16xi1>, vector<16xi32>
        %select_n3A_510 = arith.select %eq3A_507, %gather3A_502, %get3A_496 : vector<16xi1>, vector<16xi32>
        %mul3A_511 = arith.constant 16 : i32
        %mul3A_512 = arith.muli %scan3A_487, %mul3A_511 : i32
        %add3A_513 = vector.broadcast %mul3A_512 : i32 to vector<16xi32>
        %add3A_514 = arith.addi %add3A_513, %iota3A : vector<16xi32>
        %and3A_515 = arith.constant 8 : i32
        %and3A_516 = vector.broadcast %and3A_515 : i32 to vector<16xi32>
        %and3A_517 = arith.andi %add3A_514, %and3A_516 : vector<16xi32>
        %eq3A_518 = arith.constant 0 : i32
        %eq3A_519 = vector.broadcast %eq3A_518 : i32 to vector<16xi32>
        %eq3A_520 = arith.cmpi eq, %and3A_517, %eq3A_519 : vector<16xi32>
        %gt3A = arith.cmpi ugt, %select_n3A, %select_n3A_508 : vector<16xi32>
        %eq3A_521 = arith.cmpi eq, %select_n3A, %select_n3A_508 : vector<16xi32>
        %lt3A_522 = arith.cmpi slt, %select_n3A_509, %select_n3A_510 : vector<16xi32>
        %and3A_523 = arith.andi %eq3A_521, %lt3A_522 : vector<16xi1>
        %or3A = arith.ori %gt3A, %and3A_523 : vector<16xi1>
        %xor3A_524 = arith.xori %or3A, %eq3A_520 : vector<16xi1>
        %select_n3A_525 = arith.select %xor3A_524, %gather3A_499, %get3A_492 : vector<16xi1>, vector<16xi32>
        %mul3A_526 = arith.constant 16 : i32
        %mul3A_527 = arith.muli %scan3A_487, %mul3A_526 : i32
        %swap3A = arith.index_cast %mul3A_527 : i32 to index
        %swap3A_528 = tpu.vector_load %arg15[%swap3A] {strides = array<i32>} : memref<512xi32, #tpu.memory_space<vmem>>, vector<16xi32>,
        tpu.vector_store %arg15[%swap3A], %select_n3A_525 {strides = array<i32>} : memref<512xi32, #tpu.memory_space<vmem>>, vector<16xi32>,
        %select_n3A_529 = arith.select %xor3A_524, %gather3A_502, %get3A_496 : vector<16xi1>, vector<16xi32>
        %mul3A_530 = arith.constant 16 : i32
        %mul3A_531 = arith.muli %scan3A_487, %mul3A_530 : i32
        %swap3A_532 = arith.index_cast %mul3A_531 : i32 to index
        %swap3A_533 = tpu.vector_load %arg16[%swap3A_532] {strides = array<i32>} : memref<512xi32, #tpu.memory_space<vmem>>, vector<16xi32>,
        tpu.vector_store %arg16[%swap3A_532], %select_n3A_529 {strides = array<i32>} : memref<512xi32, #tpu.memory_space<vmem>>, vector<16xi32>,
        %scan3A_534 = arith.constant 0 : i32
        scf.yield %scan3A_534 : i32
      }
      %scan3A_100 = arith.constant 32 : i32
      %xor3A_101 = arith.constant 2 : i32
      %xor3A_102 = vector.broadcast %xor3A_101 : i32 to vector<16xi32>
      %xor3A_103 = arith.xori %iota3A, %xor3A_102 : vector<16xi32>
      %scan3A_104 = arith.constant 0 : i32
      %scan3A_105 = arith.constant 0 : i32
      %scan3A_106 = arith.constant 32 : i32
      %scan3A_107 = arith.addi %scan3A_105, %scan3A_106 : i32
      %scan3A_108 = arith.constant 1 : i32
      %scan3A_109 = scf.for %scan3A_487 = %scan3A_105 to %scan3A_107 step %scan3A_108 iter_args(%scan3A_488 = %scan3A_104) -> (i32)  : i32 {
        %mul3A_489 = arith.constant 16 : i32
        %mul3A_490 = arith.muli %scan3A_487, %mul3A_489 : i32
        %get3A_491 = arith.index_cast %mul3A_490 : i32 to index
        %get3A_492 = tpu.vector_load %arg15[%get3A_491] {strides = array<i32>} : memref<512xi32, #tpu.memory_space<vmem>>, vector<16xi32>,
        %mul3A_493 = arith.constant 16 : i32
        %mul3A_494 = arith.muli %scan3A_487, %mul3A_493 : i32
        %get3A_495 = arith.index_cast %mul3A_494 : i32 to index
        %get3A_496 = tpu.vector_load %arg16[%get3A_495] {strides = array<i32>} : memref<512xi32, #tpu.memory_space<vmem>>, vector<16xi32>,
        %broadcast_in_dim3A_497 = vector.shape_cast %xor3A_103 : vector<16xi32> to vector<16x1xi32>
        %gather3A_498 = vector.shape_cast %broadcast_in_dim3A_497 : vector<16x1xi32> to vector<16xi32>
        %gather3A_499 = tpu.dynamic_gather %get3A_492[%gather3A_498] in [0] : vector<16xi32>, vector<16xi32> -> vector<16xi32>
        %broadcast_in_dim3A_500 = vector.shape_cast %xor3A_103 : vector<16xi32> to vector<16x1xi32>
        %gather3A_501 = vector.shape_cast %broadcast_in_dim3A_500 : vector<16x1xi32> to vector<16xi32>
        %gather3A_502 = tpu.dynamic_gather %get3A_496[%gather3A_501] in [0] : vector<16xi32>, vector<16xi32> -> vector<16xi32>
        %and3A_503 = arith.constant 2 : i32
        %and3A_504 = vector.broadcast %and3A_503 : i32 to vector<16xi32>
        %and3A_505 = arith.andi %iota3A, %and3A_504 : vector<16xi32>
        %eq3A = arith.constant 0 : i32
        %eq3A_506 = vector.broadcast %eq3A : i32 to vector<16xi32>
        %eq3A_507 = arith.cmpi eq, %and3A_505, %eq3A_506 : vector<16xi32>
        %select_n3A = arith.select %eq3A_507, %get3A_492, %gather3A_499 : vector<16xi1>, vector<16xi32>
        %select_n3A_508 = arith.select %eq3A_507, %gather3A_499, %get3A_492 : vector<16xi1>, vector<16xi32>
        %select_n3A_509 = arith.select %eq3A_507, %get3A_496, %gather3A_502 : vector<16xi1>, vector<16xi32>
        %select_n3A_510 = arith.select %eq3A_507, %gather3A_502, %get3A_496 : vector<16xi1>, vector<16xi32>
        %mul3A_511 = arith.constant 16 : i32
        %mul3A_512 = arith.muli %scan3A_487, %mul3A_511 : i32
        %add3A_513 = vector.broadcast %mul3A_512 : i32 to vector<16xi32>
        %add3A_514 = arith.addi %add3A_513, %iota3A : vector<16xi32>
        %and3A_515 = arith.constant 8 : i32
        %and3A_516 = vector.broadcast %and3A_515 : i32 to vector<16xi32>
        %and3A_517 = arith.andi %add3A_514, %and3A_516 : vector<16xi32>
        %eq3A_518 = arith.constant 0 : i32
        %eq3A_519 = vector.broadcast %eq3A_518 : i32 to vector<16xi32>
        %eq3A_520 = arith.cmpi eq, %and3A_517, %eq3A_519 : vector<16xi32>
        %gt3A = arith.cmpi ugt, %select_n3A, %select_n3A_508 : vector<16xi32>
        %eq3A_521 = arith.cmpi eq, %select_n3A, %select_n3A_508 : vector<16xi32>
        %lt3A_522 = arith.cmpi slt, %select_n3A_509, %select_n3A_510 : vector<16xi32>
        %and3A_523 = arith.andi %eq3A_521, %lt3A_522 : vector<16xi1>
        %or3A = arith.ori %gt3A, %and3A_523 : vector<16xi1>
        %xor3A_524 = arith.xori %or3A, %eq3A_520 : vector<16xi1>
        %select_n3A_525 = arith.select %xor3A_524, %gather3A_499, %get3A_492 : vector<16xi1>, vector<16xi32>
        %mul3A_526 = arith.constant 16 : i32
        %mul3A_527 = arith.muli %scan3A_487, %mul3A_526 : i32
        %swap3A = arith.index_cast %mul3A_527 : i32 to index
        %swap3A_528 = tpu.vector_load %arg15[%swap3A] {strides = array<i32>} : memref<512xi32, #tpu.memory_space<vmem>>, vector<16xi32>,
        tpu.vector_store %arg15[%swap3A], %select_n3A_525 {strides = array<i32>} : memref<512xi32, #tpu.memory_space<vmem>>, vector<16xi32>,
        %select_n3A_529 = arith.select %xor3A_524, %gather3A_502, %get3A_496 : vector<16xi1>, vector<16xi32>
        %mul3A_530 = arith.constant 16 : i32
        %mul3A_531 = arith.muli %scan3A_487, %mul3A_530 : i32
        %swap3A_532 = arith.index_cast %mul3A_531 : i32 to index
        %swap3A_533 = tpu.vector_load %arg16[%swap3A_532] {strides = array<i32>} : memref<512xi32, #tpu.memory_space<vmem>>, vector<16xi32>,
        tpu.vector_store %arg16[%swap3A_532], %select_n3A_529 {strides = array<i32>} : memref<512xi32, #tpu.memory_space<vmem>>, vector<16xi32>,
        %scan3A_534 = arith.constant 0 : i32
        scf.yield %scan3A_534 : i32
      }
      %scan3A_110 = arith.constant 32 : i32
      %xor3A_111 = arith.constant 1 : i32
      %xor3A_112 = vector.broadcast %xor3A_111 : i32 to vector<16xi32>
      %xor3A_113 = arith.xori %iota3A, %xor3A_112 : vector<16xi32>
      %scan3A_114 = arith.constant 0 : i32
      %scan3A_115 = arith.constant 0 : i32
      %scan3A_116 = arith.constant 32 : i32
      %scan3A_117 = arith.addi %scan3A_115, %scan3A_116 : i32
      %scan3A_118 = arith.constant 1 : i32
      %scan3A_119 = scf.for %scan3A_487 = %scan3A_115 to %scan3A_117 step %scan3A_118 iter_args(%scan3A_488 = %scan3A_114) -> (i32)  : i32 {
        %mul3A_489 = arith.constant 16 : i32
        %mul3A_490 = arith.muli %scan3A_487, %mul3A_489 : i32
        %get3A_491 = arith.index_cast %mul3A_490 : i32 to index
        %get3A_492 = tpu.vector_load %arg15[%get3A_491] {strides = array<i32>} : memref<512xi32, #tpu.memory_space<vmem>>, vector<16xi32>,
        %mul3A_493 = arith.constant 16 : i32
        %mul3A_494 = arith.muli %scan3A_487, %mul3A_493 : i32
        %get3A_495 = arith.index_cast %mul3A_494 : i32 to index
        %get3A_496 = tpu.vector_load %arg16[%get3A_495] {strides = array<i32>} : memref<512xi32, #tpu.memory_space<vmem>>, vector<16xi32>,
        %broadcast_in_dim3A_497 = vector.shape_cast %xor3A_113 : vector<16xi32> to vector<16x1xi32>
        %gather3A_498 = vector.shape_cast %broadcast_in_dim3A_497 : vector<16x1xi32> to vector<16xi32>
        %gather3A_499 = tpu.dynamic_gather %get3A_492[%gather3A_498] in [0] : vector<16xi32>, vector<16xi32> -> vector<16xi32>
        %broadcast_in_dim3A_500 = vector.shape_cast %xor3A_113 : vector<16xi32> to vector<16x1xi32>
        %gather3A_501 = vector.shape_cast %broadcast_in_dim3A_500 : vector<16x1xi32> to vector<16xi32>
        %gather3A_502 = tpu.dynamic_gather %get3A_496[%gather3A_501] in [0] : vector<16xi32>, vector<16xi32> -> vector<16xi32>
        %and3A_503 = arith.constant 1 : i32
        %and3A_504 = vector.broadcast %and3A_503 : i32 to vector<16xi32>
        %and3A_505 = arith.andi %iota3A, %and3A_504 : vector<16xi32>
        %eq3A = arith.constant 0 : i32
        %eq3A_506 = vector.broadcast %eq3A : i32 to vector<16xi32>
        %eq3A_507 = arith.cmpi eq, %and3A_505, %eq3A_506 : vector<16xi32>
        %select_n3A = arith.select %eq3A_507, %get3A_492, %gather3A_499 : vector<16xi1>, vector<16xi32>
        %select_n3A_508 = arith.select %eq3A_507, %gather3A_499, %get3A_492 : vector<16xi1>, vector<16xi32>
        %select_n3A_509 = arith.select %eq3A_507, %get3A_496, %gather3A_502 : vector<16xi1>, vector<16xi32>
        %select_n3A_510 = arith.select %eq3A_507, %gather3A_502, %get3A_496 : vector<16xi1>, vector<16xi32>
        %mul3A_511 = arith.constant 16 : i32
        %mul3A_512 = arith.muli %scan3A_487, %mul3A_511 : i32
        %add3A_513 = vector.broadcast %mul3A_512 : i32 to vector<16xi32>
        %add3A_514 = arith.addi %add3A_513, %iota3A : vector<16xi32>
        %and3A_515 = arith.constant 8 : i32
        %and3A_516 = vector.broadcast %and3A_515 : i32 to vector<16xi32>
        %and3A_517 = arith.andi %add3A_514, %and3A_516 : vector<16xi32>
        %eq3A_518 = arith.constant 0 : i32
        %eq3A_519 = vector.broadcast %eq3A_518 : i32 to vector<16xi32>
        %eq3A_520 = arith.cmpi eq, %and3A_517, %eq3A_519 : vector<16xi32>
        %gt3A = arith.cmpi ugt, %select_n3A, %select_n3A_508 : vector<16xi32>
        %eq3A_521 = arith.cmpi eq, %select_n3A, %select_n3A_508 : vector<16xi32>
        %lt3A_522 = arith.cmpi slt, %select_n3A_509, %select_n3A_510 : vector<16xi32>
        %and3A_523 = arith.andi %eq3A_521, %lt3A_522 : vector<16xi1>
        %or3A = arith.ori %gt3A, %and3A_523 : vector<16xi1>
        %xor3A_524 = arith.xori %or3A, %eq3A_520 : vector<16xi1>
        %select_n3A_525 = arith.select %xor3A_524, %gather3A_499, %get3A_492 : vector<16xi1>, vector<16xi32>
        %mul3A_526 = arith.constant 16 : i32
        %mul3A_527 = arith.muli %scan3A_487, %mul3A_526 : i32
        %swap3A = arith.index_cast %mul3A_527 : i32 to index
        %swap3A_528 = tpu.vector_load %arg15[%swap3A] {strides = array<i32>} : memref<512xi32, #tpu.memory_space<vmem>>, vector<16xi32>,
        tpu.vector_store %arg15[%swap3A], %select_n3A_525 {strides = array<i32>} : memref<512xi32, #tpu.memory_space<vmem>>, vector<16xi32>,
        %select_n3A_529 = arith.select %xor3A_524, %gather3A_502, %get3A_496 : vector<16xi1>, vector<16xi32>
        %mul3A_530 = arith.constant 16 : i32
        %mul3A_531 = arith.muli %scan3A_487, %mul3A_530 : i32
        %swap3A_532 = arith.index_cast %mul3A_531 : i32 to index
        %swap3A_533 = tpu.vector_load %arg16[%swap3A_532] {strides = array<i32>} : memref<512xi32, #tpu.memory_space<vmem>>, vector<16xi32>,
        tpu.vector_store %arg16[%swap3A_532], %select_n3A_529 {strides = array<i32>} : memref<512xi32, #tpu.memory_space<vmem>>, vector<16xi32>,
        %scan3A_534 = arith.constant 0 : i32
        scf.yield %scan3A_534 : i32
      }
      %scan3A_120 = arith.constant 32 : i32
      %xor3A_121 = arith.constant 8 : i32
      %xor3A_122 = vector.broadcast %xor3A_121 : i32 to vector<16xi32>
      %xor3A_123 = arith.xori %iota3A, %xor3A_122 : vector<16xi32>
      %scan3A_124 = arith.constant 0 : i32
      %scan3A_125 = arith.constant 0 : i32
      %scan3A_126 = arith.constant 32 : i32
      %scan3A_127 = arith.addi %scan3A_125, %scan3A_126 : i32
      %scan3A_128 = arith.constant 1 : i32
      %scan3A_129 = scf.for %scan3A_487 = %scan3A_125 to %scan3A_127 step %scan3A_128 iter_args(%scan3A_488 = %scan3A_124) -> (i32)  : i32 {
        %mul3A_489 = arith.constant 16 : i32
        %mul3A_490 = arith.muli %scan3A_487, %mul3A_489 : i32
        %get3A_491 = arith.index_cast %mul3A_490 : i32 to index
        %get3A_492 = tpu.vector_load %arg15[%get3A_491] {strides = array<i32>} : memref<512xi32, #tpu.memory_space<vmem>>, vector<16xi32>,
        %mul3A_493 = arith.constant 16 : i32
        %mul3A_494 = arith.muli %scan3A_487, %mul3A_493 : i32
        %get3A_495 = arith.index_cast %mul3A_494 : i32 to index
        %get3A_496 = tpu.vector_load %arg16[%get3A_495] {strides = array<i32>} : memref<512xi32, #tpu.memory_space<vmem>>, vector<16xi32>,
        %broadcast_in_dim3A_497 = vector.shape_cast %xor3A_123 : vector<16xi32> to vector<16x1xi32>
        %gather3A_498 = vector.shape_cast %broadcast_in_dim3A_497 : vector<16x1xi32> to vector<16xi32>
        %gather3A_499 = tpu.dynamic_gather %get3A_492[%gather3A_498] in [0] : vector<16xi32>, vector<16xi32> -> vector<16xi32>
        %broadcast_in_dim3A_500 = vector.shape_cast %xor3A_123 : vector<16xi32> to vector<16x1xi32>
        %gather3A_501 = vector.shape_cast %broadcast_in_dim3A_500 : vector<16x1xi32> to vector<16xi32>
        %gather3A_502 = tpu.dynamic_gather %get3A_496[%gather3A_501] in [0] : vector<16xi32>, vector<16xi32> -> vector<16xi32>
        %and3A_503 = arith.constant 8 : i32
        %and3A_504 = vector.broadcast %and3A_503 : i32 to vector<16xi32>
        %and3A_505 = arith.andi %iota3A, %and3A_504 : vector<16xi32>
        %eq3A = arith.constant 0 : i32
        %eq3A_506 = vector.broadcast %eq3A : i32 to vector<16xi32>
        %eq3A_507 = arith.cmpi eq, %and3A_505, %eq3A_506 : vector<16xi32>
        %select_n3A = arith.select %eq3A_507, %get3A_492, %gather3A_499 : vector<16xi1>, vector<16xi32>
        %select_n3A_508 = arith.select %eq3A_507, %gather3A_499, %get3A_492 : vector<16xi1>, vector<16xi32>
        %select_n3A_509 = arith.select %eq3A_507, %get3A_496, %gather3A_502 : vector<16xi1>, vector<16xi32>
        %select_n3A_510 = arith.select %eq3A_507, %gather3A_502, %get3A_496 : vector<16xi1>, vector<16xi32>
        %mul3A_511 = arith.constant 16 : i32
        %mul3A_512 = arith.muli %scan3A_487, %mul3A_511 : i32
        %add3A_513 = vector.broadcast %mul3A_512 : i32 to vector<16xi32>
        %add3A_514 = arith.addi %add3A_513, %iota3A : vector<16xi32>
        %and3A_515 = arith.constant 16 : i32
        %and3A_516 = vector.broadcast %and3A_515 : i32 to vector<16xi32>
        %and3A_517 = arith.andi %add3A_514, %and3A_516 : vector<16xi32>
        %eq3A_518 = arith.constant 0 : i32
        %eq3A_519 = vector.broadcast %eq3A_518 : i32 to vector<16xi32>
        %eq3A_520 = arith.cmpi eq, %and3A_517, %eq3A_519 : vector<16xi32>
        %gt3A = arith.cmpi ugt, %select_n3A, %select_n3A_508 : vector<16xi32>
        %eq3A_521 = arith.cmpi eq, %select_n3A, %select_n3A_508 : vector<16xi32>
        %lt3A_522 = arith.cmpi slt, %select_n3A_509, %select_n3A_510 : vector<16xi32>
        %and3A_523 = arith.andi %eq3A_521, %lt3A_522 : vector<16xi1>
        %or3A = arith.ori %gt3A, %and3A_523 : vector<16xi1>
        %xor3A_524 = arith.xori %or3A, %eq3A_520 : vector<16xi1>
        %select_n3A_525 = arith.select %xor3A_524, %gather3A_499, %get3A_492 : vector<16xi1>, vector<16xi32>
        %mul3A_526 = arith.constant 16 : i32
        %mul3A_527 = arith.muli %scan3A_487, %mul3A_526 : i32
        %swap3A = arith.index_cast %mul3A_527 : i32 to index
        %swap3A_528 = tpu.vector_load %arg15[%swap3A] {strides = array<i32>} : memref<512xi32, #tpu.memory_space<vmem>>, vector<16xi32>,
        tpu.vector_store %arg15[%swap3A], %select_n3A_525 {strides = array<i32>} : memref<512xi32, #tpu.memory_space<vmem>>, vector<16xi32>,
        %select_n3A_529 = arith.select %xor3A_524, %gather3A_502, %get3A_496 : vector<16xi1>, vector<16xi32>
        %mul3A_530 = arith.constant 16 : i32
        %mul3A_531 = arith.muli %scan3A_487, %mul3A_530 : i32
        %swap3A_532 = arith.index_cast %mul3A_531 : i32 to index
        %swap3A_533 = tpu.vector_load %arg16[%swap3A_532] {strides = array<i32>} : memref<512xi32, #tpu.memory_space<vmem>>, vector<16xi32>,
        tpu.vector_store %arg16[%swap3A_532], %select_n3A_529 {strides = array<i32>} : memref<512xi32, #tpu.memory_space<vmem>>, vector<16xi32>,
        %scan3A_534 = arith.constant 0 : i32
        scf.yield %scan3A_534 : i32
      }
      %scan3A_130 = arith.constant 32 : i32
      %xor3A_131 = arith.constant 4 : i32
      %xor3A_132 = vector.broadcast %xor3A_131 : i32 to vector<16xi32>
      %xor3A_133 = arith.xori %iota3A, %xor3A_132 : vector<16xi32>
      %scan3A_134 = arith.constant 0 : i32
      %scan3A_135 = arith.constant 0 : i32
      %scan3A_136 = arith.constant 32 : i32
      %scan3A_137 = arith.addi %scan3A_135, %scan3A_136 : i32
      %scan3A_138 = arith.constant 1 : i32
      %scan3A_139 = scf.for %scan3A_487 = %scan3A_135 to %scan3A_137 step %scan3A_138 iter_args(%scan3A_488 = %scan3A_134) -> (i32)  : i32 {
        %mul3A_489 = arith.constant 16 : i32
        %mul3A_490 = arith.muli %scan3A_487, %mul3A_489 : i32
        %get3A_491 = arith.index_cast %mul3A_490 : i32 to index
        %get3A_492 = tpu.vector_load %arg15[%get3A_491] {strides = array<i32>} : memref<512xi32, #tpu.memory_space<vmem>>, vector<16xi32>,
        %mul3A_493 = arith.constant 16 : i32
        %mul3A_494 = arith.muli %scan3A_487, %mul3A_493 : i32
        %get3A_495 = arith.index_cast %mul3A_494 : i32 to index
        %get3A_496 = tpu.vector_load %arg16[%get3A_495] {strides = array<i32>} : memref<512xi32, #tpu.memory_space<vmem>>, vector<16xi32>,
        %broadcast_in_dim3A_497 = vector.shape_cast %xor3A_133 : vector<16xi32> to vector<16x1xi32>
        %gather3A_498 = vector.shape_cast %broadcast_in_dim3A_497 : vector<16x1xi32> to vector<16xi32>
        %gather3A_499 = tpu.dynamic_gather %get3A_492[%gather3A_498] in [0] : vector<16xi32>, vector<16xi32> -> vector<16xi32>
        %broadcast_in_dim3A_500 = vector.shape_cast %xor3A_133 : vector<16xi32> to vector<16x1xi32>
        %gather3A_501 = vector.shape_cast %broadcast_in_dim3A_500 : vector<16x1xi32> to vector<16xi32>
        %gather3A_502 = tpu.dynamic_gather %get3A_496[%gather3A_501] in [0] : vector<16xi32>, vector<16xi32> -> vector<16xi32>
        %and3A_503 = arith.constant 4 : i32
        %and3A_504 = vector.broadcast %and3A_503 : i32 to vector<16xi32>
        %and3A_505 = arith.andi %iota3A, %and3A_504 : vector<16xi32>
        %eq3A = arith.constant 0 : i32
        %eq3A_506 = vector.broadcast %eq3A : i32 to vector<16xi32>
        %eq3A_507 = arith.cmpi eq, %and3A_505, %eq3A_506 : vector<16xi32>
        %select_n3A = arith.select %eq3A_507, %get3A_492, %gather3A_499 : vector<16xi1>, vector<16xi32>
        %select_n3A_508 = arith.select %eq3A_507, %gather3A_499, %get3A_492 : vector<16xi1>, vector<16xi32>
        %select_n3A_509 = arith.select %eq3A_507, %get3A_496, %gather3A_502 : vector<16xi1>, vector<16xi32>
        %select_n3A_510 = arith.select %eq3A_507, %gather3A_502, %get3A_496 : vector<16xi1>, vector<16xi32>
        %mul3A_511 = arith.constant 16 : i32
        %mul3A_512 = arith.muli %scan3A_487, %mul3A_511 : i32
        %add3A_513 = vector.broadcast %mul3A_512 : i32 to vector<16xi32>
        %add3A_514 = arith.addi %add3A_513, %iota3A : vector<16xi32>
        %and3A_515 = arith.constant 16 : i32
        %and3A_516 = vector.broadcast %and3A_515 : i32 to vector<16xi32>
        %and3A_517 = arith.andi %add3A_514, %and3A_516 : vector<16xi32>
        %eq3A_518 = arith.constant 0 : i32
        %eq3A_519 = vector.broadcast %eq3A_518 : i32 to vector<16xi32>
        %eq3A_520 = arith.cmpi eq, %and3A_517, %eq3A_519 : vector<16xi32>
        %gt3A = arith.cmpi ugt, %select_n3A, %select_n3A_508 : vector<16xi32>
        %eq3A_521 = arith.cmpi eq, %select_n3A, %select_n3A_508 : vector<16xi32>
        %lt3A_522 = arith.cmpi slt, %select_n3A_509, %select_n3A_510 : vector<16xi32>
        %and3A_523 = arith.andi %eq3A_521, %lt3A_522 : vector<16xi1>
        %or3A = arith.ori %gt3A, %and3A_523 : vector<16xi1>
        %xor3A_524 = arith.xori %or3A, %eq3A_520 : vector<16xi1>
        %select_n3A_525 = arith.select %xor3A_524, %gather3A_499, %get3A_492 : vector<16xi1>, vector<16xi32>
        %mul3A_526 = arith.constant 16 : i32
        %mul3A_527 = arith.muli %scan3A_487, %mul3A_526 : i32
        %swap3A = arith.index_cast %mul3A_527 : i32 to index
        %swap3A_528 = tpu.vector_load %arg15[%swap3A] {strides = array<i32>} : memref<512xi32, #tpu.memory_space<vmem>>, vector<16xi32>,
        tpu.vector_store %arg15[%swap3A], %select_n3A_525 {strides = array<i32>} : memref<512xi32, #tpu.memory_space<vmem>>, vector<16xi32>,
        %select_n3A_529 = arith.select %xor3A_524, %gather3A_502, %get3A_496 : vector<16xi1>, vector<16xi32>
        %mul3A_530 = arith.constant 16 : i32
        %mul3A_531 = arith.muli %scan3A_487, %mul3A_530 : i32
        %swap3A_532 = arith.index_cast %mul3A_531 : i32 to index
        %swap3A_533 = tpu.vector_load %arg16[%swap3A_532] {strides = array<i32>} : memref<512xi32, #tpu.memory_space<vmem>>, vector<16xi32>,
        tpu.vector_store %arg16[%swap3A_532], %select_n3A_529 {strides = array<i32>} : memref<512xi32, #tpu.memory_space<vmem>>, vector<16xi32>,
        %scan3A_534 = arith.constant 0 : i32
        scf.yield %scan3A_534 : i32
      }
      %scan3A_140 = arith.constant 32 : i32
      %xor3A_141 = arith.constant 2 : i32
      %xor3A_142 = vector.broadcast %xor3A_141 : i32 to vector<16xi32>
      %xor3A_143 = arith.xori %iota3A, %xor3A_142 : vector<16xi32>
      %scan3A_144 = arith.constant 0 : i32
      %scan3A_145 = arith.constant 0 : i32
      %scan3A_146 = arith.constant 32 : i32
      %scan3A_147 = arith.addi %scan3A_145, %scan3A_146 : i32
      %scan3A_148 = arith.constant 1 : i32
      %scan3A_149 = scf.for %scan3A_487 = %scan3A_145 to %scan3A_147 step %scan3A_148 iter_args(%scan3A_488 = %scan3A_144) -> (i32)  : i32 {
        %mul3A_489 = arith.constant 16 : i32
        %mul3A_490 = arith.muli %scan3A_487, %mul3A_489 : i32
        %get3A_491 = arith.index_cast %mul3A_490 : i32 to index
        %get3A_492 = tpu.vector_load %arg15[%get3A_491] {strides = array<i32>} : memref<512xi32, #tpu.memory_space<vmem>>, vector<16xi32>,
        %mul3A_493 = arith.constant 16 : i32
        %mul3A_494 = arith.muli %scan3A_487, %mul3A_493 : i32
        %get3A_495 = arith.index_cast %mul3A_494 : i32 to index
        %get3A_496 = tpu.vector_load %arg16[%get3A_495] {strides = array<i32>} : memref<512xi32, #tpu.memory_space<vmem>>, vector<16xi32>,
        %broadcast_in_dim3A_497 = vector.shape_cast %xor3A_143 : vector<16xi32> to vector<16x1xi32>
        %gather3A_498 = vector.shape_cast %broadcast_in_dim3A_497 : vector<16x1xi32> to vector<16xi32>
        %gather3A_499 = tpu.dynamic_gather %get3A_492[%gather3A_498] in [0] : vector<16xi32>, vector<16xi32> -> vector<16xi32>
        %broadcast_in_dim3A_500 = vector.shape_cast %xor3A_143 : vector<16xi32> to vector<16x1xi32>
        %gather3A_501 = vector.shape_cast %broadcast_in_dim3A_500 : vector<16x1xi32> to vector<16xi32>
        %gather3A_502 = tpu.dynamic_gather %get3A_496[%gather3A_501] in [0] : vector<16xi32>, vector<16xi32> -> vector<16xi32>
        %and3A_503 = arith.constant 2 : i32
        %and3A_504 = vector.broadcast %and3A_503 : i32 to vector<16xi32>
        %and3A_505 = arith.andi %iota3A, %and3A_504 : vector<16xi32>
        %eq3A = arith.constant 0 : i32
        %eq3A_506 = vector.broadcast %eq3A : i32 to vector<16xi32>
        %eq3A_507 = arith.cmpi eq, %and3A_505, %eq3A_506 : vector<16xi32>
        %select_n3A = arith.select %eq3A_507, %get3A_492, %gather3A_499 : vector<16xi1>, vector<16xi32>
        %select_n3A_508 = arith.select %eq3A_507, %gather3A_499, %get3A_492 : vector<16xi1>, vector<16xi32>
        %select_n3A_509 = arith.select %eq3A_507, %get3A_496, %gather3A_502 : vector<16xi1>, vector<16xi32>
        %select_n3A_510 = arith.select %eq3A_507, %gather3A_502, %get3A_496 : vector<16xi1>, vector<16xi32>
        %mul3A_511 = arith.constant 16 : i32
        %mul3A_512 = arith.muli %scan3A_487, %mul3A_511 : i32
        %add3A_513 = vector.broadcast %mul3A_512 : i32 to vector<16xi32>
        %add3A_514 = arith.addi %add3A_513, %iota3A : vector<16xi32>
        %and3A_515 = arith.constant 16 : i32
        %and3A_516 = vector.broadcast %and3A_515 : i32 to vector<16xi32>
        %and3A_517 = arith.andi %add3A_514, %and3A_516 : vector<16xi32>
        %eq3A_518 = arith.constant 0 : i32
        %eq3A_519 = vector.broadcast %eq3A_518 : i32 to vector<16xi32>
        %eq3A_520 = arith.cmpi eq, %and3A_517, %eq3A_519 : vector<16xi32>
        %gt3A = arith.cmpi ugt, %select_n3A, %select_n3A_508 : vector<16xi32>
        %eq3A_521 = arith.cmpi eq, %select_n3A, %select_n3A_508 : vector<16xi32>
        %lt3A_522 = arith.cmpi slt, %select_n3A_509, %select_n3A_510 : vector<16xi32>
        %and3A_523 = arith.andi %eq3A_521, %lt3A_522 : vector<16xi1>
        %or3A = arith.ori %gt3A, %and3A_523 : vector<16xi1>
        %xor3A_524 = arith.xori %or3A, %eq3A_520 : vector<16xi1>
        %select_n3A_525 = arith.select %xor3A_524, %gather3A_499, %get3A_492 : vector<16xi1>, vector<16xi32>
        %mul3A_526 = arith.constant 16 : i32
        %mul3A_527 = arith.muli %scan3A_487, %mul3A_526 : i32
        %swap3A = arith.index_cast %mul3A_527 : i32 to index
        %swap3A_528 = tpu.vector_load %arg15[%swap3A] {strides = array<i32>} : memref<512xi32, #tpu.memory_space<vmem>>, vector<16xi32>,
        tpu.vector_store %arg15[%swap3A], %select_n3A_525 {strides = array<i32>} : memref<512xi32, #tpu.memory_space<vmem>>, vector<16xi32>,
        %select_n3A_529 = arith.select %xor3A_524, %gather3A_502, %get3A_496 : vector<16xi1>, vector<16xi32>
        %mul3A_530 = arith.constant 16 : i32
        %mul3A_531 = arith.muli %scan3A_487, %mul3A_530 : i32
        %swap3A_532 = arith.index_cast %mul3A_531 : i32 to index
        %swap3A_533 = tpu.vector_load %arg16[%swap3A_532] {strides = array<i32>} : memref<512xi32, #tpu.memory_space<vmem>>, vector<16xi32>,
        tpu.vector_store %arg16[%swap3A_532], %select_n3A_529 {strides = array<i32>} : memref<512xi32, #tpu.memory_space<vmem>>, vector<16xi32>,
        %scan3A_534 = arith.constant 0 : i32
        scf.yield %scan3A_534 : i32
      }
      %scan3A_150 = arith.constant 32 : i32
      %xor3A_151 = arith.constant 1 : i32
      %xor3A_152 = vector.broadcast %xor3A_151 : i32 to vector<16xi32>
      %xor3A_153 = arith.xori %iota3A, %xor3A_152 : vector<16xi32>
      %scan3A_154 = arith.constant 0 : i32
      %scan3A_155 = arith.constant 0 : i32
      %scan3A_156 = arith.constant 32 : i32
      %scan3A_157 = arith.addi %scan3A_155, %scan3A_156 : i32
      %scan3A_158 = arith.constant 1 : i32
      %scan3A_159 = scf.for %scan3A_487 = %scan3A_155 to %scan3A_157 step %scan3A_158 iter_args(%scan3A_488 = %scan3A_154) -> (i32)  : i32 {
        %mul3A_489 = arith.constant 16 : i32
        %mul3A_490 = arith.muli %scan3A_487, %mul3A_489 : i32
        %get3A_491 = arith.index_cast %mul3A_490 : i32 to index
        %get3A_492 = tpu.vector_load %arg15[%get3A_491] {strides = array<i32>} : memref<512xi32, #tpu.memory_space<vmem>>, vector<16xi32>,
        %mul3A_493 = arith.constant 16 : i32
        %mul3A_494 = arith.muli %scan3A_487, %mul3A_493 : i32
        %get3A_495 = arith.index_cast %mul3A_494 : i32 to index
        %get3A_496 = tpu.vector_load %arg16[%get3A_495] {strides = array<i32>} : memref<512xi32, #tpu.memory_space<vmem>>, vector<16xi32>,
        %broadcast_in_dim3A_497 = vector.shape_cast %xor3A_153 : vector<16xi32> to vector<16x1xi32>
        %gather3A_498 = vector.shape_cast %broadcast_in_dim3A_497 : vector<16x1xi32> to vector<16xi32>
        %gather3A_499 = tpu.dynamic_gather %get3A_492[%gather3A_498] in [0] : vector<16xi32>, vector<16xi32> -> vector<16xi32>
        %broadcast_in_dim3A_500 = vector.shape_cast %xor3A_153 : vector<16xi32> to vector<16x1xi32>
        %gather3A_501 = vector.shape_cast %broadcast_in_dim3A_500 : vector<16x1xi32> to vector<16xi32>
        %gather3A_502 = tpu.dynamic_gather %get3A_496[%gather3A_501] in [0] : vector<16xi32>, vector<16xi32> -> vector<16xi32>
        %and3A_503 = arith.constant 1 : i32
        %and3A_504 = vector.broadcast %and3A_503 : i32 to vector<16xi32>
        %and3A_505 = arith.andi %iota3A, %and3A_504 : vector<16xi32>
        %eq3A = arith.constant 0 : i32
        %eq3A_506 = vector.broadcast %eq3A : i32 to vector<16xi32>
        %eq3A_507 = arith.cmpi eq, %and3A_505, %eq3A_506 : vector<16xi32>
        %select_n3A = arith.select %eq3A_507, %get3A_492, %gather3A_499 : vector<16xi1>, vector<16xi32>
        %select_n3A_508 = arith.select %eq3A_507, %gather3A_499, %get3A_492 : vector<16xi1>, vector<16xi32>
        %select_n3A_509 = arith.select %eq3A_507, %get3A_496, %gather3A_502 : vector<16xi1>, vector<16xi32>
        %select_n3A_510 = arith.select %eq3A_507, %gather3A_502, %get3A_496 : vector<16xi1>, vector<16xi32>
        %mul3A_511 = arith.constant 16 : i32
        %mul3A_512 = arith.muli %scan3A_487, %mul3A_511 : i32
        %add3A_513 = vector.broadcast %mul3A_512 : i32 to vector<16xi32>
        %add3A_514 = arith.addi %add3A_513, %iota3A : vector<16xi32>
        %and3A_515 = arith.constant 16 : i32
        %and3A_516 = vector.broadcast %and3A_515 : i32 to vector<16xi32>
        %and3A_517 = arith.andi %add3A_514, %and3A_516 : vector<16xi32>
        %eq3A_518 = arith.constant 0 : i32
        %eq3A_519 = vector.broadcast %eq3A_518 : i32 to vector<16xi32>
        %eq3A_520 = arith.cmpi eq, %and3A_517, %eq3A_519 : vector<16xi32>
        %gt3A = arith.cmpi ugt, %select_n3A, %select_n3A_508 : vector<16xi32>
        %eq3A_521 = arith.cmpi eq, %select_n3A, %select_n3A_508 : vector<16xi32>
        %lt3A_522 = arith.cmpi slt, %select_n3A_509, %select_n3A_510 : vector<16xi32>
        %and3A_523 = arith.andi %eq3A_521, %lt3A_522 : vector<16xi1>
        %or3A = arith.ori %gt3A, %and3A_523 : vector<16xi1>
        %xor3A_524 = arith.xori %or3A, %eq3A_520 : vector<16xi1>
        %select_n3A_525 = arith.select %xor3A_524, %gather3A_499, %get3A_492 : vector<16xi1>, vector<16xi32>
        %mul3A_526 = arith.constant 16 : i32
        %mul3A_527 = arith.muli %scan3A_487, %mul3A_526 : i32
        %swap3A = arith.index_cast %mul3A_527 : i32 to index
        %swap3A_528 = tpu.vector_load %arg15[%swap3A] {strides = array<i32>} : memref<512xi32, #tpu.memory_space<vmem>>, vector<16xi32>,
        tpu.vector_store %arg15[%swap3A], %select_n3A_525 {strides = array<i32>} : memref<512xi32, #tpu.memory_space<vmem>>, vector<16xi32>,
        %select_n3A_529 = arith.select %xor3A_524, %gather3A_502, %get3A_496 : vector<16xi1>, vector<16xi32>
        %mul3A_530 = arith.constant 16 : i32
        %mul3A_531 = arith.muli %scan3A_487, %mul3A_530 : i32
        %swap3A_532 = arith.index_cast %mul3A_531 : i32 to index
        %swap3A_533 = tpu.vector_load %arg16[%swap3A_532] {strides = array<i32>} : memref<512xi32, #tpu.memory_space<vmem>>, vector<16xi32>,
        tpu.vector_store %arg16[%swap3A_532], %select_n3A_529 {strides = array<i32>} : memref<512xi32, #tpu.memory_space<vmem>>, vector<16xi32>,
        %scan3A_534 = arith.constant 0 : i32
        scf.yield %scan3A_534 : i32
      }
      %scan3A_160 = arith.constant 32 : i32
      %scan3A_161 = arith.constant 0 : i32
      %scan3A_162 = arith.constant 0 : i32
      %scan3A_163 = arith.constant 16 : i32
      %scan3A_164 = arith.addi %scan3A_162, %scan3A_163 : i32
      %scan3A_165 = arith.constant 1 : i32
      %scan3A_166 = scf.for %scan3A_487 = %scan3A_162 to %scan3A_164 step %scan3A_165 iter_args(%scan3A_488 = %scan3A_161) -> (i32)  : i32 {
        %shift_right_arithmetic3A = arith.constant 0 : i32
        %shift_right_arithmetic3A_489 = arith.shrsi %scan3A_487, %shift_right_arithmetic3A : i32
        %shift_left3A = arith.constant 1 : i32
        %shift_left3A_490 = arith.shli %shift_right_arithmetic3A_489, %shift_left3A : i32
        %and3A_491 = arith.constant 0 : i32
        %and3A_492 = arith.andi %scan3A_487, %and3A_491 : i32
        %or3A = arith.ori %shift_left3A_490, %and3A_492 : i32
        %or3A_493 = arith.constant 1 : i32
        %or3A_494 = arith.ori %or3A, %or3A_493 : i32
        %mul3A_495 = arith.constant 16 : i32
        %mul3A_496 = arith.muli %or3A, %mul3A_495 : i32
        %get3A_497 = arith.index_cast %mul3A_496 : i32 to index
        %get3A_498 = tpu.vector_load %arg15[%get3A_497] {strides = array<i32>} : memref<512xi32, #tpu.memory_space<vmem>>, vector<16xi32>,
        %mul3A_499 = arith.constant 16 : i32
        %mul3A_500 = arith.muli %or3A, %mul3A_499 : i32
        %get3A_501 = arith.index_cast %mul3A_500 : i32 to index
        %get3A_502 = tpu.vector_load %arg16[%get3A_501] {strides = array<i32>} : memref<512xi32, #tpu.memory_space<vmem>>, vector<16xi32>,
        %mul3A_503 = arith.constant 16 : i32
        %mul3A_504 = arith.muli %or3A_494, %mul3A_503 : i32
        %get3A_505 = arith.index_cast %mul3A_504 : i32 to index
        %get3A_506 = tpu.vector_load %arg15[%get3A_505] {strides = array<i32>} : memref<512xi32, #tpu.memory_space<vmem>>, vector<16xi32>,
        %mul3A_507 = arith.constant 16 : i32
        %mul3A_508 = arith.muli %or3A_494, %mul3A_507 : i32
        %get3A_509 = arith.index_cast %mul3A_508 : i32 to index
        %get3A_510 = tpu.vector_load %arg16[%get3A_509] {strides = array<i32>} : memref<512xi32, #tpu.memory_space<vmem>>, vector<16xi32>,
        %mul3A_511 = arith.constant 16 : i32
        %mul3A_512 = arith.muli %or3A, %mul3A_511 : i32
        %and3A_513 = arith.constant 32 : i32
        %and3A_514 = arith.andi %mul3A_512, %and3A_513 : i32
        %eq3A = arith.constant 0 : i32
        %eq3A_515 = arith.cmpi eq, %and3A_514, %eq3A : i32
        %gt3A = arith.cmpi ugt, %get3A_498, %get3A_506 : vector<16xi32>
        %eq3A_516 = arith.cmpi eq, %get3A_498, %get3A_506 : vector<16xi32>
        %lt3A_517 = arith.cmpi slt, %get3A_502, %get3A_510 : vector<16xi32>
        %and3A_518 = arith.andi %eq3A_516, %lt3A_517 : vector<16xi1>
        %or3A_519 = arith.ori %gt3A, %and3A_518 : vector<16xi1>
        %xor3A_520 = vector.broadcast %eq3A_515 : i1 to vector<16xi1>
        %xor3A_521 = arith.xori %or3A_519, %xor3A_520 : vector<16xi1>
        %select_n3A = arith.select %xor3A_521, %get3A_506, %get3A_498 : vector<16xi1>, vector<16xi32>
        %mul3A_522 = arith.constant 16 : i32
        %mul3A_523 = arith.muli %or3A, %mul3A_522 : i32
        %swap3A = arith.index_cast %mul3A_523 : i32 to index
        %swap3A_524 = tpu.vector_load %arg15[%swap3A] {strides = array<i32>} : memref<512xi32, #tpu.memory_space<vmem>>, vector<16xi32>,
        tpu.vector_store %arg15[%swap3A], %select_n3A {strides = array<i32>} : memref<512xi32, #tpu.memory_space<vmem>>, vector<16xi32>,
        %select_n3A_525 = arith.select %xor3A_521, %get3A_510, %get3A_502 : vector<16xi1>, vector<16xi32>
        %mul3A_526 = arith.constant 16 : i32
        %mul3A_527 = arith.muli %or3A, %mul3A_526 : i32
        %swap3A_528 = arith.index_cast %mul3A_527 : i32 to index
        %swap3A_529 = tpu.vector_load %arg16[%swap3A_528] {strides = array<i32>} : memref<512xi32, #tpu.memory_space<vmem>>, vector<16xi32>,
        tpu.vector_store %arg16[%swap3A_528], %select_n3A_525 {strides = array<i32>} : memref<512xi32, #tpu.memory_space<vmem>>, vector<16xi32>,
        %select_n3A_530 = arith.select %xor3A_521, %get3A_498, %get3A_506 : vector<16xi1>, vector<16xi32>
        %mul3A_531 = arith.constant 16 : i32
        %mul3A_532 = arith.muli %or3A_494, %mul3A_531 : i32
        %swap3A_533 = arith.index_cast %mul3A_532 : i32 to index
        %swap3A_534 = tpu.vector_load %arg15[%swap3A_533] {strides = array<i32>} : memref<512xi32, #tpu.memory_space<vmem>>, vector<16xi32>,
        tpu.vector_store %arg15[%swap3A_533], %select_n3A_530 {strides = array<i32>} : memref<512xi32, #tpu.memory_space<vmem>>, vector<16xi32>,
        %select_n3A_535 = arith.select %xor3A_521, %get3A_502, %get3A_510 : vector<16xi1>, vector<16xi32>
        %mul3A_536 = arith.constant 16 : i32
        %mul3A_537 = arith.muli %or3A_494, %mul3A_536 : i32
        %swap3A_538 = arith.index_cast %mul3A_537 : i32 to index
        %swap3A_539 = tpu.vector_load %arg16[%swap3A_538] {strides = array<i32>} : memref<512xi32, #tpu.memory_space<vmem>>, vector<16xi32>,
        tpu.vector_store %arg16[%swap3A_538], %select_n3A_535 {strides = array<i32>} : memref<512xi32, #tpu.memory_space<vmem>>, vector<16xi32>,
        %scan3A_540 = arith.constant 0 : i32
        scf.yield %scan3A_540 : i32
      }
      %scan3A_167 = arith.constant 16 : i32
      %xor3A_168 = arith.constant 8 : i32
      %xor3A_169 = vector.broadcast %xor3A_168 : i32 to vector<16xi32>
      %xor3A_170 = arith.xori %iota3A, %xor3A_169 : vector<16xi32>
      %scan3A_171 = arith.constant 0 : i32
      %scan3A_172 = arith.constant 0 : i32
      %scan3A_173 = arith.constant 32 : i32
      %scan3A_174 = arith.addi %scan3A_172, %scan3A_173 : i32
      %scan3A_175 = arith.constant 1 : i32
      %scan3A_176 = scf.for %scan3A_487 = %scan3A_172 to %scan3A_174 step %scan3A_175 iter_args(%scan3A_488 = %scan3A_171) -> (i32)  : i32 {
        %mul3A_489 = arith.constant 16 : i32
        %mul3A_490 = arith.muli %scan3A_487, %mul3A_489 : i32
        %get3A_491 = arith.index_cast %mul3A_490 : i32 to index
        %get3A_492 = tpu.vector_load %arg15[%get3A_491] {strides = array<i32>} : memref<512xi32, #tpu.memory_space<vmem>>, vector<16xi32>,
        %mul3A_493 = arith.constant 16 : i32
        %mul3A_494 = arith.muli %scan3A_487, %mul3A_493 : i32
        %get3A_495 = arith.index_cast %mul3A_494 : i32 to index
        %get3A_496 = tpu.vector_load %arg16[%get3A_495] {strides = array<i32>} : memref<512xi32, #tpu.memory_space<vmem>>, vector<16xi32>,
        %broadcast_in_dim3A_497 = vector.shape_cast %xor3A_170 : vector<16xi32> to vector<16x1xi32>
        %gather3A_498 = vector.shape_cast %broadcast_in_dim3A_497 : vector<16x1xi32> to vector<16xi32>
        %gather3A_499 = tpu.dynamic_gather %get3A_492[%gather3A_498] in [0] : vector<16xi32>, vector<16xi32> -> vector<16xi32>
        %broadcast_in_dim3A_500 = vector.shape_cast %xor3A_170 : vector<16xi32> to vector<16x1xi32>
        %gather3A_501 = vector.shape_cast %broadcast_in_dim3A_500 : vector<16x1xi32> to vector<16xi32>
        %gather3A_502 = tpu.dynamic_gather %get3A_496[%gather3A_501] in [0] : vector<16xi32>, vector<16xi32> -> vector<16xi32>
        %and3A_503 = arith.constant 8 : i32
        %and3A_504 = vector.broadcast %and3A_503 : i32 to vector<16xi32>
        %and3A_505 = arith.andi %iota3A, %and3A_504 : vector<16xi32>
        %eq3A = arith.constant 0 : i32
        %eq3A_506 = vector.broadcast %eq3A : i32 to vector<16xi32>
        %eq3A_507 = arith.cmpi eq, %and3A_505, %eq3A_506 : vector<16xi32>
        %select_n3A = arith.select %eq3A_507, %get3A_492, %gather3A_499 : vector<16xi1>, vector<16xi32>
        %select_n3A_508 = arith.select %eq3A_507, %gather3A_499, %get3A_492 : vector<16xi1>, vector<16xi32>
        %select_n3A_509 = arith.select %eq3A_507, %get3A_496, %gather3A_502 : vector<16xi1>, vector<16xi32>
        %select_n3A_510 = arith.select %eq3A_507, %gather3A_502, %get3A_496 : vector<16xi1>, vector<16xi32>
        %mul3A_511 = arith.constant 16 : i32
        %mul3A_512 = arith.muli %scan3A_487, %mul3A_511 : i32
        %add3A_513 = vector.broadcast %mul3A_512 : i32 to vector<16xi32>
        %add3A_514 = arith.addi %add3A_513, %iota3A : vector<16xi32>
        %and3A_515 = arith.constant 32 : i32
        %and3A_516 = vector.broadcast %and3A_515 : i32 to vector<16xi32>
        %and3A_517 = arith.andi %add3A_514, %and3A_516 : vector<16xi32>
        %eq3A_518 = arith.constant 0 : i32
        %eq3A_519 = vector.broadcast %eq3A_518 : i32 to vector<16xi32>
        %eq3A_520 = arith.cmpi eq, %and3A_517, %eq3A_519 : vector<16xi32>
        %gt3A = arith.cmpi ugt, %select_n3A, %select_n3A_508 : vector<16xi32>
        %eq3A_521 = arith.cmpi eq, %select_n3A, %select_n3A_508 : vector<16xi32>
        %lt3A_522 = arith.cmpi slt, %select_n3A_509, %select_n3A_510 : vector<16xi32>
        %and3A_523 = arith.andi %eq3A_521, %lt3A_522 : vector<16xi1>
        %or3A = arith.ori %gt3A, %and3A_523 : vector<16xi1>
        %xor3A_524 = arith.xori %or3A, %eq3A_520 : vector<16xi1>
        %select_n3A_525 = arith.select %xor3A_524, %gather3A_499, %get3A_492 : vector<16xi1>, vector<16xi32>
        %mul3A_526 = arith.constant 16 : i32
        %mul3A_527 = arith.muli %scan3A_487, %mul3A_526 : i32
        %swap3A = arith.index_cast %mul3A_527 : i32 to index
        %swap3A_528 = tpu.vector_load %arg15[%swap3A] {strides = array<i32>} : memref<512xi32, #tpu.memory_space<vmem>>, vector<16xi32>,
        tpu.vector_store %arg15[%swap3A], %select_n3A_525 {strides = array<i32>} : memref<512xi32, #tpu.memory_space<vmem>>, vector<16xi32>,
        %select_n3A_529 = arith.select %xor3A_524, %gather3A_502, %get3A_496 : vector<16xi1>, vector<16xi32>
        %mul3A_530 = arith.constant 16 : i32
        %mul3A_531 = arith.muli %scan3A_487, %mul3A_530 : i32
        %swap3A_532 = arith.index_cast %mul3A_531 : i32 to index
        %swap3A_533 = tpu.vector_load %arg16[%swap3A_532] {strides = array<i32>} : memref<512xi32, #tpu.memory_space<vmem>>, vector<16xi32>,
        tpu.vector_store %arg16[%swap3A_532], %select_n3A_529 {strides = array<i32>} : memref<512xi32, #tpu.memory_space<vmem>>, vector<16xi32>,
        %scan3A_534 = arith.constant 0 : i32
        scf.yield %scan3A_534 : i32
      }
      %scan3A_177 = arith.constant 32 : i32
      %xor3A_178 = arith.constant 4 : i32
      %xor3A_179 = vector.broadcast %xor3A_178 : i32 to vector<16xi32>
      %xor3A_180 = arith.xori %iota3A, %xor3A_179 : vector<16xi32>
      %scan3A_181 = arith.constant 0 : i32
      %scan3A_182 = arith.constant 0 : i32
      %scan3A_183 = arith.constant 32 : i32
      %scan3A_184 = arith.addi %scan3A_182, %scan3A_183 : i32
      %scan3A_185 = arith.constant 1 : i32
      %scan3A_186 = scf.for %scan3A_487 = %scan3A_182 to %scan3A_184 step %scan3A_185 iter_args(%scan3A_488 = %scan3A_181) -> (i32)  : i32 {
        %mul3A_489 = arith.constant 16 : i32
        %mul3A_490 = arith.muli %scan3A_487, %mul3A_489 : i32
        %get3A_491 = arith.index_cast %mul3A_490 : i32 to index
        %get3A_492 = tpu.vector_load %arg15[%get3A_491] {strides = array<i32>} : memref<512xi32, #tpu.memory_space<vmem>>, vector<16xi32>,
        %mul3A_493 = arith.constant 16 : i32
        %mul3A_494 = arith.muli %scan3A_487, %mul3A_493 : i32
        %get3A_495 = arith.index_cast %mul3A_494 : i32 to index
        %get3A_496 = tpu.vector_load %arg16[%get3A_495] {strides = array<i32>} : memref<512xi32, #tpu.memory_space<vmem>>, vector<16xi32>,
        %broadcast_in_dim3A_497 = vector.shape_cast %xor3A_180 : vector<16xi32> to vector<16x1xi32>
        %gather3A_498 = vector.shape_cast %broadcast_in_dim3A_497 : vector<16x1xi32> to vector<16xi32>
        %gather3A_499 = tpu.dynamic_gather %get3A_492[%gather3A_498] in [0] : vector<16xi32>, vector<16xi32> -> vector<16xi32>
        %broadcast_in_dim3A_500 = vector.shape_cast %xor3A_180 : vector<16xi32> to vector<16x1xi32>
        %gather3A_501 = vector.shape_cast %broadcast_in_dim3A_500 : vector<16x1xi32> to vector<16xi32>
        %gather3A_502 = tpu.dynamic_gather %get3A_496[%gather3A_501] in [0] : vector<16xi32>, vector<16xi32> -> vector<16xi32>
        %and3A_503 = arith.constant 4 : i32
        %and3A_504 = vector.broadcast %and3A_503 : i32 to vector<16xi32>
        %and3A_505 = arith.andi %iota3A, %and3A_504 : vector<16xi32>
        %eq3A = arith.constant 0 : i32
        %eq3A_506 = vector.broadcast %eq3A : i32 to vector<16xi32>
        %eq3A_507 = arith.cmpi eq, %and3A_505, %eq3A_506 : vector<16xi32>
        %select_n3A = arith.select %eq3A_507, %get3A_492, %gather3A_499 : vector<16xi1>, vector<16xi32>
        %select_n3A_508 = arith.select %eq3A_507, %gather3A_499, %get3A_492 : vector<16xi1>, vector<16xi32>
        %select_n3A_509 = arith.select %eq3A_507, %get3A_496, %gather3A_502 : vector<16xi1>, vector<16xi32>
        %select_n3A_510 = arith.select %eq3A_507, %gather3A_502, %get3A_496 : vector<16xi1>, vector<16xi32>
        %mul3A_511 = arith.constant 16 : i32
        %mul3A_512 = arith.muli %scan3A_487, %mul3A_511 : i32
        %add3A_513 = vector.broadcast %mul3A_512 : i32 to vector<16xi32>
        %add3A_514 = arith.addi %add3A_513, %iota3A : vector<16xi32>
        %and3A_515 = arith.constant 32 : i32
        %and3A_516 = vector.broadcast %and3A_515 : i32 to vector<16xi32>
        %and3A_517 = arith.andi %add3A_514, %and3A_516 : vector<16xi32>
        %eq3A_518 = arith.constant 0 : i32
        %eq3A_519 = vector.broadcast %eq3A_518 : i32 to vector<16xi32>
        %eq3A_520 = arith.cmpi eq, %and3A_517, %eq3A_519 : vector<16xi32>
        %gt3A = arith.cmpi ugt, %select_n3A, %select_n3A_508 : vector<16xi32>
        %eq3A_521 = arith.cmpi eq, %select_n3A, %select_n3A_508 : vector<16xi32>
        %lt3A_522 = arith.cmpi slt, %select_n3A_509, %select_n3A_510 : vector<16xi32>
        %and3A_523 = arith.andi %eq3A_521, %lt3A_522 : vector<16xi1>
        %or3A = arith.ori %gt3A, %and3A_523 : vector<16xi1>
        %xor3A_524 = arith.xori %or3A, %eq3A_520 : vector<16xi1>
        %select_n3A_525 = arith.select %xor3A_524, %gather3A_499, %get3A_492 : vector<16xi1>, vector<16xi32>
        %mul3A_526 = arith.constant 16 : i32
        %mul3A_527 = arith.muli %scan3A_487, %mul3A_526 : i32
        %swap3A = arith.index_cast %mul3A_527 : i32 to index
        %swap3A_528 = tpu.vector_load %arg15[%swap3A] {strides = array<i32>} : memref<512xi32, #tpu.memory_space<vmem>>, vector<16xi32>,
        tpu.vector_store %arg15[%swap3A], %select_n3A_525 {strides = array<i32>} : memref<512xi32, #tpu.memory_space<vmem>>, vector<16xi32>,
        %select_n3A_529 = arith.select %xor3A_524, %gather3A_502, %get3A_496 : vector<16xi1>, vector<16xi32>
        %mul3A_530 = arith.constant 16 : i32
        %mul3A_531 = arith.muli %scan3A_487, %mul3A_530 : i32
        %swap3A_532 = arith.index_cast %mul3A_531 : i32 to index
        %swap3A_533 = tpu.vector_load %arg16[%swap3A_532] {strides = array<i32>} : memref<512xi32, #tpu.memory_space<vmem>>, vector<16xi32>,
        tpu.vector_store %arg16[%swap3A_532], %select_n3A_529 {strides = array<i32>} : memref<512xi32, #tpu.memory_space<vmem>>, vector<16xi32>,
        %scan3A_534 = arith.constant 0 : i32
        scf.yield %scan3A_534 : i32
      }
      %scan3A_187 = arith.constant 32 : i32
      %xor3A_188 = arith.constant 2 : i32
      %xor3A_189 = vector.broadcast %xor3A_188 : i32 to vector<16xi32>
      %xor3A_190 = arith.xori %iota3A, %xor3A_189 : vector<16xi32>
      %scan3A_191 = arith.constant 0 : i32
      %scan3A_192 = arith.constant 0 : i32
      %scan3A_193 = arith.constant 32 : i32
      %scan3A_194 = arith.addi %scan3A_192, %scan3A_193 : i32
      %scan3A_195 = arith.constant 1 : i32
      %scan3A_196 = scf.for %scan3A_487 = %scan3A_192 to %scan3A_194 step %scan3A_195 iter_args(%scan3A_488 = %scan3A_191) -> (i32)  : i32 {
        %mul3A_489 = arith.constant 16 : i32
        %mul3A_490 = arith.muli %scan3A_487, %mul3A_489 : i32
        %get3A_491 = arith.index_cast %mul3A_490 : i32 to index
        %get3A_492 = tpu.vector_load %arg15[%get3A_491] {strides = array<i32>} : memref<512xi32, #tpu.memory_space<vmem>>, vector<16xi32>,
        %mul3A_493 = arith.constant 16 : i32
        %mul3A_494 = arith.muli %scan3A_487, %mul3A_493 : i32
        %get3A_495 = arith.index_cast %mul3A_494 : i32 to index
        %get3A_496 = tpu.vector_load %arg16[%get3A_495] {strides = array<i32>} : memref<512xi32, #tpu.memory_space<vmem>>, vector<16xi32>,
        %broadcast_in_dim3A_497 = vector.shape_cast %xor3A_190 : vector<16xi32> to vector<16x1xi32>
        %gather3A_498 = vector.shape_cast %broadcast_in_dim3A_497 : vector<16x1xi32> to vector<16xi32>
        %gather3A_499 = tpu.dynamic_gather %get3A_492[%gather3A_498] in [0] : vector<16xi32>, vector<16xi32> -> vector<16xi32>
        %broadcast_in_dim3A_500 = vector.shape_cast %xor3A_190 : vector<16xi32> to vector<16x1xi32>
        %gather3A_501 = vector.shape_cast %broadcast_in_dim3A_500 : vector<16x1xi32> to vector<16xi32>
        %gather3A_502 = tpu.dynamic_gather %get3A_496[%gather3A_501] in [0] : vector<16xi32>, vector<16xi32> -> vector<16xi32>
        %and3A_503 = arith.constant 2 : i32
        %and3A_504 = vector.broadcast %and3A_503 : i32 to vector<16xi32>
        %and3A_505 = arith.andi %iota3A, %and3A_504 : vector<16xi32>
        %eq3A = arith.constant 0 : i32
        %eq3A_506 = vector.broadcast %eq3A : i32 to vector<16xi32>
        %eq3A_507 = arith.cmpi eq, %and3A_505, %eq3A_506 : vector<16xi32>
        %select_n3A = arith.select %eq3A_507, %get3A_492, %gather3A_499 : vector<16xi1>, vector<16xi32>
        %select_n3A_508 = arith.select %eq3A_507, %gather3A_499, %get3A_492 : vector<16xi1>, vector<16xi32>
        %select_n3A_509 = arith.select %eq3A_507, %get3A_496, %gather3A_502 : vector<16xi1>, vector<16xi32>
        %select_n3A_510 = arith.select %eq3A_507, %gather3A_502, %get3A_496 : vector<16xi1>, vector<16xi32>
        %mul3A_511 = arith.constant 16 : i32
        %mul3A_512 = arith.muli %scan3A_487, %mul3A_511 : i32
        %add3A_513 = vector.broadcast %mul3A_512 : i32 to vector<16xi32>
        %add3A_514 = arith.addi %add3A_513, %iota3A : vector<16xi32>
        %and3A_515 = arith.constant 32 : i32
        %and3A_516 = vector.broadcast %and3A_515 : i32 to vector<16xi32>
        %and3A_517 = arith.andi %add3A_514, %and3A_516 : vector<16xi32>
        %eq3A_518 = arith.constant 0 : i32
        %eq3A_519 = vector.broadcast %eq3A_518 : i32 to vector<16xi32>
        %eq3A_520 = arith.cmpi eq, %and3A_517, %eq3A_519 : vector<16xi32>
        %gt3A = arith.cmpi ugt, %select_n3A, %select_n3A_508 : vector<16xi32>
        %eq3A_521 = arith.cmpi eq, %select_n3A, %select_n3A_508 : vector<16xi32>
        %lt3A_522 = arith.cmpi slt, %select_n3A_509, %select_n3A_510 : vector<16xi32>
        %and3A_523 = arith.andi %eq3A_521, %lt3A_522 : vector<16xi1>
        %or3A = arith.ori %gt3A, %and3A_523 : vector<16xi1>
        %xor3A_524 = arith.xori %or3A, %eq3A_520 : vector<16xi1>
        %select_n3A_525 = arith.select %xor3A_524, %gather3A_499, %get3A_492 : vector<16xi1>, vector<16xi32>
        %mul3A_526 = arith.constant 16 : i32
        %mul3A_527 = arith.muli %scan3A_487, %mul3A_526 : i32
        %swap3A = arith.index_cast %mul3A_527 : i32 to index
        %swap3A_528 = tpu.vector_load %arg15[%swap3A] {strides = array<i32>} : memref<512xi32, #tpu.memory_space<vmem>>, vector<16xi32>,
        tpu.vector_store %arg15[%swap3A], %select_n3A_525 {strides = array<i32>} : memref<512xi32, #tpu.memory_space<vmem>>, vector<16xi32>,
        %select_n3A_529 = arith.select %xor3A_524, %gather3A_502, %get3A_496 : vector<16xi1>, vector<16xi32>
        %mul3A_530 = arith.constant 16 : i32
        %mul3A_531 = arith.muli %scan3A_487, %mul3A_530 : i32
        %swap3A_532 = arith.index_cast %mul3A_531 : i32 to index
        %swap3A_533 = tpu.vector_load %arg16[%swap3A_532] {strides = array<i32>} : memref<512xi32, #tpu.memory_space<vmem>>, vector<16xi32>,
        tpu.vector_store %arg16[%swap3A_532], %select_n3A_529 {strides = array<i32>} : memref<512xi32, #tpu.memory_space<vmem>>, vector<16xi32>,
        %scan3A_534 = arith.constant 0 : i32
        scf.yield %scan3A_534 : i32
      }
      %scan3A_197 = arith.constant 32 : i32
      %xor3A_198 = arith.constant 1 : i32
      %xor3A_199 = vector.broadcast %xor3A_198 : i32 to vector<16xi32>
      %xor3A_200 = arith.xori %iota3A, %xor3A_199 : vector<16xi32>
      %scan3A_201 = arith.constant 0 : i32
      %scan3A_202 = arith.constant 0 : i32
      %scan3A_203 = arith.constant 32 : i32
      %scan3A_204 = arith.addi %scan3A_202, %scan3A_203 : i32
      %scan3A_205 = arith.constant 1 : i32
      %scan3A_206 = scf.for %scan3A_487 = %scan3A_202 to %scan3A_204 step %scan3A_205 iter_args(%scan3A_488 = %scan3A_201) -> (i32)  : i32 {
        %mul3A_489 = arith.constant 16 : i32
        %mul3A_490 = arith.muli %scan3A_487, %mul3A_489 : i32
        %get3A_491 = arith.index_cast %mul3A_490 : i32 to index
        %get3A_492 = tpu.vector_load %arg15[%get3A_491] {strides = array<i32>} : memref<512xi32, #tpu.memory_space<vmem>>, vector<16xi32>,
        %mul3A_493 = arith.constant 16 : i32
        %mul3A_494 = arith.muli %scan3A_487, %mul3A_493 : i32
        %get3A_495 = arith.index_cast %mul3A_494 : i32 to index
        %get3A_496 = tpu.vector_load %arg16[%get3A_495] {strides = array<i32>} : memref<512xi32, #tpu.memory_space<vmem>>, vector<16xi32>,
        %broadcast_in_dim3A_497 = vector.shape_cast %xor3A_200 : vector<16xi32> to vector<16x1xi32>
        %gather3A_498 = vector.shape_cast %broadcast_in_dim3A_497 : vector<16x1xi32> to vector<16xi32>
        %gather3A_499 = tpu.dynamic_gather %get3A_492[%gather3A_498] in [0] : vector<16xi32>, vector<16xi32> -> vector<16xi32>
        %broadcast_in_dim3A_500 = vector.shape_cast %xor3A_200 : vector<16xi32> to vector<16x1xi32>
        %gather3A_501 = vector.shape_cast %broadcast_in_dim3A_500 : vector<16x1xi32> to vector<16xi32>
        %gather3A_502 = tpu.dynamic_gather %get3A_496[%gather3A_501] in [0] : vector<16xi32>, vector<16xi32> -> vector<16xi32>
        %and3A_503 = arith.constant 1 : i32
        %and3A_504 = vector.broadcast %and3A_503 : i32 to vector<16xi32>
        %and3A_505 = arith.andi %iota3A, %and3A_504 : vector<16xi32>
        %eq3A = arith.constant 0 : i32
        %eq3A_506 = vector.broadcast %eq3A : i32 to vector<16xi32>
        %eq3A_507 = arith.cmpi eq, %and3A_505, %eq3A_506 : vector<16xi32>
        %select_n3A = arith.select %eq3A_507, %get3A_492, %gather3A_499 : vector<16xi1>, vector<16xi32>
        %select_n3A_508 = arith.select %eq3A_507, %gather3A_499, %get3A_492 : vector<16xi1>, vector<16xi32>
        %select_n3A_509 = arith.select %eq3A_507, %get3A_496, %gather3A_502 : vector<16xi1>, vector<16xi32>
        %select_n3A_510 = arith.select %eq3A_507, %gather3A_502, %get3A_496 : vector<16xi1>, vector<16xi32>
        %mul3A_511 = arith.constant 16 : i32
        %mul3A_512 = arith.muli %scan3A_487, %mul3A_511 : i32
        %add3A_513 = vector.broadcast %mul3A_512 : i32 to vector<16xi32>
        %add3A_514 = arith.addi %add3A_513, %iota3A : vector<16xi32>
        %and3A_515 = arith.constant 32 : i32
        %and3A_516 = vector.broadcast %and3A_515 : i32 to vector<16xi32>
        %and3A_517 = arith.andi %add3A_514, %and3A_516 : vector<16xi32>
        %eq3A_518 = arith.constant 0 : i32
        %eq3A_519 = vector.broadcast %eq3A_518 : i32 to vector<16xi32>
        %eq3A_520 = arith.cmpi eq, %and3A_517, %eq3A_519 : vector<16xi32>
        %gt3A = arith.cmpi ugt, %select_n3A, %select_n3A_508 : vector<16xi32>
        %eq3A_521 = arith.cmpi eq, %select_n3A, %select_n3A_508 : vector<16xi32>
        %lt3A_522 = arith.cmpi slt, %select_n3A_509, %select_n3A_510 : vector<16xi32>
        %and3A_523 = arith.andi %eq3A_521, %lt3A_522 : vector<16xi1>
        %or3A = arith.ori %gt3A, %and3A_523 : vector<16xi1>
        %xor3A_524 = arith.xori %or3A, %eq3A_520 : vector<16xi1>
        %select_n3A_525 = arith.select %xor3A_524, %gather3A_499, %get3A_492 : vector<16xi1>, vector<16xi32>
        %mul3A_526 = arith.constant 16 : i32
        %mul3A_527 = arith.muli %scan3A_487, %mul3A_526 : i32
        %swap3A = arith.index_cast %mul3A_527 : i32 to index
        %swap3A_528 = tpu.vector_load %arg15[%swap3A] {strides = array<i32>} : memref<512xi32, #tpu.memory_space<vmem>>, vector<16xi32>,
        tpu.vector_store %arg15[%swap3A], %select_n3A_525 {strides = array<i32>} : memref<512xi32, #tpu.memory_space<vmem>>, vector<16xi32>,
        %select_n3A_529 = arith.select %xor3A_524, %gather3A_502, %get3A_496 : vector<16xi1>, vector<16xi32>
        %mul3A_530 = arith.constant 16 : i32
        %mul3A_531 = arith.muli %scan3A_487, %mul3A_530 : i32
        %swap3A_532 = arith.index_cast %mul3A_531 : i32 to index
        %swap3A_533 = tpu.vector_load %arg16[%swap3A_532] {strides = array<i32>} : memref<512xi32, #tpu.memory_space<vmem>>, vector<16xi32>,
        tpu.vector_store %arg16[%swap3A_532], %select_n3A_529 {strides = array<i32>} : memref<512xi32, #tpu.memory_space<vmem>>, vector<16xi32>,
        %scan3A_534 = arith.constant 0 : i32
        scf.yield %scan3A_534 : i32
      }
      %scan3A_207 = arith.constant 32 : i32
      %scan3A_208 = arith.constant 0 : i32
      %scan3A_209 = arith.constant 0 : i32
      %scan3A_210 = arith.constant 16 : i32
      %scan3A_211 = arith.addi %scan3A_209, %scan3A_210 : i32
      %scan3A_212 = arith.constant 1 : i32
      %scan3A_213 = scf.for %scan3A_487 = %scan3A_209 to %scan3A_211 step %scan3A_212 iter_args(%scan3A_488 = %scan3A_208) -> (i32)  : i32 {
        %shift_right_arithmetic3A = arith.constant 1 : i32
        %shift_right_arithmetic3A_489 = arith.shrsi %scan3A_487, %shift_right_arithmetic3A : i32
        %shift_left3A = arith.constant 2 : i32
        %shift_left3A_490 = arith.shli %shift_right_arithmetic3A_489, %shift_left3A : i32
        %and3A_491 = arith.constant 1 : i32
        %and3A_492 = arith.andi %scan3A_487, %and3A_491 : i32
        %or3A = arith.ori %shift_left3A_490, %and3A_492 : i32
        %or3A_493 = arith.constant 2 : i32
        %or3A_494 = arith.ori %or3A, %or3A_493 : i32
        %mul3A_495 = arith.constant 16 : i32
        %mul3A_496 = arith.muli %or3A, %mul3A_495 : i32
        %get3A_497 = arith.index_cast %mul3A_496 : i32 to index
        %get3A_498 = tpu.vector_load %arg15[%get3A_497] {strides = array<i32>} : memref<512xi32, #tpu.memory_space<vmem>>, vector<16xi32>,
        %mul3A_499 = arith.constant 16 : i32
        %mul3A_500 = arith.muli %or3A, %mul3A_499 : i32
        %get3A_501 = arith.index_cast %mul3A_500 : i32 to index
        %get3A_502 = tpu.vector_load %arg16[%get3A_501] {strides = array<i32>} : memref<512xi32, #tpu.memory_space<vmem>>, vector<16xi32>,
        %mul3A_503 = arith.constant 16 : i32
        %mul3A_504 = arith.muli %or3A_494, %mul3A_503 : i32
        %get3A_505 = arith.index_cast %mul3A_504 : i32 to index
        %get3A_506 = tpu.vector_load %arg15[%get3A_505] {strides = array<i32>} : memref<512xi32, #tpu.memory_space<vmem>>, vector<16xi32>,
        %mul3A_507 = arith.constant 16 : i32
        %mul3A_508 = arith.muli %or3A_494, %mul3A_507 : i32
        %get3A_509 = arith.index_cast %mul3A_508 : i32 to index
        %get3A_510 = tpu.vector_load %arg16[%get3A_509] {strides = array<i32>} : memref<512xi32, #tpu.memory_space<vmem>>, vector<16xi32>,
        %mul3A_511 = arith.constant 16 : i32
        %mul3A_512 = arith.muli %or3A, %mul3A_511 : i32
        %and3A_513 = arith.constant 64 : i32
        %and3A_514 = arith.andi %mul3A_512, %and3A_513 : i32
        %eq3A = arith.constant 0 : i32
        %eq3A_515 = arith.cmpi eq, %and3A_514, %eq3A : i32
        %gt3A = arith.cmpi ugt, %get3A_498, %get3A_506 : vector<16xi32>
        %eq3A_516 = arith.cmpi eq, %get3A_498, %get3A_506 : vector<16xi32>
        %lt3A_517 = arith.cmpi slt, %get3A_502, %get3A_510 : vector<16xi32>
        %and3A_518 = arith.andi %eq3A_516, %lt3A_517 : vector<16xi1>
        %or3A_519 = arith.ori %gt3A, %and3A_518 : vector<16xi1>
        %xor3A_520 = vector.broadcast %eq3A_515 : i1 to vector<16xi1>
        %xor3A_521 = arith.xori %or3A_519, %xor3A_520 : vector<16xi1>
        %select_n3A = arith.select %xor3A_521, %get3A_506, %get3A_498 : vector<16xi1>, vector<16xi32>
        %mul3A_522 = arith.constant 16 : i32
        %mul3A_523 = arith.muli %or3A, %mul3A_522 : i32
        %swap3A = arith.index_cast %mul3A_523 : i32 to index
        %swap3A_524 = tpu.vector_load %arg15[%swap3A] {strides = array<i32>} : memref<512xi32, #tpu.memory_space<vmem>>, vector<16xi32>,
        tpu.vector_store %arg15[%swap3A], %select_n3A {strides = array<i32>} : memref<512xi32, #tpu.memory_space<vmem>>, vector<16xi32>,
        %select_n3A_525 = arith.select %xor3A_521, %get3A_510, %get3A_502 : vector<16xi1>, vector<16xi32>
        %mul3A_526 = arith.constant 16 : i32
        %mul3A_527 = arith.muli %or3A, %mul3A_526 : i32
        %swap3A_528 = arith.index_cast %mul3A_527 : i32 to index
        %swap3A_529 = tpu.vector_load %arg16[%swap3A_528] {strides = array<i32>} : memref<512xi32, #tpu.memory_space<vmem>>, vector<16xi32>,
        tpu.vector_store %arg16[%swap3A_528], %select_n3A_525 {strides = array<i32>} : memref<512xi32, #tpu.memory_space<vmem>>, vector<16xi32>,
        %select_n3A_530 = arith.select %xor3A_521, %get3A_498, %get3A_506 : vector<16xi1>, vector<16xi32>
        %mul3A_531 = arith.constant 16 : i32
        %mul3A_532 = arith.muli %or3A_494, %mul3A_531 : i32
        %swap3A_533 = arith.index_cast %mul3A_532 : i32 to index
        %swap3A_534 = tpu.vector_load %arg15[%swap3A_533] {strides = array<i32>} : memref<512xi32, #tpu.memory_space<vmem>>, vector<16xi32>,
        tpu.vector_store %arg15[%swap3A_533], %select_n3A_530 {strides = array<i32>} : memref<512xi32, #tpu.memory_space<vmem>>, vector<16xi32>,
        %select_n3A_535 = arith.select %xor3A_521, %get3A_502, %get3A_510 : vector<16xi1>, vector<16xi32>
        %mul3A_536 = arith.constant 16 : i32
        %mul3A_537 = arith.muli %or3A_494, %mul3A_536 : i32
        %swap3A_538 = arith.index_cast %mul3A_537 : i32 to index
        %swap3A_539 = tpu.vector_load %arg16[%swap3A_538] {strides = array<i32>} : memref<512xi32, #tpu.memory_space<vmem>>, vector<16xi32>,
        tpu.vector_store %arg16[%swap3A_538], %select_n3A_535 {strides = array<i32>} : memref<512xi32, #tpu.memory_space<vmem>>, vector<16xi32>,
        %scan3A_540 = arith.constant 0 : i32
        scf.yield %scan3A_540 : i32
      }
      %scan3A_214 = arith.constant 16 : i32
      %scan3A_215 = arith.constant 0 : i32
      %scan3A_216 = arith.constant 0 : i32
      %scan3A_217 = arith.constant 16 : i32
      %scan3A_218 = arith.addi %scan3A_216, %scan3A_217 : i32
      %scan3A_219 = arith.constant 1 : i32
      %scan3A_220 = scf.for %scan3A_487 = %scan3A_216 to %scan3A_218 step %scan3A_219 iter_args(%scan3A_488 = %scan3A_215) -> (i32)  : i32 {
        %shift_right_arithmetic3A = arith.constant 0 : i32
        %shift_right_arithmetic3A_489 = arith.shrsi %scan3A_487, %shift_right_arithmetic3A : i32
        %shift_left3A = arith.constant 1 : i32
        %shift_left3A_490 = arith.shli %shift_right_arithmetic3A_489, %shift_left3A : i32
        %and3A_491 = arith.constant 0 : i32
        %and3A_492 = arith.andi %scan3A_487, %and3A_491 : i32
        %or3A = arith.ori %shift_left3A_490, %and3A_492 : i32
        %or3A_493 = arith.constant 1 : i32
        %or3A_494 = arith.ori %or3A, %or3A_493 : i32
        %mul3A_495 = arith.constant 16 : i32
        %mul3A_496 = arith.muli %or3A, %mul3A_495 : i32
        %get3A_497 = arith.index_cast %mul3A_496 : i32 to index
        %get3A_498 = tpu.vector_load %arg15[%get3A_497] {strides = array<i32>} : memref<512xi32, #tpu.memory_space<vmem>>, vector<16xi32>,
        %mul3A_499 = arith.constant 16 : i32
        %mul3A_500 = arith.muli %or3A, %mul3A_499 : i32
        %get3A_501 = arith.index_cast %mul3A_500 : i32 to index
        %get3A_502 = tpu.vector_load %arg16[%get3A_501] {strides = array<i32>} : memref<512xi32, #tpu.memory_space<vmem>>, vector<16xi32>,
        %mul3A_503 = arith.constant 16 : i32
        %mul3A_504 = arith.muli %or3A_494, %mul3A_503 : i32
        %get3A_505 = arith.index_cast %mul3A_504 : i32 to index
        %get3A_506 = tpu.vector_load %arg15[%get3A_505] {strides = array<i32>} : memref<512xi32, #tpu.memory_space<vmem>>, vector<16xi32>,
        %mul3A_507 = arith.constant 16 : i32
        %mul3A_508 = arith.muli %or3A_494, %mul3A_507 : i32
        %get3A_509 = arith.index_cast %mul3A_508 : i32 to index
        %get3A_510 = tpu.vector_load %arg16[%get3A_509] {strides = array<i32>} : memref<512xi32, #tpu.memory_space<vmem>>, vector<16xi32>,
        %mul3A_511 = arith.constant 16 : i32
        %mul3A_512 = arith.muli %or3A, %mul3A_511 : i32
        %and3A_513 = arith.constant 64 : i32
        %and3A_514 = arith.andi %mul3A_512, %and3A_513 : i32
        %eq3A = arith.constant 0 : i32
        %eq3A_515 = arith.cmpi eq, %and3A_514, %eq3A : i32
        %gt3A = arith.cmpi ugt, %get3A_498, %get3A_506 : vector<16xi32>
        %eq3A_516 = arith.cmpi eq, %get3A_498, %get3A_506 : vector<16xi32>
        %lt3A_517 = arith.cmpi slt, %get3A_502, %get3A_510 : vector<16xi32>
        %and3A_518 = arith.andi %eq3A_516, %lt3A_517 : vector<16xi1>
        %or3A_519 = arith.ori %gt3A, %and3A_518 : vector<16xi1>
        %xor3A_520 = vector.broadcast %eq3A_515 : i1 to vector<16xi1>
        %xor3A_521 = arith.xori %or3A_519, %xor3A_520 : vector<16xi1>
        %select_n3A = arith.select %xor3A_521, %get3A_506, %get3A_498 : vector<16xi1>, vector<16xi32>
        %mul3A_522 = arith.constant 16 : i32
        %mul3A_523 = arith.muli %or3A, %mul3A_522 : i32
        %swap3A = arith.index_cast %mul3A_523 : i32 to index
        %swap3A_524 = tpu.vector_load %arg15[%swap3A] {strides = array<i32>} : memref<512xi32, #tpu.memory_space<vmem>>, vector<16xi32>,
        tpu.vector_store %arg15[%swap3A], %select_n3A {strides = array<i32>} : memref<512xi32, #tpu.memory_space<vmem>>, vector<16xi32>,
        %select_n3A_525 = arith.select %xor3A_521, %get3A_510, %get3A_502 : vector<16xi1>, vector<16xi32>
        %mul3A_526 = arith.constant 16 : i32
        %mul3A_527 = arith.muli %or3A, %mul3A_526 : i32
        %swap3A_528 = arith.index_cast %mul3A_527 : i32 to index
        %swap3A_529 = tpu.vector_load %arg16[%swap3A_528] {strides = array<i32>} : memref<512xi32, #tpu.memory_space<vmem>>, vector<16xi32>,
        tpu.vector_store %arg16[%swap3A_528], %select_n3A_525 {strides = array<i32>} : memref<512xi32, #tpu.memory_space<vmem>>, vector<16xi32>,
        %select_n3A_530 = arith.select %xor3A_521, %get3A_498, %get3A_506 : vector<16xi1>, vector<16xi32>
        %mul3A_531 = arith.constant 16 : i32
        %mul3A_532 = arith.muli %or3A_494, %mul3A_531 : i32
        %swap3A_533 = arith.index_cast %mul3A_532 : i32 to index
        %swap3A_534 = tpu.vector_load %arg15[%swap3A_533] {strides = array<i32>} : memref<512xi32, #tpu.memory_space<vmem>>, vector<16xi32>,
        tpu.vector_store %arg15[%swap3A_533], %select_n3A_530 {strides = array<i32>} : memref<512xi32, #tpu.memory_space<vmem>>, vector<16xi32>,
        %select_n3A_535 = arith.select %xor3A_521, %get3A_502, %get3A_510 : vector<16xi1>, vector<16xi32>
        %mul3A_536 = arith.constant 16 : i32
        %mul3A_537 = arith.muli %or3A_494, %mul3A_536 : i32
        %swap3A_538 = arith.index_cast %mul3A_537 : i32 to index
        %swap3A_539 = tpu.vector_load %arg16[%swap3A_538] {strides = array<i32>} : memref<512xi32, #tpu.memory_space<vmem>>, vector<16xi32>,
        tpu.vector_store %arg16[%swap3A_538], %select_n3A_535 {strides = array<i32>} : memref<512xi32, #tpu.memory_space<vmem>>, vector<16xi32>,
        %scan3A_540 = arith.constant 0 : i32
        scf.yield %scan3A_540 : i32
      }
      %scan3A_221 = arith.constant 16 : i32
      %xor3A_222 = arith.constant 8 : i32
      %xor3A_223 = vector.broadcast %xor3A_222 : i32 to vector<16xi32>
      %xor3A_224 = arith.xori %iota3A, %xor3A_223 : vector<16xi32>
      %scan3A_225 = arith.constant 0 : i32
      %scan3A_226 = arith.constant 0 : i32
      %scan3A_227 = arith.constant 32 : i32
      %scan3A_228 = arith.addi %scan3A_226, %scan3A_227 : i32
      %scan3A_229 = arith.constant 1 : i32
      %scan3A_230 = scf.for %scan3A_487 = %scan3A_226 to %scan3A_228 step %scan3A_229 iter_args(%scan3A_488 = %scan3A_225) -> (i32)  : i32 {
        %mul3A_489 = arith.constant 16 : i32
        %mul3A_490 = arith.muli %scan3A_487, %mul3A_489 : i32
        %get3A_491 = arith.index_cast %mul3A_490 : i32 to index
        %get3A_492 = tpu.vector_load %arg15[%get3A_491] {strides = array<i32>} : memref<512xi32, #tpu.memory_space<vmem>>, vector<16xi32>,
        %mul3A_493 = arith.constant 16 : i32
        %mul3A_494 = arith.muli %scan3A_487, %mul3A_493 : i32
        %get3A_495 = arith.index_cast %mul3A_494 : i32 to index
        %get3A_496 = tpu.vector_load %arg16[%get3A_495] {strides = array<i32>} : memref<512xi32, #tpu.memory_space<vmem>>, vector<16xi32>,
        %broadcast_in_dim3A_497 = vector.shape_cast %xor3A_224 : vector<16xi32> to vector<16x1xi32>
        %gather3A_498 = vector.shape_cast %broadcast_in_dim3A_497 : vector<16x1xi32> to vector<16xi32>
        %gather3A_499 = tpu.dynamic_gather %get3A_492[%gather3A_498] in [0] : vector<16xi32>, vector<16xi32> -> vector<16xi32>
        %broadcast_in_dim3A_500 = vector.shape_cast %xor3A_224 : vector<16xi32> to vector<16x1xi32>
        %gather3A_501 = vector.shape_cast %broadcast_in_dim3A_500 : vector<16x1xi32> to vector<16xi32>
        %gather3A_502 = tpu.dynamic_gather %get3A_496[%gather3A_501] in [0] : vector<16xi32>, vector<16xi32> -> vector<16xi32>
        %and3A_503 = arith.constant 8 : i32
        %and3A_504 = vector.broadcast %and3A_503 : i32 to vector<16xi32>
        %and3A_505 = arith.andi %iota3A, %and3A_504 : vector<16xi32>
        %eq3A = arith.constant 0 : i32
        %eq3A_506 = vector.broadcast %eq3A : i32 to vector<16xi32>
        %eq3A_507 = arith.cmpi eq, %and3A_505, %eq3A_506 : vector<16xi32>
        %select_n3A = arith.select %eq3A_507, %get3A_492, %gather3A_499 : vector<16xi1>, vector<16xi32>
        %select_n3A_508 = arith.select %eq3A_507, %gather3A_499, %get3A_492 : vector<16xi1>, vector<16xi32>
        %select_n3A_509 = arith.select %eq3A_507, %get3A_496, %gather3A_502 : vector<16xi1>, vector<16xi32>
        %select_n3A_510 = arith.select %eq3A_507, %gather3A_502, %get3A_496 : vector<16xi1>, vector<16xi32>
        %mul3A_511 = arith.constant 16 : i32
        %mul3A_512 = arith.muli %scan3A_487, %mul3A_511 : i32
        %add3A_513 = vector.broadcast %mul3A_512 : i32 to vector<16xi32>
        %add3A_514 = arith.addi %add3A_513, %iota3A : vector<16xi32>
        %and3A_515 = arith.constant 64 : i32
        %and3A_516 = vector.broadcast %and3A_515 : i32 to vector<16xi32>
        %and3A_517 = arith.andi %add3A_514, %and3A_516 : vector<16xi32>
        %eq3A_518 = arith.constant 0 : i32
        %eq3A_519 = vector.broadcast %eq3A_518 : i32 to vector<16xi32>
        %eq3A_520 = arith.cmpi eq, %and3A_517, %eq3A_519 : vector<16xi32>
        %gt3A = arith.cmpi ugt, %select_n3A, %select_n3A_508 : vector<16xi32>
        %eq3A_521 = arith.cmpi eq, %select_n3A, %select_n3A_508 : vector<16xi32>
        %lt3A_522 = arith.cmpi slt, %select_n3A_509, %select_n3A_510 : vector<16xi32>
        %and3A_523 = arith.andi %eq3A_521, %lt3A_522 : vector<16xi1>
        %or3A = arith.ori %gt3A, %and3A_523 : vector<16xi1>
        %xor3A_524 = arith.xori %or3A, %eq3A_520 : vector<16xi1>
        %select_n3A_525 = arith.select %xor3A_524, %gather3A_499, %get3A_492 : vector<16xi1>, vector<16xi32>
        %mul3A_526 = arith.constant 16 : i32
        %mul3A_527 = arith.muli %scan3A_487, %mul3A_526 : i32
        %swap3A = arith.index_cast %mul3A_527 : i32 to index
        %swap3A_528 = tpu.vector_load %arg15[%swap3A] {strides = array<i32>} : memref<512xi32, #tpu.memory_space<vmem>>, vector<16xi32>,
        tpu.vector_store %arg15[%swap3A], %select_n3A_525 {strides = array<i32>} : memref<512xi32, #tpu.memory_space<vmem>>, vector<16xi32>,
        %select_n3A_529 = arith.select %xor3A_524, %gather3A_502, %get3A_496 : vector<16xi1>, vector<16xi32>
        %mul3A_530 = arith.constant 16 : i32
        %mul3A_531 = arith.muli %scan3A_487, %mul3A_530 : i32
        %swap3A_532 = arith.index_cast %mul3A_531 : i32 to index
        %swap3A_533 = tpu.vector_load %arg16[%swap3A_532] {strides = array<i32>} : memref<512xi32, #tpu.memory_space<vmem>>, vector<16xi32>,
        tpu.vector_store %arg16[%swap3A_532], %select_n3A_529 {strides = array<i32>} : memref<512xi32, #tpu.memory_space<vmem>>, vector<16xi32>,
        %scan3A_534 = arith.constant 0 : i32
        scf.yield %scan3A_534 : i32
      }
      %scan3A_231 = arith.constant 32 : i32
      %xor3A_232 = arith.constant 4 : i32
      %xor3A_233 = vector.broadcast %xor3A_232 : i32 to vector<16xi32>
      %xor3A_234 = arith.xori %iota3A, %xor3A_233 : vector<16xi32>
      %scan3A_235 = arith.constant 0 : i32
      %scan3A_236 = arith.constant 0 : i32
      %scan3A_237 = arith.constant 32 : i32
      %scan3A_238 = arith.addi %scan3A_236, %scan3A_237 : i32
      %scan3A_239 = arith.constant 1 : i32
      %scan3A_240 = scf.for %scan3A_487 = %scan3A_236 to %scan3A_238 step %scan3A_239 iter_args(%scan3A_488 = %scan3A_235) -> (i32)  : i32 {
        %mul3A_489 = arith.constant 16 : i32
        %mul3A_490 = arith.muli %scan3A_487, %mul3A_489 : i32
        %get3A_491 = arith.index_cast %mul3A_490 : i32 to index
        %get3A_492 = tpu.vector_load %arg15[%get3A_491] {strides = array<i32>} : memref<512xi32, #tpu.memory_space<vmem>>, vector<16xi32>,
        %mul3A_493 = arith.constant 16 : i32
        %mul3A_494 = arith.muli %scan3A_487, %mul3A_493 : i32
        %get3A_495 = arith.index_cast %mul3A_494 : i32 to index
        %get3A_496 = tpu.vector_load %arg16[%get3A_495] {strides = array<i32>} : memref<512xi32, #tpu.memory_space<vmem>>, vector<16xi32>,
        %broadcast_in_dim3A_497 = vector.shape_cast %xor3A_234 : vector<16xi32> to vector<16x1xi32>
        %gather3A_498 = vector.shape_cast %broadcast_in_dim3A_497 : vector<16x1xi32> to vector<16xi32>
        %gather3A_499 = tpu.dynamic_gather %get3A_492[%gather3A_498] in [0] : vector<16xi32>, vector<16xi32> -> vector<16xi32>
        %broadcast_in_dim3A_500 = vector.shape_cast %xor3A_234 : vector<16xi32> to vector<16x1xi32>
        %gather3A_501 = vector.shape_cast %broadcast_in_dim3A_500 : vector<16x1xi32> to vector<16xi32>
        %gather3A_502 = tpu.dynamic_gather %get3A_496[%gather3A_501] in [0] : vector<16xi32>, vector<16xi32> -> vector<16xi32>
        %and3A_503 = arith.constant 4 : i32
        %and3A_504 = vector.broadcast %and3A_503 : i32 to vector<16xi32>
        %and3A_505 = arith.andi %iota3A, %and3A_504 : vector<16xi32>
        %eq3A = arith.constant 0 : i32
        %eq3A_506 = vector.broadcast %eq3A : i32 to vector<16xi32>
        %eq3A_507 = arith.cmpi eq, %and3A_505, %eq3A_506 : vector<16xi32>
        %select_n3A = arith.select %eq3A_507, %get3A_492, %gather3A_499 : vector<16xi1>, vector<16xi32>
        %select_n3A_508 = arith.select %eq3A_507, %gather3A_499, %get3A_492 : vector<16xi1>, vector<16xi32>
        %select_n3A_509 = arith.select %eq3A_507, %get3A_496, %gather3A_502 : vector<16xi1>, vector<16xi32>
        %select_n3A_510 = arith.select %eq3A_507, %gather3A_502, %get3A_496 : vector<16xi1>, vector<16xi32>
        %mul3A_511 = arith.constant 16 : i32
        %mul3A_512 = arith.muli %scan3A_487, %mul3A_511 : i32
        %add3A_513 = vector.broadcast %mul3A_512 : i32 to vector<16xi32>
        %add3A_514 = arith.addi %add3A_513, %iota3A : vector<16xi32>
        %and3A_515 = arith.constant 64 : i32
        %and3A_516 = vector.broadcast %and3A_515 : i32 to vector<16xi32>
        %and3A_517 = arith.andi %add3A_514, %and3A_516 : vector<16xi32>
        %eq3A_518 = arith.constant 0 : i32
        %eq3A_519 = vector.broadcast %eq3A_518 : i32 to vector<16xi32>
        %eq3A_520 = arith.cmpi eq, %and3A_517, %eq3A_519 : vector<16xi32>
        %gt3A = arith.cmpi ugt, %select_n3A, %select_n3A_508 : vector<16xi32>
        %eq3A_521 = arith.cmpi eq, %select_n3A, %select_n3A_508 : vector<16xi32>
        %lt3A_522 = arith.cmpi slt, %select_n3A_509, %select_n3A_510 : vector<16xi32>
        %and3A_523 = arith.andi %eq3A_521, %lt3A_522 : vector<16xi1>
        %or3A = arith.ori %gt3A, %and3A_523 : vector<16xi1>
        %xor3A_524 = arith.xori %or3A, %eq3A_520 : vector<16xi1>
        %select_n3A_525 = arith.select %xor3A_524, %gather3A_499, %get3A_492 : vector<16xi1>, vector<16xi32>
        %mul3A_526 = arith.constant 16 : i32
        %mul3A_527 = arith.muli %scan3A_487, %mul3A_526 : i32
        %swap3A = arith.index_cast %mul3A_527 : i32 to index
        %swap3A_528 = tpu.vector_load %arg15[%swap3A] {strides = array<i32>} : memref<512xi32, #tpu.memory_space<vmem>>, vector<16xi32>,
        tpu.vector_store %arg15[%swap3A], %select_n3A_525 {strides = array<i32>} : memref<512xi32, #tpu.memory_space<vmem>>, vector<16xi32>,
        %select_n3A_529 = arith.select %xor3A_524, %gather3A_502, %get3A_496 : vector<16xi1>, vector<16xi32>
        %mul3A_530 = arith.constant 16 : i32
        %mul3A_531 = arith.muli %scan3A_487, %mul3A_530 : i32
        %swap3A_532 = arith.index_cast %mul3A_531 : i32 to index
        %swap3A_533 = tpu.vector_load %arg16[%swap3A_532] {strides = array<i32>} : memref<512xi32, #tpu.memory_space<vmem>>, vector<16xi32>,
        tpu.vector_store %arg16[%swap3A_532], %select_n3A_529 {strides = array<i32>} : memref<512xi32, #tpu.memory_space<vmem>>, vector<16xi32>,
        %scan3A_534 = arith.constant 0 : i32
        scf.yield %scan3A_534 : i32
      }
      %scan3A_241 = arith.constant 32 : i32
      %xor3A_242 = arith.constant 2 : i32
      %xor3A_243 = vector.broadcast %xor3A_242 : i32 to vector<16xi32>
      %xor3A_244 = arith.xori %iota3A, %xor3A_243 : vector<16xi32>
      %scan3A_245 = arith.constant 0 : i32
      %scan3A_246 = arith.constant 0 : i32
      %scan3A_247 = arith.constant 32 : i32
      %scan3A_248 = arith.addi %scan3A_246, %scan3A_247 : i32
      %scan3A_249 = arith.constant 1 : i32
      %scan3A_250 = scf.for %scan3A_487 = %scan3A_246 to %scan3A_248 step %scan3A_249 iter_args(%scan3A_488 = %scan3A_245) -> (i32)  : i32 {
        %mul3A_489 = arith.constant 16 : i32
        %mul3A_490 = arith.muli %scan3A_487, %mul3A_489 : i32
        %get3A_491 = arith.index_cast %mul3A_490 : i32 to index
        %get3A_492 = tpu.vector_load %arg15[%get3A_491] {strides = array<i32>} : memref<512xi32, #tpu.memory_space<vmem>>, vector<16xi32>,
        %mul3A_493 = arith.constant 16 : i32
        %mul3A_494 = arith.muli %scan3A_487, %mul3A_493 : i32
        %get3A_495 = arith.index_cast %mul3A_494 : i32 to index
        %get3A_496 = tpu.vector_load %arg16[%get3A_495] {strides = array<i32>} : memref<512xi32, #tpu.memory_space<vmem>>, vector<16xi32>,
        %broadcast_in_dim3A_497 = vector.shape_cast %xor3A_244 : vector<16xi32> to vector<16x1xi32>
        %gather3A_498 = vector.shape_cast %broadcast_in_dim3A_497 : vector<16x1xi32> to vector<16xi32>
        %gather3A_499 = tpu.dynamic_gather %get3A_492[%gather3A_498] in [0] : vector<16xi32>, vector<16xi32> -> vector<16xi32>
        %broadcast_in_dim3A_500 = vector.shape_cast %xor3A_244 : vector<16xi32> to vector<16x1xi32>
        %gather3A_501 = vector.shape_cast %broadcast_in_dim3A_500 : vector<16x1xi32> to vector<16xi32>
        %gather3A_502 = tpu.dynamic_gather %get3A_496[%gather3A_501] in [0] : vector<16xi32>, vector<16xi32> -> vector<16xi32>
        %and3A_503 = arith.constant 2 : i32
        %and3A_504 = vector.broadcast %and3A_503 : i32 to vector<16xi32>
        %and3A_505 = arith.andi %iota3A, %and3A_504 : vector<16xi32>
        %eq3A = arith.constant 0 : i32
        %eq3A_506 = vector.broadcast %eq3A : i32 to vector<16xi32>
        %eq3A_507 = arith.cmpi eq, %and3A_505, %eq3A_506 : vector<16xi32>
        %select_n3A = arith.select %eq3A_507, %get3A_492, %gather3A_499 : vector<16xi1>, vector<16xi32>
        %select_n3A_508 = arith.select %eq3A_507, %gather3A_499, %get3A_492 : vector<16xi1>, vector<16xi32>
        %select_n3A_509 = arith.select %eq3A_507, %get3A_496, %gather3A_502 : vector<16xi1>, vector<16xi32>
        %select_n3A_510 = arith.select %eq3A_507, %gather3A_502, %get3A_496 : vector<16xi1>, vector<16xi32>
        %mul3A_511 = arith.constant 16 : i32
        %mul3A_512 = arith.muli %scan3A_487, %mul3A_511 : i32
        %add3A_513 = vector.broadcast %mul3A_512 : i32 to vector<16xi32>
        %add3A_514 = arith.addi %add3A_513, %iota3A : vector<16xi32>
        %and3A_515 = arith.constant 64 : i32
        %and3A_516 = vector.broadcast %and3A_515 : i32 to vector<16xi32>
        %and3A_517 = arith.andi %add3A_514, %and3A_516 : vector<16xi32>
        %eq3A_518 = arith.constant 0 : i32
        %eq3A_519 = vector.broadcast %eq3A_518 : i32 to vector<16xi32>
        %eq3A_520 = arith.cmpi eq, %and3A_517, %eq3A_519 : vector<16xi32>
        %gt3A = arith.cmpi ugt, %select_n3A, %select_n3A_508 : vector<16xi32>
        %eq3A_521 = arith.cmpi eq, %select_n3A, %select_n3A_508 : vector<16xi32>
        %lt3A_522 = arith.cmpi slt, %select_n3A_509, %select_n3A_510 : vector<16xi32>
        %and3A_523 = arith.andi %eq3A_521, %lt3A_522 : vector<16xi1>
        %or3A = arith.ori %gt3A, %and3A_523 : vector<16xi1>
        %xor3A_524 = arith.xori %or3A, %eq3A_520 : vector<16xi1>
        %select_n3A_525 = arith.select %xor3A_524, %gather3A_499, %get3A_492 : vector<16xi1>, vector<16xi32>
        %mul3A_526 = arith.constant 16 : i32
        %mul3A_527 = arith.muli %scan3A_487, %mul3A_526 : i32
        %swap3A = arith.index_cast %mul3A_527 : i32 to index
        %swap3A_528 = tpu.vector_load %arg15[%swap3A] {strides = array<i32>} : memref<512xi32, #tpu.memory_space<vmem>>, vector<16xi32>,
        tpu.vector_store %arg15[%swap3A], %select_n3A_525 {strides = array<i32>} : memref<512xi32, #tpu.memory_space<vmem>>, vector<16xi32>,
        %select_n3A_529 = arith.select %xor3A_524, %gather3A_502, %get3A_496 : vector<16xi1>, vector<16xi32>
        %mul3A_530 = arith.constant 16 : i32
        %mul3A_531 = arith.muli %scan3A_487, %mul3A_530 : i32
        %swap3A_532 = arith.index_cast %mul3A_531 : i32 to index
        %swap3A_533 = tpu.vector_load %arg16[%swap3A_532] {strides = array<i32>} : memref<512xi32, #tpu.memory_space<vmem>>, vector<16xi32>,
        tpu.vector_store %arg16[%swap3A_532], %select_n3A_529 {strides = array<i32>} : memref<512xi32, #tpu.memory_space<vmem>>, vector<16xi32>,
        %scan3A_534 = arith.constant 0 : i32
        scf.yield %scan3A_534 : i32
      }
      %scan3A_251 = arith.constant 32 : i32
      %xor3A_252 = arith.constant 1 : i32
      %xor3A_253 = vector.broadcast %xor3A_252 : i32 to vector<16xi32>
      %xor3A_254 = arith.xori %iota3A, %xor3A_253 : vector<16xi32>
      %scan3A_255 = arith.constant 0 : i32
      %scan3A_256 = arith.constant 0 : i32
      %scan3A_257 = arith.constant 32 : i32
      %scan3A_258 = arith.addi %scan3A_256, %scan3A_257 : i32
      %scan3A_259 = arith.constant 1 : i32
      %scan3A_260 = scf.for %scan3A_487 = %scan3A_256 to %scan3A_258 step %scan3A_259 iter_args(%scan3A_488 = %scan3A_255) -> (i32)  : i32 {
        %mul3A_489 = arith.constant 16 : i32
        %mul3A_490 = arith.muli %scan3A_487, %mul3A_489 : i32
        %get3A_491 = arith.index_cast %mul3A_490 : i32 to index
        %get3A_492 = tpu.vector_load %arg15[%get3A_491] {strides = array<i32>} : memref<512xi32, #tpu.memory_space<vmem>>, vector<16xi32>,
        %mul3A_493 = arith.constant 16 : i32
        %mul3A_494 = arith.muli %scan3A_487, %mul3A_493 : i32
        %get3A_495 = arith.index_cast %mul3A_494 : i32 to index
        %get3A_496 = tpu.vector_load %arg16[%get3A_495] {strides = array<i32>} : memref<512xi32, #tpu.memory_space<vmem>>, vector<16xi32>,
        %broadcast_in_dim3A_497 = vector.shape_cast %xor3A_254 : vector<16xi32> to vector<16x1xi32>
        %gather3A_498 = vector.shape_cast %broadcast_in_dim3A_497 : vector<16x1xi32> to vector<16xi32>
        %gather3A_499 = tpu.dynamic_gather %get3A_492[%gather3A_498] in [0] : vector<16xi32>, vector<16xi32> -> vector<16xi32>
        %broadcast_in_dim3A_500 = vector.shape_cast %xor3A_254 : vector<16xi32> to vector<16x1xi32>
        %gather3A_501 = vector.shape_cast %broadcast_in_dim3A_500 : vector<16x1xi32> to vector<16xi32>
        %gather3A_502 = tpu.dynamic_gather %get3A_496[%gather3A_501] in [0] : vector<16xi32>, vector<16xi32> -> vector<16xi32>
        %and3A_503 = arith.constant 1 : i32
        %and3A_504 = vector.broadcast %and3A_503 : i32 to vector<16xi32>
        %and3A_505 = arith.andi %iota3A, %and3A_504 : vector<16xi32>
        %eq3A = arith.constant 0 : i32
        %eq3A_506 = vector.broadcast %eq3A : i32 to vector<16xi32>
        %eq3A_507 = arith.cmpi eq, %and3A_505, %eq3A_506 : vector<16xi32>
        %select_n3A = arith.select %eq3A_507, %get3A_492, %gather3A_499 : vector<16xi1>, vector<16xi32>
        %select_n3A_508 = arith.select %eq3A_507, %gather3A_499, %get3A_492 : vector<16xi1>, vector<16xi32>
        %select_n3A_509 = arith.select %eq3A_507, %get3A_496, %gather3A_502 : vector<16xi1>, vector<16xi32>
        %select_n3A_510 = arith.select %eq3A_507, %gather3A_502, %get3A_496 : vector<16xi1>, vector<16xi32>
        %mul3A_511 = arith.constant 16 : i32
        %mul3A_512 = arith.muli %scan3A_487, %mul3A_511 : i32
        %add3A_513 = vector.broadcast %mul3A_512 : i32 to vector<16xi32>
        %add3A_514 = arith.addi %add3A_513, %iota3A : vector<16xi32>
        %and3A_515 = arith.constant 64 : i32
        %and3A_516 = vector.broadcast %and3A_515 : i32 to vector<16xi32>
        %and3A_517 = arith.andi %add3A_514, %and3A_516 : vector<16xi32>
        %eq3A_518 = arith.constant 0 : i32
        %eq3A_519 = vector.broadcast %eq3A_518 : i32 to vector<16xi32>
        %eq3A_520 = arith.cmpi eq, %and3A_517, %eq3A_519 : vector<16xi32>
        %gt3A = arith.cmpi ugt, %select_n3A, %select_n3A_508 : vector<16xi32>
        %eq3A_521 = arith.cmpi eq, %select_n3A, %select_n3A_508 : vector<16xi32>
        %lt3A_522 = arith.cmpi slt, %select_n3A_509, %select_n3A_510 : vector<16xi32>
        %and3A_523 = arith.andi %eq3A_521, %lt3A_522 : vector<16xi1>
        %or3A = arith.ori %gt3A, %and3A_523 : vector<16xi1>
        %xor3A_524 = arith.xori %or3A, %eq3A_520 : vector<16xi1>
        %select_n3A_525 = arith.select %xor3A_524, %gather3A_499, %get3A_492 : vector<16xi1>, vector<16xi32>
        %mul3A_526 = arith.constant 16 : i32
        %mul3A_527 = arith.muli %scan3A_487, %mul3A_526 : i32
        %swap3A = arith.index_cast %mul3A_527 : i32 to index
        %swap3A_528 = tpu.vector_load %arg15[%swap3A] {strides = array<i32>} : memref<512xi32, #tpu.memory_space<vmem>>, vector<16xi32>,
        tpu.vector_store %arg15[%swap3A], %select_n3A_525 {strides = array<i32>} : memref<512xi32, #tpu.memory_space<vmem>>, vector<16xi32>,
        %select_n3A_529 = arith.select %xor3A_524, %gather3A_502, %get3A_496 : vector<16xi1>, vector<16xi32>
        %mul3A_530 = arith.constant 16 : i32
        %mul3A_531 = arith.muli %scan3A_487, %mul3A_530 : i32
        %swap3A_532 = arith.index_cast %mul3A_531 : i32 to index
        %swap3A_533 = tpu.vector_load %arg16[%swap3A_532] {strides = array<i32>} : memref<512xi32, #tpu.memory_space<vmem>>, vector<16xi32>,
        tpu.vector_store %arg16[%swap3A_532], %select_n3A_529 {strides = array<i32>} : memref<512xi32, #tpu.memory_space<vmem>>, vector<16xi32>,
        %scan3A_534 = arith.constant 0 : i32
        scf.yield %scan3A_534 : i32
      }
      %scan3A_261 = arith.constant 32 : i32
      %scan3A_262 = arith.constant 0 : i32
      %scan3A_263 = arith.constant 0 : i32
      %scan3A_264 = arith.constant 16 : i32
      %scan3A_265 = arith.addi %scan3A_263, %scan3A_264 : i32
      %scan3A_266 = arith.constant 1 : i32
      %scan3A_267 = scf.for %scan3A_487 = %scan3A_263 to %scan3A_265 step %scan3A_266 iter_args(%scan3A_488 = %scan3A_262) -> (i32)  : i32 {
        %shift_right_arithmetic3A = arith.constant 2 : i32
        %shift_right_arithmetic3A_489 = arith.shrsi %scan3A_487, %shift_right_arithmetic3A : i32
        %shift_left3A = arith.constant 3 : i32
        %shift_left3A_490 = arith.shli %shift_right_arithmetic3A_489, %shift_left3A : i32
        %and3A_491 = arith.constant 3 : i32
        %and3A_492 = arith.andi %scan3A_487, %and3A_491 : i32
        %or3A = arith.ori %shift_left3A_490, %and3A_492 : i32
        %or3A_493 = arith.constant 4 : i32
        %or3A_494 = arith.ori %or3A, %or3A_493 : i32
        %mul3A_495 = arith.constant 16 : i32
        %mul3A_496 = arith.muli %or3A, %mul3A_495 : i32
        %get3A_497 = arith.index_cast %mul3A_496 : i32 to index
        %get3A_498 = tpu.vector_load %arg15[%get3A_497] {strides = array<i32>} : memref<512xi32, #tpu.memory_space<vmem>>, vector<16xi32>,
        %mul3A_499 = arith.constant 16 : i32
        %mul3A_500 = arith.muli %or3A, %mul3A_499 : i32
        %get3A_501 = arith.index_cast %mul3A_500 : i32 to index
        %get3A_502 = tpu.vector_load %arg16[%get3A_501] {strides = array<i32>} : memref<512xi32, #tpu.memory_space<vmem>>, vector<16xi32>,
        %mul3A_503 = arith.constant 16 : i32
        %mul3A_504 = arith.muli %or3A_494, %mul3A_503 : i32
        %get3A_505 = arith.index_cast %mul3A_504 : i32 to index
        %get3A_506 = tpu.vector_load %arg15[%get3A_505] {strides = array<i32>} : memref<512xi32, #tpu.memory_space<vmem>>, vector<16xi32>,
        %mul3A_507 = arith.constant 16 : i32
        %mul3A_508 = arith.muli %or3A_494, %mul3A_507 : i32
        %get3A_509 = arith.index_cast %mul3A_508 : i32 to index
        %get3A_510 = tpu.vector_load %arg16[%get3A_509] {strides = array<i32>} : memref<512xi32, #tpu.memory_space<vmem>>, vector<16xi32>,
        %mul3A_511 = arith.constant 16 : i32
        %mul3A_512 = arith.muli %or3A, %mul3A_511 : i32
        %and3A_513 = arith.constant 128 : i32
        %and3A_514 = arith.andi %mul3A_512, %and3A_513 : i32
        %eq3A = arith.constant 0 : i32
        %eq3A_515 = arith.cmpi eq, %and3A_514, %eq3A : i32
        %gt3A = arith.cmpi ugt, %get3A_498, %get3A_506 : vector<16xi32>
        %eq3A_516 = arith.cmpi eq, %get3A_498, %get3A_506 : vector<16xi32>
        %lt3A_517 = arith.cmpi slt, %get3A_502, %get3A_510 : vector<16xi32>
        %and3A_518 = arith.andi %eq3A_516, %lt3A_517 : vector<16xi1>
        %or3A_519 = arith.ori %gt3A, %and3A_518 : vector<16xi1>
        %xor3A_520 = vector.broadcast %eq3A_515 : i1 to vector<16xi1>
        %xor3A_521 = arith.xori %or3A_519, %xor3A_520 : vector<16xi1>
        %select_n3A = arith.select %xor3A_521, %get3A_506, %get3A_498 : vector<16xi1>, vector<16xi32>
        %mul3A_522 = arith.constant 16 : i32
        %mul3A_523 = arith.muli %or3A, %mul3A_522 : i32
        %swap3A = arith.index_cast %mul3A_523 : i32 to index
        %swap3A_524 = tpu.vector_load %arg15[%swap3A] {strides = array<i32>} : memref<512xi32, #tpu.memory_space<vmem>>, vector<16xi32>,
        tpu.vector_store %arg15[%swap3A], %select_n3A {strides = array<i32>} : memref<512xi32, #tpu.memory_space<vmem>>, vector<16xi32>,
        %select_n3A_525 = arith.select %xor3A_521, %get3A_510, %get3A_502 : vector<16xi1>, vector<16xi32>
        %mul3A_526 = arith.constant 16 : i32
        %mul3A_527 = arith.muli %or3A, %mul3A_526 : i32
        %swap3A_528 = arith.index_cast %mul3A_527 : i32 to index
        %swap3A_529 = tpu.vector_load %arg16[%swap3A_528] {strides = array<i32>} : memref<512xi32, #tpu.memory_space<vmem>>, vector<16xi32>,
        tpu.vector_store %arg16[%swap3A_528], %select_n3A_525 {strides = array<i32>} : memref<512xi32, #tpu.memory_space<vmem>>, vector<16xi32>,
        %select_n3A_530 = arith.select %xor3A_521, %get3A_498, %get3A_506 : vector<16xi1>, vector<16xi32>
        %mul3A_531 = arith.constant 16 : i32
        %mul3A_532 = arith.muli %or3A_494, %mul3A_531 : i32
        %swap3A_533 = arith.index_cast %mul3A_532 : i32 to index
        %swap3A_534 = tpu.vector_load %arg15[%swap3A_533] {strides = array<i32>} : memref<512xi32, #tpu.memory_space<vmem>>, vector<16xi32>,
        tpu.vector_store %arg15[%swap3A_533], %select_n3A_530 {strides = array<i32>} : memref<512xi32, #tpu.memory_space<vmem>>, vector<16xi32>,
        %select_n3A_535 = arith.select %xor3A_521, %get3A_502, %get3A_510 : vector<16xi1>, vector<16xi32>
        %mul3A_536 = arith.constant 16 : i32
        %mul3A_537 = arith.muli %or3A_494, %mul3A_536 : i32
        %swap3A_538 = arith.index_cast %mul3A_537 : i32 to index
        %swap3A_539 = tpu.vector_load %arg16[%swap3A_538] {strides = array<i32>} : memref<512xi32, #tpu.memory_space<vmem>>, vector<16xi32>,
        tpu.vector_store %arg16[%swap3A_538], %select_n3A_535 {strides = array<i32>} : memref<512xi32, #tpu.memory_space<vmem>>, vector<16xi32>,
        %scan3A_540 = arith.constant 0 : i32
        scf.yield %scan3A_540 : i32
      }
      %scan3A_268 = arith.constant 16 : i32
      %scan3A_269 = arith.constant 0 : i32
      %scan3A_270 = arith.constant 0 : i32
      %scan3A_271 = arith.constant 16 : i32
      %scan3A_272 = arith.addi %scan3A_270, %scan3A_271 : i32
      %scan3A_273 = arith.constant 1 : i32
      %scan3A_274 = scf.for %scan3A_487 = %scan3A_270 to %scan3A_272 step %scan3A_273 iter_args(%scan3A_488 = %scan3A_269) -> (i32)  : i32 {
        %shift_right_arithmetic3A = arith.constant 1 : i32
        %shift_right_arithmetic3A_489 = arith.shrsi %scan3A_487, %shift_right_arithmetic3A : i32
        %shift_left3A = arith.constant 2 : i32
        %shift_left3A_490 = arith.shli %shift_right_arithmetic3A_489, %shift_left3A : i32
        %and3A_491 = arith.constant 1 : i32
        %and3A_492 = arith.andi %scan3A_487, %and3A_491 : i32
        %or3A = arith.ori %shift_left3A_490, %and3A_492 : i32
        %or3A_493 = arith.constant 2 : i32
        %or3A_494 = arith.ori %or3A, %or3A_493 : i32
        %mul3A_495 = arith.constant 16 : i32
        %mul3A_496 = arith.muli %or3A, %mul3A_495 : i32
        %get3A_497 = arith.index_cast %mul3A_496 : i32 to index
        %get3A_498 = tpu.vector_load %arg15[%get3A_497] {strides = array<i32>} : memref<512xi32, #tpu.memory_space<vmem>>, vector<16xi32>,
        %mul3A_499 = arith.constant 16 : i32
        %mul3A_500 = arith.muli %or3A, %mul3A_499 : i32
        %get3A_501 = arith.index_cast %mul3A_500 : i32 to index
        %get3A_502 = tpu.vector_load %arg16[%get3A_501] {strides = array<i32>} : memref<512xi32, #tpu.memory_space<vmem>>, vector<16xi32>,
        %mul3A_503 = arith.constant 16 : i32
        %mul3A_504 = arith.muli %or3A_494, %mul3A_503 : i32
        %get3A_505 = arith.index_cast %mul3A_504 : i32 to index
        %get3A_506 = tpu.vector_load %arg15[%get3A_505] {strides = array<i32>} : memref<512xi32, #tpu.memory_space<vmem>>, vector<16xi32>,
        %mul3A_507 = arith.constant 16 : i32
        %mul3A_508 = arith.muli %or3A_494, %mul3A_507 : i32
        %get3A_509 = arith.index_cast %mul3A_508 : i32 to index
        %get3A_510 = tpu.vector_load %arg16[%get3A_509] {strides = array<i32>} : memref<512xi32, #tpu.memory_space<vmem>>, vector<16xi32>,
        %mul3A_511 = arith.constant 16 : i32
        %mul3A_512 = arith.muli %or3A, %mul3A_511 : i32
        %and3A_513 = arith.constant 128 : i32
        %and3A_514 = arith.andi %mul3A_512, %and3A_513 : i32
        %eq3A = arith.constant 0 : i32
        %eq3A_515 = arith.cmpi eq, %and3A_514, %eq3A : i32
        %gt3A = arith.cmpi ugt, %get3A_498, %get3A_506 : vector<16xi32>
        %eq3A_516 = arith.cmpi eq, %get3A_498, %get3A_506 : vector<16xi32>
        %lt3A_517 = arith.cmpi slt, %get3A_502, %get3A_510 : vector<16xi32>
        %and3A_518 = arith.andi %eq3A_516, %lt3A_517 : vector<16xi1>
        %or3A_519 = arith.ori %gt3A, %and3A_518 : vector<16xi1>
        %xor3A_520 = vector.broadcast %eq3A_515 : i1 to vector<16xi1>
        %xor3A_521 = arith.xori %or3A_519, %xor3A_520 : vector<16xi1>
        %select_n3A = arith.select %xor3A_521, %get3A_506, %get3A_498 : vector<16xi1>, vector<16xi32>
        %mul3A_522 = arith.constant 16 : i32
        %mul3A_523 = arith.muli %or3A, %mul3A_522 : i32
        %swap3A = arith.index_cast %mul3A_523 : i32 to index
        %swap3A_524 = tpu.vector_load %arg15[%swap3A] {strides = array<i32>} : memref<512xi32, #tpu.memory_space<vmem>>, vector<16xi32>,
        tpu.vector_store %arg15[%swap3A], %select_n3A {strides = array<i32>} : memref<512xi32, #tpu.memory_space<vmem>>, vector<16xi32>,
        %select_n3A_525 = arith.select %xor3A_521, %get3A_510, %get3A_502 : vector<16xi1>, vector<16xi32>
        %mul3A_526 = arith.constant 16 : i32
        %mul3A_527 = arith.muli %or3A, %mul3A_526 : i32
        %swap3A_528 = arith.index_cast %mul3A_527 : i32 to index
        %swap3A_529 = tpu.vector_load %arg16[%swap3A_528] {strides = array<i32>} : memref<512xi32, #tpu.memory_space<vmem>>, vector<16xi32>,
        tpu.vector_store %arg16[%swap3A_528], %select_n3A_525 {strides = array<i32>} : memref<512xi32, #tpu.memory_space<vmem>>, vector<16xi32>,
        %select_n3A_530 = arith.select %xor3A_521, %get3A_498, %get3A_506 : vector<16xi1>, vector<16xi32>
        %mul3A_531 = arith.constant 16 : i32
        %mul3A_532 = arith.muli %or3A_494, %mul3A_531 : i32
        %swap3A_533 = arith.index_cast %mul3A_532 : i32 to index
        %swap3A_534 = tpu.vector_load %arg15[%swap3A_533] {strides = array<i32>} : memref<512xi32, #tpu.memory_space<vmem>>, vector<16xi32>,
        tpu.vector_store %arg15[%swap3A_533], %select_n3A_530 {strides = array<i32>} : memref<512xi32, #tpu.memory_space<vmem>>, vector<16xi32>,
        %select_n3A_535 = arith.select %xor3A_521, %get3A_502, %get3A_510 : vector<16xi1>, vector<16xi32>
        %mul3A_536 = arith.constant 16 : i32
        %mul3A_537 = arith.muli %or3A_494, %mul3A_536 : i32
        %swap3A_538 = arith.index_cast %mul3A_537 : i32 to index
        %swap3A_539 = tpu.vector_load %arg16[%swap3A_538] {strides = array<i32>} : memref<512xi32, #tpu.memory_space<vmem>>, vector<16xi32>,
        tpu.vector_store %arg16[%swap3A_538], %select_n3A_535 {strides = array<i32>} : memref<512xi32, #tpu.memory_space<vmem>>, vector<16xi32>,
        %scan3A_540 = arith.constant 0 : i32
        scf.yield %scan3A_540 : i32
      }
      %scan3A_275 = arith.constant 16 : i32
      %scan3A_276 = arith.constant 0 : i32
      %scan3A_277 = arith.constant 0 : i32
      %scan3A_278 = arith.constant 16 : i32
      %scan3A_279 = arith.addi %scan3A_277, %scan3A_278 : i32
      %scan3A_280 = arith.constant 1 : i32
      %scan3A_281 = scf.for %scan3A_487 = %scan3A_277 to %scan3A_279 step %scan3A_280 iter_args(%scan3A_488 = %scan3A_276) -> (i32)  : i32 {
        %shift_right_arithmetic3A = arith.constant 0 : i32
        %shift_right_arithmetic3A_489 = arith.shrsi %scan3A_487, %shift_right_arithmetic3A : i32
        %shift_left3A = arith.constant 1 : i32
        %shift_left3A_490 = arith.shli %shift_right_arithmetic3A_489, %shift_left3A : i32
        %and3A_491 = arith.constant 0 : i32
        %and3A_492 = arith.andi %scan3A_487, %and3A_491 : i32
        %or3A = arith.ori %shift_left3A_490, %and3A_492 : i32
        %or3A_493 = arith.constant 1 : i32
        %or3A_494 = arith.ori %or3A, %or3A_493 : i32
        %mul3A_495 = arith.constant 16 : i32
        %mul3A_496 = arith.muli %or3A, %mul3A_495 : i32
        %get3A_497 = arith.index_cast %mul3A_496 : i32 to index
        %get3A_498 = tpu.vector_load %arg15[%get3A_497] {strides = array<i32>} : memref<512xi32, #tpu.memory_space<vmem>>, vector<16xi32>,
        %mul3A_499 = arith.constant 16 : i32
        %mul3A_500 = arith.muli %or3A, %mul3A_499 : i32
        %get3A_501 = arith.index_cast %mul3A_500 : i32 to index
        %get3A_502 = tpu.vector_load %arg16[%get3A_501] {strides = array<i32>} : memref<512xi32, #tpu.memory_space<vmem>>, vector<16xi32>,
        %mul3A_503 = arith.constant 16 : i32
        %mul3A_504 = arith.muli %or3A_494, %mul3A_503 : i32
        %get3A_505 = arith.index_cast %mul3A_504 : i32 to index
        %get3A_506 = tpu.vector_load %arg15[%get3A_505] {strides = array<i32>} : memref<512xi32, #tpu.memory_space<vmem>>, vector<16xi32>,
        %mul3A_507 = arith.constant 16 : i32
        %mul3A_508 = arith.muli %or3A_494, %mul3A_507 : i32
        %get3A_509 = arith.index_cast %mul3A_508 : i32 to index
        %get3A_510 = tpu.vector_load %arg16[%get3A_509] {strides = array<i32>} : memref<512xi32, #tpu.memory_space<vmem>>, vector<16xi32>,
        %mul3A_511 = arith.constant 16 : i32
        %mul3A_512 = arith.muli %or3A, %mul3A_511 : i32
        %and3A_513 = arith.constant 128 : i32
        %and3A_514 = arith.andi %mul3A_512, %and3A_513 : i32
        %eq3A = arith.constant 0 : i32
        %eq3A_515 = arith.cmpi eq, %and3A_514, %eq3A : i32
        %gt3A = arith.cmpi ugt, %get3A_498, %get3A_506 : vector<16xi32>
        %eq3A_516 = arith.cmpi eq, %get3A_498, %get3A_506 : vector<16xi32>
        %lt3A_517 = arith.cmpi slt, %get3A_502, %get3A_510 : vector<16xi32>
        %and3A_518 = arith.andi %eq3A_516, %lt3A_517 : vector<16xi1>
        %or3A_519 = arith.ori %gt3A, %and3A_518 : vector<16xi1>
        %xor3A_520 = vector.broadcast %eq3A_515 : i1 to vector<16xi1>
        %xor3A_521 = arith.xori %or3A_519, %xor3A_520 : vector<16xi1>
        %select_n3A = arith.select %xor3A_521, %get3A_506, %get3A_498 : vector<16xi1>, vector<16xi32>
        %mul3A_522 = arith.constant 16 : i32
        %mul3A_523 = arith.muli %or3A, %mul3A_522 : i32
        %swap3A = arith.index_cast %mul3A_523 : i32 to index
        %swap3A_524 = tpu.vector_load %arg15[%swap3A] {strides = array<i32>} : memref<512xi32, #tpu.memory_space<vmem>>, vector<16xi32>,
        tpu.vector_store %arg15[%swap3A], %select_n3A {strides = array<i32>} : memref<512xi32, #tpu.memory_space<vmem>>, vector<16xi32>,
        %select_n3A_525 = arith.select %xor3A_521, %get3A_510, %get3A_502 : vector<16xi1>, vector<16xi32>
        %mul3A_526 = arith.constant 16 : i32
        %mul3A_527 = arith.muli %or3A, %mul3A_526 : i32
        %swap3A_528 = arith.index_cast %mul3A_527 : i32 to index
        %swap3A_529 = tpu.vector_load %arg16[%swap3A_528] {strides = array<i32>} : memref<512xi32, #tpu.memory_space<vmem>>, vector<16xi32>,
        tpu.vector_store %arg16[%swap3A_528], %select_n3A_525 {strides = array<i32>} : memref<512xi32, #tpu.memory_space<vmem>>, vector<16xi32>,
        %select_n3A_530 = arith.select %xor3A_521, %get3A_498, %get3A_506 : vector<16xi1>, vector<16xi32>
        %mul3A_531 = arith.constant 16 : i32
        %mul3A_532 = arith.muli %or3A_494, %mul3A_531 : i32
        %swap3A_533 = arith.index_cast %mul3A_532 : i32 to index
        %swap3A_534 = tpu.vector_load %arg15[%swap3A_533] {strides = array<i32>} : memref<512xi32, #tpu.memory_space<vmem>>, vector<16xi32>,
        tpu.vector_store %arg15[%swap3A_533], %select_n3A_530 {strides = array<i32>} : memref<512xi32, #tpu.memory_space<vmem>>, vector<16xi32>,
        %select_n3A_535 = arith.select %xor3A_521, %get3A_502, %get3A_510 : vector<16xi1>, vector<16xi32>
        %mul3A_536 = arith.constant 16 : i32
        %mul3A_537 = arith.muli %or3A_494, %mul3A_536 : i32
        %swap3A_538 = arith.index_cast %mul3A_537 : i32 to index
        %swap3A_539 = tpu.vector_load %arg16[%swap3A_538] {strides = array<i32>} : memref<512xi32, #tpu.memory_space<vmem>>, vector<16xi32>,
        tpu.vector_store %arg16[%swap3A_538], %select_n3A_535 {strides = array<i32>} : memref<512xi32, #tpu.memory_space<vmem>>, vector<16xi32>,
        %scan3A_540 = arith.constant 0 : i32
        scf.yield %scan3A_540 : i32
      }
      %scan3A_282 = arith.constant 16 : i32
      %xor3A_283 = arith.constant 8 : i32
      %xor3A_284 = vector.broadcast %xor3A_283 : i32 to vector<16xi32>
      %xor3A_285 = arith.xori %iota3A, %xor3A_284 : vector<16xi32>
      %scan3A_286 = arith.constant 0 : i32
      %scan3A_287 = arith.constant 0 : i32
      %scan3A_288 = arith.constant 32 : i32
      %scan3A_289 = arith.addi %scan3A_287, %scan3A_288 : i32
      %scan3A_290 = arith.constant 1 : i32
      %scan3A_291 = scf.for %scan3A_487 = %scan3A_287 to %scan3A_289 step %scan3A_290 iter_args(%scan3A_488 = %scan3A_286) -> (i32)  : i32 {
        %mul3A_489 = arith.constant 16 : i32
        %mul3A_490 = arith.muli %scan3A_487, %mul3A_489 : i32
        %get3A_491 = arith.index_cast %mul3A_490 : i32 to index
        %get3A_492 = tpu.vector_load %arg15[%get3A_491] {strides = array<i32>} : memref<512xi32, #tpu.memory_space<vmem>>, vector<16xi32>,
        %mul3A_493 = arith.constant 16 : i32
        %mul3A_494 = arith.muli %scan3A_487, %mul3A_493 : i32
        %get3A_495 = arith.index_cast %mul3A_494 : i32 to index
        %get3A_496 = tpu.vector_load %arg16[%get3A_495] {strides = array<i32>} : memref<512xi32, #tpu.memory_space<vmem>>, vector<16xi32>,
        %broadcast_in_dim3A_497 = vector.shape_cast %xor3A_285 : vector<16xi32> to vector<16x1xi32>
        %gather3A_498 = vector.shape_cast %broadcast_in_dim3A_497 : vector<16x1xi32> to vector<16xi32>
        %gather3A_499 = tpu.dynamic_gather %get3A_492[%gather3A_498] in [0] : vector<16xi32>, vector<16xi32> -> vector<16xi32>
        %broadcast_in_dim3A_500 = vector.shape_cast %xor3A_285 : vector<16xi32> to vector<16x1xi32>
        %gather3A_501 = vector.shape_cast %broadcast_in_dim3A_500 : vector<16x1xi32> to vector<16xi32>
        %gather3A_502 = tpu.dynamic_gather %get3A_496[%gather3A_501] in [0] : vector<16xi32>, vector<16xi32> -> vector<16xi32>
        %and3A_503 = arith.constant 8 : i32
        %and3A_504 = vector.broadcast %and3A_503 : i32 to vector<16xi32>
        %and3A_505 = arith.andi %iota3A, %and3A_504 : vector<16xi32>
        %eq3A = arith.constant 0 : i32
        %eq3A_506 = vector.broadcast %eq3A : i32 to vector<16xi32>
        %eq3A_507 = arith.cmpi eq, %and3A_505, %eq3A_506 : vector<16xi32>
        %select_n3A = arith.select %eq3A_507, %get3A_492, %gather3A_499 : vector<16xi1>, vector<16xi32>
        %select_n3A_508 = arith.select %eq3A_507, %gather3A_499, %get3A_492 : vector<16xi1>, vector<16xi32>
        %select_n3A_509 = arith.select %eq3A_507, %get3A_496, %gather3A_502 : vector<16xi1>, vector<16xi32>
        %select_n3A_510 = arith.select %eq3A_507, %gather3A_502, %get3A_496 : vector<16xi1>, vector<16xi32>
        %mul3A_511 = arith.constant 16 : i32
        %mul3A_512 = arith.muli %scan3A_487, %mul3A_511 : i32
        %add3A_513 = vector.broadcast %mul3A_512 : i32 to vector<16xi32>
        %add3A_514 = arith.addi %add3A_513, %iota3A : vector<16xi32>
        %and3A_515 = arith.constant 128 : i32
        %and3A_516 = vector.broadcast %and3A_515 : i32 to vector<16xi32>
        %and3A_517 = arith.andi %add3A_514, %and3A_516 : vector<16xi32>
        %eq3A_518 = arith.constant 0 : i32
        %eq3A_519 = vector.broadcast %eq3A_518 : i32 to vector<16xi32>
        %eq3A_520 = arith.cmpi eq, %and3A_517, %eq3A_519 : vector<16xi32>
        %gt3A = arith.cmpi ugt, %select_n3A, %select_n3A_508 : vector<16xi32>
        %eq3A_521 = arith.cmpi eq, %select_n3A, %select_n3A_508 : vector<16xi32>
        %lt3A_522 = arith.cmpi slt, %select_n3A_509, %select_n3A_510 : vector<16xi32>
        %and3A_523 = arith.andi %eq3A_521, %lt3A_522 : vector<16xi1>
        %or3A = arith.ori %gt3A, %and3A_523 : vector<16xi1>
        %xor3A_524 = arith.xori %or3A, %eq3A_520 : vector<16xi1>
        %select_n3A_525 = arith.select %xor3A_524, %gather3A_499, %get3A_492 : vector<16xi1>, vector<16xi32>
        %mul3A_526 = arith.constant 16 : i32
        %mul3A_527 = arith.muli %scan3A_487, %mul3A_526 : i32
        %swap3A = arith.index_cast %mul3A_527 : i32 to index
        %swap3A_528 = tpu.vector_load %arg15[%swap3A] {strides = array<i32>} : memref<512xi32, #tpu.memory_space<vmem>>, vector<16xi32>,
        tpu.vector_store %arg15[%swap3A], %select_n3A_525 {strides = array<i32>} : memref<512xi32, #tpu.memory_space<vmem>>, vector<16xi32>,
        %select_n3A_529 = arith.select %xor3A_524, %gather3A_502, %get3A_496 : vector<16xi1>, vector<16xi32>
        %mul3A_530 = arith.constant 16 : i32
        %mul3A_531 = arith.muli %scan3A_487, %mul3A_530 : i32
        %swap3A_532 = arith.index_cast %mul3A_531 : i32 to index
        %swap3A_533 = tpu.vector_load %arg16[%swap3A_532] {strides = array<i32>} : memref<512xi32, #tpu.memory_space<vmem>>, vector<16xi32>,
        tpu.vector_store %arg16[%swap3A_532], %select_n3A_529 {strides = array<i32>} : memref<512xi32, #tpu.memory_space<vmem>>, vector<16xi32>,
        %scan3A_534 = arith.constant 0 : i32
        scf.yield %scan3A_534 : i32
      }
      %scan3A_292 = arith.constant 32 : i32
      %xor3A_293 = arith.constant 4 : i32
      %xor3A_294 = vector.broadcast %xor3A_293 : i32 to vector<16xi32>
      %xor3A_295 = arith.xori %iota3A, %xor3A_294 : vector<16xi32>
      %scan3A_296 = arith.constant 0 : i32
      %scan3A_297 = arith.constant 0 : i32
      %scan3A_298 = arith.constant 32 : i32
      %scan3A_299 = arith.addi %scan3A_297, %scan3A_298 : i32
      %scan3A_300 = arith.constant 1 : i32
      %scan3A_301 = scf.for %scan3A_487 = %scan3A_297 to %scan3A_299 step %scan3A_300 iter_args(%scan3A_488 = %scan3A_296) -> (i32)  : i32 {
        %mul3A_489 = arith.constant 16 : i32
        %mul3A_490 = arith.muli %scan3A_487, %mul3A_489 : i32
        %get3A_491 = arith.index_cast %mul3A_490 : i32 to index
        %get3A_492 = tpu.vector_load %arg15[%get3A_491] {strides = array<i32>} : memref<512xi32, #tpu.memory_space<vmem>>, vector<16xi32>,
        %mul3A_493 = arith.constant 16 : i32
        %mul3A_494 = arith.muli %scan3A_487, %mul3A_493 : i32
        %get3A_495 = arith.index_cast %mul3A_494 : i32 to index
        %get3A_496 = tpu.vector_load %arg16[%get3A_495] {strides = array<i32>} : memref<512xi32, #tpu.memory_space<vmem>>, vector<16xi32>,
        %broadcast_in_dim3A_497 = vector.shape_cast %xor3A_295 : vector<16xi32> to vector<16x1xi32>
        %gather3A_498 = vector.shape_cast %broadcast_in_dim3A_497 : vector<16x1xi32> to vector<16xi32>
        %gather3A_499 = tpu.dynamic_gather %get3A_492[%gather3A_498] in [0] : vector<16xi32>, vector<16xi32> -> vector<16xi32>
        %broadcast_in_dim3A_500 = vector.shape_cast %xor3A_295 : vector<16xi32> to vector<16x1xi32>
        %gather3A_501 = vector.shape_cast %broadcast_in_dim3A_500 : vector<16x1xi32> to vector<16xi32>
        %gather3A_502 = tpu.dynamic_gather %get3A_496[%gather3A_501] in [0] : vector<16xi32>, vector<16xi32> -> vector<16xi32>
        %and3A_503 = arith.constant 4 : i32
        %and3A_504 = vector.broadcast %and3A_503 : i32 to vector<16xi32>
        %and3A_505 = arith.andi %iota3A, %and3A_504 : vector<16xi32>
        %eq3A = arith.constant 0 : i32
        %eq3A_506 = vector.broadcast %eq3A : i32 to vector<16xi32>
        %eq3A_507 = arith.cmpi eq, %and3A_505, %eq3A_506 : vector<16xi32>
        %select_n3A = arith.select %eq3A_507, %get3A_492, %gather3A_499 : vector<16xi1>, vector<16xi32>
        %select_n3A_508 = arith.select %eq3A_507, %gather3A_499, %get3A_492 : vector<16xi1>, vector<16xi32>
        %select_n3A_509 = arith.select %eq3A_507, %get3A_496, %gather3A_502 : vector<16xi1>, vector<16xi32>
        %select_n3A_510 = arith.select %eq3A_507, %gather3A_502, %get3A_496 : vector<16xi1>, vector<16xi32>
        %mul3A_511 = arith.constant 16 : i32
        %mul3A_512 = arith.muli %scan3A_487, %mul3A_511 : i32
        %add3A_513 = vector.broadcast %mul3A_512 : i32 to vector<16xi32>
        %add3A_514 = arith.addi %add3A_513, %iota3A : vector<16xi32>
        %and3A_515 = arith.constant 128 : i32
        %and3A_516 = vector.broadcast %and3A_515 : i32 to vector<16xi32>
        %and3A_517 = arith.andi %add3A_514, %and3A_516 : vector<16xi32>
        %eq3A_518 = arith.constant 0 : i32
        %eq3A_519 = vector.broadcast %eq3A_518 : i32 to vector<16xi32>
        %eq3A_520 = arith.cmpi eq, %and3A_517, %eq3A_519 : vector<16xi32>
        %gt3A = arith.cmpi ugt, %select_n3A, %select_n3A_508 : vector<16xi32>
        %eq3A_521 = arith.cmpi eq, %select_n3A, %select_n3A_508 : vector<16xi32>
        %lt3A_522 = arith.cmpi slt, %select_n3A_509, %select_n3A_510 : vector<16xi32>
        %and3A_523 = arith.andi %eq3A_521, %lt3A_522 : vector<16xi1>
        %or3A = arith.ori %gt3A, %and3A_523 : vector<16xi1>
        %xor3A_524 = arith.xori %or3A, %eq3A_520 : vector<16xi1>
        %select_n3A_525 = arith.select %xor3A_524, %gather3A_499, %get3A_492 : vector<16xi1>, vector<16xi32>
        %mul3A_526 = arith.constant 16 : i32
        %mul3A_527 = arith.muli %scan3A_487, %mul3A_526 : i32
        %swap3A = arith.index_cast %mul3A_527 : i32 to index
        %swap3A_528 = tpu.vector_load %arg15[%swap3A] {strides = array<i32>} : memref<512xi32, #tpu.memory_space<vmem>>, vector<16xi32>,
        tpu.vector_store %arg15[%swap3A], %select_n3A_525 {strides = array<i32>} : memref<512xi32, #tpu.memory_space<vmem>>, vector<16xi32>,
        %select_n3A_529 = arith.select %xor3A_524, %gather3A_502, %get3A_496 : vector<16xi1>, vector<16xi32>
        %mul3A_530 = arith.constant 16 : i32
        %mul3A_531 = arith.muli %scan3A_487, %mul3A_530 : i32
        %swap3A_532 = arith.index_cast %mul3A_531 : i32 to index
        %swap3A_533 = tpu.vector_load %arg16[%swap3A_532] {strides = array<i32>} : memref<512xi32, #tpu.memory_space<vmem>>, vector<16xi32>,
        tpu.vector_store %arg16[%swap3A_532], %select_n3A_529 {strides = array<i32>} : memref<512xi32, #tpu.memory_space<vmem>>, vector<16xi32>,
        %scan3A_534 = arith.constant 0 : i32
        scf.yield %scan3A_534 : i32
      }
      %scan3A_302 = arith.constant 32 : i32
      %xor3A_303 = arith.constant 2 : i32
      %xor3A_304 = vector.broadcast %xor3A_303 : i32 to vector<16xi32>
      %xor3A_305 = arith.xori %iota3A, %xor3A_304 : vector<16xi32>
      %scan3A_306 = arith.constant 0 : i32
      %scan3A_307 = arith.constant 0 : i32
      %scan3A_308 = arith.constant 32 : i32
      %scan3A_309 = arith.addi %scan3A_307, %scan3A_308 : i32
      %scan3A_310 = arith.constant 1 : i32
      %scan3A_311 = scf.for %scan3A_487 = %scan3A_307 to %scan3A_309 step %scan3A_310 iter_args(%scan3A_488 = %scan3A_306) -> (i32)  : i32 {
        %mul3A_489 = arith.constant 16 : i32
        %mul3A_490 = arith.muli %scan3A_487, %mul3A_489 : i32
        %get3A_491 = arith.index_cast %mul3A_490 : i32 to index
        %get3A_492 = tpu.vector_load %arg15[%get3A_491] {strides = array<i32>} : memref<512xi32, #tpu.memory_space<vmem>>, vector<16xi32>,
        %mul3A_493 = arith.constant 16 : i32
        %mul3A_494 = arith.muli %scan3A_487, %mul3A_493 : i32
        %get3A_495 = arith.index_cast %mul3A_494 : i32 to index
        %get3A_496 = tpu.vector_load %arg16[%get3A_495] {strides = array<i32>} : memref<512xi32, #tpu.memory_space<vmem>>, vector<16xi32>,
        %broadcast_in_dim3A_497 = vector.shape_cast %xor3A_305 : vector<16xi32> to vector<16x1xi32>
        %gather3A_498 = vector.shape_cast %broadcast_in_dim3A_497 : vector<16x1xi32> to vector<16xi32>
        %gather3A_499 = tpu.dynamic_gather %get3A_492[%gather3A_498] in [0] : vector<16xi32>, vector<16xi32> -> vector<16xi32>
        %broadcast_in_dim3A_500 = vector.shape_cast %xor3A_305 : vector<16xi32> to vector<16x1xi32>
        %gather3A_501 = vector.shape_cast %broadcast_in_dim3A_500 : vector<16x1xi32> to vector<16xi32>
        %gather3A_502 = tpu.dynamic_gather %get3A_496[%gather3A_501] in [0] : vector<16xi32>, vector<16xi32> -> vector<16xi32>
        %and3A_503 = arith.constant 2 : i32
        %and3A_504 = vector.broadcast %and3A_503 : i32 to vector<16xi32>
        %and3A_505 = arith.andi %iota3A, %and3A_504 : vector<16xi32>
        %eq3A = arith.constant 0 : i32
        %eq3A_506 = vector.broadcast %eq3A : i32 to vector<16xi32>
        %eq3A_507 = arith.cmpi eq, %and3A_505, %eq3A_506 : vector<16xi32>
        %select_n3A = arith.select %eq3A_507, %get3A_492, %gather3A_499 : vector<16xi1>, vector<16xi32>
        %select_n3A_508 = arith.select %eq3A_507, %gather3A_499, %get3A_492 : vector<16xi1>, vector<16xi32>
        %select_n3A_509 = arith.select %eq3A_507, %get3A_496, %gather3A_502 : vector<16xi1>, vector<16xi32>
        %select_n3A_510 = arith.select %eq3A_507, %gather3A_502, %get3A_496 : vector<16xi1>, vector<16xi32>
        %mul3A_511 = arith.constant 16 : i32
        %mul3A_512 = arith.muli %scan3A_487, %mul3A_511 : i32
        %add3A_513 = vector.broadcast %mul3A_512 : i32 to vector<16xi32>
        %add3A_514 = arith.addi %add3A_513, %iota3A : vector<16xi32>
        %and3A_515 = arith.constant 128 : i32
        %and3A_516 = vector.broadcast %and3A_515 : i32 to vector<16xi32>
        %and3A_517 = arith.andi %add3A_514, %and3A_516 : vector<16xi32>
        %eq3A_518 = arith.constant 0 : i32
        %eq3A_519 = vector.broadcast %eq3A_518 : i32 to vector<16xi32>
        %eq3A_520 = arith.cmpi eq, %and3A_517, %eq3A_519 : vector<16xi32>
        %gt3A = arith.cmpi ugt, %select_n3A, %select_n3A_508 : vector<16xi32>
        %eq3A_521 = arith.cmpi eq, %select_n3A, %select_n3A_508 : vector<16xi32>
        %lt3A_522 = arith.cmpi slt, %select_n3A_509, %select_n3A_510 : vector<16xi32>
        %and3A_523 = arith.andi %eq3A_521, %lt3A_522 : vector<16xi1>
        %or3A = arith.ori %gt3A, %and3A_523 : vector<16xi1>
        %xor3A_524 = arith.xori %or3A, %eq3A_520 : vector<16xi1>
        %select_n3A_525 = arith.select %xor3A_524, %gather3A_499, %get3A_492 : vector<16xi1>, vector<16xi32>
        %mul3A_526 = arith.constant 16 : i32
        %mul3A_527 = arith.muli %scan3A_487, %mul3A_526 : i32
        %swap3A = arith.index_cast %mul3A_527 : i32 to index
        %swap3A_528 = tpu.vector_load %arg15[%swap3A] {strides = array<i32>} : memref<512xi32, #tpu.memory_space<vmem>>, vector<16xi32>,
        tpu.vector_store %arg15[%swap3A], %select_n3A_525 {strides = array<i32>} : memref<512xi32, #tpu.memory_space<vmem>>, vector<16xi32>,
        %select_n3A_529 = arith.select %xor3A_524, %gather3A_502, %get3A_496 : vector<16xi1>, vector<16xi32>
        %mul3A_530 = arith.constant 16 : i32
        %mul3A_531 = arith.muli %scan3A_487, %mul3A_530 : i32
        %swap3A_532 = arith.index_cast %mul3A_531 : i32 to index
        %swap3A_533 = tpu.vector_load %arg16[%swap3A_532] {strides = array<i32>} : memref<512xi32, #tpu.memory_space<vmem>>, vector<16xi32>,
        tpu.vector_store %arg16[%swap3A_532], %select_n3A_529 {strides = array<i32>} : memref<512xi32, #tpu.memory_space<vmem>>, vector<16xi32>,
        %scan3A_534 = arith.constant 0 : i32
        scf.yield %scan3A_534 : i32
      }
      %scan3A_312 = arith.constant 32 : i32
      %xor3A_313 = arith.constant 1 : i32
      %xor3A_314 = vector.broadcast %xor3A_313 : i32 to vector<16xi32>
      %xor3A_315 = arith.xori %iota3A, %xor3A_314 : vector<16xi32>
      %scan3A_316 = arith.constant 0 : i32
      %scan3A_317 = arith.constant 0 : i32
      %scan3A_318 = arith.constant 32 : i32
      %scan3A_319 = arith.addi %scan3A_317, %scan3A_318 : i32
      %scan3A_320 = arith.constant 1 : i32
      %scan3A_321 = scf.for %scan3A_487 = %scan3A_317 to %scan3A_319 step %scan3A_320 iter_args(%scan3A_488 = %scan3A_316) -> (i32)  : i32 {
        %mul3A_489 = arith.constant 16 : i32
        %mul3A_490 = arith.muli %scan3A_487, %mul3A_489 : i32
        %get3A_491 = arith.index_cast %mul3A_490 : i32 to index
        %get3A_492 = tpu.vector_load %arg15[%get3A_491] {strides = array<i32>} : memref<512xi32, #tpu.memory_space<vmem>>, vector<16xi32>,
        %mul3A_493 = arith.constant 16 : i32
        %mul3A_494 = arith.muli %scan3A_487, %mul3A_493 : i32
        %get3A_495 = arith.index_cast %mul3A_494 : i32 to index
        %get3A_496 = tpu.vector_load %arg16[%get3A_495] {strides = array<i32>} : memref<512xi32, #tpu.memory_space<vmem>>, vector<16xi32>,
        %broadcast_in_dim3A_497 = vector.shape_cast %xor3A_315 : vector<16xi32> to vector<16x1xi32>
        %gather3A_498 = vector.shape_cast %broadcast_in_dim3A_497 : vector<16x1xi32> to vector<16xi32>
        %gather3A_499 = tpu.dynamic_gather %get3A_492[%gather3A_498] in [0] : vector<16xi32>, vector<16xi32> -> vector<16xi32>
        %broadcast_in_dim3A_500 = vector.shape_cast %xor3A_315 : vector<16xi32> to vector<16x1xi32>
        %gather3A_501 = vector.shape_cast %broadcast_in_dim3A_500 : vector<16x1xi32> to vector<16xi32>
        %gather3A_502 = tpu.dynamic_gather %get3A_496[%gather3A_501] in [0] : vector<16xi32>, vector<16xi32> -> vector<16xi32>
        %and3A_503 = arith.constant 1 : i32
        %and3A_504 = vector.broadcast %and3A_503 : i32 to vector<16xi32>
        %and3A_505 = arith.andi %iota3A, %and3A_504 : vector<16xi32>
        %eq3A = arith.constant 0 : i32
        %eq3A_506 = vector.broadcast %eq3A : i32 to vector<16xi32>
        %eq3A_507 = arith.cmpi eq, %and3A_505, %eq3A_506 : vector<16xi32>
        %select_n3A = arith.select %eq3A_507, %get3A_492, %gather3A_499 : vector<16xi1>, vector<16xi32>
        %select_n3A_508 = arith.select %eq3A_507, %gather3A_499, %get3A_492 : vector<16xi1>, vector<16xi32>
        %select_n3A_509 = arith.select %eq3A_507, %get3A_496, %gather3A_502 : vector<16xi1>, vector<16xi32>
        %select_n3A_510 = arith.select %eq3A_507, %gather3A_502, %get3A_496 : vector<16xi1>, vector<16xi32>
        %mul3A_511 = arith.constant 16 : i32
        %mul3A_512 = arith.muli %scan3A_487, %mul3A_511 : i32
        %add3A_513 = vector.broadcast %mul3A_512 : i32 to vector<16xi32>
        %add3A_514 = arith.addi %add3A_513, %iota3A : vector<16xi32>
        %and3A_515 = arith.constant 128 : i32
        %and3A_516 = vector.broadcast %and3A_515 : i32 to vector<16xi32>
        %and3A_517 = arith.andi %add3A_514, %and3A_516 : vector<16xi32>
        %eq3A_518 = arith.constant 0 : i32
        %eq3A_519 = vector.broadcast %eq3A_518 : i32 to vector<16xi32>
        %eq3A_520 = arith.cmpi eq, %and3A_517, %eq3A_519 : vector<16xi32>
        %gt3A = arith.cmpi ugt, %select_n3A, %select_n3A_508 : vector<16xi32>
        %eq3A_521 = arith.cmpi eq, %select_n3A, %select_n3A_508 : vector<16xi32>
        %lt3A_522 = arith.cmpi slt, %select_n3A_509, %select_n3A_510 : vector<16xi32>
        %and3A_523 = arith.andi %eq3A_521, %lt3A_522 : vector<16xi1>
        %or3A = arith.ori %gt3A, %and3A_523 : vector<16xi1>
        %xor3A_524 = arith.xori %or3A, %eq3A_520 : vector<16xi1>
        %select_n3A_525 = arith.select %xor3A_524, %gather3A_499, %get3A_492 : vector<16xi1>, vector<16xi32>
        %mul3A_526 = arith.constant 16 : i32
        %mul3A_527 = arith.muli %scan3A_487, %mul3A_526 : i32
        %swap3A = arith.index_cast %mul3A_527 : i32 to index
        %swap3A_528 = tpu.vector_load %arg15[%swap3A] {strides = array<i32>} : memref<512xi32, #tpu.memory_space<vmem>>, vector<16xi32>,
        tpu.vector_store %arg15[%swap3A], %select_n3A_525 {strides = array<i32>} : memref<512xi32, #tpu.memory_space<vmem>>, vector<16xi32>,
        %select_n3A_529 = arith.select %xor3A_524, %gather3A_502, %get3A_496 : vector<16xi1>, vector<16xi32>
        %mul3A_530 = arith.constant 16 : i32
        %mul3A_531 = arith.muli %scan3A_487, %mul3A_530 : i32
        %swap3A_532 = arith.index_cast %mul3A_531 : i32 to index
        %swap3A_533 = tpu.vector_load %arg16[%swap3A_532] {strides = array<i32>} : memref<512xi32, #tpu.memory_space<vmem>>, vector<16xi32>,
        tpu.vector_store %arg16[%swap3A_532], %select_n3A_529 {strides = array<i32>} : memref<512xi32, #tpu.memory_space<vmem>>, vector<16xi32>,
        %scan3A_534 = arith.constant 0 : i32
        scf.yield %scan3A_534 : i32
      }
      %scan3A_322 = arith.constant 32 : i32
      %scan3A_323 = arith.constant 0 : i32
      %scan3A_324 = arith.constant 0 : i32
      %scan3A_325 = arith.constant 16 : i32
      %scan3A_326 = arith.addi %scan3A_324, %scan3A_325 : i32
      %scan3A_327 = arith.constant 1 : i32
      %scan3A_328 = scf.for %scan3A_487 = %scan3A_324 to %scan3A_326 step %scan3A_327 iter_args(%scan3A_488 = %scan3A_323) -> (i32)  : i32 {
        %shift_right_arithmetic3A = arith.constant 3 : i32
        %shift_right_arithmetic3A_489 = arith.shrsi %scan3A_487, %shift_right_arithmetic3A : i32
        %shift_left3A = arith.constant 4 : i32
        %shift_left3A_490 = arith.shli %shift_right_arithmetic3A_489, %shift_left3A : i32
        %and3A_491 = arith.constant 7 : i32
        %and3A_492 = arith.andi %scan3A_487, %and3A_491 : i32
        %or3A = arith.ori %shift_left3A_490, %and3A_492 : i32
        %or3A_493 = arith.constant 8 : i32
        %or3A_494 = arith.ori %or3A, %or3A_493 : i32
        %mul3A_495 = arith.constant 16 : i32
        %mul3A_496 = arith.muli %or3A, %mul3A_495 : i32
        %get3A_497 = arith.index_cast %mul3A_496 : i32 to index
        %get3A_498 = tpu.vector_load %arg15[%get3A_497] {strides = array<i32>} : memref<512xi32, #tpu.memory_space<vmem>>, vector<16xi32>,
        %mul3A_499 = arith.constant 16 : i32
        %mul3A_500 = arith.muli %or3A, %mul3A_499 : i32
        %get3A_501 = arith.index_cast %mul3A_500 : i32 to index
        %get3A_502 = tpu.vector_load %arg16[%get3A_501] {strides = array<i32>} : memref<512xi32, #tpu.memory_space<vmem>>, vector<16xi32>,
        %mul3A_503 = arith.constant 16 : i32
        %mul3A_504 = arith.muli %or3A_494, %mul3A_503 : i32
        %get3A_505 = arith.index_cast %mul3A_504 : i32 to index
        %get3A_506 = tpu.vector_load %arg15[%get3A_505] {strides = array<i32>} : memref<512xi32, #tpu.memory_space<vmem>>, vector<16xi32>,
        %mul3A_507 = arith.constant 16 : i32
        %mul3A_508 = arith.muli %or3A_494, %mul3A_507 : i32
        %get3A_509 = arith.index_cast %mul3A_508 : i32 to index
        %get3A_510 = tpu.vector_load %arg16[%get3A_509] {strides = array<i32>} : memref<512xi32, #tpu.memory_space<vmem>>, vector<16xi32>,
        %mul3A_511 = arith.constant 16 : i32
        %mul3A_512 = arith.muli %or3A, %mul3A_511 : i32
        %and3A_513 = arith.constant 256 : i32
        %and3A_514 = arith.andi %mul3A_512, %and3A_513 : i32
        %eq3A = arith.constant 0 : i32
        %eq3A_515 = arith.cmpi eq, %and3A_514, %eq3A : i32
        %gt3A = arith.cmpi ugt, %get3A_498, %get3A_506 : vector<16xi32>
        %eq3A_516 = arith.cmpi eq, %get3A_498, %get3A_506 : vector<16xi32>
        %lt3A_517 = arith.cmpi slt, %get3A_502, %get3A_510 : vector<16xi32>
        %and3A_518 = arith.andi %eq3A_516, %lt3A_517 : vector<16xi1>
        %or3A_519 = arith.ori %gt3A, %and3A_518 : vector<16xi1>
        %xor3A_520 = vector.broadcast %eq3A_515 : i1 to vector<16xi1>
        %xor3A_521 = arith.xori %or3A_519, %xor3A_520 : vector<16xi1>
        %select_n3A = arith.select %xor3A_521, %get3A_506, %get3A_498 : vector<16xi1>, vector<16xi32>
        %mul3A_522 = arith.constant 16 : i32
        %mul3A_523 = arith.muli %or3A, %mul3A_522 : i32
        %swap3A = arith.index_cast %mul3A_523 : i32 to index
        %swap3A_524 = tpu.vector_load %arg15[%swap3A] {strides = array<i32>} : memref<512xi32, #tpu.memory_space<vmem>>, vector<16xi32>,
        tpu.vector_store %arg15[%swap3A], %select_n3A {strides = array<i32>} : memref<512xi32, #tpu.memory_space<vmem>>, vector<16xi32>,
        %select_n3A_525 = arith.select %xor3A_521, %get3A_510, %get3A_502 : vector<16xi1>, vector<16xi32>
        %mul3A_526 = arith.constant 16 : i32
        %mul3A_527 = arith.muli %or3A, %mul3A_526 : i32
        %swap3A_528 = arith.index_cast %mul3A_527 : i32 to index
        %swap3A_529 = tpu.vector_load %arg16[%swap3A_528] {strides = array<i32>} : memref<512xi32, #tpu.memory_space<vmem>>, vector<16xi32>,
        tpu.vector_store %arg16[%swap3A_528], %select_n3A_525 {strides = array<i32>} : memref<512xi32, #tpu.memory_space<vmem>>, vector<16xi32>,
        %select_n3A_530 = arith.select %xor3A_521, %get3A_498, %get3A_506 : vector<16xi1>, vector<16xi32>
        %mul3A_531 = arith.constant 16 : i32
        %mul3A_532 = arith.muli %or3A_494, %mul3A_531 : i32
        %swap3A_533 = arith.index_cast %mul3A_532 : i32 to index
        %swap3A_534 = tpu.vector_load %arg15[%swap3A_533] {strides = array<i32>} : memref<512xi32, #tpu.memory_space<vmem>>, vector<16xi32>,
        tpu.vector_store %arg15[%swap3A_533], %select_n3A_530 {strides = array<i32>} : memref<512xi32, #tpu.memory_space<vmem>>, vector<16xi32>,
        %select_n3A_535 = arith.select %xor3A_521, %get3A_502, %get3A_510 : vector<16xi1>, vector<16xi32>
        %mul3A_536 = arith.constant 16 : i32
        %mul3A_537 = arith.muli %or3A_494, %mul3A_536 : i32
        %swap3A_538 = arith.index_cast %mul3A_537 : i32 to index
        %swap3A_539 = tpu.vector_load %arg16[%swap3A_538] {strides = array<i32>} : memref<512xi32, #tpu.memory_space<vmem>>, vector<16xi32>,
        tpu.vector_store %arg16[%swap3A_538], %select_n3A_535 {strides = array<i32>} : memref<512xi32, #tpu.memory_space<vmem>>, vector<16xi32>,
        %scan3A_540 = arith.constant 0 : i32
        scf.yield %scan3A_540 : i32
      }
      %scan3A_329 = arith.constant 16 : i32
      %scan3A_330 = arith.constant 0 : i32
      %scan3A_331 = arith.constant 0 : i32
      %scan3A_332 = arith.constant 16 : i32
      %scan3A_333 = arith.addi %scan3A_331, %scan3A_332 : i32
      %scan3A_334 = arith.constant 1 : i32
      %scan3A_335 = scf.for %scan3A_487 = %scan3A_331 to %scan3A_333 step %scan3A_334 iter_args(%scan3A_488 = %scan3A_330) -> (i32)  : i32 {
        %shift_right_arithmetic3A = arith.constant 2 : i32
        %shift_right_arithmetic3A_489 = arith.shrsi %scan3A_487, %shift_right_arithmetic3A : i32
        %shift_left3A = arith.constant 3 : i32
        %shift_left3A_490 = arith.shli %shift_right_arithmetic3A_489, %shift_left3A : i32
        %and3A_491 = arith.constant 3 : i32
        %and3A_492 = arith.andi %scan3A_487, %and3A_491 : i32
        %or3A = arith.ori %shift_left3A_490, %and3A_492 : i32
        %or3A_493 = arith.constant 4 : i32
        %or3A_494 = arith.ori %or3A, %or3A_493 : i32
        %mul3A_495 = arith.constant 16 : i32
        %mul3A_496 = arith.muli %or3A, %mul3A_495 : i32
        %get3A_497 = arith.index_cast %mul3A_496 : i32 to index
        %get3A_498 = tpu.vector_load %arg15[%get3A_497] {strides = array<i32>} : memref<512xi32, #tpu.memory_space<vmem>>, vector<16xi32>,
        %mul3A_499 = arith.constant 16 : i32
        %mul3A_500 = arith.muli %or3A, %mul3A_499 : i32
        %get3A_501 = arith.index_cast %mul3A_500 : i32 to index
        %get3A_502 = tpu.vector_load %arg16[%get3A_501] {strides = array<i32>} : memref<512xi32, #tpu.memory_space<vmem>>, vector<16xi32>,
        %mul3A_503 = arith.constant 16 : i32
        %mul3A_504 = arith.muli %or3A_494, %mul3A_503 : i32
        %get3A_505 = arith.index_cast %mul3A_504 : i32 to index
        %get3A_506 = tpu.vector_load %arg15[%get3A_505] {strides = array<i32>} : memref<512xi32, #tpu.memory_space<vmem>>, vector<16xi32>,
        %mul3A_507 = arith.constant 16 : i32
        %mul3A_508 = arith.muli %or3A_494, %mul3A_507 : i32
        %get3A_509 = arith.index_cast %mul3A_508 : i32 to index
        %get3A_510 = tpu.vector_load %arg16[%get3A_509] {strides = array<i32>} : memref<512xi32, #tpu.memory_space<vmem>>, vector<16xi32>,
        %mul3A_511 = arith.constant 16 : i32
        %mul3A_512 = arith.muli %or3A, %mul3A_511 : i32
        %and3A_513 = arith.constant 256 : i32
        %and3A_514 = arith.andi %mul3A_512, %and3A_513 : i32
        %eq3A = arith.constant 0 : i32
        %eq3A_515 = arith.cmpi eq, %and3A_514, %eq3A : i32
        %gt3A = arith.cmpi ugt, %get3A_498, %get3A_506 : vector<16xi32>
        %eq3A_516 = arith.cmpi eq, %get3A_498, %get3A_506 : vector<16xi32>
        %lt3A_517 = arith.cmpi slt, %get3A_502, %get3A_510 : vector<16xi32>
        %and3A_518 = arith.andi %eq3A_516, %lt3A_517 : vector<16xi1>
        %or3A_519 = arith.ori %gt3A, %and3A_518 : vector<16xi1>
        %xor3A_520 = vector.broadcast %eq3A_515 : i1 to vector<16xi1>
        %xor3A_521 = arith.xori %or3A_519, %xor3A_520 : vector<16xi1>
        %select_n3A = arith.select %xor3A_521, %get3A_506, %get3A_498 : vector<16xi1>, vector<16xi32>
        %mul3A_522 = arith.constant 16 : i32
        %mul3A_523 = arith.muli %or3A, %mul3A_522 : i32
        %swap3A = arith.index_cast %mul3A_523 : i32 to index
        %swap3A_524 = tpu.vector_load %arg15[%swap3A] {strides = array<i32>} : memref<512xi32, #tpu.memory_space<vmem>>, vector<16xi32>,
        tpu.vector_store %arg15[%swap3A], %select_n3A {strides = array<i32>} : memref<512xi32, #tpu.memory_space<vmem>>, vector<16xi32>,
        %select_n3A_525 = arith.select %xor3A_521, %get3A_510, %get3A_502 : vector<16xi1>, vector<16xi32>
        %mul3A_526 = arith.constant 16 : i32
        %mul3A_527 = arith.muli %or3A, %mul3A_526 : i32
        %swap3A_528 = arith.index_cast %mul3A_527 : i32 to index
        %swap3A_529 = tpu.vector_load %arg16[%swap3A_528] {strides = array<i32>} : memref<512xi32, #tpu.memory_space<vmem>>, vector<16xi32>,
        tpu.vector_store %arg16[%swap3A_528], %select_n3A_525 {strides = array<i32>} : memref<512xi32, #tpu.memory_space<vmem>>, vector<16xi32>,
        %select_n3A_530 = arith.select %xor3A_521, %get3A_498, %get3A_506 : vector<16xi1>, vector<16xi32>
        %mul3A_531 = arith.constant 16 : i32
        %mul3A_532 = arith.muli %or3A_494, %mul3A_531 : i32
        %swap3A_533 = arith.index_cast %mul3A_532 : i32 to index
        %swap3A_534 = tpu.vector_load %arg15[%swap3A_533] {strides = array<i32>} : memref<512xi32, #tpu.memory_space<vmem>>, vector<16xi32>,
        tpu.vector_store %arg15[%swap3A_533], %select_n3A_530 {strides = array<i32>} : memref<512xi32, #tpu.memory_space<vmem>>, vector<16xi32>,
        %select_n3A_535 = arith.select %xor3A_521, %get3A_502, %get3A_510 : vector<16xi1>, vector<16xi32>
        %mul3A_536 = arith.constant 16 : i32
        %mul3A_537 = arith.muli %or3A_494, %mul3A_536 : i32
        %swap3A_538 = arith.index_cast %mul3A_537 : i32 to index
        %swap3A_539 = tpu.vector_load %arg16[%swap3A_538] {strides = array<i32>} : memref<512xi32, #tpu.memory_space<vmem>>, vector<16xi32>,
        tpu.vector_store %arg16[%swap3A_538], %select_n3A_535 {strides = array<i32>} : memref<512xi32, #tpu.memory_space<vmem>>, vector<16xi32>,
        %scan3A_540 = arith.constant 0 : i32
        scf.yield %scan3A_540 : i32
      }
      %scan3A_336 = arith.constant 16 : i32
      %scan3A_337 = arith.constant 0 : i32
      %scan3A_338 = arith.constant 0 : i32
      %scan3A_339 = arith.constant 16 : i32
      %scan3A_340 = arith.addi %scan3A_338, %scan3A_339 : i32
      %scan3A_341 = arith.constant 1 : i32
      %scan3A_342 = scf.for %scan3A_487 = %scan3A_338 to %scan3A_340 step %scan3A_341 iter_args(%scan3A_488 = %scan3A_337) -> (i32)  : i32 {
        %shift_right_arithmetic3A = arith.constant 1 : i32
        %shift_right_arithmetic3A_489 = arith.shrsi %scan3A_487, %shift_right_arithmetic3A : i32
        %shift_left3A = arith.constant 2 : i32
        %shift_left3A_490 = arith.shli %shift_right_arithmetic3A_489, %shift_left3A : i32
        %and3A_491 = arith.constant 1 : i32
        %and3A_492 = arith.andi %scan3A_487, %and3A_491 : i32
        %or3A = arith.ori %shift_left3A_490, %and3A_492 : i32
        %or3A_493 = arith.constant 2 : i32
        %or3A_494 = arith.ori %or3A, %or3A_493 : i32
        %mul3A_495 = arith.constant 16 : i32
        %mul3A_496 = arith.muli %or3A, %mul3A_495 : i32
        %get3A_497 = arith.index_cast %mul3A_496 : i32 to index
        %get3A_498 = tpu.vector_load %arg15[%get3A_497] {strides = array<i32>} : memref<512xi32, #tpu.memory_space<vmem>>, vector<16xi32>,
        %mul3A_499 = arith.constant 16 : i32
        %mul3A_500 = arith.muli %or3A, %mul3A_499 : i32
        %get3A_501 = arith.index_cast %mul3A_500 : i32 to index
        %get3A_502 = tpu.vector_load %arg16[%get3A_501] {strides = array<i32>} : memref<512xi32, #tpu.memory_space<vmem>>, vector<16xi32>,
        %mul3A_503 = arith.constant 16 : i32
        %mul3A_504 = arith.muli %or3A_494, %mul3A_503 : i32
        %get3A_505 = arith.index_cast %mul3A_504 : i32 to index
        %get3A_506 = tpu.vector_load %arg15[%get3A_505] {strides = array<i32>} : memref<512xi32, #tpu.memory_space<vmem>>, vector<16xi32>,
        %mul3A_507 = arith.constant 16 : i32
        %mul3A_508 = arith.muli %or3A_494, %mul3A_507 : i32
        %get3A_509 = arith.index_cast %mul3A_508 : i32 to index
        %get3A_510 = tpu.vector_load %arg16[%get3A_509] {strides = array<i32>} : memref<512xi32, #tpu.memory_space<vmem>>, vector<16xi32>,
        %mul3A_511 = arith.constant 16 : i32
        %mul3A_512 = arith.muli %or3A, %mul3A_511 : i32
        %and3A_513 = arith.constant 256 : i32
        %and3A_514 = arith.andi %mul3A_512, %and3A_513 : i32
        %eq3A = arith.constant 0 : i32
        %eq3A_515 = arith.cmpi eq, %and3A_514, %eq3A : i32
        %gt3A = arith.cmpi ugt, %get3A_498, %get3A_506 : vector<16xi32>
        %eq3A_516 = arith.cmpi eq, %get3A_498, %get3A_506 : vector<16xi32>
        %lt3A_517 = arith.cmpi slt, %get3A_502, %get3A_510 : vector<16xi32>
        %and3A_518 = arith.andi %eq3A_516, %lt3A_517 : vector<16xi1>
        %or3A_519 = arith.ori %gt3A, %and3A_518 : vector<16xi1>
        %xor3A_520 = vector.broadcast %eq3A_515 : i1 to vector<16xi1>
        %xor3A_521 = arith.xori %or3A_519, %xor3A_520 : vector<16xi1>
        %select_n3A = arith.select %xor3A_521, %get3A_506, %get3A_498 : vector<16xi1>, vector<16xi32>
        %mul3A_522 = arith.constant 16 : i32
        %mul3A_523 = arith.muli %or3A, %mul3A_522 : i32
        %swap3A = arith.index_cast %mul3A_523 : i32 to index
        %swap3A_524 = tpu.vector_load %arg15[%swap3A] {strides = array<i32>} : memref<512xi32, #tpu.memory_space<vmem>>, vector<16xi32>,
        tpu.vector_store %arg15[%swap3A], %select_n3A {strides = array<i32>} : memref<512xi32, #tpu.memory_space<vmem>>, vector<16xi32>,
        %select_n3A_525 = arith.select %xor3A_521, %get3A_510, %get3A_502 : vector<16xi1>, vector<16xi32>
        %mul3A_526 = arith.constant 16 : i32
        %mul3A_527 = arith.muli %or3A, %mul3A_526 : i32
        %swap3A_528 = arith.index_cast %mul3A_527 : i32 to index
        %swap3A_529 = tpu.vector_load %arg16[%swap3A_528] {strides = array<i32>} : memref<512xi32, #tpu.memory_space<vmem>>, vector<16xi32>,
        tpu.vector_store %arg16[%swap3A_528], %select_n3A_525 {strides = array<i32>} : memref<512xi32, #tpu.memory_space<vmem>>, vector<16xi32>,
        %select_n3A_530 = arith.select %xor3A_521, %get3A_498, %get3A_506 : vector<16xi1>, vector<16xi32>
        %mul3A_531 = arith.constant 16 : i32
        %mul3A_532 = arith.muli %or3A_494, %mul3A_531 : i32
        %swap3A_533 = arith.index_cast %mul3A_532 : i32 to index
        %swap3A_534 = tpu.vector_load %arg15[%swap3A_533] {strides = array<i32>} : memref<512xi32, #tpu.memory_space<vmem>>, vector<16xi32>,
        tpu.vector_store %arg15[%swap3A_533], %select_n3A_530 {strides = array<i32>} : memref<512xi32, #tpu.memory_space<vmem>>, vector<16xi32>,
        %select_n3A_535 = arith.select %xor3A_521, %get3A_502, %get3A_510 : vector<16xi1>, vector<16xi32>
        %mul3A_536 = arith.constant 16 : i32
        %mul3A_537 = arith.muli %or3A_494, %mul3A_536 : i32
        %swap3A_538 = arith.index_cast %mul3A_537 : i32 to index
        %swap3A_539 = tpu.vector_load %arg16[%swap3A_538] {strides = array<i32>} : memref<512xi32, #tpu.memory_space<vmem>>, vector<16xi32>,
        tpu.vector_store %arg16[%swap3A_538], %select_n3A_535 {strides = array<i32>} : memref<512xi32, #tpu.memory_space<vmem>>, vector<16xi32>,
        %scan3A_540 = arith.constant 0 : i32
        scf.yield %scan3A_540 : i32
      }
      %scan3A_343 = arith.constant 16 : i32
      %scan3A_344 = arith.constant 0 : i32
      %scan3A_345 = arith.constant 0 : i32
      %scan3A_346 = arith.constant 16 : i32
      %scan3A_347 = arith.addi %scan3A_345, %scan3A_346 : i32
      %scan3A_348 = arith.constant 1 : i32
      %scan3A_349 = scf.for %scan3A_487 = %scan3A_345 to %scan3A_347 step %scan3A_348 iter_args(%scan3A_488 = %scan3A_344) -> (i32)  : i32 {
        %shift_right_arithmetic3A = arith.constant 0 : i32
        %shift_right_arithmetic3A_489 = arith.shrsi %scan3A_487, %shift_right_arithmetic3A : i32
        %shift_left3A = arith.constant 1 : i32
        %shift_left3A_490 = arith.shli %shift_right_arithmetic3A_489, %shift_left3A : i32
        %and3A_491 = arith.constant 0 : i32
        %and3A_492 = arith.andi %scan3A_487, %and3A_491 : i32
        %or3A = arith.ori %shift_left3A_490, %and3A_492 : i32
        %or3A_493 = arith.constant 1 : i32
        %or3A_494 = arith.ori %or3A, %or3A_493 : i32
        %mul3A_495 = arith.constant 16 : i32
        %mul3A_496 = arith.muli %or3A, %mul3A_495 : i32
        %get3A_497 = arith.index_cast %mul3A_496 : i32 to index
        %get3A_498 = tpu.vector_load %arg15[%get3A_497] {strides = array<i32>} : memref<512xi32, #tpu.memory_space<vmem>>, vector<16xi32>,
        %mul3A_499 = arith.constant 16 : i32
        %mul3A_500 = arith.muli %or3A, %mul3A_499 : i32
        %get3A_501 = arith.index_cast %mul3A_500 : i32 to index
        %get3A_502 = tpu.vector_load %arg16[%get3A_501] {strides = array<i32>} : memref<512xi32, #tpu.memory_space<vmem>>, vector<16xi32>,
        %mul3A_503 = arith.constant 16 : i32
        %mul3A_504 = arith.muli %or3A_494, %mul3A_503 : i32
        %get3A_505 = arith.index_cast %mul3A_504 : i32 to index
        %get3A_506 = tpu.vector_load %arg15[%get3A_505] {strides = array<i32>} : memref<512xi32, #tpu.memory_space<vmem>>, vector<16xi32>,
        %mul3A_507 = arith.constant 16 : i32
        %mul3A_508 = arith.muli %or3A_494, %mul3A_507 : i32
        %get3A_509 = arith.index_cast %mul3A_508 : i32 to index
        %get3A_510 = tpu.vector_load %arg16[%get3A_509] {strides = array<i32>} : memref<512xi32, #tpu.memory_space<vmem>>, vector<16xi32>,
        %mul3A_511 = arith.constant 16 : i32
        %mul3A_512 = arith.muli %or3A, %mul3A_511 : i32
        %and3A_513 = arith.constant 256 : i32
        %and3A_514 = arith.andi %mul3A_512, %and3A_513 : i32
        %eq3A = arith.constant 0 : i32
        %eq3A_515 = arith.cmpi eq, %and3A_514, %eq3A : i32
        %gt3A = arith.cmpi ugt, %get3A_498, %get3A_506 : vector<16xi32>
        %eq3A_516 = arith.cmpi eq, %get3A_498, %get3A_506 : vector<16xi32>
        %lt3A_517 = arith.cmpi slt, %get3A_502, %get3A_510 : vector<16xi32>
        %and3A_518 = arith.andi %eq3A_516, %lt3A_517 : vector<16xi1>
        %or3A_519 = arith.ori %gt3A, %and3A_518 : vector<16xi1>
        %xor3A_520 = vector.broadcast %eq3A_515 : i1 to vector<16xi1>
        %xor3A_521 = arith.xori %or3A_519, %xor3A_520 : vector<16xi1>
        %select_n3A = arith.select %xor3A_521, %get3A_506, %get3A_498 : vector<16xi1>, vector<16xi32>
        %mul3A_522 = arith.constant 16 : i32
        %mul3A_523 = arith.muli %or3A, %mul3A_522 : i32
        %swap3A = arith.index_cast %mul3A_523 : i32 to index
        %swap3A_524 = tpu.vector_load %arg15[%swap3A] {strides = array<i32>} : memref<512xi32, #tpu.memory_space<vmem>>, vector<16xi32>,
        tpu.vector_store %arg15[%swap3A], %select_n3A {strides = array<i32>} : memref<512xi32, #tpu.memory_space<vmem>>, vector<16xi32>,
        %select_n3A_525 = arith.select %xor3A_521, %get3A_510, %get3A_502 : vector<16xi1>, vector<16xi32>
        %mul3A_526 = arith.constant 16 : i32
        %mul3A_527 = arith.muli %or3A, %mul3A_526 : i32
        %swap3A_528 = arith.index_cast %mul3A_527 : i32 to index
        %swap3A_529 = tpu.vector_load %arg16[%swap3A_528] {strides = array<i32>} : memref<512xi32, #tpu.memory_space<vmem>>, vector<16xi32>,
        tpu.vector_store %arg16[%swap3A_528], %select_n3A_525 {strides = array<i32>} : memref<512xi32, #tpu.memory_space<vmem>>, vector<16xi32>,
        %select_n3A_530 = arith.select %xor3A_521, %get3A_498, %get3A_506 : vector<16xi1>, vector<16xi32>
        %mul3A_531 = arith.constant 16 : i32
        %mul3A_532 = arith.muli %or3A_494, %mul3A_531 : i32
        %swap3A_533 = arith.index_cast %mul3A_532 : i32 to index
        %swap3A_534 = tpu.vector_load %arg15[%swap3A_533] {strides = array<i32>} : memref<512xi32, #tpu.memory_space<vmem>>, vector<16xi32>,
        tpu.vector_store %arg15[%swap3A_533], %select_n3A_530 {strides = array<i32>} : memref<512xi32, #tpu.memory_space<vmem>>, vector<16xi32>,
        %select_n3A_535 = arith.select %xor3A_521, %get3A_502, %get3A_510 : vector<16xi1>, vector<16xi32>
        %mul3A_536 = arith.constant 16 : i32
        %mul3A_537 = arith.muli %or3A_494, %mul3A_536 : i32
        %swap3A_538 = arith.index_cast %mul3A_537 : i32 to index
        %swap3A_539 = tpu.vector_load %arg16[%swap3A_538] {strides = array<i32>} : memref<512xi32, #tpu.memory_space<vmem>>, vector<16xi32>,
        tpu.vector_store %arg16[%swap3A_538], %select_n3A_535 {strides = array<i32>} : memref<512xi32, #tpu.memory_space<vmem>>, vector<16xi32>,
        %scan3A_540 = arith.constant 0 : i32
        scf.yield %scan3A_540 : i32
      }
      %scan3A_350 = arith.constant 16 : i32
      %xor3A_351 = arith.constant 8 : i32
      %xor3A_352 = vector.broadcast %xor3A_351 : i32 to vector<16xi32>
      %xor3A_353 = arith.xori %iota3A, %xor3A_352 : vector<16xi32>
      %scan3A_354 = arith.constant 0 : i32
      %scan3A_355 = arith.constant 0 : i32
      %scan3A_356 = arith.constant 32 : i32
      %scan3A_357 = arith.addi %scan3A_355, %scan3A_356 : i32
      %scan3A_358 = arith.constant 1 : i32
      %scan3A_359 = scf.for %scan3A_487 = %scan3A_355 to %scan3A_357 step %scan3A_358 iter_args(%scan3A_488 = %scan3A_354) -> (i32)  : i32 {
        %mul3A_489 = arith.constant 16 : i32
        %mul3A_490 = arith.muli %scan3A_487, %mul3A_489 : i32
        %get3A_491 = arith.index_cast %mul3A_490 : i32 to index
        %get3A_492 = tpu.vector_load %arg15[%get3A_491] {strides = array<i32>} : memref<512xi32, #tpu.memory_space<vmem>>, vector<16xi32>,
        %mul3A_493 = arith.constant 16 : i32
        %mul3A_494 = arith.muli %scan3A_487, %mul3A_493 : i32
        %get3A_495 = arith.index_cast %mul3A_494 : i32 to index
        %get3A_496 = tpu.vector_load %arg16[%get3A_495] {strides = array<i32>} : memref<512xi32, #tpu.memory_space<vmem>>, vector<16xi32>,
        %broadcast_in_dim3A_497 = vector.shape_cast %xor3A_353 : vector<16xi32> to vector<16x1xi32>
        %gather3A_498 = vector.shape_cast %broadcast_in_dim3A_497 : vector<16x1xi32> to vector<16xi32>
        %gather3A_499 = tpu.dynamic_gather %get3A_492[%gather3A_498] in [0] : vector<16xi32>, vector<16xi32> -> vector<16xi32>
        %broadcast_in_dim3A_500 = vector.shape_cast %xor3A_353 : vector<16xi32> to vector<16x1xi32>
        %gather3A_501 = vector.shape_cast %broadcast_in_dim3A_500 : vector<16x1xi32> to vector<16xi32>
        %gather3A_502 = tpu.dynamic_gather %get3A_496[%gather3A_501] in [0] : vector<16xi32>, vector<16xi32> -> vector<16xi32>
        %and3A_503 = arith.constant 8 : i32
        %and3A_504 = vector.broadcast %and3A_503 : i32 to vector<16xi32>
        %and3A_505 = arith.andi %iota3A, %and3A_504 : vector<16xi32>
        %eq3A = arith.constant 0 : i32
        %eq3A_506 = vector.broadcast %eq3A : i32 to vector<16xi32>
        %eq3A_507 = arith.cmpi eq, %and3A_505, %eq3A_506 : vector<16xi32>
        %select_n3A = arith.select %eq3A_507, %get3A_492, %gather3A_499 : vector<16xi1>, vector<16xi32>
        %select_n3A_508 = arith.select %eq3A_507, %gather3A_499, %get3A_492 : vector<16xi1>, vector<16xi32>
        %select_n3A_509 = arith.select %eq3A_507, %get3A_496, %gather3A_502 : vector<16xi1>, vector<16xi32>
        %select_n3A_510 = arith.select %eq3A_507, %gather3A_502, %get3A_496 : vector<16xi1>, vector<16xi32>
        %mul3A_511 = arith.constant 16 : i32
        %mul3A_512 = arith.muli %scan3A_487, %mul3A_511 : i32
        %add3A_513 = vector.broadcast %mul3A_512 : i32 to vector<16xi32>
        %add3A_514 = arith.addi %add3A_513, %iota3A : vector<16xi32>
        %and3A_515 = arith.constant 256 : i32
        %and3A_516 = vector.broadcast %and3A_515 : i32 to vector<16xi32>
        %and3A_517 = arith.andi %add3A_514, %and3A_516 : vector<16xi32>
        %eq3A_518 = arith.constant 0 : i32
        %eq3A_519 = vector.broadcast %eq3A_518 : i32 to vector<16xi32>
        %eq3A_520 = arith.cmpi eq, %and3A_517, %eq3A_519 : vector<16xi32>
        %gt3A = arith.cmpi ugt, %select_n3A, %select_n3A_508 : vector<16xi32>
        %eq3A_521 = arith.cmpi eq, %select_n3A, %select_n3A_508 : vector<16xi32>
        %lt3A_522 = arith.cmpi slt, %select_n3A_509, %select_n3A_510 : vector<16xi32>
        %and3A_523 = arith.andi %eq3A_521, %lt3A_522 : vector<16xi1>
        %or3A = arith.ori %gt3A, %and3A_523 : vector<16xi1>
        %xor3A_524 = arith.xori %or3A, %eq3A_520 : vector<16xi1>
        %select_n3A_525 = arith.select %xor3A_524, %gather3A_499, %get3A_492 : vector<16xi1>, vector<16xi32>
        %mul3A_526 = arith.constant 16 : i32
        %mul3A_527 = arith.muli %scan3A_487, %mul3A_526 : i32
        %swap3A = arith.index_cast %mul3A_527 : i32 to index
        %swap3A_528 = tpu.vector_load %arg15[%swap3A] {strides = array<i32>} : memref<512xi32, #tpu.memory_space<vmem>>, vector<16xi32>,
        tpu.vector_store %arg15[%swap3A], %select_n3A_525 {strides = array<i32>} : memref<512xi32, #tpu.memory_space<vmem>>, vector<16xi32>,
        %select_n3A_529 = arith.select %xor3A_524, %gather3A_502, %get3A_496 : vector<16xi1>, vector<16xi32>
        %mul3A_530 = arith.constant 16 : i32
        %mul3A_531 = arith.muli %scan3A_487, %mul3A_530 : i32
        %swap3A_532 = arith.index_cast %mul3A_531 : i32 to index
        %swap3A_533 = tpu.vector_load %arg16[%swap3A_532] {strides = array<i32>} : memref<512xi32, #tpu.memory_space<vmem>>, vector<16xi32>,
        tpu.vector_store %arg16[%swap3A_532], %select_n3A_529 {strides = array<i32>} : memref<512xi32, #tpu.memory_space<vmem>>, vector<16xi32>,
        %scan3A_534 = arith.constant 0 : i32
        scf.yield %scan3A_534 : i32
      }
      %scan3A_360 = arith.constant 32 : i32
      %xor3A_361 = arith.constant 4 : i32
      %xor3A_362 = vector.broadcast %xor3A_361 : i32 to vector<16xi32>
      %xor3A_363 = arith.xori %iota3A, %xor3A_362 : vector<16xi32>
      %scan3A_364 = arith.constant 0 : i32
      %scan3A_365 = arith.constant 0 : i32
      %scan3A_366 = arith.constant 32 : i32
      %scan3A_367 = arith.addi %scan3A_365, %scan3A_366 : i32
      %scan3A_368 = arith.constant 1 : i32
      %scan3A_369 = scf.for %scan3A_487 = %scan3A_365 to %scan3A_367 step %scan3A_368 iter_args(%scan3A_488 = %scan3A_364) -> (i32)  : i32 {
        %mul3A_489 = arith.constant 16 : i32
        %mul3A_490 = arith.muli %scan3A_487, %mul3A_489 : i32
        %get3A_491 = arith.index_cast %mul3A_490 : i32 to index
        %get3A_492 = tpu.vector_load %arg15[%get3A_491] {strides = array<i32>} : memref<512xi32, #tpu.memory_space<vmem>>, vector<16xi32>,
        %mul3A_493 = arith.constant 16 : i32
        %mul3A_494 = arith.muli %scan3A_487, %mul3A_493 : i32
        %get3A_495 = arith.index_cast %mul3A_494 : i32 to index
        %get3A_496 = tpu.vector_load %arg16[%get3A_495] {strides = array<i32>} : memref<512xi32, #tpu.memory_space<vmem>>, vector<16xi32>,
        %broadcast_in_dim3A_497 = vector.shape_cast %xor3A_363 : vector<16xi32> to vector<16x1xi32>
        %gather3A_498 = vector.shape_cast %broadcast_in_dim3A_497 : vector<16x1xi32> to vector<16xi32>
        %gather3A_499 = tpu.dynamic_gather %get3A_492[%gather3A_498] in [0] : vector<16xi32>, vector<16xi32> -> vector<16xi32>
        %broadcast_in_dim3A_500 = vector.shape_cast %xor3A_363 : vector<16xi32> to vector<16x1xi32>
        %gather3A_501 = vector.shape_cast %broadcast_in_dim3A_500 : vector<16x1xi32> to vector<16xi32>
        %gather3A_502 = tpu.dynamic_gather %get3A_496[%gather3A_501] in [0] : vector<16xi32>, vector<16xi32> -> vector<16xi32>
        %and3A_503 = arith.constant 4 : i32
        %and3A_504 = vector.broadcast %and3A_503 : i32 to vector<16xi32>
        %and3A_505 = arith.andi %iota3A, %and3A_504 : vector<16xi32>
        %eq3A = arith.constant 0 : i32
        %eq3A_506 = vector.broadcast %eq3A : i32 to vector<16xi32>
        %eq3A_507 = arith.cmpi eq, %and3A_505, %eq3A_506 : vector<16xi32>
        %select_n3A = arith.select %eq3A_507, %get3A_492, %gather3A_499 : vector<16xi1>, vector<16xi32>
        %select_n3A_508 = arith.select %eq3A_507, %gather3A_499, %get3A_492 : vector<16xi1>, vector<16xi32>
        %select_n3A_509 = arith.select %eq3A_507, %get3A_496, %gather3A_502 : vector<16xi1>, vector<16xi32>
        %select_n3A_510 = arith.select %eq3A_507, %gather3A_502, %get3A_496 : vector<16xi1>, vector<16xi32>
        %mul3A_511 = arith.constant 16 : i32
        %mul3A_512 = arith.muli %scan3A_487, %mul3A_511 : i32
        %add3A_513 = vector.broadcast %mul3A_512 : i32 to vector<16xi32>
        %add3A_514 = arith.addi %add3A_513, %iota3A : vector<16xi32>
        %and3A_515 = arith.constant 256 : i32
        %and3A_516 = vector.broadcast %and3A_515 : i32 to vector<16xi32>
        %and3A_517 = arith.andi %add3A_514, %and3A_516 : vector<16xi32>
        %eq3A_518 = arith.constant 0 : i32
        %eq3A_519 = vector.broadcast %eq3A_518 : i32 to vector<16xi32>
        %eq3A_520 = arith.cmpi eq, %and3A_517, %eq3A_519 : vector<16xi32>
        %gt3A = arith.cmpi ugt, %select_n3A, %select_n3A_508 : vector<16xi32>
        %eq3A_521 = arith.cmpi eq, %select_n3A, %select_n3A_508 : vector<16xi32>
        %lt3A_522 = arith.cmpi slt, %select_n3A_509, %select_n3A_510 : vector<16xi32>
        %and3A_523 = arith.andi %eq3A_521, %lt3A_522 : vector<16xi1>
        %or3A = arith.ori %gt3A, %and3A_523 : vector<16xi1>
        %xor3A_524 = arith.xori %or3A, %eq3A_520 : vector<16xi1>
        %select_n3A_525 = arith.select %xor3A_524, %gather3A_499, %get3A_492 : vector<16xi1>, vector<16xi32>
        %mul3A_526 = arith.constant 16 : i32
        %mul3A_527 = arith.muli %scan3A_487, %mul3A_526 : i32
        %swap3A = arith.index_cast %mul3A_527 : i32 to index
        %swap3A_528 = tpu.vector_load %arg15[%swap3A] {strides = array<i32>} : memref<512xi32, #tpu.memory_space<vmem>>, vector<16xi32>,
        tpu.vector_store %arg15[%swap3A], %select_n3A_525 {strides = array<i32>} : memref<512xi32, #tpu.memory_space<vmem>>, vector<16xi32>,
        %select_n3A_529 = arith.select %xor3A_524, %gather3A_502, %get3A_496 : vector<16xi1>, vector<16xi32>
        %mul3A_530 = arith.constant 16 : i32
        %mul3A_531 = arith.muli %scan3A_487, %mul3A_530 : i32
        %swap3A_532 = arith.index_cast %mul3A_531 : i32 to index
        %swap3A_533 = tpu.vector_load %arg16[%swap3A_532] {strides = array<i32>} : memref<512xi32, #tpu.memory_space<vmem>>, vector<16xi32>,
        tpu.vector_store %arg16[%swap3A_532], %select_n3A_529 {strides = array<i32>} : memref<512xi32, #tpu.memory_space<vmem>>, vector<16xi32>,
        %scan3A_534 = arith.constant 0 : i32
        scf.yield %scan3A_534 : i32
      }
      %scan3A_370 = arith.constant 32 : i32
      %xor3A_371 = arith.constant 2 : i32
      %xor3A_372 = vector.broadcast %xor3A_371 : i32 to vector<16xi32>
      %xor3A_373 = arith.xori %iota3A, %xor3A_372 : vector<16xi32>
      %scan3A_374 = arith.constant 0 : i32
      %scan3A_375 = arith.constant 0 : i32
      %scan3A_376 = arith.constant 32 : i32
      %scan3A_377 = arith.addi %scan3A_375, %scan3A_376 : i32
      %scan3A_378 = arith.constant 1 : i32
      %scan3A_379 = scf.for %scan3A_487 = %scan3A_375 to %scan3A_377 step %scan3A_378 iter_args(%scan3A_488 = %scan3A_374) -> (i32)  : i32 {
        %mul3A_489 = arith.constant 16 : i32
        %mul3A_490 = arith.muli %scan3A_487, %mul3A_489 : i32
        %get3A_491 = arith.index_cast %mul3A_490 : i32 to index
        %get3A_492 = tpu.vector_load %arg15[%get3A_491] {strides = array<i32>} : memref<512xi32, #tpu.memory_space<vmem>>, vector<16xi32>,
        %mul3A_493 = arith.constant 16 : i32
        %mul3A_494 = arith.muli %scan3A_487, %mul3A_493 : i32
        %get3A_495 = arith.index_cast %mul3A_494 : i32 to index
        %get3A_496 = tpu.vector_load %arg16[%get3A_495] {strides = array<i32>} : memref<512xi32, #tpu.memory_space<vmem>>, vector<16xi32>,
        %broadcast_in_dim3A_497 = vector.shape_cast %xor3A_373 : vector<16xi32> to vector<16x1xi32>
        %gather3A_498 = vector.shape_cast %broadcast_in_dim3A_497 : vector<16x1xi32> to vector<16xi32>
        %gather3A_499 = tpu.dynamic_gather %get3A_492[%gather3A_498] in [0] : vector<16xi32>, vector<16xi32> -> vector<16xi32>
        %broadcast_in_dim3A_500 = vector.shape_cast %xor3A_373 : vector<16xi32> to vector<16x1xi32>
        %gather3A_501 = vector.shape_cast %broadcast_in_dim3A_500 : vector<16x1xi32> to vector<16xi32>
        %gather3A_502 = tpu.dynamic_gather %get3A_496[%gather3A_501] in [0] : vector<16xi32>, vector<16xi32> -> vector<16xi32>
        %and3A_503 = arith.constant 2 : i32
        %and3A_504 = vector.broadcast %and3A_503 : i32 to vector<16xi32>
        %and3A_505 = arith.andi %iota3A, %and3A_504 : vector<16xi32>
        %eq3A = arith.constant 0 : i32
        %eq3A_506 = vector.broadcast %eq3A : i32 to vector<16xi32>
        %eq3A_507 = arith.cmpi eq, %and3A_505, %eq3A_506 : vector<16xi32>
        %select_n3A = arith.select %eq3A_507, %get3A_492, %gather3A_499 : vector<16xi1>, vector<16xi32>
        %select_n3A_508 = arith.select %eq3A_507, %gather3A_499, %get3A_492 : vector<16xi1>, vector<16xi32>
        %select_n3A_509 = arith.select %eq3A_507, %get3A_496, %gather3A_502 : vector<16xi1>, vector<16xi32>
        %select_n3A_510 = arith.select %eq3A_507, %gather3A_502, %get3A_496 : vector<16xi1>, vector<16xi32>
        %mul3A_511 = arith.constant 16 : i32
        %mul3A_512 = arith.muli %scan3A_487, %mul3A_511 : i32
        %add3A_513 = vector.broadcast %mul3A_512 : i32 to vector<16xi32>
        %add3A_514 = arith.addi %add3A_513, %iota3A : vector<16xi32>
        %and3A_515 = arith.constant 256 : i32
        %and3A_516 = vector.broadcast %and3A_515 : i32 to vector<16xi32>
        %and3A_517 = arith.andi %add3A_514, %and3A_516 : vector<16xi32>
        %eq3A_518 = arith.constant 0 : i32
        %eq3A_519 = vector.broadcast %eq3A_518 : i32 to vector<16xi32>
        %eq3A_520 = arith.cmpi eq, %and3A_517, %eq3A_519 : vector<16xi32>
        %gt3A = arith.cmpi ugt, %select_n3A, %select_n3A_508 : vector<16xi32>
        %eq3A_521 = arith.cmpi eq, %select_n3A, %select_n3A_508 : vector<16xi32>
        %lt3A_522 = arith.cmpi slt, %select_n3A_509, %select_n3A_510 : vector<16xi32>
        %and3A_523 = arith.andi %eq3A_521, %lt3A_522 : vector<16xi1>
        %or3A = arith.ori %gt3A, %and3A_523 : vector<16xi1>
        %xor3A_524 = arith.xori %or3A, %eq3A_520 : vector<16xi1>
        %select_n3A_525 = arith.select %xor3A_524, %gather3A_499, %get3A_492 : vector<16xi1>, vector<16xi32>
        %mul3A_526 = arith.constant 16 : i32
        %mul3A_527 = arith.muli %scan3A_487, %mul3A_526 : i32
        %swap3A = arith.index_cast %mul3A_527 : i32 to index
        %swap3A_528 = tpu.vector_load %arg15[%swap3A] {strides = array<i32>} : memref<512xi32, #tpu.memory_space<vmem>>, vector<16xi32>,
        tpu.vector_store %arg15[%swap3A], %select_n3A_525 {strides = array<i32>} : memref<512xi32, #tpu.memory_space<vmem>>, vector<16xi32>,
        %select_n3A_529 = arith.select %xor3A_524, %gather3A_502, %get3A_496 : vector<16xi1>, vector<16xi32>
        %mul3A_530 = arith.constant 16 : i32
        %mul3A_531 = arith.muli %scan3A_487, %mul3A_530 : i32
        %swap3A_532 = arith.index_cast %mul3A_531 : i32 to index
        %swap3A_533 = tpu.vector_load %arg16[%swap3A_532] {strides = array<i32>} : memref<512xi32, #tpu.memory_space<vmem>>, vector<16xi32>,
        tpu.vector_store %arg16[%swap3A_532], %select_n3A_529 {strides = array<i32>} : memref<512xi32, #tpu.memory_space<vmem>>, vector<16xi32>,
        %scan3A_534 = arith.constant 0 : i32
        scf.yield %scan3A_534 : i32
      }
      %scan3A_380 = arith.constant 32 : i32
      %xor3A_381 = arith.constant 1 : i32
      %xor3A_382 = vector.broadcast %xor3A_381 : i32 to vector<16xi32>
      %xor3A_383 = arith.xori %iota3A, %xor3A_382 : vector<16xi32>
      %scan3A_384 = arith.constant 0 : i32
      %scan3A_385 = arith.constant 0 : i32
      %scan3A_386 = arith.constant 32 : i32
      %scan3A_387 = arith.addi %scan3A_385, %scan3A_386 : i32
      %scan3A_388 = arith.constant 1 : i32
      %scan3A_389 = scf.for %scan3A_487 = %scan3A_385 to %scan3A_387 step %scan3A_388 iter_args(%scan3A_488 = %scan3A_384) -> (i32)  : i32 {
        %mul3A_489 = arith.constant 16 : i32
        %mul3A_490 = arith.muli %scan3A_487, %mul3A_489 : i32
        %get3A_491 = arith.index_cast %mul3A_490 : i32 to index
        %get3A_492 = tpu.vector_load %arg15[%get3A_491] {strides = array<i32>} : memref<512xi32, #tpu.memory_space<vmem>>, vector<16xi32>,
        %mul3A_493 = arith.constant 16 : i32
        %mul3A_494 = arith.muli %scan3A_487, %mul3A_493 : i32
        %get3A_495 = arith.index_cast %mul3A_494 : i32 to index
        %get3A_496 = tpu.vector_load %arg16[%get3A_495] {strides = array<i32>} : memref<512xi32, #tpu.memory_space<vmem>>, vector<16xi32>,
        %broadcast_in_dim3A_497 = vector.shape_cast %xor3A_383 : vector<16xi32> to vector<16x1xi32>
        %gather3A_498 = vector.shape_cast %broadcast_in_dim3A_497 : vector<16x1xi32> to vector<16xi32>
        %gather3A_499 = tpu.dynamic_gather %get3A_492[%gather3A_498] in [0] : vector<16xi32>, vector<16xi32> -> vector<16xi32>
        %broadcast_in_dim3A_500 = vector.shape_cast %xor3A_383 : vector<16xi32> to vector<16x1xi32>
        %gather3A_501 = vector.shape_cast %broadcast_in_dim3A_500 : vector<16x1xi32> to vector<16xi32>
        %gather3A_502 = tpu.dynamic_gather %get3A_496[%gather3A_501] in [0] : vector<16xi32>, vector<16xi32> -> vector<16xi32>
        %and3A_503 = arith.constant 1 : i32
        %and3A_504 = vector.broadcast %and3A_503 : i32 to vector<16xi32>
        %and3A_505 = arith.andi %iota3A, %and3A_504 : vector<16xi32>
        %eq3A = arith.constant 0 : i32
        %eq3A_506 = vector.broadcast %eq3A : i32 to vector<16xi32>
        %eq3A_507 = arith.cmpi eq, %and3A_505, %eq3A_506 : vector<16xi32>
        %select_n3A = arith.select %eq3A_507, %get3A_492, %gather3A_499 : vector<16xi1>, vector<16xi32>
        %select_n3A_508 = arith.select %eq3A_507, %gather3A_499, %get3A_492 : vector<16xi1>, vector<16xi32>
        %select_n3A_509 = arith.select %eq3A_507, %get3A_496, %gather3A_502 : vector<16xi1>, vector<16xi32>
        %select_n3A_510 = arith.select %eq3A_507, %gather3A_502, %get3A_496 : vector<16xi1>, vector<16xi32>
        %mul3A_511 = arith.constant 16 : i32
        %mul3A_512 = arith.muli %scan3A_487, %mul3A_511 : i32
        %add3A_513 = vector.broadcast %mul3A_512 : i32 to vector<16xi32>
        %add3A_514 = arith.addi %add3A_513, %iota3A : vector<16xi32>
        %and3A_515 = arith.constant 256 : i32
        %and3A_516 = vector.broadcast %and3A_515 : i32 to vector<16xi32>
        %and3A_517 = arith.andi %add3A_514, %and3A_516 : vector<16xi32>
        %eq3A_518 = arith.constant 0 : i32
        %eq3A_519 = vector.broadcast %eq3A_518 : i32 to vector<16xi32>
        %eq3A_520 = arith.cmpi eq, %and3A_517, %eq3A_519 : vector<16xi32>
        %gt3A = arith.cmpi ugt, %select_n3A, %select_n3A_508 : vector<16xi32>
        %eq3A_521 = arith.cmpi eq, %select_n3A, %select_n3A_508 : vector<16xi32>
        %lt3A_522 = arith.cmpi slt, %select_n3A_509, %select_n3A_510 : vector<16xi32>
        %and3A_523 = arith.andi %eq3A_521, %lt3A_522 : vector<16xi1>
        %or3A = arith.ori %gt3A, %and3A_523 : vector<16xi1>
        %xor3A_524 = arith.xori %or3A, %eq3A_520 : vector<16xi1>
        %select_n3A_525 = arith.select %xor3A_524, %gather3A_499, %get3A_492 : vector<16xi1>, vector<16xi32>
        %mul3A_526 = arith.constant 16 : i32
        %mul3A_527 = arith.muli %scan3A_487, %mul3A_526 : i32
        %swap3A = arith.index_cast %mul3A_527 : i32 to index
        %swap3A_528 = tpu.vector_load %arg15[%swap3A] {strides = array<i32>} : memref<512xi32, #tpu.memory_space<vmem>>, vector<16xi32>,
        tpu.vector_store %arg15[%swap3A], %select_n3A_525 {strides = array<i32>} : memref<512xi32, #tpu.memory_space<vmem>>, vector<16xi32>,
        %select_n3A_529 = arith.select %xor3A_524, %gather3A_502, %get3A_496 : vector<16xi1>, vector<16xi32>
        %mul3A_530 = arith.constant 16 : i32
        %mul3A_531 = arith.muli %scan3A_487, %mul3A_530 : i32
        %swap3A_532 = arith.index_cast %mul3A_531 : i32 to index
        %swap3A_533 = tpu.vector_load %arg16[%swap3A_532] {strides = array<i32>} : memref<512xi32, #tpu.memory_space<vmem>>, vector<16xi32>,
        tpu.vector_store %arg16[%swap3A_532], %select_n3A_529 {strides = array<i32>} : memref<512xi32, #tpu.memory_space<vmem>>, vector<16xi32>,
        %scan3A_534 = arith.constant 0 : i32
        scf.yield %scan3A_534 : i32
      }
      %scan3A_390 = arith.constant 32 : i32
      %scan3A_391 = arith.constant 0 : i32
      %scan3A_392 = arith.constant 0 : i32
      %scan3A_393 = arith.constant 16 : i32
      %scan3A_394 = arith.addi %scan3A_392, %scan3A_393 : i32
      %scan3A_395 = arith.constant 1 : i32
      %scan3A_396 = scf.for %scan3A_487 = %scan3A_392 to %scan3A_394 step %scan3A_395 iter_args(%scan3A_488 = %scan3A_391) -> (i32)  : i32 {
        %shift_right_arithmetic3A = arith.constant 4 : i32
        %shift_right_arithmetic3A_489 = arith.shrsi %scan3A_487, %shift_right_arithmetic3A : i32
        %shift_left3A = arith.constant 5 : i32
        %shift_left3A_490 = arith.shli %shift_right_arithmetic3A_489, %shift_left3A : i32
        %and3A_491 = arith.constant 15 : i32
        %and3A_492 = arith.andi %scan3A_487, %and3A_491 : i32
        %or3A = arith.ori %shift_left3A_490, %and3A_492 : i32
        %or3A_493 = arith.constant 16 : i32
        %or3A_494 = arith.ori %or3A, %or3A_493 : i32
        %mul3A_495 = arith.constant 16 : i32
        %mul3A_496 = arith.muli %or3A, %mul3A_495 : i32
        %get3A_497 = arith.index_cast %mul3A_496 : i32 to index
        %get3A_498 = tpu.vector_load %arg15[%get3A_497] {strides = array<i32>} : memref<512xi32, #tpu.memory_space<vmem>>, vector<16xi32>,
        %mul3A_499 = arith.constant 16 : i32
        %mul3A_500 = arith.muli %or3A, %mul3A_499 : i32
        %get3A_501 = arith.index_cast %mul3A_500 : i32 to index
        %get3A_502 = tpu.vector_load %arg16[%get3A_501] {strides = array<i32>} : memref<512xi32, #tpu.memory_space<vmem>>, vector<16xi32>,
        %mul3A_503 = arith.constant 16 : i32
        %mul3A_504 = arith.muli %or3A_494, %mul3A_503 : i32
        %get3A_505 = arith.index_cast %mul3A_504 : i32 to index
        %get3A_506 = tpu.vector_load %arg15[%get3A_505] {strides = array<i32>} : memref<512xi32, #tpu.memory_space<vmem>>, vector<16xi32>,
        %mul3A_507 = arith.constant 16 : i32
        %mul3A_508 = arith.muli %or3A_494, %mul3A_507 : i32
        %get3A_509 = arith.index_cast %mul3A_508 : i32 to index
        %get3A_510 = tpu.vector_load %arg16[%get3A_509] {strides = array<i32>} : memref<512xi32, #tpu.memory_space<vmem>>, vector<16xi32>,
        %mul3A_511 = arith.constant 16 : i32
        %mul3A_512 = arith.muli %or3A, %mul3A_511 : i32
        %and3A_513 = arith.constant 512 : i32
        %and3A_514 = arith.andi %mul3A_512, %and3A_513 : i32
        %eq3A = arith.constant 0 : i32
        %eq3A_515 = arith.cmpi eq, %and3A_514, %eq3A : i32
        %gt3A = arith.cmpi ugt, %get3A_498, %get3A_506 : vector<16xi32>
        %eq3A_516 = arith.cmpi eq, %get3A_498, %get3A_506 : vector<16xi32>
        %lt3A_517 = arith.cmpi slt, %get3A_502, %get3A_510 : vector<16xi32>
        %and3A_518 = arith.andi %eq3A_516, %lt3A_517 : vector<16xi1>
        %or3A_519 = arith.ori %gt3A, %and3A_518 : vector<16xi1>
        %xor3A_520 = vector.broadcast %eq3A_515 : i1 to vector<16xi1>
        %xor3A_521 = arith.xori %or3A_519, %xor3A_520 : vector<16xi1>
        %select_n3A = arith.select %xor3A_521, %get3A_506, %get3A_498 : vector<16xi1>, vector<16xi32>
        %mul3A_522 = arith.constant 16 : i32
        %mul3A_523 = arith.muli %or3A, %mul3A_522 : i32
        %swap3A = arith.index_cast %mul3A_523 : i32 to index
        %swap3A_524 = tpu.vector_load %arg15[%swap3A] {strides = array<i32>} : memref<512xi32, #tpu.memory_space<vmem>>, vector<16xi32>,
        tpu.vector_store %arg15[%swap3A], %select_n3A {strides = array<i32>} : memref<512xi32, #tpu.memory_space<vmem>>, vector<16xi32>,
        %select_n3A_525 = arith.select %xor3A_521, %get3A_510, %get3A_502 : vector<16xi1>, vector<16xi32>
        %mul3A_526 = arith.constant 16 : i32
        %mul3A_527 = arith.muli %or3A, %mul3A_526 : i32
        %swap3A_528 = arith.index_cast %mul3A_527 : i32 to index
        %swap3A_529 = tpu.vector_load %arg16[%swap3A_528] {strides = array<i32>} : memref<512xi32, #tpu.memory_space<vmem>>, vector<16xi32>,
        tpu.vector_store %arg16[%swap3A_528], %select_n3A_525 {strides = array<i32>} : memref<512xi32, #tpu.memory_space<vmem>>, vector<16xi32>,
        %select_n3A_530 = arith.select %xor3A_521, %get3A_498, %get3A_506 : vector<16xi1>, vector<16xi32>
        %mul3A_531 = arith.constant 16 : i32
        %mul3A_532 = arith.muli %or3A_494, %mul3A_531 : i32
        %swap3A_533 = arith.index_cast %mul3A_532 : i32 to index
        %swap3A_534 = tpu.vector_load %arg15[%swap3A_533] {strides = array<i32>} : memref<512xi32, #tpu.memory_space<vmem>>, vector<16xi32>,
        tpu.vector_store %arg15[%swap3A_533], %select_n3A_530 {strides = array<i32>} : memref<512xi32, #tpu.memory_space<vmem>>, vector<16xi32>,
        %select_n3A_535 = arith.select %xor3A_521, %get3A_502, %get3A_510 : vector<16xi1>, vector<16xi32>
        %mul3A_536 = arith.constant 16 : i32
        %mul3A_537 = arith.muli %or3A_494, %mul3A_536 : i32
        %swap3A_538 = arith.index_cast %mul3A_537 : i32 to index
        %swap3A_539 = tpu.vector_load %arg16[%swap3A_538] {strides = array<i32>} : memref<512xi32, #tpu.memory_space<vmem>>, vector<16xi32>,
        tpu.vector_store %arg16[%swap3A_538], %select_n3A_535 {strides = array<i32>} : memref<512xi32, #tpu.memory_space<vmem>>, vector<16xi32>,
        %scan3A_540 = arith.constant 0 : i32
        scf.yield %scan3A_540 : i32
      }
      %scan3A_397 = arith.constant 16 : i32
      %scan3A_398 = arith.constant 0 : i32
      %scan3A_399 = arith.constant 0 : i32
      %scan3A_400 = arith.constant 16 : i32
      %scan3A_401 = arith.addi %scan3A_399, %scan3A_400 : i32
      %scan3A_402 = arith.constant 1 : i32
      %scan3A_403 = scf.for %scan3A_487 = %scan3A_399 to %scan3A_401 step %scan3A_402 iter_args(%scan3A_488 = %scan3A_398) -> (i32)  : i32 {
        %shift_right_arithmetic3A = arith.constant 3 : i32
        %shift_right_arithmetic3A_489 = arith.shrsi %scan3A_487, %shift_right_arithmetic3A : i32
        %shift_left3A = arith.constant 4 : i32
        %shift_left3A_490 = arith.shli %shift_right_arithmetic3A_489, %shift_left3A : i32
        %and3A_491 = arith.constant 7 : i32
        %and3A_492 = arith.andi %scan3A_487, %and3A_491 : i32
        %or3A = arith.ori %shift_left3A_490, %and3A_492 : i32
        %or3A_493 = arith.constant 8 : i32
        %or3A_494 = arith.ori %or3A, %or3A_493 : i32
        %mul3A_495 = arith.constant 16 : i32
        %mul3A_496 = arith.muli %or3A, %mul3A_495 : i32
        %get3A_497 = arith.index_cast %mul3A_496 : i32 to index
        %get3A_498 = tpu.vector_load %arg15[%get3A_497] {strides = array<i32>} : memref<512xi32, #tpu.memory_space<vmem>>, vector<16xi32>,
        %mul3A_499 = arith.constant 16 : i32
        %mul3A_500 = arith.muli %or3A, %mul3A_499 : i32
        %get3A_501 = arith.index_cast %mul3A_500 : i32 to index
        %get3A_502 = tpu.vector_load %arg16[%get3A_501] {strides = array<i32>} : memref<512xi32, #tpu.memory_space<vmem>>, vector<16xi32>,
        %mul3A_503 = arith.constant 16 : i32
        %mul3A_504 = arith.muli %or3A_494, %mul3A_503 : i32
        %get3A_505 = arith.index_cast %mul3A_504 : i32 to index
        %get3A_506 = tpu.vector_load %arg15[%get3A_505] {strides = array<i32>} : memref<512xi32, #tpu.memory_space<vmem>>, vector<16xi32>,
        %mul3A_507 = arith.constant 16 : i32
        %mul3A_508 = arith.muli %or3A_494, %mul3A_507 : i32
        %get3A_509 = arith.index_cast %mul3A_508 : i32 to index
        %get3A_510 = tpu.vector_load %arg16[%get3A_509] {strides = array<i32>} : memref<512xi32, #tpu.memory_space<vmem>>, vector<16xi32>,
        %mul3A_511 = arith.constant 16 : i32
        %mul3A_512 = arith.muli %or3A, %mul3A_511 : i32
        %and3A_513 = arith.constant 512 : i32
        %and3A_514 = arith.andi %mul3A_512, %and3A_513 : i32
        %eq3A = arith.constant 0 : i32
        %eq3A_515 = arith.cmpi eq, %and3A_514, %eq3A : i32
        %gt3A = arith.cmpi ugt, %get3A_498, %get3A_506 : vector<16xi32>
        %eq3A_516 = arith.cmpi eq, %get3A_498, %get3A_506 : vector<16xi32>
        %lt3A_517 = arith.cmpi slt, %get3A_502, %get3A_510 : vector<16xi32>
        %and3A_518 = arith.andi %eq3A_516, %lt3A_517 : vector<16xi1>
        %or3A_519 = arith.ori %gt3A, %and3A_518 : vector<16xi1>
        %xor3A_520 = vector.broadcast %eq3A_515 : i1 to vector<16xi1>
        %xor3A_521 = arith.xori %or3A_519, %xor3A_520 : vector<16xi1>
        %select_n3A = arith.select %xor3A_521, %get3A_506, %get3A_498 : vector<16xi1>, vector<16xi32>
        %mul3A_522 = arith.constant 16 : i32
        %mul3A_523 = arith.muli %or3A, %mul3A_522 : i32
        %swap3A = arith.index_cast %mul3A_523 : i32 to index
        %swap3A_524 = tpu.vector_load %arg15[%swap3A] {strides = array<i32>} : memref<512xi32, #tpu.memory_space<vmem>>, vector<16xi32>,
        tpu.vector_store %arg15[%swap3A], %select_n3A {strides = array<i32>} : memref<512xi32, #tpu.memory_space<vmem>>, vector<16xi32>,
        %select_n3A_525 = arith.select %xor3A_521, %get3A_510, %get3A_502 : vector<16xi1>, vector<16xi32>
        %mul3A_526 = arith.constant 16 : i32
        %mul3A_527 = arith.muli %or3A, %mul3A_526 : i32
        %swap3A_528 = arith.index_cast %mul3A_527 : i32 to index
        %swap3A_529 = tpu.vector_load %arg16[%swap3A_528] {strides = array<i32>} : memref<512xi32, #tpu.memory_space<vmem>>, vector<16xi32>,
        tpu.vector_store %arg16[%swap3A_528], %select_n3A_525 {strides = array<i32>} : memref<512xi32, #tpu.memory_space<vmem>>, vector<16xi32>,
        %select_n3A_530 = arith.select %xor3A_521, %get3A_498, %get3A_506 : vector<16xi1>, vector<16xi32>
        %mul3A_531 = arith.constant 16 : i32
        %mul3A_532 = arith.muli %or3A_494, %mul3A_531 : i32
        %swap3A_533 = arith.index_cast %mul3A_532 : i32 to index
        %swap3A_534 = tpu.vector_load %arg15[%swap3A_533] {strides = array<i32>} : memref<512xi32, #tpu.memory_space<vmem>>, vector<16xi32>,
        tpu.vector_store %arg15[%swap3A_533], %select_n3A_530 {strides = array<i32>} : memref<512xi32, #tpu.memory_space<vmem>>, vector<16xi32>,
        %select_n3A_535 = arith.select %xor3A_521, %get3A_502, %get3A_510 : vector<16xi1>, vector<16xi32>
        %mul3A_536 = arith.constant 16 : i32
        %mul3A_537 = arith.muli %or3A_494, %mul3A_536 : i32
        %swap3A_538 = arith.index_cast %mul3A_537 : i32 to index
        %swap3A_539 = tpu.vector_load %arg16[%swap3A_538] {strides = array<i32>} : memref<512xi32, #tpu.memory_space<vmem>>, vector<16xi32>,
        tpu.vector_store %arg16[%swap3A_538], %select_n3A_535 {strides = array<i32>} : memref<512xi32, #tpu.memory_space<vmem>>, vector<16xi32>,
        %scan3A_540 = arith.constant 0 : i32
        scf.yield %scan3A_540 : i32
      }
      %scan3A_404 = arith.constant 16 : i32
      %scan3A_405 = arith.constant 0 : i32
      %scan3A_406 = arith.constant 0 : i32
      %scan3A_407 = arith.constant 16 : i32
      %scan3A_408 = arith.addi %scan3A_406, %scan3A_407 : i32
      %scan3A_409 = arith.constant 1 : i32
      %scan3A_410 = scf.for %scan3A_487 = %scan3A_406 to %scan3A_408 step %scan3A_409 iter_args(%scan3A_488 = %scan3A_405) -> (i32)  : i32 {
        %shift_right_arithmetic3A = arith.constant 2 : i32
        %shift_right_arithmetic3A_489 = arith.shrsi %scan3A_487, %shift_right_arithmetic3A : i32
        %shift_left3A = arith.constant 3 : i32
        %shift_left3A_490 = arith.shli %shift_right_arithmetic3A_489, %shift_left3A : i32
        %and3A_491 = arith.constant 3 : i32
        %and3A_492 = arith.andi %scan3A_487, %and3A_491 : i32
        %or3A = arith.ori %shift_left3A_490, %and3A_492 : i32
        %or3A_493 = arith.constant 4 : i32
        %or3A_494 = arith.ori %or3A, %or3A_493 : i32
        %mul3A_495 = arith.constant 16 : i32
        %mul3A_496 = arith.muli %or3A, %mul3A_495 : i32
        %get3A_497 = arith.index_cast %mul3A_496 : i32 to index
        %get3A_498 = tpu.vector_load %arg15[%get3A_497] {strides = array<i32>} : memref<512xi32, #tpu.memory_space<vmem>>, vector<16xi32>,
        %mul3A_499 = arith.constant 16 : i32
        %mul3A_500 = arith.muli %or3A, %mul3A_499 : i32
        %get3A_501 = arith.index_cast %mul3A_500 : i32 to index
        %get3A_502 = tpu.vector_load %arg16[%get3A_501] {strides = array<i32>} : memref<512xi32, #tpu.memory_space<vmem>>, vector<16xi32>,
        %mul3A_503 = arith.constant 16 : i32
        %mul3A_504 = arith.muli %or3A_494, %mul3A_503 : i32
        %get3A_505 = arith.index_cast %mul3A_504 : i32 to index
        %get3A_506 = tpu.vector_load %arg15[%get3A_505] {strides = array<i32>} : memref<512xi32, #tpu.memory_space<vmem>>, vector<16xi32>,
        %mul3A_507 = arith.constant 16 : i32
        %mul3A_508 = arith.muli %or3A_494, %mul3A_507 : i32
        %get3A_509 = arith.index_cast %mul3A_508 : i32 to index
        %get3A_510 = tpu.vector_load %arg16[%get3A_509] {strides = array<i32>} : memref<512xi32, #tpu.memory_space<vmem>>, vector<16xi32>,
        %mul3A_511 = arith.constant 16 : i32
        %mul3A_512 = arith.muli %or3A, %mul3A_511 : i32
        %and3A_513 = arith.constant 512 : i32
        %and3A_514 = arith.andi %mul3A_512, %and3A_513 : i32
        %eq3A = arith.constant 0 : i32
        %eq3A_515 = arith.cmpi eq, %and3A_514, %eq3A : i32
        %gt3A = arith.cmpi ugt, %get3A_498, %get3A_506 : vector<16xi32>
        %eq3A_516 = arith.cmpi eq, %get3A_498, %get3A_506 : vector<16xi32>
        %lt3A_517 = arith.cmpi slt, %get3A_502, %get3A_510 : vector<16xi32>
        %and3A_518 = arith.andi %eq3A_516, %lt3A_517 : vector<16xi1>
        %or3A_519 = arith.ori %gt3A, %and3A_518 : vector<16xi1>
        %xor3A_520 = vector.broadcast %eq3A_515 : i1 to vector<16xi1>
        %xor3A_521 = arith.xori %or3A_519, %xor3A_520 : vector<16xi1>
        %select_n3A = arith.select %xor3A_521, %get3A_506, %get3A_498 : vector<16xi1>, vector<16xi32>
        %mul3A_522 = arith.constant 16 : i32
        %mul3A_523 = arith.muli %or3A, %mul3A_522 : i32
        %swap3A = arith.index_cast %mul3A_523 : i32 to index
        %swap3A_524 = tpu.vector_load %arg15[%swap3A] {strides = array<i32>} : memref<512xi32, #tpu.memory_space<vmem>>, vector<16xi32>,
        tpu.vector_store %arg15[%swap3A], %select_n3A {strides = array<i32>} : memref<512xi32, #tpu.memory_space<vmem>>, vector<16xi32>,
        %select_n3A_525 = arith.select %xor3A_521, %get3A_510, %get3A_502 : vector<16xi1>, vector<16xi32>
        %mul3A_526 = arith.constant 16 : i32
        %mul3A_527 = arith.muli %or3A, %mul3A_526 : i32
        %swap3A_528 = arith.index_cast %mul3A_527 : i32 to index
        %swap3A_529 = tpu.vector_load %arg16[%swap3A_528] {strides = array<i32>} : memref<512xi32, #tpu.memory_space<vmem>>, vector<16xi32>,
        tpu.vector_store %arg16[%swap3A_528], %select_n3A_525 {strides = array<i32>} : memref<512xi32, #tpu.memory_space<vmem>>, vector<16xi32>,
        %select_n3A_530 = arith.select %xor3A_521, %get3A_498, %get3A_506 : vector<16xi1>, vector<16xi32>
        %mul3A_531 = arith.constant 16 : i32
        %mul3A_532 = arith.muli %or3A_494, %mul3A_531 : i32
        %swap3A_533 = arith.index_cast %mul3A_532 : i32 to index
        %swap3A_534 = tpu.vector_load %arg15[%swap3A_533] {strides = array<i32>} : memref<512xi32, #tpu.memory_space<vmem>>, vector<16xi32>,
        tpu.vector_store %arg15[%swap3A_533], %select_n3A_530 {strides = array<i32>} : memref<512xi32, #tpu.memory_space<vmem>>, vector<16xi32>,
        %select_n3A_535 = arith.select %xor3A_521, %get3A_502, %get3A_510 : vector<16xi1>, vector<16xi32>
        %mul3A_536 = arith.constant 16 : i32
        %mul3A_537 = arith.muli %or3A_494, %mul3A_536 : i32
        %swap3A_538 = arith.index_cast %mul3A_537 : i32 to index
        %swap3A_539 = tpu.vector_load %arg16[%swap3A_538] {strides = array<i32>} : memref<512xi32, #tpu.memory_space<vmem>>, vector<16xi32>,
        tpu.vector_store %arg16[%swap3A_538], %select_n3A_535 {strides = array<i32>} : memref<512xi32, #tpu.memory_space<vmem>>, vector<16xi32>,
        %scan3A_540 = arith.constant 0 : i32
        scf.yield %scan3A_540 : i32
      }
      %scan3A_411 = arith.constant 16 : i32
      %scan3A_412 = arith.constant 0 : i32
      %scan3A_413 = arith.constant 0 : i32
      %scan3A_414 = arith.constant 16 : i32
      %scan3A_415 = arith.addi %scan3A_413, %scan3A_414 : i32
      %scan3A_416 = arith.constant 1 : i32
      %scan3A_417 = scf.for %scan3A_487 = %scan3A_413 to %scan3A_415 step %scan3A_416 iter_args(%scan3A_488 = %scan3A_412) -> (i32)  : i32 {
        %shift_right_arithmetic3A = arith.constant 1 : i32
        %shift_right_arithmetic3A_489 = arith.shrsi %scan3A_487, %shift_right_arithmetic3A : i32
        %shift_left3A = arith.constant 2 : i32
        %shift_left3A_490 = arith.shli %shift_right_arithmetic3A_489, %shift_left3A : i32
        %and3A_491 = arith.constant 1 : i32
        %and3A_492 = arith.andi %scan3A_487, %and3A_491 : i32
        %or3A = arith.ori %shift_left3A_490, %and3A_492 : i32
        %or3A_493 = arith.constant 2 : i32
        %or3A_494 = arith.ori %or3A, %or3A_493 : i32
        %mul3A_495 = arith.constant 16 : i32
        %mul3A_496 = arith.muli %or3A, %mul3A_495 : i32
        %get3A_497 = arith.index_cast %mul3A_496 : i32 to index
        %get3A_498 = tpu.vector_load %arg15[%get3A_497] {strides = array<i32>} : memref<512xi32, #tpu.memory_space<vmem>>, vector<16xi32>,
        %mul3A_499 = arith.constant 16 : i32
        %mul3A_500 = arith.muli %or3A, %mul3A_499 : i32
        %get3A_501 = arith.index_cast %mul3A_500 : i32 to index
        %get3A_502 = tpu.vector_load %arg16[%get3A_501] {strides = array<i32>} : memref<512xi32, #tpu.memory_space<vmem>>, vector<16xi32>,
        %mul3A_503 = arith.constant 16 : i32
        %mul3A_504 = arith.muli %or3A_494, %mul3A_503 : i32
        %get3A_505 = arith.index_cast %mul3A_504 : i32 to index
        %get3A_506 = tpu.vector_load %arg15[%get3A_505] {strides = array<i32>} : memref<512xi32, #tpu.memory_space<vmem>>, vector<16xi32>,
        %mul3A_507 = arith.constant 16 : i32
        %mul3A_508 = arith.muli %or3A_494, %mul3A_507 : i32
        %get3A_509 = arith.index_cast %mul3A_508 : i32 to index
        %get3A_510 = tpu.vector_load %arg16[%get3A_509] {strides = array<i32>} : memref<512xi32, #tpu.memory_space<vmem>>, vector<16xi32>,
        %mul3A_511 = arith.constant 16 : i32
        %mul3A_512 = arith.muli %or3A, %mul3A_511 : i32
        %and3A_513 = arith.constant 512 : i32
        %and3A_514 = arith.andi %mul3A_512, %and3A_513 : i32
        %eq3A = arith.constant 0 : i32
        %eq3A_515 = arith.cmpi eq, %and3A_514, %eq3A : i32
        %gt3A = arith.cmpi ugt, %get3A_498, %get3A_506 : vector<16xi32>
        %eq3A_516 = arith.cmpi eq, %get3A_498, %get3A_506 : vector<16xi32>
        %lt3A_517 = arith.cmpi slt, %get3A_502, %get3A_510 : vector<16xi32>
        %and3A_518 = arith.andi %eq3A_516, %lt3A_517 : vector<16xi1>
        %or3A_519 = arith.ori %gt3A, %and3A_518 : vector<16xi1>
        %xor3A_520 = vector.broadcast %eq3A_515 : i1 to vector<16xi1>
        %xor3A_521 = arith.xori %or3A_519, %xor3A_520 : vector<16xi1>
        %select_n3A = arith.select %xor3A_521, %get3A_506, %get3A_498 : vector<16xi1>, vector<16xi32>
        %mul3A_522 = arith.constant 16 : i32
        %mul3A_523 = arith.muli %or3A, %mul3A_522 : i32
        %swap3A = arith.index_cast %mul3A_523 : i32 to index
        %swap3A_524 = tpu.vector_load %arg15[%swap3A] {strides = array<i32>} : memref<512xi32, #tpu.memory_space<vmem>>, vector<16xi32>,
        tpu.vector_store %arg15[%swap3A], %select_n3A {strides = array<i32>} : memref<512xi32, #tpu.memory_space<vmem>>, vector<16xi32>,
        %select_n3A_525 = arith.select %xor3A_521, %get3A_510, %get3A_502 : vector<16xi1>, vector<16xi32>
        %mul3A_526 = arith.constant 16 : i32
        %mul3A_527 = arith.muli %or3A, %mul3A_526 : i32
        %swap3A_528 = arith.index_cast %mul3A_527 : i32 to index
        %swap3A_529 = tpu.vector_load %arg16[%swap3A_528] {strides = array<i32>} : memref<512xi32, #tpu.memory_space<vmem>>, vector<16xi32>,
        tpu.vector_store %arg16[%swap3A_528], %select_n3A_525 {strides = array<i32>} : memref<512xi32, #tpu.memory_space<vmem>>, vector<16xi32>,
        %select_n3A_530 = arith.select %xor3A_521, %get3A_498, %get3A_506 : vector<16xi1>, vector<16xi32>
        %mul3A_531 = arith.constant 16 : i32
        %mul3A_532 = arith.muli %or3A_494, %mul3A_531 : i32
        %swap3A_533 = arith.index_cast %mul3A_532 : i32 to index
        %swap3A_534 = tpu.vector_load %arg15[%swap3A_533] {strides = array<i32>} : memref<512xi32, #tpu.memory_space<vmem>>, vector<16xi32>,
        tpu.vector_store %arg15[%swap3A_533], %select_n3A_530 {strides = array<i32>} : memref<512xi32, #tpu.memory_space<vmem>>, vector<16xi32>,
        %select_n3A_535 = arith.select %xor3A_521, %get3A_502, %get3A_510 : vector<16xi1>, vector<16xi32>
        %mul3A_536 = arith.constant 16 : i32
        %mul3A_537 = arith.muli %or3A_494, %mul3A_536 : i32
        %swap3A_538 = arith.index_cast %mul3A_537 : i32 to index
        %swap3A_539 = tpu.vector_load %arg16[%swap3A_538] {strides = array<i32>} : memref<512xi32, #tpu.memory_space<vmem>>, vector<16xi32>,
        tpu.vector_store %arg16[%swap3A_538], %select_n3A_535 {strides = array<i32>} : memref<512xi32, #tpu.memory_space<vmem>>, vector<16xi32>,
        %scan3A_540 = arith.constant 0 : i32
        scf.yield %scan3A_540 : i32
      }
      %scan3A_418 = arith.constant 16 : i32
      %scan3A_419 = arith.constant 0 : i32
      %scan3A_420 = arith.constant 0 : i32
      %scan3A_421 = arith.constant 16 : i32
      %scan3A_422 = arith.addi %scan3A_420, %scan3A_421 : i32
      %scan3A_423 = arith.constant 1 : i32
      %scan3A_424 = scf.for %scan3A_487 = %scan3A_420 to %scan3A_422 step %scan3A_423 iter_args(%scan3A_488 = %scan3A_419) -> (i32)  : i32 {
        %shift_right_arithmetic3A = arith.constant 0 : i32
        %shift_right_arithmetic3A_489 = arith.shrsi %scan3A_487, %shift_right_arithmetic3A : i32
        %shift_left3A = arith.constant 1 : i32
        %shift_left3A_490 = arith.shli %shift_right_arithmetic3A_489, %shift_left3A : i32
        %and3A_491 = arith.constant 0 : i32
        %and3A_492 = arith.andi %scan3A_487, %and3A_491 : i32
        %or3A = arith.ori %shift_left3A_490, %and3A_492 : i32
        %or3A_493 = arith.constant 1 : i32
        %or3A_494 = arith.ori %or3A, %or3A_493 : i32
        %mul3A_495 = arith.constant 16 : i32
        %mul3A_496 = arith.muli %or3A, %mul3A_495 : i32
        %get3A_497 = arith.index_cast %mul3A_496 : i32 to index
        %get3A_498 = tpu.vector_load %arg15[%get3A_497] {strides = array<i32>} : memref<512xi32, #tpu.memory_space<vmem>>, vector<16xi32>,
        %mul3A_499 = arith.constant 16 : i32
        %mul3A_500 = arith.muli %or3A, %mul3A_499 : i32
        %get3A_501 = arith.index_cast %mul3A_500 : i32 to index
        %get3A_502 = tpu.vector_load %arg16[%get3A_501] {strides = array<i32>} : memref<512xi32, #tpu.memory_space<vmem>>, vector<16xi32>,
        %mul3A_503 = arith.constant 16 : i32
        %mul3A_504 = arith.muli %or3A_494, %mul3A_503 : i32
        %get3A_505 = arith.index_cast %mul3A_504 : i32 to index
        %get3A_506 = tpu.vector_load %arg15[%get3A_505] {strides = array<i32>} : memref<512xi32, #tpu.memory_space<vmem>>, vector<16xi32>,
        %mul3A_507 = arith.constant 16 : i32
        %mul3A_508 = arith.muli %or3A_494, %mul3A_507 : i32
        %get3A_509 = arith.index_cast %mul3A_508 : i32 to index
        %get3A_510 = tpu.vector_load %arg16[%get3A_509] {strides = array<i32>} : memref<512xi32, #tpu.memory_space<vmem>>, vector<16xi32>,
        %mul3A_511 = arith.constant 16 : i32
        %mul3A_512 = arith.muli %or3A, %mul3A_511 : i32
        %and3A_513 = arith.constant 512 : i32
        %and3A_514 = arith.andi %mul3A_512, %and3A_513 : i32
        %eq3A = arith.constant 0 : i32
        %eq3A_515 = arith.cmpi eq, %and3A_514, %eq3A : i32
        %gt3A = arith.cmpi ugt, %get3A_498, %get3A_506 : vector<16xi32>
        %eq3A_516 = arith.cmpi eq, %get3A_498, %get3A_506 : vector<16xi32>
        %lt3A_517 = arith.cmpi slt, %get3A_502, %get3A_510 : vector<16xi32>
        %and3A_518 = arith.andi %eq3A_516, %lt3A_517 : vector<16xi1>
        %or3A_519 = arith.ori %gt3A, %and3A_518 : vector<16xi1>
        %xor3A_520 = vector.broadcast %eq3A_515 : i1 to vector<16xi1>
        %xor3A_521 = arith.xori %or3A_519, %xor3A_520 : vector<16xi1>
        %select_n3A = arith.select %xor3A_521, %get3A_506, %get3A_498 : vector<16xi1>, vector<16xi32>
        %mul3A_522 = arith.constant 16 : i32
        %mul3A_523 = arith.muli %or3A, %mul3A_522 : i32
        %swap3A = arith.index_cast %mul3A_523 : i32 to index
        %swap3A_524 = tpu.vector_load %arg15[%swap3A] {strides = array<i32>} : memref<512xi32, #tpu.memory_space<vmem>>, vector<16xi32>,
        tpu.vector_store %arg15[%swap3A], %select_n3A {strides = array<i32>} : memref<512xi32, #tpu.memory_space<vmem>>, vector<16xi32>,
        %select_n3A_525 = arith.select %xor3A_521, %get3A_510, %get3A_502 : vector<16xi1>, vector<16xi32>
        %mul3A_526 = arith.constant 16 : i32
        %mul3A_527 = arith.muli %or3A, %mul3A_526 : i32
        %swap3A_528 = arith.index_cast %mul3A_527 : i32 to index
        %swap3A_529 = tpu.vector_load %arg16[%swap3A_528] {strides = array<i32>} : memref<512xi32, #tpu.memory_space<vmem>>, vector<16xi32>,
        tpu.vector_store %arg16[%swap3A_528], %select_n3A_525 {strides = array<i32>} : memref<512xi32, #tpu.memory_space<vmem>>, vector<16xi32>,
        %select_n3A_530 = arith.select %xor3A_521, %get3A_498, %get3A_506 : vector<16xi1>, vector<16xi32>
        %mul3A_531 = arith.constant 16 : i32
        %mul3A_532 = arith.muli %or3A_494, %mul3A_531 : i32
        %swap3A_533 = arith.index_cast %mul3A_532 : i32 to index
        %swap3A_534 = tpu.vector_load %arg15[%swap3A_533] {strides = array<i32>} : memref<512xi32, #tpu.memory_space<vmem>>, vector<16xi32>,
        tpu.vector_store %arg15[%swap3A_533], %select_n3A_530 {strides = array<i32>} : memref<512xi32, #tpu.memory_space<vmem>>, vector<16xi32>,
        %select_n3A_535 = arith.select %xor3A_521, %get3A_502, %get3A_510 : vector<16xi1>, vector<16xi32>
        %mul3A_536 = arith.constant 16 : i32
        %mul3A_537 = arith.muli %or3A_494, %mul3A_536 : i32
        %swap3A_538 = arith.index_cast %mul3A_537 : i32 to index
        %swap3A_539 = tpu.vector_load %arg16[%swap3A_538] {strides = array<i32>} : memref<512xi32, #tpu.memory_space<vmem>>, vector<16xi32>,
        tpu.vector_store %arg16[%swap3A_538], %select_n3A_535 {strides = array<i32>} : memref<512xi32, #tpu.memory_space<vmem>>, vector<16xi32>,
        %scan3A_540 = arith.constant 0 : i32
        scf.yield %scan3A_540 : i32
      }
      %scan3A_425 = arith.constant 16 : i32
      %xor3A_426 = arith.constant 8 : i32
      %xor3A_427 = vector.broadcast %xor3A_426 : i32 to vector<16xi32>
      %xor3A_428 = arith.xori %iota3A, %xor3A_427 : vector<16xi32>
      %scan3A_429 = arith.constant 0 : i32
      %scan3A_430 = arith.constant 0 : i32
      %scan3A_431 = arith.constant 32 : i32
      %scan3A_432 = arith.addi %scan3A_430, %scan3A_431 : i32
      %scan3A_433 = arith.constant 1 : i32
      %scan3A_434 = scf.for %scan3A_487 = %scan3A_430 to %scan3A_432 step %scan3A_433 iter_args(%scan3A_488 = %scan3A_429) -> (i32)  : i32 {
        %mul3A_489 = arith.constant 16 : i32
        %mul3A_490 = arith.muli %scan3A_487, %mul3A_489 : i32
        %get3A_491 = arith.index_cast %mul3A_490 : i32 to index
        %get3A_492 = tpu.vector_load %arg15[%get3A_491] {strides = array<i32>} : memref<512xi32, #tpu.memory_space<vmem>>, vector<16xi32>,
        %mul3A_493 = arith.constant 16 : i32
        %mul3A_494 = arith.muli %scan3A_487, %mul3A_493 : i32
        %get3A_495 = arith.index_cast %mul3A_494 : i32 to index
        %get3A_496 = tpu.vector_load %arg16[%get3A_495] {strides = array<i32>} : memref<512xi32, #tpu.memory_space<vmem>>, vector<16xi32>,
        %broadcast_in_dim3A_497 = vector.shape_cast %xor3A_428 : vector<16xi32> to vector<16x1xi32>
        %gather3A_498 = vector.shape_cast %broadcast_in_dim3A_497 : vector<16x1xi32> to vector<16xi32>
        %gather3A_499 = tpu.dynamic_gather %get3A_492[%gather3A_498] in [0] : vector<16xi32>, vector<16xi32> -> vector<16xi32>
        %broadcast_in_dim3A_500 = vector.shape_cast %xor3A_428 : vector<16xi32> to vector<16x1xi32>
        %gather3A_501 = vector.shape_cast %broadcast_in_dim3A_500 : vector<16x1xi32> to vector<16xi32>
        %gather3A_502 = tpu.dynamic_gather %get3A_496[%gather3A_501] in [0] : vector<16xi32>, vector<16xi32> -> vector<16xi32>
        %and3A_503 = arith.constant 8 : i32
        %and3A_504 = vector.broadcast %and3A_503 : i32 to vector<16xi32>
        %and3A_505 = arith.andi %iota3A, %and3A_504 : vector<16xi32>
        %eq3A = arith.constant 0 : i32
        %eq3A_506 = vector.broadcast %eq3A : i32 to vector<16xi32>
        %eq3A_507 = arith.cmpi eq, %and3A_505, %eq3A_506 : vector<16xi32>
        %select_n3A = arith.select %eq3A_507, %get3A_492, %gather3A_499 : vector<16xi1>, vector<16xi32>
        %select_n3A_508 = arith.select %eq3A_507, %gather3A_499, %get3A_492 : vector<16xi1>, vector<16xi32>
        %select_n3A_509 = arith.select %eq3A_507, %get3A_496, %gather3A_502 : vector<16xi1>, vector<16xi32>
        %select_n3A_510 = arith.select %eq3A_507, %gather3A_502, %get3A_496 : vector<16xi1>, vector<16xi32>
        %mul3A_511 = arith.constant 16 : i32
        %mul3A_512 = arith.muli %scan3A_487, %mul3A_511 : i32
        %add3A_513 = vector.broadcast %mul3A_512 : i32 to vector<16xi32>
        %add3A_514 = arith.addi %add3A_513, %iota3A : vector<16xi32>
        %and3A_515 = arith.constant 512 : i32
        %and3A_516 = vector.broadcast %and3A_515 : i32 to vector<16xi32>
        %and3A_517 = arith.andi %add3A_514, %and3A_516 : vector<16xi32>
        %eq3A_518 = arith.constant 0 : i32
        %eq3A_519 = vector.broadcast %eq3A_518 : i32 to vector<16xi32>
        %eq3A_520 = arith.cmpi eq, %and3A_517, %eq3A_519 : vector<16xi32>
        %gt3A = arith.cmpi ugt, %select_n3A, %select_n3A_508 : vector<16xi32>
        %eq3A_521 = arith.cmpi eq, %select_n3A, %select_n3A_508 : vector<16xi32>
        %lt3A_522 = arith.cmpi slt, %select_n3A_509, %select_n3A_510 : vector<16xi32>
        %and3A_523 = arith.andi %eq3A_521, %lt3A_522 : vector<16xi1>
        %or3A = arith.ori %gt3A, %and3A_523 : vector<16xi1>
        %xor3A_524 = arith.xori %or3A, %eq3A_520 : vector<16xi1>
        %select_n3A_525 = arith.select %xor3A_524, %gather3A_499, %get3A_492 : vector<16xi1>, vector<16xi32>
        %mul3A_526 = arith.constant 16 : i32
        %mul3A_527 = arith.muli %scan3A_487, %mul3A_526 : i32
        %swap3A = arith.index_cast %mul3A_527 : i32 to index
        %swap3A_528 = tpu.vector_load %arg15[%swap3A] {strides = array<i32>} : memref<512xi32, #tpu.memory_space<vmem>>, vector<16xi32>,
        tpu.vector_store %arg15[%swap3A], %select_n3A_525 {strides = array<i32>} : memref<512xi32, #tpu.memory_space<vmem>>, vector<16xi32>,
        %select_n3A_529 = arith.select %xor3A_524, %gather3A_502, %get3A_496 : vector<16xi1>, vector<16xi32>
        %mul3A_530 = arith.constant 16 : i32
        %mul3A_531 = arith.muli %scan3A_487, %mul3A_530 : i32
        %swap3A_532 = arith.index_cast %mul3A_531 : i32 to index
        %swap3A_533 = tpu.vector_load %arg16[%swap3A_532] {strides = array<i32>} : memref<512xi32, #tpu.memory_space<vmem>>, vector<16xi32>,
        tpu.vector_store %arg16[%swap3A_532], %select_n3A_529 {strides = array<i32>} : memref<512xi32, #tpu.memory_space<vmem>>, vector<16xi32>,
        %scan3A_534 = arith.constant 0 : i32
        scf.yield %scan3A_534 : i32
      }
      %scan3A_435 = arith.constant 32 : i32
      %xor3A_436 = arith.constant 4 : i32
      %xor3A_437 = vector.broadcast %xor3A_436 : i32 to vector<16xi32>
      %xor3A_438 = arith.xori %iota3A, %xor3A_437 : vector<16xi32>
      %scan3A_439 = arith.constant 0 : i32
      %scan3A_440 = arith.constant 0 : i32
      %scan3A_441 = arith.constant 32 : i32
      %scan3A_442 = arith.addi %scan3A_440, %scan3A_441 : i32
      %scan3A_443 = arith.constant 1 : i32
      %scan3A_444 = scf.for %scan3A_487 = %scan3A_440 to %scan3A_442 step %scan3A_443 iter_args(%scan3A_488 = %scan3A_439) -> (i32)  : i32 {
        %mul3A_489 = arith.constant 16 : i32
        %mul3A_490 = arith.muli %scan3A_487, %mul3A_489 : i32
        %get3A_491 = arith.index_cast %mul3A_490 : i32 to index
        %get3A_492 = tpu.vector_load %arg15[%get3A_491] {strides = array<i32>} : memref<512xi32, #tpu.memory_space<vmem>>, vector<16xi32>,
        %mul3A_493 = arith.constant 16 : i32
        %mul3A_494 = arith.muli %scan3A_487, %mul3A_493 : i32
        %get3A_495 = arith.index_cast %mul3A_494 : i32 to index
        %get3A_496 = tpu.vector_load %arg16[%get3A_495] {strides = array<i32>} : memref<512xi32, #tpu.memory_space<vmem>>, vector<16xi32>,
        %broadcast_in_dim3A_497 = vector.shape_cast %xor3A_438 : vector<16xi32> to vector<16x1xi32>
        %gather3A_498 = vector.shape_cast %broadcast_in_dim3A_497 : vector<16x1xi32> to vector<16xi32>
        %gather3A_499 = tpu.dynamic_gather %get3A_492[%gather3A_498] in [0] : vector<16xi32>, vector<16xi32> -> vector<16xi32>
        %broadcast_in_dim3A_500 = vector.shape_cast %xor3A_438 : vector<16xi32> to vector<16x1xi32>
        %gather3A_501 = vector.shape_cast %broadcast_in_dim3A_500 : vector<16x1xi32> to vector<16xi32>
        %gather3A_502 = tpu.dynamic_gather %get3A_496[%gather3A_501] in [0] : vector<16xi32>, vector<16xi32> -> vector<16xi32>
        %and3A_503 = arith.constant 4 : i32
        %and3A_504 = vector.broadcast %and3A_503 : i32 to vector<16xi32>
        %and3A_505 = arith.andi %iota3A, %and3A_504 : vector<16xi32>
        %eq3A = arith.constant 0 : i32
        %eq3A_506 = vector.broadcast %eq3A : i32 to vector<16xi32>
        %eq3A_507 = arith.cmpi eq, %and3A_505, %eq3A_506 : vector<16xi32>
        %select_n3A = arith.select %eq3A_507, %get3A_492, %gather3A_499 : vector<16xi1>, vector<16xi32>
        %select_n3A_508 = arith.select %eq3A_507, %gather3A_499, %get3A_492 : vector<16xi1>, vector<16xi32>
        %select_n3A_509 = arith.select %eq3A_507, %get3A_496, %gather3A_502 : vector<16xi1>, vector<16xi32>
        %select_n3A_510 = arith.select %eq3A_507, %gather3A_502, %get3A_496 : vector<16xi1>, vector<16xi32>
        %mul3A_511 = arith.constant 16 : i32
        %mul3A_512 = arith.muli %scan3A_487, %mul3A_511 : i32
        %add3A_513 = vector.broadcast %mul3A_512 : i32 to vector<16xi32>
        %add3A_514 = arith.addi %add3A_513, %iota3A : vector<16xi32>
        %and3A_515 = arith.constant 512 : i32
        %and3A_516 = vector.broadcast %and3A_515 : i32 to vector<16xi32>
        %and3A_517 = arith.andi %add3A_514, %and3A_516 : vector<16xi32>
        %eq3A_518 = arith.constant 0 : i32
        %eq3A_519 = vector.broadcast %eq3A_518 : i32 to vector<16xi32>
        %eq3A_520 = arith.cmpi eq, %and3A_517, %eq3A_519 : vector<16xi32>
        %gt3A = arith.cmpi ugt, %select_n3A, %select_n3A_508 : vector<16xi32>
        %eq3A_521 = arith.cmpi eq, %select_n3A, %select_n3A_508 : vector<16xi32>
        %lt3A_522 = arith.cmpi slt, %select_n3A_509, %select_n3A_510 : vector<16xi32>
        %and3A_523 = arith.andi %eq3A_521, %lt3A_522 : vector<16xi1>
        %or3A = arith.ori %gt3A, %and3A_523 : vector<16xi1>
        %xor3A_524 = arith.xori %or3A, %eq3A_520 : vector<16xi1>
        %select_n3A_525 = arith.select %xor3A_524, %gather3A_499, %get3A_492 : vector<16xi1>, vector<16xi32>
        %mul3A_526 = arith.constant 16 : i32
        %mul3A_527 = arith.muli %scan3A_487, %mul3A_526 : i32
        %swap3A = arith.index_cast %mul3A_527 : i32 to index
        %swap3A_528 = tpu.vector_load %arg15[%swap3A] {strides = array<i32>} : memref<512xi32, #tpu.memory_space<vmem>>, vector<16xi32>,
        tpu.vector_store %arg15[%swap3A], %select_n3A_525 {strides = array<i32>} : memref<512xi32, #tpu.memory_space<vmem>>, vector<16xi32>,
        %select_n3A_529 = arith.select %xor3A_524, %gather3A_502, %get3A_496 : vector<16xi1>, vector<16xi32>
        %mul3A_530 = arith.constant 16 : i32
        %mul3A_531 = arith.muli %scan3A_487, %mul3A_530 : i32
        %swap3A_532 = arith.index_cast %mul3A_531 : i32 to index
        %swap3A_533 = tpu.vector_load %arg16[%swap3A_532] {strides = array<i32>} : memref<512xi32, #tpu.memory_space<vmem>>, vector<16xi32>,
        tpu.vector_store %arg16[%swap3A_532], %select_n3A_529 {strides = array<i32>} : memref<512xi32, #tpu.memory_space<vmem>>, vector<16xi32>,
        %scan3A_534 = arith.constant 0 : i32
        scf.yield %scan3A_534 : i32
      }
      %scan3A_445 = arith.constant 32 : i32
      %xor3A_446 = arith.constant 2 : i32
      %xor3A_447 = vector.broadcast %xor3A_446 : i32 to vector<16xi32>
      %xor3A_448 = arith.xori %iota3A, %xor3A_447 : vector<16xi32>
      %scan3A_449 = arith.constant 0 : i32
      %scan3A_450 = arith.constant 0 : i32
      %scan3A_451 = arith.constant 32 : i32
      %scan3A_452 = arith.addi %scan3A_450, %scan3A_451 : i32
      %scan3A_453 = arith.constant 1 : i32
      %scan3A_454 = scf.for %scan3A_487 = %scan3A_450 to %scan3A_452 step %scan3A_453 iter_args(%scan3A_488 = %scan3A_449) -> (i32)  : i32 {
        %mul3A_489 = arith.constant 16 : i32
        %mul3A_490 = arith.muli %scan3A_487, %mul3A_489 : i32
        %get3A_491 = arith.index_cast %mul3A_490 : i32 to index
        %get3A_492 = tpu.vector_load %arg15[%get3A_491] {strides = array<i32>} : memref<512xi32, #tpu.memory_space<vmem>>, vector<16xi32>,
        %mul3A_493 = arith.constant 16 : i32
        %mul3A_494 = arith.muli %scan3A_487, %mul3A_493 : i32
        %get3A_495 = arith.index_cast %mul3A_494 : i32 to index
        %get3A_496 = tpu.vector_load %arg16[%get3A_495] {strides = array<i32>} : memref<512xi32, #tpu.memory_space<vmem>>, vector<16xi32>,
        %broadcast_in_dim3A_497 = vector.shape_cast %xor3A_448 : vector<16xi32> to vector<16x1xi32>
        %gather3A_498 = vector.shape_cast %broadcast_in_dim3A_497 : vector<16x1xi32> to vector<16xi32>
        %gather3A_499 = tpu.dynamic_gather %get3A_492[%gather3A_498] in [0] : vector<16xi32>, vector<16xi32> -> vector<16xi32>
        %broadcast_in_dim3A_500 = vector.shape_cast %xor3A_448 : vector<16xi32> to vector<16x1xi32>
        %gather3A_501 = vector.shape_cast %broadcast_in_dim3A_500 : vector<16x1xi32> to vector<16xi32>
        %gather3A_502 = tpu.dynamic_gather %get3A_496[%gather3A_501] in [0] : vector<16xi32>, vector<16xi32> -> vector<16xi32>
        %and3A_503 = arith.constant 2 : i32
        %and3A_504 = vector.broadcast %and3A_503 : i32 to vector<16xi32>
        %and3A_505 = arith.andi %iota3A, %and3A_504 : vector<16xi32>
        %eq3A = arith.constant 0 : i32
        %eq3A_506 = vector.broadcast %eq3A : i32 to vector<16xi32>
        %eq3A_507 = arith.cmpi eq, %and3A_505, %eq3A_506 : vector<16xi32>
        %select_n3A = arith.select %eq3A_507, %get3A_492, %gather3A_499 : vector<16xi1>, vector<16xi32>
        %select_n3A_508 = arith.select %eq3A_507, %gather3A_499, %get3A_492 : vector<16xi1>, vector<16xi32>
        %select_n3A_509 = arith.select %eq3A_507, %get3A_496, %gather3A_502 : vector<16xi1>, vector<16xi32>
        %select_n3A_510 = arith.select %eq3A_507, %gather3A_502, %get3A_496 : vector<16xi1>, vector<16xi32>
        %mul3A_511 = arith.constant 16 : i32
        %mul3A_512 = arith.muli %scan3A_487, %mul3A_511 : i32
        %add3A_513 = vector.broadcast %mul3A_512 : i32 to vector<16xi32>
        %add3A_514 = arith.addi %add3A_513, %iota3A : vector<16xi32>
        %and3A_515 = arith.constant 512 : i32
        %and3A_516 = vector.broadcast %and3A_515 : i32 to vector<16xi32>
        %and3A_517 = arith.andi %add3A_514, %and3A_516 : vector<16xi32>
        %eq3A_518 = arith.constant 0 : i32
        %eq3A_519 = vector.broadcast %eq3A_518 : i32 to vector<16xi32>
        %eq3A_520 = arith.cmpi eq, %and3A_517, %eq3A_519 : vector<16xi32>
        %gt3A = arith.cmpi ugt, %select_n3A, %select_n3A_508 : vector<16xi32>
        %eq3A_521 = arith.cmpi eq, %select_n3A, %select_n3A_508 : vector<16xi32>
        %lt3A_522 = arith.cmpi slt, %select_n3A_509, %select_n3A_510 : vector<16xi32>
        %and3A_523 = arith.andi %eq3A_521, %lt3A_522 : vector<16xi1>
        %or3A = arith.ori %gt3A, %and3A_523 : vector<16xi1>
        %xor3A_524 = arith.xori %or3A, %eq3A_520 : vector<16xi1>
        %select_n3A_525 = arith.select %xor3A_524, %gather3A_499, %get3A_492 : vector<16xi1>, vector<16xi32>
        %mul3A_526 = arith.constant 16 : i32
        %mul3A_527 = arith.muli %scan3A_487, %mul3A_526 : i32
        %swap3A = arith.index_cast %mul3A_527 : i32 to index
        %swap3A_528 = tpu.vector_load %arg15[%swap3A] {strides = array<i32>} : memref<512xi32, #tpu.memory_space<vmem>>, vector<16xi32>,
        tpu.vector_store %arg15[%swap3A], %select_n3A_525 {strides = array<i32>} : memref<512xi32, #tpu.memory_space<vmem>>, vector<16xi32>,
        %select_n3A_529 = arith.select %xor3A_524, %gather3A_502, %get3A_496 : vector<16xi1>, vector<16xi32>
        %mul3A_530 = arith.constant 16 : i32
        %mul3A_531 = arith.muli %scan3A_487, %mul3A_530 : i32
        %swap3A_532 = arith.index_cast %mul3A_531 : i32 to index
        %swap3A_533 = tpu.vector_load %arg16[%swap3A_532] {strides = array<i32>} : memref<512xi32, #tpu.memory_space<vmem>>, vector<16xi32>,
        tpu.vector_store %arg16[%swap3A_532], %select_n3A_529 {strides = array<i32>} : memref<512xi32, #tpu.memory_space<vmem>>, vector<16xi32>,
        %scan3A_534 = arith.constant 0 : i32
        scf.yield %scan3A_534 : i32
      }
      %scan3A_455 = arith.constant 32 : i32
      %xor3A_456 = arith.constant 1 : i32
      %xor3A_457 = vector.broadcast %xor3A_456 : i32 to vector<16xi32>
      %xor3A_458 = arith.xori %iota3A, %xor3A_457 : vector<16xi32>
      %scan3A_459 = arith.constant 0 : i32
      %scan3A_460 = arith.constant 0 : i32
      %scan3A_461 = arith.constant 32 : i32
      %scan3A_462 = arith.addi %scan3A_460, %scan3A_461 : i32
      %scan3A_463 = arith.constant 1 : i32
      %scan3A_464 = scf.for %scan3A_487 = %scan3A_460 to %scan3A_462 step %scan3A_463 iter_args(%scan3A_488 = %scan3A_459) -> (i32)  : i32 {
        %mul3A_489 = arith.constant 16 : i32
        %mul3A_490 = arith.muli %scan3A_487, %mul3A_489 : i32
        %get3A_491 = arith.index_cast %mul3A_490 : i32 to index
        %get3A_492 = tpu.vector_load %arg15[%get3A_491] {strides = array<i32>} : memref<512xi32, #tpu.memory_space<vmem>>, vector<16xi32>,
        %mul3A_493 = arith.constant 16 : i32
        %mul3A_494 = arith.muli %scan3A_487, %mul3A_493 : i32
        %get3A_495 = arith.index_cast %mul3A_494 : i32 to index
        %get3A_496 = tpu.vector_load %arg16[%get3A_495] {strides = array<i32>} : memref<512xi32, #tpu.memory_space<vmem>>, vector<16xi32>,
        %broadcast_in_dim3A_497 = vector.shape_cast %xor3A_458 : vector<16xi32> to vector<16x1xi32>
        %gather3A_498 = vector.shape_cast %broadcast_in_dim3A_497 : vector<16x1xi32> to vector<16xi32>
        %gather3A_499 = tpu.dynamic_gather %get3A_492[%gather3A_498] in [0] : vector<16xi32>, vector<16xi32> -> vector<16xi32>
        %broadcast_in_dim3A_500 = vector.shape_cast %xor3A_458 : vector<16xi32> to vector<16x1xi32>
        %gather3A_501 = vector.shape_cast %broadcast_in_dim3A_500 : vector<16x1xi32> to vector<16xi32>
        %gather3A_502 = tpu.dynamic_gather %get3A_496[%gather3A_501] in [0] : vector<16xi32>, vector<16xi32> -> vector<16xi32>
        %and3A_503 = arith.constant 1 : i32
        %and3A_504 = vector.broadcast %and3A_503 : i32 to vector<16xi32>
        %and3A_505 = arith.andi %iota3A, %and3A_504 : vector<16xi32>
        %eq3A = arith.constant 0 : i32
        %eq3A_506 = vector.broadcast %eq3A : i32 to vector<16xi32>
        %eq3A_507 = arith.cmpi eq, %and3A_505, %eq3A_506 : vector<16xi32>
        %select_n3A = arith.select %eq3A_507, %get3A_492, %gather3A_499 : vector<16xi1>, vector<16xi32>
        %select_n3A_508 = arith.select %eq3A_507, %gather3A_499, %get3A_492 : vector<16xi1>, vector<16xi32>
        %select_n3A_509 = arith.select %eq3A_507, %get3A_496, %gather3A_502 : vector<16xi1>, vector<16xi32>
        %select_n3A_510 = arith.select %eq3A_507, %gather3A_502, %get3A_496 : vector<16xi1>, vector<16xi32>
        %mul3A_511 = arith.constant 16 : i32
        %mul3A_512 = arith.muli %scan3A_487, %mul3A_511 : i32
        %add3A_513 = vector.broadcast %mul3A_512 : i32 to vector<16xi32>
        %add3A_514 = arith.addi %add3A_513, %iota3A : vector<16xi32>
        %and3A_515 = arith.constant 512 : i32
        %and3A_516 = vector.broadcast %and3A_515 : i32 to vector<16xi32>
        %and3A_517 = arith.andi %add3A_514, %and3A_516 : vector<16xi32>
        %eq3A_518 = arith.constant 0 : i32
        %eq3A_519 = vector.broadcast %eq3A_518 : i32 to vector<16xi32>
        %eq3A_520 = arith.cmpi eq, %and3A_517, %eq3A_519 : vector<16xi32>
        %gt3A = arith.cmpi ugt, %select_n3A, %select_n3A_508 : vector<16xi32>
        %eq3A_521 = arith.cmpi eq, %select_n3A, %select_n3A_508 : vector<16xi32>
        %lt3A_522 = arith.cmpi slt, %select_n3A_509, %select_n3A_510 : vector<16xi32>
        %and3A_523 = arith.andi %eq3A_521, %lt3A_522 : vector<16xi1>
        %or3A = arith.ori %gt3A, %and3A_523 : vector<16xi1>
        %xor3A_524 = arith.xori %or3A, %eq3A_520 : vector<16xi1>
        %select_n3A_525 = arith.select %xor3A_524, %gather3A_499, %get3A_492 : vector<16xi1>, vector<16xi32>
        %mul3A_526 = arith.constant 16 : i32
        %mul3A_527 = arith.muli %scan3A_487, %mul3A_526 : i32
        %swap3A = arith.index_cast %mul3A_527 : i32 to index
        %swap3A_528 = tpu.vector_load %arg15[%swap3A] {strides = array<i32>} : memref<512xi32, #tpu.memory_space<vmem>>, vector<16xi32>,
        tpu.vector_store %arg15[%swap3A], %select_n3A_525 {strides = array<i32>} : memref<512xi32, #tpu.memory_space<vmem>>, vector<16xi32>,
        %select_n3A_529 = arith.select %xor3A_524, %gather3A_502, %get3A_496 : vector<16xi1>, vector<16xi32>
        %mul3A_530 = arith.constant 16 : i32
        %mul3A_531 = arith.muli %scan3A_487, %mul3A_530 : i32
        %swap3A_532 = arith.index_cast %mul3A_531 : i32 to index
        %swap3A_533 = tpu.vector_load %arg16[%swap3A_532] {strides = array<i32>} : memref<512xi32, #tpu.memory_space<vmem>>, vector<16xi32>,
        tpu.vector_store %arg16[%swap3A_532], %select_n3A_529 {strides = array<i32>} : memref<512xi32, #tpu.memory_space<vmem>>, vector<16xi32>,
        %scan3A_534 = arith.constant 0 : i32
        scf.yield %scan3A_534 : i32
      }
      %scan3A_465 = arith.constant 32 : i32
      %scan3A_466 = arith.constant 0 : i32
      %scan3A_467 = arith.constant 0 : i32
      %scan3A_468 = arith.constant 19 : i32
      %scan3A_469 = arith.addi %scan3A_467, %scan3A_468 : i32
      %scan3A_470 = arith.constant 1 : i32
      %scan3A_471 = scf.for %scan3A_487 = %scan3A_467 to %scan3A_469 step %scan3A_470 iter_args(%scan3A_488 = %scan3A_466) -> (i32)  : i32 {
        %mul3A_489 = arith.constant 16 : i32
        %mul3A_490 = arith.muli %scan3A_487, %mul3A_489 : i32
        %get3A_491 = arith.index_cast %mul3A_490 : i32 to index
        %get3A_492 = tpu.vector_load %arg15[%get3A_491] {strides = array<i32>} : memref<512xi32, #tpu.memory_space<vmem>>, vector<16xi32>,
        %get3A_493 = arith.index_cast %mul3A_490 : i32 to index
        %get3A_494 = tpu.vector_load %arg16[%get3A_493] {strides = array<i32>} : memref<512xi32, #tpu.memory_space<vmem>>, vector<16xi32>,
        %ge3A = arith.constant -2147483648 : i32
        %ge3A_495 = vector.broadcast %ge3A : i32 to vector<16xi32>
        %ge3A_496 = arith.cmpi uge, %get3A_492, %ge3A_495 : vector<16xi32>
        %jit3A = arith.constant -2147483648 : i32
        %jit3A_497 = arith.constant -1 : i32
        %broadcast_in_dim3A_498 = vector.broadcast %jit3A : i32 to vector<16xi32>
        %broadcast_in_dim3A_499 = vector.broadcast %jit3A_497 : i32 to vector<16xi32>
        %select_n3A = arith.select %ge3A_496, %broadcast_in_dim3A_498, %broadcast_in_dim3A_499 : vector<16xi1>, vector<16xi32>
        %xor3A_500 = arith.xori %get3A_492, %select_n3A : vector<16xi32>
        %bitcast_convert_type3A = tpu.bitcast %xor3A_500 : vector<16xi32> -> vector<16xf32>
        %neg3A = arith.constant 0.000000e+00 : f32
        %neg3A_501 = vector.broadcast %neg3A : f32 to vector<16xf32>
        %neg3A_502 = arith.subf %neg3A_501, %bitcast_convert_type3A : vector<16xf32>
        %exp3A = math.exp %neg3A_502 : vector<16xf32>
        %add3A_503 = arith.constant 1.000000e+00 : f32
        %add3A_504 = vector.broadcast %add3A_503 : f32 to vector<16xf32>
        %add3A_505 = arith.addf %add3A_504, %exp3A : vector<16xf32>
        %div3A = arith.constant 1.000000e+00 : f32
        %div3A_506 = vector.broadcast %div3A : f32 to vector<16xf32>
        %div3A_507 = arith.divf %div3A_506, %add3A_505 : vector<16xf32>
        %swap3A = arith.index_cast %mul3A_490 : i32 to index
        %swap3A_508 = tpu.vector_load %arg22[%swap3A] {strides = array<i32>} : memref<304xf32, #tpu.memory_space<vmem>>, vector<16xf32>,
        tpu.vector_store %arg22[%swap3A], %div3A_507 {strides = array<i32>} : memref<304xf32, #tpu.memory_space<vmem>>, vector<16xf32>,
        %convert_element_type3A_509 = arith.sitofp %get3A_494 : vector<16xi32> to vector<16xf32>
        %div3A_510 = arith.constant 9.100000e+01 : f32
        %div3A_511 = vector.broadcast %div3A_510 : f32 to vector<16xf32>
        %div3A_512 = arith.divf %convert_element_type3A_509, %div3A_511 : vector<16xf32>
        %convert_element_type3A_513 = arith.fptosi %div3A_512 : vector<16xf32> to vector<16xi32>
        %mul3A_514 = arith.constant 91 : i32
        %mul3A_515 = vector.broadcast %mul3A_514 : i32 to vector<16xi32>
        %mul3A_516 = arith.muli %convert_element_type3A_513, %mul3A_515 : vector<16xi32>
        %sub3A = arith.subi %get3A_494, %mul3A_516 : vector<16xi32>
        %swap3A_517 = arith.index_cast %mul3A_490 : i32 to index
        %swap3A_518 = tpu.vector_load %arg23[%swap3A_517] {strides = array<i32>} : memref<304xi32, #tpu.memory_space<vmem>>, vector<16xi32>,
        tpu.vector_store %arg23[%swap3A_517], %sub3A {strides = array<i32>} : memref<304xi32, #tpu.memory_space<vmem>>, vector<16xi32>,
        %swap3A_519 = arith.index_cast %mul3A_490 : i32 to index
        %swap3A_520 = tpu.vector_load %arg21[%swap3A_519] {strides = array<i32>} : memref<304xi32, #tpu.memory_space<vmem>>, vector<16xi32>,
        tpu.vector_store %arg21[%swap3A_519], %convert_element_type3A_513 {strides = array<i32>} : memref<304xi32, #tpu.memory_space<vmem>>, vector<16xi32>,
        %scan3A_521 = arith.constant 0 : i32
        scf.yield %scan3A_521 : i32
      }
      %scan3A_472 = arith.constant 19 : i32
      "tpu.region"() ({
        %run_scoped3A = tpu.sem_alloc : memref<!tpu.dma_semaphore, #tpu.memory_space<semaphore_mem>>
        %dma_start3A = arith.constant 0 : i32
        %dma_start3A_487 = tpu.memref_slice %arg8[%add3A, %dma_start3A] : memref<16x304xf32, #tpu.memory_space<hbm>> -> memref<1x304xf32, #tpu.memory_space<hbm>>
        %dma_start3A_488 = tpu.memref_squeeze %dma_start3A_487 : memref<1x304xf32, #tpu.memory_space<hbm>> -> memref<304xf32, #tpu.memory_space<hbm>>
        %dma_start3A_489 = arith.constant 0 : i32
        %dma_start3A_490 = tpu.memref_slice %arg8[%add3A, %dma_start3A_489] : memref<16x304xf32, #tpu.memory_space<hbm>> -> memref<1x304xf32, #tpu.memory_space<hbm>>
        %dma_start3A_491 = tpu.memref_squeeze %dma_start3A_490 : memref<1x304xf32, #tpu.memory_space<hbm>> -> memref<304xf32, #tpu.memory_space<hbm>>
        tpu.enqueue_dma source(%arg22 : memref<304xf32, #tpu.memory_space<vmem>>) target(%dma_start3A_491 : memref<304xf32, #tpu.memory_space<hbm>>) target_semaphore(%run_scoped3A : memref<!tpu.dma_semaphore, #tpu.memory_space<semaphore_mem>>)
        %dma_wait3A = arith.constant 0 : i32
        %dma_wait3A_492 = tpu.memref_slice %arg8[%add3A, %dma_wait3A] : memref<16x304xf32, #tpu.memory_space<hbm>> -> memref<1x304xf32, #tpu.memory_space<hbm>>
        %dma_wait3A_493 = tpu.memref_squeeze %dma_wait3A_492 : memref<1x304xf32, #tpu.memory_space<hbm>> -> memref<304xf32, #tpu.memory_space<hbm>>
        %dma_wait3A_494 = arith.constant 0 : i32
        %dma_wait3A_495 = tpu.memref_slice %arg8[%add3A, %dma_wait3A_494] : memref<16x304xf32, #tpu.memory_space<hbm>> -> memref<1x304xf32, #tpu.memory_space<hbm>>
        %dma_wait3A_496 = tpu.memref_squeeze %dma_wait3A_495 : memref<1x304xf32, #tpu.memory_space<hbm>> -> memref<304xf32, #tpu.memory_space<hbm>>
        tpu.wait_dma2 semaphore(%run_scoped3A : memref<!tpu.dma_semaphore, #tpu.memory_space<semaphore_mem>>) src(%arg22 : memref<304xf32, #tpu.memory_space<vmem>>) dst(%dma_wait3A_496 : memref<304xf32, #tpu.memory_space<hbm>>)
        tpu.yield
      }) : () -> ()
      "tpu.region"() ({
        %run_scoped3A = tpu.sem_alloc : memref<!tpu.dma_semaphore, #tpu.memory_space<semaphore_mem>>
        %dma_start3A = arith.constant 0 : i32
        %dma_start3A_487 = tpu.memref_slice %arg9[%add3A, %dma_start3A] : memref<16x304xi32, #tpu.memory_space<hbm>> -> memref<1x304xi32, #tpu.memory_space<hbm>>
        %dma_start3A_488 = tpu.memref_squeeze %dma_start3A_487 : memref<1x304xi32, #tpu.memory_space<hbm>> -> memref<304xi32, #tpu.memory_space<hbm>>
        %dma_start3A_489 = arith.constant 0 : i32
        %dma_start3A_490 = tpu.memref_slice %arg9[%add3A, %dma_start3A_489] : memref<16x304xi32, #tpu.memory_space<hbm>> -> memref<1x304xi32, #tpu.memory_space<hbm>>
        %dma_start3A_491 = tpu.memref_squeeze %dma_start3A_490 : memref<1x304xi32, #tpu.memory_space<hbm>> -> memref<304xi32, #tpu.memory_space<hbm>>
        tpu.enqueue_dma source(%arg23 : memref<304xi32, #tpu.memory_space<vmem>>) target(%dma_start3A_491 : memref<304xi32, #tpu.memory_space<hbm>>) target_semaphore(%run_scoped3A : memref<!tpu.dma_semaphore, #tpu.memory_space<semaphore_mem>>)
        %dma_wait3A = arith.constant 0 : i32
        %dma_wait3A_492 = tpu.memref_slice %arg9[%add3A, %dma_wait3A] : memref<16x304xi32, #tpu.memory_space<hbm>> -> memref<1x304xi32, #tpu.memory_space<hbm>>
        %dma_wait3A_493 = tpu.memref_squeeze %dma_wait3A_492 : memref<1x304xi32, #tpu.memory_space<hbm>> -> memref<304xi32, #tpu.memory_space<hbm>>
        %dma_wait3A_494 = arith.constant 0 : i32
        %dma_wait3A_495 = tpu.memref_slice %arg9[%add3A, %dma_wait3A_494] : memref<16x304xi32, #tpu.memory_space<hbm>> -> memref<1x304xi32, #tpu.memory_space<hbm>>
        %dma_wait3A_496 = tpu.memref_squeeze %dma_wait3A_495 : memref<1x304xi32, #tpu.memory_space<hbm>> -> memref<304xi32, #tpu.memory_space<hbm>>
        tpu.wait_dma2 semaphore(%run_scoped3A : memref<!tpu.dma_semaphore, #tpu.memory_space<semaphore_mem>>) src(%arg23 : memref<304xi32, #tpu.memory_space<vmem>>) dst(%dma_wait3A_496 : memref<304xi32, #tpu.memory_space<hbm>>)
        tpu.yield
      }) : () -> ()
      "tpu.region"() ({
        %run_scoped3A = tpu.sem_alloc : memref<!tpu.dma_semaphore, #tpu.memory_space<semaphore_mem>>
        %dma_start3A = arith.constant 0 : i32
        %dma_start3A_487 = arith.constant 0 : i32
        %dma_start3A_488 = tpu.memref_slice %arg6[%add3A, %dma_start3A, %dma_start3A_487] : memref<16x4x20000xf32, #tpu.memory_space<hbm>> -> memref<1x4x20000xf32, #tpu.memory_space<hbm>>
        %dma_start3A_489 = tpu.memref_squeeze %dma_start3A_488 : memref<1x4x20000xf32, #tpu.memory_space<hbm>> -> memref<4x20000xf32, #tpu.memory_space<hbm>>
        %dma_start3A_490 = arith.constant 0 : i32
        %dma_start3A_491 = arith.constant 0 : i32
        %dma_start3A_492 = tpu.memref_slice %arg6[%add3A, %dma_start3A_490, %dma_start3A_491] : memref<16x4x20000xf32, #tpu.memory_space<hbm>> -> memref<1x4x20000xf32, #tpu.memory_space<hbm>>
        %dma_start3A_493 = tpu.memref_squeeze %dma_start3A_492 : memref<1x4x20000xf32, #tpu.memory_space<hbm>> -> memref<4x20000xf32, #tpu.memory_space<hbm>>
        tpu.enqueue_dma source(%dma_start3A_493 : memref<4x20000xf32, #tpu.memory_space<hbm>>) target(%arg20 : memref<4x20000xf32, #tpu.memory_space<vmem>>) target_semaphore(%run_scoped3A : memref<!tpu.dma_semaphore, #tpu.memory_space<semaphore_mem>>)
        %dma_wait3A = arith.constant 0 : i32
        %dma_wait3A_494 = arith.constant 0 : i32
        %dma_wait3A_495 = tpu.memref_slice %arg6[%add3A, %dma_wait3A, %dma_wait3A_494] : memref<16x4x20000xf32, #tpu.memory_space<hbm>> -> memref<1x4x20000xf32, #tpu.memory_space<hbm>>
        %dma_wait3A_496 = tpu.memref_squeeze %dma_wait3A_495 : memref<1x4x20000xf32, #tpu.memory_space<hbm>> -> memref<4x20000xf32, #tpu.memory_space<hbm>>
        %dma_wait3A_497 = arith.constant 0 : i32
        %dma_wait3A_498 = arith.constant 0 : i32
        %dma_wait3A_499 = tpu.memref_slice %arg6[%add3A, %dma_wait3A_497, %dma_wait3A_498] : memref<16x4x20000xf32, #tpu.memory_space<hbm>> -> memref<1x4x20000xf32, #tpu.memory_space<hbm>>
        %dma_wait3A_500 = tpu.memref_squeeze %dma_wait3A_499 : memref<1x4x20000xf32, #tpu.memory_space<hbm>> -> memref<4x20000xf32, #tpu.memory_space<hbm>>
        tpu.wait_dma2 semaphore(%run_scoped3A : memref<!tpu.dma_semaphore, #tpu.memory_space<semaphore_mem>>) src(%dma_wait3A_500 : memref<4x20000xf32, #tpu.memory_space<hbm>>) dst(%arg20 : memref<4x20000xf32, #tpu.memory_space<vmem>>)
        tpu.yield
      }) : () -> ()
      %get3A = arith.constant 0 : index
      %get3A_473 = tpu.vector_load %arg25[%get3A] {strides = array<i32>} : memref<16xf32, #tpu.memory_space<vmem>>, vector<16xf32>,
      %and3A = arith.constant 1 : i32
      %and3A_474 = vector.broadcast %and3A : i32 to vector<16xi32>
      %and3A_475 = arith.andi %iota3A, %and3A_474 : vector<16xi32>
      %xor3A_476 = arith.constant 1 : i32
      %xor3A_477 = vector.broadcast %xor3A_476 : i32 to vector<16xi32>
      %xor3A_478 = arith.xori %and3A_475, %xor3A_477 : vector<16xi32>
      %broadcast_in_dim3A = vector.shape_cast %xor3A_478 : vector<16xi32> to vector<16x1xi32>
      %gather3A = vector.shape_cast %broadcast_in_dim3A : vector<16x1xi32> to vector<16xi32>
      %gather3A_479 = tpu.dynamic_gather %get3A_473[%gather3A] in [0] : vector<16xf32>, vector<16xi32> -> vector<16xf32>
      %scan3A_480 = arith.constant 0 : i32
      %scan3A_481 = arith.constant 0 : i32
      %scan3A_482 = arith.constant 76 : i32
      %scan3A_483 = arith.addi %scan3A_481, %scan3A_482 : i32
      %scan3A_484 = arith.constant 1 : i32
      %scan3A_485 = scf.for %scan3A_487 = %scan3A_481 to %scan3A_483 step %scan3A_484 iter_args(%scan3A_488 = %scan3A_480) -> (i32)  : i32 {
        %mul3A_489 = arith.constant 16 : i32
        %mul3A_490 = arith.muli %scan3A_487, %mul3A_489 : i32
        %add3A_491 = vector.broadcast %mul3A_490 : i32 to vector<16xi32>
        %add3A_492 = arith.addi %add3A_491, %iota3A : vector<16xi32>
        %and3A_493 = arith.constant 3 : i32
        %and3A_494 = vector.broadcast %and3A_493 : i32 to vector<16xi32>
        %and3A_495 = arith.andi %add3A_492, %and3A_494 : vector<16xi32>
        %shift_right_arithmetic3A = arith.constant 2 : i32
        %shift_right_arithmetic3A_496 = vector.broadcast %shift_right_arithmetic3A : i32 to vector<16xi32>
        %shift_right_arithmetic3A_497 = arith.shrsi %add3A_492, %shift_right_arithmetic3A_496 : vector<16xi32>
        %gather3A_498 = tpu.vector_load_idx %arg21[%shift_right_arithmetic3A_497] : memref<304xi32, #tpu.memory_space<vmem>>[vector<16xi32>], vector<16xi32>,
        %gather3A_499 = tpu.vector_load_idx %arg20[%and3A_495, %gather3A_498] : memref<4x20000xf32, #tpu.memory_space<vmem>>[vector<16xi32>, vector<16xi32>], vector<16xf32>,
        %xor3A_500 = arith.constant 2 : i32
        %xor3A_501 = vector.broadcast %xor3A_500 : i32 to vector<16xi32>
        %xor3A_502 = arith.xori %and3A_495, %xor3A_501 : vector<16xi32>
        %gather3A_503 = tpu.vector_load_idx %arg20[%xor3A_502, %gather3A_498] : memref<4x20000xf32, #tpu.memory_space<vmem>>[vector<16xi32>, vector<16xi32>], vector<16xf32>,
        %lt3A_504 = arith.constant 2 : i32
        %lt3A_505 = vector.broadcast %lt3A_504 : i32 to vector<16xi32>
        %lt3A_506 = arith.cmpi slt, %and3A_495, %lt3A_505 : vector<16xi32>
        %mul3A_507 = arith.constant 5.000000e-01 : f32
        %mul3A_508 = vector.broadcast %mul3A_507 : f32 to vector<16xf32>
        %mul3A_509 = arith.mulf %mul3A_508, %gather3A_503 : vector<16xf32>
        %sub3A = arith.subf %gather3A_499, %mul3A_509 : vector<16xf32>
        %mul3A_510 = arith.constant 5.000000e-01 : f32
        %mul3A_511 = vector.broadcast %mul3A_510 : f32 to vector<16xf32>
        %mul3A_512 = arith.mulf %mul3A_511, %gather3A_499 : vector<16xf32>
        %add3A_513 = arith.addf %gather3A_503, %mul3A_512 : vector<16xf32>
        %select_n3A = arith.select %lt3A_506, %sub3A, %add3A_513 : vector<16xi1>, vector<16xf32>
        %mul3A_514 = arith.mulf %select_n3A, %gather3A_479 : vector<16xf32>
        %mul3A_515 = arith.constant 16 : i32
        %mul3A_516 = arith.muli %scan3A_487, %mul3A_515 : i32
        %swap3A = arith.index_cast %mul3A_516 : i32 to index
        %swap3A_517 = tpu.vector_load %arg24[%swap3A] {strides = array<i32>} : memref<1216xf32, #tpu.memory_space<vmem>>, vector<16xf32>,
        tpu.vector_store %arg24[%swap3A], %mul3A_514 {strides = array<i32>} : memref<1216xf32, #tpu.memory_space<vmem>>, vector<16xf32>,
        %scan3A_518 = arith.constant 0 : i32
        scf.yield %scan3A_518 : i32
      }
      %scan3A_486 = arith.constant 76 : i32
      "tpu.region"() ({
        %run_scoped3A = tpu.sem_alloc : memref<!tpu.dma_semaphore, #tpu.memory_space<semaphore_mem>>
        %dma_start3A = arith.constant 0 : i32
        %dma_start3A_487 = tpu.memref_slice %arg10[%add3A, %dma_start3A] : memref<16x1216xf32, #tpu.memory_space<hbm>> -> memref<1x1216xf32, #tpu.memory_space<hbm>>
        %dma_start3A_488 = tpu.memref_squeeze %dma_start3A_487 : memref<1x1216xf32, #tpu.memory_space<hbm>> -> memref<1216xf32, #tpu.memory_space<hbm>>
        %dma_start3A_489 = arith.constant 0 : i32
        %dma_start3A_490 = tpu.memref_slice %arg10[%add3A, %dma_start3A_489] : memref<16x1216xf32, #tpu.memory_space<hbm>> -> memref<1x1216xf32, #tpu.memory_space<hbm>>
        %dma_start3A_491 = tpu.memref_squeeze %dma_start3A_490 : memref<1x1216xf32, #tpu.memory_space<hbm>> -> memref<1216xf32, #tpu.memory_space<hbm>>
        tpu.enqueue_dma source(%arg24 : memref<1216xf32, #tpu.memory_space<vmem>>) target(%dma_start3A_491 : memref<1216xf32, #tpu.memory_space<hbm>>) target_semaphore(%run_scoped3A : memref<!tpu.dma_semaphore, #tpu.memory_space<semaphore_mem>>)
        %dma_wait3A = arith.constant 0 : i32
        %dma_wait3A_492 = tpu.memref_slice %arg10[%add3A, %dma_wait3A] : memref<16x1216xf32, #tpu.memory_space<hbm>> -> memref<1x1216xf32, #tpu.memory_space<hbm>>
        %dma_wait3A_493 = tpu.memref_squeeze %dma_wait3A_492 : memref<1x1216xf32, #tpu.memory_space<hbm>> -> memref<1216xf32, #tpu.memory_space<hbm>>
        %dma_wait3A_494 = arith.constant 0 : i32
        %dma_wait3A_495 = tpu.memref_slice %arg10[%add3A, %dma_wait3A_494] : memref<16x1216xf32, #tpu.memory_space<hbm>> -> memref<1x1216xf32, #tpu.memory_space<hbm>>
        %dma_wait3A_496 = tpu.memref_squeeze %dma_wait3A_495 : memref<1x1216xf32, #tpu.memory_space<hbm>> -> memref<1216xf32, #tpu.memory_space<hbm>>
        tpu.wait_dma2 semaphore(%run_scoped3A : memref<!tpu.dma_semaphore, #tpu.memory_space<semaphore_mem>>) src(%arg24 : memref<1216xf32, #tpu.memory_space<vmem>>) dst(%dma_wait3A_496 : memref<1216xf32, #tpu.memory_space<hbm>>)
        tpu.yield
      }) : () -> ()
    } else {
    }
    return
  }
}

module attributes {stable_mosaic.version = 14 : i64} {
  func.func @_rowstats_body(%arg0: i32, %arg1: memref<4x16x20000xf32, #tpu.memory_space<vmem>>, %arg2: memref<16x20480xf32, #tpu.memory_space<vmem>>, %arg3: memref<16x20480xi32, #tpu.memory_space<vmem>>, %arg4: memref<16x20480xf32, #tpu.memory_space<vmem>>) attributes {dimension_semantics = [#tpu.dimension_semantics<arbitrary>], iteration_bounds = array<i64: 23>, scalar_prefetch = 0 : i64, scratch_operands = 0 : i64, tpu.core_type = #tpu.core_type<tc>, window_params = [{transform_indices = @transform_0, window_bounds = array<i64: 4, 16, 20000>}, {pipeline_mode = #tpu.pipeline_mode<synchronous>, transform_indices = @transform_1, window_bounds = array<i64: 16, 20480>}, {pipeline_mode = #tpu.pipeline_mode<synchronous>, transform_indices = @transform_2, window_bounds = array<i64: 16, 20480>}, {pipeline_mode = #tpu.pipeline_mode<synchronous>, transform_indices = @transform_3, window_bounds = array<i64: 16, 20480>}]} {
    %mul3A = arith.constant 4 : i32
    %mul3A_0 = arith.muli %arg0, %mul3A : i32
    %get3A = arith.constant 0 : index
    %get3A_1 = arith.constant 0 : index
    %get3A_2 = arith.constant 0 : index
    %get3A_3 = vector.load %arg1[%get3A, %get3A_1, %get3A_2] : memref<4x16x20000xf32, #tpu.memory_space<vmem>>, vector<1x16x20000xf32>
    %get3A_4 = vector.shape_cast %get3A_3 : vector<1x16x20000xf32> to vector<16x20000xf32>
    %get3A_5 = arith.constant 1 : index
    %get3A_6 = arith.constant 0 : index
    %get3A_7 = arith.constant 0 : index
    %get3A_8 = vector.load %arg1[%get3A_5, %get3A_6, %get3A_7] : memref<4x16x20000xf32, #tpu.memory_space<vmem>>, vector<1x16x20000xf32>
    %get3A_9 = vector.shape_cast %get3A_8 : vector<1x16x20000xf32> to vector<16x20000xf32>
    %get3A_10 = arith.constant 2 : index
    %get3A_11 = arith.constant 0 : index
    %get3A_12 = arith.constant 0 : index
    %get3A_13 = vector.load %arg1[%get3A_10, %get3A_11, %get3A_12] : memref<4x16x20000xf32, #tpu.memory_space<vmem>>, vector<1x16x20000xf32>
    %get3A_14 = vector.shape_cast %get3A_13 : vector<1x16x20000xf32> to vector<16x20000xf32>
    %add3A = arith.constant 3 : i32
    %add3A_15 = arith.addi %mul3A_0, %add3A : i32
    %ge3A = arith.constant 91 : i32
    %ge3A_16 = arith.cmpi sge, %add3A_15, %ge3A : i32
    %get3A_17 = arith.constant 3 : index
    %get3A_18 = arith.constant 0 : index
    %get3A_19 = arith.constant 0 : index
    %get3A_20 = vector.load %arg1[%get3A_17, %get3A_18, %get3A_19] : memref<4x16x20000xf32, #tpu.memory_space<vmem>>, vector<1x16x20000xf32>
    %get3A_21 = vector.shape_cast %get3A_20 : vector<1x16x20000xf32> to vector<16x20000xf32>
    %jit3A = arith.constant 0xFF800000 : f32
    %broadcast_in_dim3A = vector.broadcast %jit3A : f32 to vector<16x20000xf32>
    %select_n3A = arith.select %ge3A_16, %broadcast_in_dim3A, %get3A_21 : vector<16x20000xf32>
    %max3A = arith.maximumf %get3A_4, %get3A_9 : vector<16x20000xf32>
    %gt3A = arith.cmpf ogt, %get3A_9, %get3A_4 : vector<16x20000xf32>
    %add3A_22 = arith.constant 1 : i32
    %add3A_23 = arith.addi %mul3A_0, %add3A_22 : i32
    %broadcast_in_dim3A_24 = vector.broadcast %add3A_23 : i32 to vector<16x20000xi32>
    %broadcast_in_dim3A_25 = vector.broadcast %mul3A_0 : i32 to vector<16x20000xi32>
    %select_n3A_26 = arith.select %gt3A, %broadcast_in_dim3A_24, %broadcast_in_dim3A_25 : vector<16x20000xi1>, vector<16x20000xi32>
    %min3A = arith.minimumf %get3A_4, %get3A_9 : vector<16x20000xf32>
    %max3A_27 = arith.maximumf %get3A_14, %select_n3A : vector<16x20000xf32>
    %gt3A_28 = arith.cmpf ogt, %select_n3A, %get3A_14 : vector<16x20000xf32>
    %add3A_29 = arith.constant 3 : i32
    %add3A_30 = arith.addi %mul3A_0, %add3A_29 : i32
    %add3A_31 = arith.constant 2 : i32
    %add3A_32 = arith.addi %mul3A_0, %add3A_31 : i32
    %broadcast_in_dim3A_33 = vector.broadcast %add3A_30 : i32 to vector<16x20000xi32>
    %broadcast_in_dim3A_34 = vector.broadcast %add3A_32 : i32 to vector<16x20000xi32>
    %select_n3A_35 = arith.select %gt3A_28, %broadcast_in_dim3A_33, %broadcast_in_dim3A_34 : vector<16x20000xi1>, vector<16x20000xi32>
    %min3A_36 = arith.minimumf %get3A_14, %select_n3A : vector<16x20000xf32>
    %max3A_37 = arith.maximumf %max3A, %max3A_27 : vector<16x20000xf32>
    %gt3A_38 = arith.cmpf ogt, %max3A_27, %max3A : vector<16x20000xf32>
    %select_n3A_39 = arith.select %gt3A_38, %select_n3A_35, %select_n3A_26 : vector<16x20000xi1>, vector<16x20000xi32>
    %min3A_40 = arith.minimumf %max3A, %max3A_27 : vector<16x20000xf32>
    %max3A_41 = arith.maximumf %min3A, %min3A_36 : vector<16x20000xf32>
    %max3A_42 = arith.maximumf %min3A_40, %max3A_41 : vector<16x20000xf32>
    %eq3A = arith.constant 0 : i32
    %eq3A_43 = arith.cmpi eq, %arg0, %eq3A : i32
    %convert_element_type3A = arith.extui %eq3A_43 : i1 to i32
    %cond3A = arith.constant 0 : i32
    %cond3A_44 = arith.cmpi ne, %convert_element_type3A, %cond3A : i32
    scf.if %cond3A_44 {
      %swap3A = arith.constant 0 : index
      %swap3A_50 = arith.constant 0 : index
      %swap3A_51 = vector.load %arg2[%swap3A, %swap3A_50] : memref<16x20480xf32, #tpu.memory_space<vmem>>, vector<16x20000xf32>
      tpu.vector_store %arg2[%swap3A, %swap3A_50], %max3A_37 {strides = array<i32>} : memref<16x20480xf32, #tpu.memory_space<vmem>>, vector<16x20000xf32>,
      %broadcast_in_dim3A_52 = arith.constant 0xFF800000 : f32
      %broadcast_in_dim3A_53 = vector.broadcast %broadcast_in_dim3A_52 : f32 to vector<16x480xf32>
      %swap3A_54 = arith.constant 0 : index
      %swap3A_55 = arith.constant 20000 : index
      %swap3A_56 = vector.load %arg2[%swap3A_54, %swap3A_55] : memref<16x20480xf32, #tpu.memory_space<vmem>>, vector<16x480xf32>
      tpu.vector_store %arg2[%swap3A_54, %swap3A_55], %broadcast_in_dim3A_53 {strides = array<i32>} : memref<16x20480xf32, #tpu.memory_space<vmem>>, vector<16x480xf32>,
      %swap3A_57 = arith.constant 0 : index
      %swap3A_58 = arith.constant 0 : index
      %swap3A_59 = vector.load %arg3[%swap3A_57, %swap3A_58] : memref<16x20480xi32, #tpu.memory_space<vmem>>, vector<16x20000xi32>
      tpu.vector_store %arg3[%swap3A_57, %swap3A_58], %select_n3A_39 {strides = array<i32>} : memref<16x20480xi32, #tpu.memory_space<vmem>>, vector<16x20000xi32>,
      %broadcast_in_dim3A_60 = arith.constant 0 : i32
      %broadcast_in_dim3A_61 = vector.broadcast %broadcast_in_dim3A_60 : i32 to vector<16x480xi32>
      %swap3A_62 = arith.constant 0 : index
      %swap3A_63 = arith.constant 20000 : index
      %swap3A_64 = vector.load %arg3[%swap3A_62, %swap3A_63] : memref<16x20480xi32, #tpu.memory_space<vmem>>, vector<16x480xi32>
      tpu.vector_store %arg3[%swap3A_62, %swap3A_63], %broadcast_in_dim3A_61 {strides = array<i32>} : memref<16x20480xi32, #tpu.memory_space<vmem>>, vector<16x480xi32>,
      %swap3A_65 = arith.constant 0 : index
      %swap3A_66 = arith.constant 0 : index
      %swap3A_67 = vector.load %arg4[%swap3A_65, %swap3A_66] : memref<16x20480xf32, #tpu.memory_space<vmem>>, vector<16x20000xf32>
      tpu.vector_store %arg4[%swap3A_65, %swap3A_66], %max3A_42 {strides = array<i32>} : memref<16x20480xf32, #tpu.memory_space<vmem>>, vector<16x20000xf32>,
      %broadcast_in_dim3A_68 = arith.constant 0xFF800000 : f32
      %broadcast_in_dim3A_69 = vector.broadcast %broadcast_in_dim3A_68 : f32 to vector<16x480xf32>
      %swap3A_70 = arith.constant 0 : index
      %swap3A_71 = arith.constant 20000 : index
      %swap3A_72 = vector.load %arg4[%swap3A_70, %swap3A_71] : memref<16x20480xf32, #tpu.memory_space<vmem>>, vector<16x480xf32>
      tpu.vector_store %arg4[%swap3A_70, %swap3A_71], %broadcast_in_dim3A_69 {strides = array<i32>} : memref<16x20480xf32, #tpu.memory_space<vmem>>, vector<16x480xf32>,
    } else {
    }
    %gt3A_45 = arith.constant 0 : i32
    %gt3A_46 = arith.cmpi sgt, %arg0, %gt3A_45 : i32
    %convert_element_type3A_47 = arith.extui %gt3A_46 : i1 to i32
    %cond3A_48 = arith.constant 0 : i32
    %cond3A_49 = arith.cmpi ne, %convert_element_type3A_47, %cond3A_48 : i32
    scf.if %cond3A_49 {
      %get3A_50 = arith.constant 0 : index
      %get3A_51 = arith.constant 0 : index
      %get3A_52 = vector.load %arg2[%get3A_50, %get3A_51] : memref<16x20480xf32, #tpu.memory_space<vmem>>, vector<16x20000xf32>
      %get3A_53 = arith.constant 0 : index
      %get3A_54 = arith.constant 0 : index
      %get3A_55 = vector.load %arg4[%get3A_53, %get3A_54] : memref<16x20480xf32, #tpu.memory_space<vmem>>, vector<16x20000xf32>
      %gt3A_56 = arith.cmpf ogt, %max3A_37, %get3A_52 : vector<16x20000xf32>
      %max3A_57 = arith.maximumf %get3A_52, %max3A_37 : vector<16x20000xf32>
      %swap3A = arith.constant 0 : index
      %swap3A_58 = arith.constant 0 : index
      %swap3A_59 = vector.load %arg2[%swap3A, %swap3A_58] : memref<16x20480xf32, #tpu.memory_space<vmem>>, vector<16x20000xf32>
      tpu.vector_store %arg2[%swap3A, %swap3A_58], %max3A_57 {strides = array<i32>} : memref<16x20480xf32, #tpu.memory_space<vmem>>, vector<16x20000xf32>,
      %get3A_60 = arith.constant 0 : index
      %get3A_61 = arith.constant 0 : index
      %get3A_62 = vector.load %arg3[%get3A_60, %get3A_61] : memref<16x20480xi32, #tpu.memory_space<vmem>>, vector<16x20000xi32>
      %select_n3A_63 = arith.select %gt3A_56, %select_n3A_39, %get3A_62 : vector<16x20000xi1>, vector<16x20000xi32>
      %swap3A_64 = arith.constant 0 : index
      %swap3A_65 = arith.constant 0 : index
      %swap3A_66 = vector.load %arg3[%swap3A_64, %swap3A_65] : memref<16x20480xi32, #tpu.memory_space<vmem>>, vector<16x20000xi32>
      tpu.vector_store %arg3[%swap3A_64, %swap3A_65], %select_n3A_63 {strides = array<i32>} : memref<16x20480xi32, #tpu.memory_space<vmem>>, vector<16x20000xi32>,
      %min3A_67 = arith.minimumf %get3A_52, %max3A_37 : vector<16x20000xf32>
      %max3A_68 = arith.maximumf %get3A_55, %max3A_42 : vector<16x20000xf32>
      %max3A_69 = arith.maximumf %min3A_67, %max3A_68 : vector<16x20000xf32>
      %swap3A_70 = arith.constant 0 : index
      %swap3A_71 = arith.constant 0 : index
      %swap3A_72 = vector.load %arg4[%swap3A_70, %swap3A_71] : memref<16x20480xf32, #tpu.memory_space<vmem>>, vector<16x20000xf32>
      tpu.vector_store %arg4[%swap3A_70, %swap3A_71], %max3A_69 {strides = array<i32>} : memref<16x20480xf32, #tpu.memory_space<vmem>>, vector<16x20000xf32>,
    } else {
    }
    return
  }
  func.func @transform_0(%arg0: i32) -> (i32, i32, i32) {
    %c0_i32 = arith.constant 0 : i32
    %c0_i32_0 = arith.constant 0 : i32
    %c0_i32_1 = arith.constant 0 : i32
    return %arg0, %c0_i32, %c0_i32_0 : i32, i32, i32
  }
  func.func @transform_1(%arg0: i32) -> (i32, i32) {
    %c0_i32 = arith.constant 0 : i32
    %c0_i32_0 = arith.constant 0 : i32
    %c0_i32_1 = arith.constant 0 : i32
    return %c0_i32, %c0_i32_0 : i32, i32
  }
  func.func @transform_2(%arg0: i32) -> (i32, i32) {
    %c0_i32 = arith.constant 0 : i32
    %c0_i32_0 = arith.constant 0 : i32
    %c0_i32_1 = arith.constant 0 : i32
    return %c0_i32, %c0_i32_0 : i32, i32
  }
  func.func @transform_3(%arg0: i32) -> (i32, i32) {
    %c0_i32 = arith.constant 0 : i32
    %c0_i32_0 = arith.constant 0 : i32
    %c0_i32_1 = arith.constant 0 : i32
    return %c0_i32, %c0_i32_0 : i32, i32
  }
}

</mosaic_0001>

<sc_bundles>
// kernel: kernel.4.cloned.1.call-start
scs
__scs_entry_jumppad:
0x0: {  	(pc) =	sbr.rel $0x88, $3  }
0x1: {  	(tag) =	ssettag $0x0;
	lr =	simm.s32 $0x1  }
0x2: {  	[smem:$0x3F9E] =	sst lr;
	_ =	strace $0xD0000000  }
0x3: {  	_ = 	snop  }
0x4: {  	_ = 	snop  }
0x5: {  	_ = 	snop  }
0x6: {  	_ = 	snop  }
0x7: {  	_ = 	snop  }
__scs_overlays_trampoline_lowered:
0x8: {  	[smem:$0x3FAD] =	sst s0  }
0x9: {  	[smem:$0x3FAE] =	sst s1  }
0xa: {  	[smem:$0x3FAF] =	sst s2  }
0xb: {  	[smem:$0x3FB0] =	sst s3  }
0xc: {  	[smem:$0x3FB1] =	sst s4  }
0xd: {  	[smem:$0x3FB2] =	sst s5  }
0xe: {  	[smem:$0x3FB3] =	sst s6  }
0xf: {  	[smem:$0x3FB4] =	sst s7  }
0x10: {  	[smem:$0x3FB5] =	sst s8  }
0x11: {  	[smem:$0x3FB6] =	sst s9;
	s0 =	simm.s32 @!p0 $0x0  }
0x12: {  	s1 =	sld [smem:$0x3F9C];
	s0 =	simm.s32 @p0 $0x1  }
0x13: {  	[smem:$0x3FB7] =	sst s0;
	s0 =	simm.s32 @!p1 $0x0  }
0x14: {  	s2 =	sld [smem:$0x3F9B];
	s0 =	simm.s32 @p1 $0x1  }
0x15: {  	[smem:$0x3FB8] =	sst s0;
	s0 =	simm.s32 @!p2 $0x0  }
0x16: {  	s3 =	sld [smem:$0x3FDB];
	s0 =	simm.s32 @p2 $0x1  }
0x17: {  	s4 =	simm.s32 $0x1BF5;
	[smem:$0x3FBA] =	sst s0  }
0x18: {  	s0 =	sld [smem:$0x3F9D];
	_ =	swait.ge [sflag:s4], $0x0  }
0x19: {  	s7 =	sld [smem:$0x3F9E]  }
0x1a: {  	s8 =	sadd.s32 $0xFFFFE003, lr  }
0x1b: {  	s9 =	sadd.s32 $0xFFFFFEF7, lr;
	s5 =	simm.s32 $0xFFFFFFFF;
	p2 =	slt.u32 s8, $0xFFFFF086  }
0x1c: {  	p1 =	slt.u32 s9, $0xF7A;
	s5 =	simm.s32 @!p2 $0x0  }
0x1d: {  	s5 =	simm.s32 @p1 $0x1;
	p0 =	seq.s32 s7, s2  }
0x1e: {  	s7 =	smul.u32 @!p0 $0xF7A, s2;
	p2 =	seq.s32 @!p0 s5, $0x0  }
0x1f: {  	s9 =	smul.u32 $0xF7A, s1;
	s8 =	simm.s32 @!p0 $0x1BF5;
	p2 =	por !p2, p0  }
0x20: {  	[sflag:s8] =	ssyncset.s32 @!p0 $0xFFFFF086;
	s6 =	sadd.s32 @!p0 s3, s7;
	s7 =	simm.s32 @!p0 $0x108  }
0x21: {  	s3 =	sadd.s32 s3, s9;
	s6 =	sadd.s32 @!p0 $0x88, s6;
	s7 =	simm.s32 @p2 $0x1082  }
0x22: {  	[simem:s7], [sflag:s8] =	dma.local @!p0 [hbm:s6], $0xF7A  }
0x23: {  	s9 =	sor.u32 $0xD0000000, s2;
	s6 =	simm.s32 $0x108;
	_ =	swait.ge @!p0 [sflag:s8], $0x0  }
0x24: {  	s3 =	sadd.s32 $0x88, s3;
	s6 =	simm.s32 @!p1 $0x1082;
	[sflag:s4] =	ssyncset.s32 $0xFFFFF086  }
0x25: {  	[simem:s6], [sflag:s4] =	dma.local [hbm:s3], $0xF7A  }
0x26: {  	[smem:$0x3F9E] =	sst s1;
	(tag) =	ssettag s2;
	_ =	strace s9  }
0x27: {  	s1 =	sld [smem:$0x3FAE]  }
0x28: {  	s2 =	sld [smem:$0x3FAF]  }
0x29: {  	s4 =	sld [smem:$0x3FB1]  }
0x2a: {  	p0 =	seq.s32 s5, $0x0;
	s5 =	sld [smem:$0x3FB2]  }
0x2b: {  	s6 =	sld [smem:$0x3FB3]  }
0x2c: {  	s7 =	sld [smem:$0x3FB4]  }
0x2d: {  	s3 =	simm.s32 $0x108;
	s8 =	sld [smem:$0x3FB5]  }
0x2e: {  	s3 =	simm.s32 @!p0 $0x1082;
	s9 =	sld [smem:$0x3FB6]  }
0x2f: {  	lr =	sadd.s32 s0, s3;
	s0 =	sld [smem:$0x3FAD]  }
0x30: {  	s3 =	sld [smem:$0x3FB0]  }
0x31: {  	[smem:$0x3FB9] =	sst s10  }
0x32: {  	s10 =	sld [smem:$0x3FB7];
	_ =	sdelay $0x3  }
0x33: {  	p0 =	seq.s32 s10, $0x1;
	s10 =	sld [smem:$0x3FB9];
	_ =	sdelay $0x3  }
0x34: {  	[smem:$0x3FB9] =	sst s10  }
0x35: {  	s10 =	sld [smem:$0x3FB8];
	_ =	sdelay $0x3  }
0x36: {  	p1 =	seq.s32 s10, $0x1;
	s10 =	sld [smem:$0x3FB9];
	_ =	sdelay $0x3  }
0x37: {  	[smem:$0x3FB9] =	sst s10  }
0x38: {  	s10 =	sld [smem:$0x3FBA]  }
0x39: {  	_ = 	snop;
	(pc) =	sbr.ind lr, $3  }
0x3a: {  	_ = 	snop  }
0x3b: {  	_ = 	snop  }
0x3c: {  	p2 =	seq.s32 s10, $0x1;
	s10 =	sld [smem:$0x3FB9]  }
0x3d: {  	_ =	shalt  }
0x3e: {  	_ =	shalt  }
0x3f: {  	_ =	shalt  }
0x40: {  	_ =	shalt  }
0x41: {  	_ =	shalt  }
0x42: {  	_ =	shalt  }
0x43: {  	_ =	shalt  }
0x44: {  	_ =	shalt  }
0x45: {  	_ =	shalt  }
0x46: {  	_ =	shalt  }
0x47: {  	_ =	shalt  }
0x48: {  	_ =	shalt  }
0x49: {  	_ =	shalt  }
0x4a: {  	_ =	shalt  }
0x4b: {  	_ =	shalt  }
0x4c: {  	_ =	shalt  }
0x4d: {  	_ =	shalt  }
0x4e: {  	_ =	shalt  }
0x4f: {  	_ =	shalt  }
0x50: {  	_ =	shalt  }
0x51: {  	_ =	shalt  }
0x52: {  	_ =	shalt  }
0x53: {  	_ =	shalt  }
0x54: {  	_ =	shalt  }
0x55: {  	_ =	shalt  }
0x56: {  	_ =	shalt  }
0x57: {  	_ =	shalt  }
0x58: {  	_ =	shalt  }
0x59: {  	_ =	shalt  }
0x5a: {  	_ =	shalt  }
0x5b: {  	_ =	shalt  }
0x5c: {  	_ =	shalt  }
0x5d: {  	_ =	shalt  }
0x5e: {  	_ =	shalt  }
0x5f: {  	_ =	shalt  }
0x60: {  	_ =	shalt  }
0x61: {  	_ =	shalt  }
0x62: {  	_ =	shalt  }
0x63: {  	_ =	shalt  }
0x64: {  	_ =	shalt  }
0x65: {  	_ =	shalt  }
0x66: {  	_ =	shalt  }
0x67: {  	_ =	shalt  }
0x68: {  	_ =	shalt  }
0x69: {  	_ =	shalt  }
0x6a: {  	_ =	shalt  }
0x6b: {  	_ =	shalt  }
0x6c: {  	_ =	shalt  }
0x6d: {  	_ =	shalt  }
0x6e: {  	_ =	shalt  }
0x6f: {  	_ =	shalt  }
0x70: {  	_ =	shalt  }
0x71: {  	_ =	shalt  }
0x72: {  	_ =	shalt  }
0x73: {  	_ =	shalt  }
0x74: {  	_ =	shalt  }
0x75: {  	_ =	shalt  }
0x76: {  	_ =	shalt  }
0x77: {  	_ =	shalt  }
0x78: {  	_ =	shalt  }
0x79: {  	_ =	shalt  }
0x7a: {  	_ =	shalt  }
0x7b: {  	_ =	shalt  }
0x7c: {  	_ =	shalt  }
0x7d: {  	_ =	shalt  }
0x7e: {  	_ =	shalt  }
0x7f: {  	_ =	shalt  }
0x80: {  	_ =	shalt  }
0x81: {  	_ =	shalt  }
0x82: {  	_ =	shalt  }
0x83: {  	_ =	shalt  }
0x84: {  	_ =	shalt  }
0x85: {  	_ =	shalt  }
0x86: {  	_ =	shalt  }
0x87: {  	_ =	shalt  }
.Lfunc_end0:
.L_simem_size_0:
called_computation_lowered:
.L_overlay_start_0:
0x88: {  	s2 =	sld [smem:$0x3FD9]  }
0x89: {  	s3 =	sld [smem:$0x3FFE];
	_ =	sdelay $0x1  }
0x8a: {  	s1 =	srdreg.scid  }
0x8b: {  	s0 =	sand.u32 $0x1, s1  }
0x8c: {  	s14 =	sshll.u32 s0, $0xA;
	s2 =	sadd.s32 s3, s2  }
0x8d: {  	s2 =	sadd.s32 s2, s14  }
0x8e: {  	[smem:$0x3FC5] =	sst s2  }
0x8f: {  	_ = 	snop  }
0x90: {  	s2 =	sld [smem:$0x3FD0];
	_ =	sdelay $0x1  }
0x91: {  	s15 =	sld [smem:$0x3FC9]  }
0x92: {  	s5 =	simm.s32 $0xA;
	s6 =	simm.s32 $0x10;
	s4 =	sld [smem:$0x3FC8]  }
0x93: {  	[smem:s6], [sflag:s5] =	dma.local [hbm:s2], $0x1  }
0x94: {  	_ =	swait.eq [sflag:s5], $0x1  }
0x95: {  	s16 =	sld [smem:$0x10];
	[sflag:s5] =	ssyncset.done $0x0  }
0x96: {  	s17 =	sld [smem:$0x11];
	[sflag:s5] =	ssyncadd.s32 $0xFFFFFFFF  }
0x97: {  	s18 =	sld [smem:$0x12];
	(tm) =	ssettm $0x1  }
0x98: {  	s7 =	sld [smem:$0x3FFB];
	_ =	sdelay $0x3  }
0x99: {  	_ =	strace s7  }
0x9a: {  	s7 =	sld [smem:$0x3FFC];
	_ =	sdelay $0x3  }
0x9b: {  	_ =	strace s7  }
0x9c: {  	s7 =	sld [smem:$0x3FFD];
	_ =	sdelay $0x3  }
0x9d: {  	_ =	strace s7  }
0x9e: {  	_ =	strace $0x8FFFFFFF  }
0x9f: {  	s19 =	sld [smem:$0x3FDB];
	_ =	sdelay $0x1  }
0xa0: {  	s8 =	simm.s32 $_scs_section_size  }
0xa1: {  	s9 =	simm.s32 $_size__tile_overlayer_lowered;
	s10 =	simm.s32 $_tile_overlayer_lowered  }
0xa2: {  	s22 =	simm.s32 $0x1BFF;
	s21 =	sshll.u32 s10, $0x1;
	s7 =	sadd.s32 s8, s19  }
0xa3: {  	s11 =	simm.s32 $0x0;
	s20 =	sshll.u32 s9, $0x1;
	s9 =	sadd.s32 s21, s7  }
0xa4: {  	[timem:s11], [sflag:s22] =	dma.local [hbm:s9], s20  }
0xa5: {  	_ =	swait.ge [sflag:s22], s20  }
0xa6: {  	s8 =	ssub.s32 $0x0, s20;
	[sflag:s22] =	ssyncset.done $0x0  }
0xa7: {  	[sflag:s22] =	ssyncadd.s32 s8;
	_ =	sdelay $0x1  }
0xa8: {  	s23 =	simm.s32 $0x1B8B  }
0xa9: {  	_ =	swait.ge [sflag:s23], $0x1  }
0xaa: {  	[sflag:s23] =	ssyncset.done $0x0  }
0xab: {  	s25 =	simm.s32 $0x1B8E;
	s24 =	sld [smem:$0x3FFE];
	[sflag:s23] =	ssyncadd.s32 $0xFFFFFFFF  }
0xac: {  	s26 =	simm.s32 $execute0_lowered;
	[smem:$0x3FD2] =	sst s25  }
0xad: {  	s9 =	sshll.u32 s26, $0x1;
	_ =	strace $0x80000046;
	[dreg:$0x1] =	wrdreg $0xFFFFFFFF  }
0xae: {  	s28 =	simm.s32 $_size_execute0_lowered;
	s7 =	sadd.s32 s7, s9;
	[dreg:$0x0] =	wrdreg $0x0  }
0xaf: {  	s9 =	sshll.u32 s28, $0x1;
	[dreg:$0x2] =	wrdreg s7  }
0xb0: {  	[dreg:$0x3] =	wrdreg s9  }
0xb1: {  	[dreg:$0x4] =	wrdreg $0xC0  }
0xb2: {  	_ =	task [dreg:s11], $0x5FFFF  }
0xb3: {  	[dreg:$0x1] =	wrdreg $0xFFFFFFFF  }
0xb4: {  	[dreg:$0x0] =	wrdreg $0x60  }
0xb5: {  	[dreg:$0x2] =	wrdreg s24  }
0xb6: {  	[dreg:$0x3] =	wrdreg s15  }
0xb7: {  	[dreg:$0x4] =	wrdreg s4  }
0xb8: {  	[dreg:$0x5] =	wrdreg s16  }
0xb9: {  	[dreg:$0x6] =	wrdreg s17  }
0xba: {  	[dreg:$0x7] =	wrdreg s18  }
0xbb: {  	[dreg:$0x8] =	wrdreg $0x9  }
0xbc: {  	_ =	task.clear_ibuf [dreg:s11], $0x9FFFF;
	_ =	strace $0x90000046  }
0xbd: {  	s29 =	simm.s32 $0x9;
	_ =	strace $0x80000048  }
0xbe: {  	_ =	swait.ge [sflag:s29], $0x1  }
0xbf: {  	[sflag:s29] =	ssyncadd.s32 $0xFFFFFFFF  }
0xc0: {  	_ =	strace $0x90000048  }
0xc1: {  	_ =	sfence  }
0xc2: {  	s30 =	sld [smem:$0x0];
	_ =	sdelay $0x2  }
0xc3: {  	s31 =	sshll.u32 s1, $0xD;
	s1 =	sshrl.u32 s1, $0x2  }
0xc4: {  	s3 =	sand.u32 $0x4000, s31;
	s1 =	sadd.s32 s1, s30  }
0xc5: {  	s0 =	sor.u32 s3, s0;
	s1 =	sshll.u32 s1, $0x11  }
0xc6: {  	s0 =	sor.u32 s1, s0  }
0xc7: {  	s0 =	sadd.s32 $0x8F2B, s0  }
0xc8: {  	[sflag:s0] =	ssyncadd.remote.s32 $0x1  }
0xc9: {  	_ =	sfence.sel $0xFFFF  }
0xca: {  	[dreg:$0x0] =	wrdreg $0xFFFFFFFF;
	(pc) =	sbr.abs _section_cstart, $3  }
0xcb: {  	[dreg:$0x1] =	wrdreg $0xFFFFFFFF  }
0xcc: {  	_ =	task.clear_ibuf [dreg:s11], $0x2FFFF;
	_ =	strace $0x9FFFFFFF  }
0xcd: {  	(tm) =	ssettm $0x7FFFFFFF  }
tec
execute0_lowered:
.L_overlay_start_1:
0x0: {  	(tag) =	ssettag $0x1  }
0x1: {  	s4 =	rddreg [dreg:$0x0]  }
0x2: {  	s1 =	rddreg [dreg:$0x1]  }
0x3: {  	s3 =	rddreg [dreg:$0x2]  }
0x4: {  	s8 =	rddreg [dreg:$0x3]  }
0x5: {  	s9 =	rddreg [dreg:$0x4];
	s2 =	simm.s32 $0x0  }
0x6: {  	[smem:$0x7FF] =	sst s2  }
0x7: {  	s0 =	rddreg [dreg:$0x5];
	v0 =	vimm.f32 $9.100000000e+01;
	_ =	strace $0x80000047  }
0x8: {  	(erf) = vrcp.f32 v0;
	_ =	sdelay $0x2  }
0x9: {  	s5 =	stileid.u32  }
0xa: {  	p0 =	sgt.u32 s5, $0x7  }
.Ltmp0:
0xb: {  	_ = 	snop;
	(pc) =	sbr.rel @p0 .LBB2_116-.Ltmp0, $2  }
0xc: {  	_ =	sdelay $0x2  }
0xd: {  	v0 =	vpop (erf)  }
0xe: {  	v1 =	vimm.s32 $0x80000000;
	v3 =	vimm.s32 $0xEFCDAB89  }
0xf: {  	v2 =	vimm.s32 $0x0;
	v5 =	vimm.s32 $0x67452301;
	v6 =	vunpack.c.l.s4.s8 v3  }
0x10: {  	v4 =	vimm.s32 $0xFFFFFFFF;
	v11 =	vimm.s32 $0xBA98FEDC;
	v12 =	vimm.s32 $0x32107654  }
0x11: {  	vm4 =	vcmask $0xB08;
	v8 =	vunpack.c.0.s8.s32 v6;
	v6 =	vimm.s32 $0xDCFE98BA  }
0x12: {  	vm3 =	vcmask $0x300;
	v9 =	vunpack.c.l.s4.s8 v6;
	v6 =	vimm.s32 $0x54761032  }
0x13: {  	vm5 =	vcmask $0x1310;
	vm7 =	vcmask $0x704;
	v10 =	vunpack.c.l.s4.s8 v6  }
0x14: {  	vm8 =	vcmask $0x2724;
	v11 =	vunpack.c.l.s4.s8 v11;
	v12 =	vunpack.c.l.s4.s8 v12  }
0x15: {  	v3 =	vlaneseq.u32;
	v9 =	vunpack.c.0.s8.s32 v9;
	v10 =	vunpack.c.0.s8.s32 v10  }
0x16: {  	v7 =	vunpack.c.l.s4.s8 v5;
	v11 =	vunpack.c.0.s8.s32 v11;
	v12 =	vunpack.c.0.s8.s32 v12  }
0x17: {  	vm0 =	vmor vm3, vm4;
	v10 =	vcombine.low v10, v9;
	v9 =	vimm.s32 $0xFEDCBA98  }
0x18: {  	v11 =	vcombine.low v12, v11;
	v12 =	vimm.s32 $0x76543210;
	v9 =	vunpack.c.l.s4.s8 v9  }
0x19: {  	s6 =	stileid.u32;
	v5 =	vor.u32 $0x10, v3;
	vm1 =	vmor vm0, vm5;
	v12 =	vunpack.c.l.s4.s8 v12  }
0x1a: {  	s5 =	srdreg.scid;
	s14 =	sadd.s32 $0x1F000, s4;
	s12 =	sshrl.u32 s6, $0x2;
	vm0 =	vcmask $0x1B18;
	v7 =	vunpack.c.0.s8.s32 v7;
	v9 =	vunpack.c.0.s8.s32 v9  }
0x1b: {  	s17 =	simm.s32 $0x400;
	s20 =	sshll.u32 s6, $0x1;
	s6 =	smul.u32 $0x28000, s12;
	vm2 =	vmor vm1, vm0;
	vm1 =	vcmask $0x2320;
	v12 =	vunpack.c.0.s8.s32 v12  }
0x1c: {  	s19 =	simm.s32 $0x2800;
	s28 =	simm.s32 $0xB100;
	s10 =	smul.u32 $0xC00, s12;
	vm6 =	vmor vm2, vm1;
	vm2 =	vcmask $0x2B28;
	v9 =	vand.u32 $0xF, v9  }
0x1d: {  	s29 =	simm.s32 $0x1EB00;
	s11 =	sand.u32 $0x1, s5;
	s15 =	smul.u32 $0x27400, s12;
	v8 =	vcombine.low v7, v8;
	v9 =	vcombine.low v9, v12;
	v12 =	vimm.s32 $0x80  }
0x1e: {  	s7 =	sor.u32 s11, s20;
	s22 =	smul.u32 $0x2800, s12;
	s24 =	ssub.s32 $0x2, s11;
	v6 =	vor.u32 $0x20, v3;
	v7 =	vimm.f32 $0.0e+00;
	v12 =	vsel vm3, $0x100, v12  }
0x1f: {  	s25 =	sshll.u32 s12, $0xA;
	s20 =	simm.s32 $0x80000000;
	s5 =	sshll.u32 s7, $0x7;
	vm6 =	vmor vm6, vm2;
	v8 =	vand.u32 $0xF, v8;
	v12 =	vsel vm7, $0x180, v12  }
0x20: {  	s16 =	smul.u32 $0x2740, s7;
	s26 =	sshrl.u32 s24, $0x1;
	s13 =	sand.u32 $0x380, s5;
	v11 =	vand.u32 $0xF, v11;
	v10 =	vand.u32 $0xF, v10;
	v12 =	vsel vm4, $0x0, v12  }
0x21: {  	s30 =	ssub.s32 s24, s26;
	s24 =	simm.s32 $0x8100;
	s5 =	sor.u32 s6, s13;
	vm3 =	vcmask $0x3330;
	v12 =	vsel vm5, $0x100, v12;
	vm5 =	vcmask $0x1714  }
0x22: {  	s10 =	sor.u32 s10, s13;
	s7 =	sor.u32 s13, s15;
	s23 =	sor.u32 s22, s13;
	vm7 =	vcmask $0x1710;
	vm4 =	vcmask $0x700;
	v12 =	vsel vm5, $0x180, v12  }
0x23: {  	s13 =	sor.u32 s25, s13;
	s15 =	simm.s32 $0x1;
	s25 =	simm.s32 $0x5000;
	vm6 =	vmor vm6, vm3;
	vm4 =	vmor vm4, vm7;
	v12 =	vsel vm0, $0x0, v12  }
0x24: {  	s22 =	simm.s32 $0x8080;
	s5 =	sshrl.u32 s5, $0x3;
	s10 =	sshrl.u32 s10, $0x3;
	vm7 =	vcmask $0x2720;
	vm5 =	vcmask $0x3B38;
	v12 =	vsel vm1, $0x100, v12  }
0x25: {  	s31 =	sshrl.u32 s13, $0x3;
	s13 =	smax.u32 s30, $0x1;
	s21 =	sadd.s32 s5, s4;
	vm4 =	vmor vm4, vm7;
	vm7 =	vcmask $0x3730;
	v12 =	vsel vm8, $0x180, v12  }
0x26: {  	s8 =	sadd.s32 s8, s10;
	s9 =	sadd.s32 s9, s10;
	s10 =	sadd.s32 s3, s16;
	vm1 =	vmor vm4, vm7;
	vm4 =	vcmask $0x2F20;
	v12 =	vsel vm2, $0x0, v12  }
0x27: {  	s3 =	sshrl.u32 s23, $0x3;
	s12 =	sadd.s32 s14, s31;
	s16 =	simm.s32 $0x80;
	vm2 =	vcmask $0xF00;
	v12 =	vsel vm3, $0x100, v12;
	vm3 =	vcmask $0x3734  }
0x28: {  	s23 =	simm.s32 $0x4E800;
	s4 =	sadd.s32 $0x1000, s21;
	s5 =	sadd.s32 $0xB000, s21;
	vm0 =	vmor vm6, vm5;
	vm2 =	vmor vm2, vm4;
	v12 =	vsel vm3, $0x180, v12  }
0x29: {  	s6 =	sadd.s32 $0x15000, s21;
	s11 =	sadd.s32 s0, s3;
	s21 =	simm.s32 $0x8000;
	vm4 =	vmxor vm4, vm4;
	vm3 =	vmmov $0xff;
	v12 =	vsel vm5, $0x0, v12  }
.LBB2_2:
0x2a: {  	s0 =	simm.s32 $0x0;
	s3 =	simm.s32 $0x1F480  }
0x2b: {  	[tilespmem:s3], [sflag:$0x1] =	stream.linear.gather [hbm4b:s12+s0], $0x80, $0x38;
	[tilespmem:$0x1F500] =	vst v63  }
0x2c: {  	_ =	swait.ge [sflag:s15], $0x80  }
0x2d: {  	[sflag:s15] =	ssyncset.done $0x0  }
0x2e: {  	[sflag:s15] =	ssyncadd.s32 $0xFFFFFF80  }
0x2f: {  	[tilespmem:s0], [sflag:$0x1] =	stream.strided.gather [hbm4b:s4+s16], $0x2800, s17, s16, $0x38;
	[tilespmem:$0x1F500] =	vst v63  }
0x30: {  	_ =	swait.ge [sflag:s15], $0x2800  }
0x31: {  	[sflag:s15] =	ssyncset.done $0x0  }
0x32: {  	[sflag:s15] =	ssyncadd.s32 $0xFFFFD800  }
0x33: {  	[tilespmem:s19], [sflag:$0x1] =	stream.strided.gather [hbm4b:s5+s16], $0x2800, s17, s16, $0x38;
	[tilespmem:$0x1F500] =	vst v63  }
0x34: {  	_ =	swait.ge [sflag:s15], $0x2800  }
0x35: {  	[sflag:s15] =	ssyncset.done $0x0  }
0x36: {  	[sflag:s15] =	ssyncadd.s32 $0xFFFFD800  }
0x37: {  	[tilespmem:s25], [sflag:$0x1] =	stream.strided.gather [hbm4b:s6+s16], $0x2800, s17, s16, $0x38;
	[tilespmem:$0x1F500] =	vst v63  }
0x38: {  	_ =	swait.ge [sflag:s15], $0x2800  }
0x39: {  	[sflag:s15] =	ssyncset.done $0x0  }
0x3a: {  	s3 =	simm.s32 $0xA0;
	[sflag:s15] =	ssyncadd.s32 $0xFFFFD800  }
0x3b: {  	v13 =	vld [tilespmem:s3+$0xFFFFFF70]  }
0x3c: {  	s14 =	simm.s32 $0x40;
	v14 =	vld [tilespmem:s3+$0xFFFFFF60]  }
.LBB2_3:
0x3d: {  	p0 =	sne.s32 s14, $0x7C0;
	v15 =	vld [tilespmem:s3+$0xFFFFFF80]  }
0x3e: {  	v16 =	vld [tilespmem:s3+$0xFFFFFF90]  }
0x3f: {  	v17 =	vld [tilespmem:s3+$0xFFFFFFA0]  }
0x40: {  	v18 =	vld [tilespmem:s3+$0xFFFFFFB0]  }
0x41: {  	v13 =	vmax.f32 v14, v13;
	v14 =	vld [tilespmem:s3+$0xFFFFFFC0]  }
0x42: {  	v13 =	vmax.f32 v13, v15;
	v15 =	vld [tilespmem:s3+$0xFFFFFFD0]  }
0x43: {  	v13 =	vmax.f32 v13, v16;
	v16 =	vld [tilespmem:s3+$0xFFFFFFE0]  }
0x44: {  	v13 =	vmax.f32 v13, v17;
	v17 =	vld [tilespmem:s3+$0xFFFFFFF0]  }
0x45: {  	v13 =	vmax.f32 v13, v18;
	v18 =	vld [tilespmem:s3+$0x0]  }
0x46: {  	v13 =	vmax.f32 v13, v14;
	v14 =	vld [tilespmem:s3+$0x10]  }
0x47: {  	v13 =	vmax.f32 v13, v15;
	v15 =	vld [tilespmem:s3+$0x20]  }
0x48: {  	v13 =	vmax.f32 v13, v16;
	v16 =	vld [tilespmem:s3+$0x30]  }
0x49: {  	v13 =	vmax.f32 v13, v17;
	v17 =	vld [tilespmem:s3+$0x40]  }
0x4a: {  	v13 =	vmax.f32 v13, v18;
	v18 =	vld [tilespmem:s3+$0x50]  }
0x4b: {  	v13 =	vmax.f32 v13, v14;
	v14 =	vld [tilespmem:s3+$0x60]  }
0x4c: {  	v13 =	vmax.f32 v13, v15;
	v15 =	vld [tilespmem:s3+$0x70]  }
0x4d: {  	v13 =	vmax.f32 v13, v16;
	v16 =	vld [tilespmem:s3+$0x80]  }
0x4e: {  	v13 =	vmax.f32 v13, v17;
	v17 =	vld [tilespmem:s3+$0x90]  }
0x4f: {  	v13 =	vmax.f32 v13, v18  }
0x50: {  	v13 =	vmax.f32 v13, v14  }
0x51: {  	v13 =	vmax.f32 v13, v15  }
0x52: {  	v13 =	vmax.f32 v13, v16  }
0x53: {  	v13 =	vmax.f32 v13, v17  }
0x54: {  	vm5 =	vlt.f32 v13, $0.0e+00  }
.Ltmp1:
0x55: {  	v14 =	vsel vm5, $0xFFFFFFFF, v1;
	(pc) =	sbr.rel @p0 .LBB2_3-.Ltmp1, $4  }
0x56: {  	s18 =	sshra.s32 s0, $0x2;
	s0 =	smov.u32 s14;
	v13 =	vxor.u32 v13, v14  }
0x57: {  	s3 =	sadd.s32 $0x140, s3;
	[tilespmem:s18+$0x7800] =	vst v13  }
0x58: {  	v13 =	vld [tilespmem:s3+$0xFFFFFF70]  }
0x59: {  	s14 =	sadd.s32 $0x40, s14;
	v14 =	vld [tilespmem:s3+$0xFFFFFF60]  }
0x5a: {  	v15 =	vld [tilespmem:s3+$0xFFFFFF80]  }
0x5b: {  	v16 =	vld [tilespmem:s3+$0xFFFFFF90]  }
0x5c: {  	v17 =	vld [tilespmem:s3+$0xFFFFFFA0]  }
0x5d: {  	v18 =	vld [tilespmem:s3+$0xFFFFFFB0]  }
0x5e: {  	v13 =	vmax.f32 v14, v13;
	v14 =	vld [tilespmem:s3+$0xFFFFFFC0]  }
0x5f: {  	v13 =	vmax.f32 v13, v15;
	v15 =	vld [tilespmem:s3+$0xFFFFFFD0]  }
0x60: {  	v56 =	vld [tilespmem:s3+$0xFFFFFFE0];
	v13 =	vmax.f32 v13, v16  }
0x61: {  	v57 =	vld [tilespmem:s3+$0xFFFFFFF0];
	v13 =	vmax.f32 v13, v17  }
0x62: {  	v58 =	vld [tilespmem:s3+$0x0];
	v13 =	vmax.f32 v13, v18  }
0x63: {  	v13 =	vmax.f32 v13, v14;
	v14 =	vld [tilespmem:s3+$0x10]  }
0x64: {  	v13 =	vmax.f32 v13, v15;
	v15 =	vld [tilespmem:s3+$0x20]  }
0x65: {  	v59 =	vld [tilespmem:s3+$0x30];
	v13 =	vmax.f32 v13, v56  }
0x66: {  	v60 =	vld [tilespmem:s3+$0x40];
	v13 =	vmax.f32 v13, v57  }
0x67: {  	v61 =	vld [tilespmem:s3+$0x50];
	v13 =	vmax.f32 v13, v58  }
0x68: {  	v13 =	vmax.f32 v13, v14;
	v14 =	vld [tilespmem:s3+$0x60]  }
0x69: {  	v13 =	vmax.f32 v13, v15;
	v15 =	vld [tilespmem:s3+$0x70]  }
0x6a: {  	v62 =	vld [tilespmem:s3+$0x80];
	v13 =	vmax.f32 v13, v59  }
0x6b: {  	v63 =	vld [tilespmem:s3+$0x90];
	v13 =	vmax.f32 v13, v60  }
0x6c: {  	v13 =	vmax.f32 v13, v61  }
0x6d: {  	v13 =	vmax.f32 v13, v14  }
0x6e: {  	v13 =	vmax.f32 v13, v15  }
0x6f: {  	v13 =	vmax.f32 v13, v62  }
0x70: {  	v13 =	vmax.f32 v13, v63  }
0x71: {  	vm5 =	vlt.f32 v13, $0.0e+00  }
0x72: {  	v14 =	vsel vm5, $0xFFFFFFFF, v1  }
0x73: {  	s0 =	sshra.s32 s0, $0x2;
	v13 =	vxor.u32 v13, v14  }
0x74: {  	s26 =	sadd.s32 $0x2800, s4;
	[tilespmem:s0+$0x7800] =	vst v13;
	s0 =	simm.s32 $0x0  }
0x75: {  	[tilespmem:s0], [sflag:$0x1] =	stream.strided.gather [hbm4b:s26+s16], $0x2800, s17, s16, $0x38;
	[tilespmem:$0x1F500] =	vst v63  }
0x76: {  	_ =	swait.ge [sflag:s15], $0x2800  }
0x77: {  	[sflag:s15] =	ssyncset.done $0x0  }
0x78: {  	s30 =	sadd.s32 $0x2800, s5;
	[sflag:s15] =	ssyncadd.s32 $0xFFFFD800  }
0x79: {  	[tilespmem:s19], [sflag:$0x1] =	stream.strided.gather [hbm4b:s30+s16], $0x2800, s17, s16, $0x38;
	[tilespmem:$0x1F500] =	vst v63  }
0x7a: {  	_ =	swait.ge [sflag:s15], $0x2800  }
0x7b: {  	[sflag:s15] =	ssyncset.done $0x0  }
0x7c: {  	s31 =	sadd.s32 $0x2800, s6;
	[sflag:s15] =	ssyncadd.s32 $0xFFFFD800  }
0x7d: {  	[tilespmem:s25], [sflag:$0x1] =	stream.strided.gather [hbm4b:s31+s16], $0x2800, s17, s16, $0x38;
	[tilespmem:$0x1F500] =	vst v63  }
0x7e: {  	_ =	swait.ge [sflag:s15], $0x2800  }
0x7f: {  	[sflag:s15] =	ssyncset.done $0x0  }
0x80: {  	s14 =	simm.s32 $0xA0;
	[sflag:s15] =	ssyncadd.s32 $0xFFFFD800  }
0x81: {  	v13 =	vld [tilespmem:s14+$0xFFFFFF70]  }
0x82: {  	s3 =	simm.s32 $0x0;
	s25 =	simm.s32 $0x10;
	v14 =	vld [tilespmem:s14+$0xFFFFFF60]  }
.LBB2_5:
0x83: {  	p0 =	sne.s32 s25, $0x1F0;
	v15 =	vld [tilespmem:s14+$0xFFFFFF80]  }
0x84: {  	v16 =	vld [tilespmem:s14+$0xFFFFFF90]  }
0x85: {  	v17 =	vld [tilespmem:s14+$0xFFFFFFA0]  }
0x86: {  	v18 =	vld [tilespmem:s14+$0xFFFFFFB0]  }
0x87: {  	v13 =	vmax.f32 v14, v13;
	v14 =	vld [tilespmem:s14+$0xFFFFFFC0]  }
0x88: {  	v13 =	vmax.f32 v13, v15;
	v15 =	vld [tilespmem:s14+$0xFFFFFFD0]  }
0x89: {  	v13 =	vmax.f32 v13, v16;
	v16 =	vld [tilespmem:s14+$0xFFFFFFE0]  }
0x8a: {  	v13 =	vmax.f32 v13, v17;
	v17 =	vld [tilespmem:s14+$0xFFFFFFF0]  }
0x8b: {  	v13 =	vmax.f32 v13, v18;
	v18 =	vld [tilespmem:s14+$0x0]  }
0x8c: {  	v13 =	vmax.f32 v13, v14;
	v14 =	vld [tilespmem:s14+$0x10]  }
0x8d: {  	v13 =	vmax.f32 v13, v15;
	v15 =	vld [tilespmem:s14+$0x20]  }
0x8e: {  	v13 =	vmax.f32 v13, v16;
	v16 =	vld [tilespmem:s14+$0x30]  }
0x8f: {  	v13 =	vmax.f32 v13, v17;
	v17 =	vld [tilespmem:s14+$0x40]  }
0x90: {  	v13 =	vmax.f32 v13, v18;
	v18 =	vld [tilespmem:s14+$0x50]  }
0x91: {  	v13 =	vmax.f32 v13, v14;
	v14 =	vld [tilespmem:s14+$0x60]  }
0x92: {  	v13 =	vmax.f32 v13, v15;
	v15 =	vld [tilespmem:s14+$0x70]  }
0x93: {  	v13 =	vmax.f32 v13, v16;
	v16 =	vld [tilespmem:s14+$0x80]  }
0x94: {  	v13 =	vmax.f32 v13, v17;
	v17 =	vld [tilespmem:s14+$0x90]  }
0x95: {  	v13 =	vmax.f32 v13, v18  }
0x96: {  	v13 =	vmax.f32 v13, v14  }
0x97: {  	v13 =	vmax.f32 v13, v15  }
0x98: {  	v13 =	vmax.f32 v13, v16  }
0x99: {  	v13 =	vmax.f32 v13, v17  }
0x9a: {  	vm5 =	vlt.f32 v13, $0.0e+00  }
.Ltmp2:
0x9b: {  	v14 =	vsel vm5, $0xFFFFFFFF, v1;
	(pc) =	sbr.rel @p0 .LBB2_5-.Ltmp2, $4  }
0x9c: {  	s18 =	sand.u32 $0x1F0, s3;
	s3 =	smov.u32 s25;
	v13 =	vxor.u32 v13, v14  }
0x9d: {  	s14 =	sadd.s32 $0x140, s14;
	[tilespmem:s18+$0x7A00] =	vst v13  }
0x9e: {  	v13 =	vld [tilespmem:s14+$0xFFFFFF70]  }
0x9f: {  	s25 =	sadd.s32 $0x10, s25;
	v14 =	vld [tilespmem:s14+$0xFFFFFF60]  }
0xa0: {  	v15 =	vld [tilespmem:s14+$0xFFFFFF80]  }
0xa1: {  	v16 =	vld [tilespmem:s14+$0xFFFFFF90]  }
0xa2: {  	v17 =	vld [tilespmem:s14+$0xFFFFFFA0]  }
0xa3: {  	v18 =	vld [tilespmem:s14+$0xFFFFFFB0]  }
0xa4: {  	v13 =	vmax.f32 v14, v13;
	v14 =	vld [tilespmem:s14+$0xFFFFFFC0]  }
0xa5: {  	v13 =	vmax.f32 v13, v15;
	v15 =	vld [tilespmem:s14+$0xFFFFFFD0]  }
0xa6: {  	v56 =	vld [tilespmem:s14+$0xFFFFFFE0];
	v13 =	vmax.f32 v13, v16  }
0xa7: {  	v57 =	vld [tilespmem:s14+$0xFFFFFFF0];
	v13 =	vmax.f32 v13, v17  }
0xa8: {  	v58 =	vld [tilespmem:s14+$0x0];
	v13 =	vmax.f32 v13, v18  }
0xa9: {  	v13 =	vmax.f32 v13, v14;
	v14 =	vld [tilespmem:s14+$0x10]  }
0xaa: {  	v13 =	vmax.f32 v13, v15;
	v15 =	vld [tilespmem:s14+$0x20]  }
0xab: {  	v59 =	vld [tilespmem:s14+$0x30];
	v13 =	vmax.f32 v13, v56  }
0xac: {  	v60 =	vld [tilespmem:s14+$0x40];
	v13 =	vmax.f32 v13, v57  }
0xad: {  	v61 =	vld [tilespmem:s14+$0x50];
	v13 =	vmax.f32 v13, v58  }
0xae: {  	v13 =	vmax.f32 v13, v14;
	v14 =	vld [tilespmem:s14+$0x60]  }
0xaf: {  	v13 =	vmax.f32 v13, v15;
	v15 =	vld [tilespmem:s14+$0x70]  }
0xb0: {  	v62 =	vld [tilespmem:s14+$0x80];
	v13 =	vmax.f32 v13, v59  }
0xb1: {  	v63 =	vld [tilespmem:s14+$0x90];
	v13 =	vmax.f32 v13, v60  }
0xb2: {  	v13 =	vmax.f32 v13, v61  }
0xb3: {  	v13 =	vmax.f32 v13, v14  }
0xb4: {  	v13 =	vmax.f32 v13, v15  }
0xb5: {  	v13 =	vmax.f32 v13, v62  }
0xb6: {  	v13 =	vmax.f32 v13, v63  }
0xb7: {  	vm5 =	vlt.f32 v13, $0.0e+00  }
0xb8: {  	v14 =	vsel vm5, $0xFFFFFFFF, v1  }
0xb9: {  	s3 =	sand.u32 $0x1F0, s3;
	v13 =	vxor.u32 v13, v14  }
0xba: {  	[tilespmem:s3+$0x7A00] =	vst v13;
	s3 =	simm.s32 $0x0  }
.LBB2_7:
0xbb: {  	s14 =	sshrl.u32 s20, s3;
	s25 =	simm.s32 $0x0  }
0xbc: {  	s14 =	sor.u32 s14, s0;
	v15 =	vld [tilespmem:s25+$0x7800]  }
0xbd: {  	v13 =	vimm.s32 $0x0;
	s18 =	simm.s32 $0x40;
	v14 =	vmov s14  }
.LBB2_8:
0xbe: {  	p0 =	sne.s32 s18, $0xFC0  }
.Ltmp3:
0xbf: {  	_ = 	snop;
	(pc) =	sbr.rel @p0 .LBB2_8-.Ltmp3, $4  }
0xc0: {  	_ = 	snop  }
0xc1: {  	s25 =	sshra.s32 s18, $0x2;
	s18 =	sadd.s32 $0x40, s18;
	vm5 =	vge.u32 v15, v14  }
0xc2: {  	v15 =	vld [tilespmem:s25+$0x7800];
	v16 =	vsel vm5, $0x1, v2  }
0xc3: {  	v13 =	vadd.s32 v16, v13  }
0xc4: {  	_ =	sdelay $0x2  }
0xc5: {  	vm5 =	vge.u32 v15, v14  }
0xc6: {  	v14 =	vsel vm5, $0x1, v2  }
0xc7: {  	v13 =	vadd.s32 v14, v13  }
0xc8: {  	(xrf0) =	vadd.scan.msk.s32 $0xffff, v13;
	_ =	sdelay $0x5  }
0xc9: {  	v13, _, _ =	vpop (xrf0)  }
0xca: {  	(v2sf) =	vpush v13, $0xF;
	_ =	sdelay $0xa  }
0xcb: {  	s3 =	sadd.s32 $0x1, s3  }
0xcc: {  	p1 =	sne.s32 s3, $0x18  }
.Ltmp4:
0xcd: {  	_ = 	snop;
	(pc) =	sbr.rel @p1 .LBB2_7-.Ltmp4, $4  }
0xce: {  	_ = 	snop  }
0xcf: {  	s18 =	spop (v2sf)  }
0xd0: {  	p0 =	sgt.s32 s18, $0x12B  }
0xd1: {  	s0 =	smov.u32 @p0 s14  }
0xd2: {  	s3 =	simm.s32 $0x40;
	s14 =	simm.s32 $0x0  }
.LBB2_11:
0xd3: {  	p0 =	sne.s32 s3, $0x7C0;
	[tilespmem:s14+$0x7C00] =	vst v2;
	s18 =	smov.u32 s3;
	s3 =	sadd.s32 $0x40, s3  }
.Ltmp5:
0xd4: {  	[tilespmem:s14+$0x7E00] =	vst v2;
	(pc) =	sbr.rel @p0 .LBB2_11-.Ltmp5, $2  }
0xd5: {  	_ =	sdelay $0x2  }
0xd6: {  	s14 =	sshra.s32 s18, $0x2  }
0xd7: {  	[tilespmem:s14+$0x7C00] =	vst v2  }
0xd8: {  	[tilespmem:s14+$0x7E00] =	vst v2  }
0xd9: {  	[tilespmem:$0x8000] =	vst v3  }
0xda: {  	[tilespmem:$0x8080] =	vst v4  }
0xdb: {  	[tilespmem:$0x8010] =	vst v5  }
0xdc: {  	[tilespmem:$0x8090] =	vst v4  }
0xdd: {  	[tilespmem:$0x8020] =	vst v6  }
0xde: {  	s31 =	simm.s32 $0x0;
	[tilespmem:$0x80A0] =	vst v4  }
0xdf: {  	v14 =	vld [tilespmem:s31+$0x0];
	_ =	sdelay $0x4  }
0xe0: {  	vm5 =	vlt.f32 v14, $0.0e+00  }
0xe1: {  	v15 =	vsel vm5, $0xFFFFFFFF, v1  }
0xe2: {  	v13 =	vmov s0;
	v14 =	vxor.u32 v14, v15  }
0xe3: {  	vm5 =	vge.u32 v14, v13  }
0xe4: {  	v15 =	vsel vm5, $0x3F800000, v7  }
0xe5: {  	(xrf0) =	vmax.scan.msk.f32 $0xffff, v15;
	_ =	sdelay $0x5  }
0xe6: {  	v15, _, _ =	vpop (xrf0)  }
0xe7: {  	(v2sf) =	vpush v15, $0xF;
	_ =	sdelay $0xe  }
0xe8: {  	s26 =	spop (v2sf)  }
0xe9: {  	p0 =	sgt.f32 s26, $0.0e+00  }
0xea: {  	s3 =	simm.s32 $0x2800  }
0xeb: {  	v15 =	vld @p0 [tilespmem:s3+$0x0]  }
0xec: {  	v16 =	vlaneseq.u32 @p0  }
0xed: {  	p1 =	por @p0 $0x1, $0x1;
	v16 =	vor.u32 @p0 s3, v16  }
0xee: {  	s0 =	simm.s32 $0x0;
	p1 =	por !p1, !p0;
	v17 =	vmul.u32 @p0 $0x5B, v16  }
0xef: {  	vm5 =	vge.u32 @p0 v14, v13;
	s0 =	simm.s32 @p1 $0x1F0  }
0xf0: {  	[tilespmem:s0+$0x7C00] =	vst.msk @p0 vm5, v14;
	v15 =	vadd.s32 @p0 v17, v15  }
0xf1: {  	s14 =	simm.s32 $0x5000;
	[tilespmem:s0+$0x7E00] =	vst.msk @p0 vm5, v15  }
0xf2: {  	v14 =	vld @p0 [tilespmem:s14+$0x0];
	_ =	sdelay $0x4  }
0xf3: {  	v17 =	vimm.s32 @p0 $0x80000000;
	vm6 =	vlt.f32 @p0 v14, $0.0e+00  }
0xf4: {  	v17 =	vsel @p0 vm6, $0xFFFFFFFF, v17  }
0xf5: {  	v14 =	vxor.u32 @p0 v14, v17  }
0xf6: {  	vm6 =	vge.u32 @p0 v14, v13;
	v14 =	vmpcnt.ones.xlane @p0 vm5;
	_ =	sdelay $0x1  }
0xf7: {  	v14 =	vxor.u32 @p0 $0x80000000, v14  }
0xf8: {  	p1 =	por @p0 $0x1, $0x1;
	vm5 =	vmand @p0 vm5, vm6;
	(xrf0) =	vmax.scan.msk.u32 @p0 $0xffff, v14  }
0xf9: {  	p1 =	por !p1, !p0;
	s0 =	simm.s32 $0x0;
	v17 =	vmpcnt.ones.xlane @p0 vm5  }
0xfa: {  	s0 =	simm.s32 @p1 $0x20  }
0xfb: {  	[tilespmem:s0+$0x8000] =	vst.msk @p0 vm5, v16;
	v14 =	vxor.u32 @p0 $0x80000000, v17  }
0xfc: {  	s14 =	simm.s32 $0x10;
	[tilespmem:s0+$0x8080] =	vst.msk @p0 vm5, v15;
	(xrf0) =	vmax.scan.msk.u32 @p0 $0xffff, v14  }
0xfd: {  	v15 =	vld [tilespmem:s14+$0x0]  }
0xfe: {  	v14, _, _ =	vpop @p0 (xrf0)  }
0xff: {  	(v2sf) =	vpush @p0 v14, $0xF;
	_ =	sdelay $0x2  }
0x100: {  	vm5 =	vlt.f32 v15, $0.0e+00;
	v14, _, _ =	vpop @p0 (xrf0)  }
0x101: {  	(v2sf) =	vpush @p0 v14, $0xF;
	v14 =	vsel vm5, $0xFFFFFFFF, v1  }
0x102: {  	v14 =	vxor.u32 v15, v14  }
0x103: {  	vm5 =	vge.u32 v14, v13  }
0x104: {  	v15 =	vsel vm5, $0x3F800000, v7  }
0x105: {  	(xrf0) =	vmax.scan.msk.f32 $0xffff, v15;
	_ =	sdelay $0x5  }
0x106: {  	v15, _, _ =	vpop (xrf0)  }
0x107: {  	s0 =	spop @p0 (v2sf);
	(v2sf) =	vpush v15, $0xF;
	_ =	sdelay $0x3  }
0x108: {  	s25 =	simm.s32 $0x2810  }
0x109: {  	s30 =	simm.s32 $0x2820;
	s0 =	sadd.s32 @p0 $0x0, s0;
	s18 =	spop @p0 (v2sf)  }
0x10a: {  	s26 =	sadd.s32 @p0 $0x80000000, s0;
	s0 =	simm.s32 $0x0;
	s18 =	sadd.s32 @p0 $0x0, s18  }
0x10b: {  	s0 =	smov.u32 @p0 s26;
	s26 =	simm.s32 $0x5010;
	s18 =	sadd.s32 @p0 $0x80000000, s18  }
.LBB2_13:
0x10c: {  	s31 =	smov.u32 @p0 s18  }
0x10d: {  	s3 =	sadd.s32 $0x10, s3;
	s18 =	smov.u32 s30;
	s30 =	sadd.s32 $0x10, s30  }
0x10e: {  	p1 =	sne.s32 s30, $0x5000;
	_ =	sdelay $0x4  }
0x10f: {  	s19 =	spop (v2sf)  }
0x110: {  	p0 =	sgt.f32 s19, $0.0e+00;
	_ =	sdelay $0x1  }
0x111: {  	v15 =	vld @p0 [tilespmem:s3+$0x0];
	v16 =	vlaneseq.u32 @p0;
	p2 =	slt.s32 @p0 s0, $0x1F0;
	p3 =	slt.s32 @p0 s31, $0x20  }
0x112: {  	v16 =	vor.u32 @p0 s25, v16;
	p4 =	por !p2, !p0;
	p2 =	por !p3, !p0;
	s25 =	smov.u32 s18  }
0x113: {  	v17 =	vmul.u32 @p0 $0x5B, v16  }
0x114: {  	s18 =	smov.u32 s0  }
0x115: {  	vm5 =	vge.u32 @p0 v14, v13;
	s18 =	simm.s32 @p4 $0x1F0  }
0x116: {  	v15 =	vadd.s32 @p0 v17, v15;
	[tilespmem:s18+$0x7C00] =	vst.msk @p0 vm5, v14;
	v14 =	vmpcnt.ones.xlane @p0 vm5  }
0x117: {  	[tilespmem:s18+$0x7E00] =	vst.msk @p0 vm5, v15  }
0x118: {  	v17 =	vld @p0 [tilespmem:s26+$0x0];
	v14 =	vxor.u32 @p0 $0x80000000, v14  }
0x119: {  	(xrf0) =	vmax.scan.msk.u32 @p0 $0xffff, v14;
	_ =	sdelay $0x3  }
0x11a: {  	v14 =	vimm.s32 @p0 $0x80000000;
	vm6 =	vlt.f32 @p0 v17, $0.0e+00  }
0x11b: {  	v14 =	vsel @p0 vm6, $0xFFFFFFFF, v14  }
0x11c: {  	v14 =	vxor.u32 @p0 v17, v14;
	v17, _, _ =	vpop @p0 (xrf0)  }
0x11d: {  	s18 =	smov.u32 s31;
	vm6 =	vge.u32 @p0 v14, v13;
	(v2sf) =	vpush @p0 v17, $0xF  }
0x11e: {  	s18 =	simm.s32 @p2 $0x20;
	vm5 =	vmand @p0 vm5, vm6  }
0x11f: {  	[tilespmem:s18+$0x8000] =	vst.msk @p0 vm5, v16;
	v14 =	vmpcnt.ones.xlane @p0 vm5  }
0x120: {  	s14 =	sadd.s32 $0x10, s14;
	[tilespmem:s18+$0x8080] =	vst.msk @p0 vm5, v15  }
0x121: {  	v15 =	vld [tilespmem:s14+$0x0];
	v14 =	vxor.u32 @p0 $0x80000000, v14  }
0x122: {  	(xrf0) =	vmax.scan.msk.u32 @p0 $0xffff, v14;
	_ =	sdelay $0x3  }
0x123: {  	vm5 =	vlt.f32 v15, $0.0e+00  }
0x124: {  	v14 =	vsel vm5, $0xFFFFFFFF, v1  }
0x125: {  	v14 =	vxor.u32 v15, v14;
	v15, _, _ =	vpop @p0 (xrf0)  }
0x126: {  	vm5 =	vge.u32 v14, v13;
	(v2sf) =	vpush @p0 v15, $0xF  }
0x127: {  	v15 =	vsel vm5, $0x3F800000, v7  }
0x128: {  	(xrf0) =	vmax.scan.msk.f32 $0xffff, v15  }
0x129: {  	s18 =	spop @p0 (v2sf)  }
0x12a: {  	s18 =	sadd.s32 @p0 s18, s0  }
0x12b: {  	s18 =	sadd.s32 @p0 $0x80000000, s18  }
0x12c: {  	s0 =	smov.u32 @p0 s18;
	_ =	sdelay $0x1  }
0x12d: {  	v15, _, _ =	vpop (xrf0)  }
0x12e: {  	(v2sf) =	vpush v15, $0xF;
	_ =	sdelay $0x3  }
.Ltmp6:
0x12f: {  	(pc) =	sbr.rel @p1 .LBB2_13-.Ltmp6, $4  }
0x130: {  	_ = 	snop  }
0x131: {  	s18 =	spop @p0 (v2sf)  }
0x132: {  	s18 =	sadd.s32 @p0 s18, s31  }
0x133: {  	s26 =	sadd.s32 $0x10, s26;
	s18 =	sadd.s32 @p0 $0x80000000, s18  }
0x134: {  	_ =	sdelay $0x5  }
0x135: {  	s14 =	spop (v2sf)  }
0x136: {  	p1 =	sgt.f32 s14, $0.0e+00  }
0x137: {  	s3 =	sadd.s32 $0x10, s3  }
0x138: {  	v15 =	vld @p1 [tilespmem:s3+$0x0]  }
0x139: {  	v16 =	vlaneseq.u32 @p1  }
0x13a: {  	p2 =	slt.s32 @p1 s0, $0x1F0;
	v16 =	vor.u32 @p1 s25, v16  }
0x13b: {  	s3 =	smov.u32 s0;
	p2 =	por !p2, !p1;
	v17 =	vmul.u32 @p1 $0x5B, v16  }
0x13c: {  	vm5 =	vge.u32 @p1 v14, v13;
	s3 =	simm.s32 @p2 $0x1F0  }
0x13d: {  	[tilespmem:s3+$0x7C00] =	vst.msk @p1 vm5, v14;
	v15 =	vadd.s32 @p1 v17, v15  }
0x13e: {  	[tilespmem:s3+$0x7E00] =	vst.msk @p1 vm5, v15  }
0x13f: {  	v14 =	vld @p1 [tilespmem:s26+$0x0];
	_ =	sdelay $0x4  }
0x140: {  	v17 =	vimm.s32 @p1 $0x80000000;
	vm6 =	vlt.f32 @p1 v14, $0.0e+00  }
0x141: {  	v17 =	vsel @p1 vm6, $0xFFFFFFFF, v17  }
0x142: {  	v14 =	vxor.u32 @p1 v14, v17  }
0x143: {  	vm6 =	vge.u32 @p1 v14, v13  }
0x144: {  	v14 =	vmpcnt.ones.xlane @p1 vm5;
	vm5 =	vmand @p1 vm5, vm6  }
0x145: {  	v17 =	vmpcnt.ones.xlane @p1 vm5  }
0x146: {  	v14 =	vxor.u32 @p1 $0x80000000, v14  }
0x147: {  	(xrf0) =	vmax.scan.msk.u32 @p1 $0xffff, v14;
	v14 =	vxor.u32 @p1 $0x80000000, v17  }
0x148: {  	(xrf0) =	vmax.scan.msk.u32 @p1 $0xffff, v14;
	_ =	sdelay $0x4  }
0x149: {  	v14, _, _ =	vpop @p1 (xrf0)  }
0x14a: {  	(v2sf) =	vpush @p1 v14, $0xF;
	v14, _, _ =	vpop @p1 (xrf0)  }
0x14b: {  	(v2sf) =	vpush @p1 v14, $0xF;
	_ =	sdelay $0x6  }
0x14c: {  	s31 =	smov.u32 @p0 s18  }
0x14d: {  	p0 =	slt.s32 @p1 s31, $0x20  }
0x14e: {  	p0 =	por !p0, !p1;
	s3 =	smov.u32 s31  }
0x14f: {  	s3 =	simm.s32 @p0 $0x20  }
0x150: {  	[tilespmem:s3+$0x8000] =	vst.msk @p1 vm5, v16  }
0x151: {  	s19 =	simm.s32 $0x0;
	[tilespmem:s3+$0x8080] =	vst.msk @p1 vm5, v15  }
0x152: {  	[tilespmem:s19], [sflag:$0x1] =	stream.strided.gather [hbm4b:s4+s16], $0x2800, s17, s16, $0x38;
	[tilespmem:$0x1F500] =	vst v63  }
0x153: {  	s14 =	spop @p1 (v2sf)  }
0x154: {  	s18 =	spop @p1 (v2sf)  }
0x155: {  	_ =	swait.ge [sflag:s15], $0x2800  }
0x156: {  	[sflag:s15] =	ssyncset.done $0x0  }
0x157: {  	s3 =	simm.s32 $0x2800;
	[sflag:s15] =	ssyncadd.s32 $0xFFFFD800  }
0x158: {  	[tilespmem:s3], [sflag:$0x1] =	stream.strided.gather [hbm4b:s5+s16], $0x2800, s17, s16, $0x38;
	[tilespmem:$0x1F500] =	vst v63  }
0x159: {  	_ =	swait.ge [sflag:s15], $0x2800  }
0x15a: {  	[sflag:s15] =	ssyncset.done $0x0  }
0x15b: {  	s25 =	simm.s32 $0x5000;
	[sflag:s15] =	ssyncadd.s32 $0xFFFFD800  }
0x15c: {  	[tilespmem:s25], [sflag:$0x1] =	stream.strided.gather [hbm4b:s6+s16], $0x2800, s17, s16, $0x38;
	[tilespmem:$0x1F500] =	vst v63  }
0x15d: {  	_ =	swait.ge [sflag:s15], $0x2800  }
0x15e: {  	[sflag:s15] =	ssyncset.done $0x0  }
0x15f: {  	[sflag:s15] =	ssyncadd.s32 $0xFFFFD800  }
0x160: {  	v14 =	vld [tilespmem:s19+$0x0];
	_ =	sdelay $0x4  }
0x161: {  	vm5 =	vlt.f32 v14, $0.0e+00  }
0x162: {  	v15 =	vsel vm5, $0xFFFFFFFF, v1  }
0x163: {  	v14 =	vxor.u32 v14, v15  }
0x164: {  	vm5 =	vge.u32 v14, v13  }
0x165: {  	v15 =	vsel vm5, $0x3F800000, v7  }
0x166: {  	(xrf0) =	vmax.scan.msk.f32 $0xffff, v15;
	_ =	sdelay $0x5  }
0x167: {  	v15, _, _ =	vpop (xrf0)  }
0x168: {  	(v2sf) =	vpush v15, $0xF;
	_ =	sdelay $0xe  }
0x169: {  	s26 =	spop (v2sf)  }
0x16a: {  	p0 =	sgt.f32 s26, $0.0e+00  }
0x16b: {  	s14 =	sadd.s32 @p1 s14, s0  }
0x16c: {  	s14 =	sadd.s32 @p1 $0x80000000, s14;
	v15 =	vld @p0 [tilespmem:s3+$0x0]  }
0x16d: {  	s0 =	smov.u32 @p1 s14;
	v16 =	vlaneseq.u32 @p0  }
0x16e: {  	p2 =	slt.s32 @p0 s0, $0x1F0;
	v16 =	vor.u32 @p0 s19, v16  }
0x16f: {  	s14 =	smov.u32 s0;
	p2 =	por !p2, !p0;
	v17 =	vmul.u32 @p0 $0x5B, v16  }
0x170: {  	vm5 =	vge.u32 @p0 v14, v13;
	s14 =	simm.s32 @p2 $0x1F0  }
0x171: {  	[tilespmem:s14+$0x7C00] =	vst.msk @p0 vm5, v14;
	v15 =	vadd.s32 @p0 v17, v15  }
0x172: {  	[tilespmem:s14+$0x7E00] =	vst.msk @p0 vm5, v15  }
0x173: {  	v14 =	vld @p0 [tilespmem:s25+$0x0];
	_ =	sdelay $0x4  }
0x174: {  	v17 =	vimm.s32 @p0 $0x80000000;
	vm6 =	vlt.f32 @p0 v14, $0.0e+00  }
0x175: {  	v17 =	vsel @p0 vm6, $0xFFFFFFFF, v17  }
0x176: {  	s14 =	sadd.s32 @p1 s18, s31;
	v14 =	vxor.u32 @p0 v14, v17;
	v17 =	vmpcnt.ones.xlane @p0 vm5  }
0x177: {  	s14 =	sadd.s32 @p1 $0x80000000, s14  }
0x178: {  	s31 =	smov.u32 @p1 s14;
	vm6 =	vge.u32 @p0 v14, v13;
	v14 =	vxor.u32 @p0 $0x80000000, v17  }
0x179: {  	p1 =	slt.s32 @p0 s31, $0x20;
	vm5 =	vmand @p0 vm5, vm6;
	(xrf0) =	vmax.scan.msk.u32 @p0 $0xffff, v14  }
0x17a: {  	s18 =	smov.u32 s31;
	p1 =	por !p1, !p0;
	v17 =	vmpcnt.ones.xlane @p0 vm5  }
0x17b: {  	s18 =	simm.s32 @p1 $0x20  }
0x17c: {  	[tilespmem:s18+$0x8000] =	vst.msk @p0 vm5, v16;
	v14 =	vxor.u32 @p0 $0x80000000, v17  }
0x17d: {  	s14 =	simm.s32 $0x10;
	[tilespmem:s18+$0x8080] =	vst.msk @p0 vm5, v15;
	(xrf0) =	vmax.scan.msk.u32 @p0 $0xffff, v14  }
0x17e: {  	v15 =	vld [tilespmem:s14+$0x0]  }
0x17f: {  	v14, _, _ =	vpop @p0 (xrf0)  }
0x180: {  	(v2sf) =	vpush @p0 v14, $0xF;
	_ =	sdelay $0x2  }
0x181: {  	vm5 =	vlt.f32 v15, $0.0e+00;
	v14, _, _ =	vpop @p0 (xrf0)  }
0x182: {  	(v2sf) =	vpush @p0 v14, $0xF;
	v14 =	vsel vm5, $0xFFFFFFFF, v1  }
0x183: {  	v14 =	vxor.u32 v15, v14  }
0x184: {  	vm5 =	vge.u32 v14, v13  }
0x185: {  	v15 =	vsel vm5, $0x3F800000, v7  }
0x186: {  	(xrf0) =	vmax.scan.msk.f32 $0xffff, v15;
	_ =	sdelay $0x5  }
0x187: {  	v15, _, _ =	vpop (xrf0)  }
0x188: {  	s18 =	spop @p0 (v2sf);
	(v2sf) =	vpush v15, $0xF;
	_ =	sdelay $0x3  }
0x189: {  	s18 =	sadd.s32 @p0 s18, s0  }
0x18a: {  	s18 =	sadd.s32 @p0 $0x80000000, s18;
	s19 =	spop @p0 (v2sf)  }
0x18b: {  	s30 =	simm.s32 $0x10;
	s0 =	smov.u32 @p0 s18;
	s18 =	sadd.s32 @p0 s19, s31  }
0x18c: {  	s26 =	simm.s32 $0x20;
	s25 =	simm.s32 $0x5010;
	s18 =	sadd.s32 @p0 $0x80000000, s18  }
.LBB2_15:
0x18d: {  	s31 =	smov.u32 @p0 s18  }
0x18e: {  	s3 =	sadd.s32 $0x10, s3;
	s18 =	smov.u32 s26;
	s26 =	sadd.s32 $0x10, s26  }
0x18f: {  	p1 =	sne.s32 s26, $0x2800;
	_ =	sdelay $0x4  }
0x190: {  	s19 =	spop (v2sf)  }
0x191: {  	p0 =	sgt.f32 s19, $0.0e+00;
	_ =	sdelay $0x1  }
0x192: {  	v15 =	vld @p0 [tilespmem:s3+$0x0];
	v16 =	vlaneseq.u32 @p0;
	p2 =	slt.s32 @p0 s0, $0x1F0;
	p3 =	slt.s32 @p0 s31, $0x20  }
0x193: {  	v16 =	vor.u32 @p0 s14, v16;
	p4 =	por !p2, !p0;
	p2 =	por !p3, !p0;
	s14 =	smov.u32 s18  }
0x194: {  	v17 =	vmul.u32 @p0 $0x5B, v16  }
0x195: {  	s18 =	smov.u32 s0  }
0x196: {  	vm5 =	vge.u32 @p0 v14, v13;
	s18 =	simm.s32 @p4 $0x1F0  }
0x197: {  	v15 =	vadd.s32 @p0 v17, v15;
	[tilespmem:s18+$0x7C00] =	vst.msk @p0 vm5, v14;
	v14 =	vmpcnt.ones.xlane @p0 vm5  }
0x198: {  	[tilespmem:s18+$0x7E00] =	vst.msk @p0 vm5, v15  }
0x199: {  	v17 =	vld @p0 [tilespmem:s25+$0x0];
	v14 =	vxor.u32 @p0 $0x80000000, v14  }
0x19a: {  	(xrf0) =	vmax.scan.msk.u32 @p0 $0xffff, v14;
	_ =	sdelay $0x3  }
0x19b: {  	v14 =	vimm.s32 @p0 $0x80000000;
	vm6 =	vlt.f32 @p0 v17, $0.0e+00  }
0x19c: {  	v14 =	vsel @p0 vm6, $0xFFFFFFFF, v14  }
0x19d: {  	v14 =	vxor.u32 @p0 v17, v14;
	v17, _, _ =	vpop @p0 (xrf0)  }
0x19e: {  	s18 =	smov.u32 s31;
	vm6 =	vge.u32 @p0 v14, v13;
	(v2sf) =	vpush @p0 v17, $0xF  }
0x19f: {  	s18 =	simm.s32 @p2 $0x20;
	vm5 =	vmand @p0 vm5, vm6  }
0x1a0: {  	[tilespmem:s18+$0x8000] =	vst.msk @p0 vm5, v16;
	v14 =	vmpcnt.ones.xlane @p0 vm5  }
0x1a1: {  	s30 =	sadd.s32 $0x10, s30;
	[tilespmem:s18+$0x8080] =	vst.msk @p0 vm5, v15  }
0x1a2: {  	v15 =	vld [tilespmem:s30+$0x0];
	v14 =	vxor.u32 @p0 $0x80000000, v14  }
0x1a3: {  	(xrf0) =	vmax.scan.msk.u32 @p0 $0xffff, v14;
	_ =	sdelay $0x3  }
0x1a4: {  	vm5 =	vlt.f32 v15, $0.0e+00  }
0x1a5: {  	v14 =	vsel vm5, $0xFFFFFFFF, v1  }
0x1a6: {  	v14 =	vxor.u32 v15, v14;
	v15, _, _ =	vpop @p0 (xrf0)  }
0x1a7: {  	vm5 =	vge.u32 v14, v13;
	(v2sf) =	vpush @p0 v15, $0xF  }
0x1a8: {  	v15 =	vsel vm5, $0x3F800000, v7  }
0x1a9: {  	(xrf0) =	vmax.scan.msk.f32 $0xffff, v15  }
0x1aa: {  	s18 =	spop @p0 (v2sf)  }
0x1ab: {  	s18 =	sadd.s32 @p0 s18, s0  }
0x1ac: {  	s18 =	sadd.s32 @p0 $0x80000000, s18  }
0x1ad: {  	s0 =	smov.u32 @p0 s18;
	_ =	sdelay $0x1  }
0x1ae: {  	v15, _, _ =	vpop (xrf0)  }
0x1af: {  	(v2sf) =	vpush v15, $0xF;
	_ =	sdelay $0x3  }
.Ltmp7:
0x1b0: {  	(pc) =	sbr.rel @p1 .LBB2_15-.Ltmp7, $4  }
0x1b1: {  	_ = 	snop  }
0x1b2: {  	s18 =	spop @p0 (v2sf)  }
0x1b3: {  	s18 =	sadd.s32 @p0 s18, s31  }
0x1b4: {  	s25 =	sadd.s32 $0x10, s25;
	s18 =	sadd.s32 @p0 $0x80000000, s18  }
0x1b5: {  	_ =	sdelay $0x5  }
0x1b6: {  	s19 =	spop (v2sf)  }
0x1b7: {  	p1 =	sgt.f32 s19, $0.0e+00  }
0x1b8: {  	s3 =	sadd.s32 $0x10, s3  }
0x1b9: {  	v15 =	vld @p1 [tilespmem:s3+$0x0]  }
0x1ba: {  	v16 =	vlaneseq.u32 @p1  }
0x1bb: {  	p2 =	slt.s32 @p1 s0, $0x1F0;
	v16 =	vor.u32 @p1 s14, v16  }
0x1bc: {  	s3 =	smov.u32 s0;
	p2 =	por !p2, !p1;
	v17 =	vmul.u32 @p1 $0x5B, v16  }
0x1bd: {  	vm5 =	vge.u32 @p1 v14, v13;
	s3 =	simm.s32 @p2 $0x1F0  }
0x1be: {  	[tilespmem:s3+$0x7C00] =	vst.msk @p1 vm5, v14;
	v15 =	vadd.s32 @p1 v17, v15  }
0x1bf: {  	[tilespmem:s3+$0x7E00] =	vst.msk @p1 vm5, v15  }
0x1c0: {  	v14 =	vld @p1 [tilespmem:s25+$0x0];
	_ =	sdelay $0x4  }
0x1c1: {  	v17 =	vimm.s32 @p1 $0x80000000;
	vm6 =	vlt.f32 @p1 v14, $0.0e+00  }
0x1c2: {  	v17 =	vsel @p1 vm6, $0xFFFFFFFF, v17  }
0x1c3: {  	v14 =	vxor.u32 @p1 v14, v17  }
0x1c4: {  	vm6 =	vge.u32 @p1 v14, v13  }
0x1c5: {  	v14 =	vmpcnt.ones.xlane @p1 vm5;
	vm5 =	vmand @p1 vm5, vm6  }
0x1c6: {  	v17 =	vmpcnt.ones.xlane @p1 vm5  }
0x1c7: {  	v14 =	vxor.u32 @p1 $0x80000000, v14  }
0x1c8: {  	(xrf0) =	vmax.scan.msk.u32 @p1 $0xffff, v14;
	v14 =	vxor.u32 @p1 $0x80000000, v17  }
0x1c9: {  	(xrf0) =	vmax.scan.msk.u32 @p1 $0xffff, v14;
	_ =	sdelay $0x4  }
0x1ca: {  	v14, _, _ =	vpop @p1 (xrf0)  }
0x1cb: {  	(v2sf) =	vpush @p1 v14, $0xF;
	v14, _, _ =	vpop @p1 (xrf0)  }
0x1cc: {  	(v2sf) =	vpush @p1 v14, $0xF;
	_ =	sdelay $0xd  }
0x1cd: {  	s3 =	spop @p1 (v2sf)  }
0x1ce: {  	s31 =	smov.u32 @p0 s18;
	s14 =	spop @p1 (v2sf)  }
0x1cf: {  	s14 =	sadd.s32 @p1 s14, s31  }
0x1d0: {  	p0 =	slt.s32 @p1 s31, $0x20;
	s14 =	sadd.s32 @p1 $0x80000000, s14  }
0x1d1: {  	s18 =	smov.u32 s31;
	p0 =	por !p0, !p1;
	s31 =	smov.u32 @p1 s14  }
0x1d2: {  	s18 =	simm.s32 @p0 $0x20;
	p0 =	slt.s32 s31, $0x1  }
.Ltmp8:
0x1d3: {  	_ = 	snop;
	(pc) =	sbr.rel @p0 .LBB2_21-.Ltmp8, $4  }
0x1d4: {  	_ = 	snop  }
0x1d5: {  	s3 =	sadd.s32 @p1 s3, s0  }
0x1d6: {  	[tilespmem:s18+$0x8000] =	vst.msk @p1 vm5, v16;
	s3 =	sadd.s32 @p1 $0x80000000, s3  }
0x1d7: {  	[tilespmem:s18+$0x8080] =	vst.msk @p1 vm5, v15;
	s0 =	smov.u32 @p1 s3  }
0x1d8: {  	p0 =	slt.s32 s31, $0x18  }
0x1d9: {  	s3 =	simm.s32 $0x0;
	s14 =	simm.s32 $0x0;
	s31 =	simm.s32 @!p0 $0x18  }
.LBB2_18:
0x1da: {  	v15 =	vmov s14;
	_ =	sdelay $0x4  }
0x1db: {  	v16 =	vld.idx.msk [tilespmem:v15+s21+$0x0], $0xffff;
	_ =	sdelay $0x4  }
0x1dc: {  	v14 =	vxor.u32 $0x80000000, v16  }
0x1dd: {  	(xrf0) =	vmax.scan.msk.u32 $0xffff, v14;
	_ =	sdelay $0x5  }
0x1de: {  	v14, _, _ =	vpop (xrf0)  }
0x1df: {  	(v2sf) =	vpush v14, $0xF;
	_ =	sdelay $0xe  }
0x1e0: {  	s18 =	spop (v2sf)  }
0x1e1: {  	s18 =	sxor.u32 $0x80000000, s18  }
0x1e2: {  	s19 =	sand.u32 $0xFFFFFF80, s18  }
0x1e3: {  	p0 =	slt.s32 s19, $0x4DA0  }
0x1e4: {  	s19 =	simm.s32 @!p0 $0x4DA0  }
0x1e5: {  	v19 =	vor.u32 s3, v3;
	s25 =	sshll.u32 s19, $0x3  }
0x1e6: {  	vm5 =	vlt.s32 v19, $0x5B;
	s25 =	sand.u32 $0xFFFFFC00, s25  }
0x1e7: {  	v17 =	vnsel vm5, $0x5B, v19;
	s18 =	ssub.s32 s18, s19;
	s26 =	sadd.s32 s7, s25  }
0x1e8: {  	v17 =	vshll.u32 v17, $0x7;
	v14 =	vmov s18;
	s19 =	sshrl.u32 s26, $0x3  }
0x1e9: {  	v17 =	vadd.s32 v14, v17;
	s30 =	sadd.s32 s1, s19  }
0x1ea: {  	v15 =	vld.idx.msk [tilespmem:v15+s22+$0x0], $0xffff;
	[tilespmem:s24], [sflag:$0x1] =	stream.strided.gather [hbm4b:s30+s16], $0x2E00, s23, s16, $0x38  }
0x1eb: {  	_ =	swait.ge [sflag:s15], $0x2E00  }
0x1ec: {  	[sflag:s15] =	ssyncset.done $0x0  }
0x1ed: {  	[sflag:s15] =	ssyncadd.s32 $0xFFFFD200  }
0x1ee: {  	v17 =	vld.idx.msk [tilespmem:v17+s24+$0x0], $0xffff;
	_ =	sdelay $0x4  }
0x1ef: {  	vm5 =	vlt.f32 v17, $0.0e+00  }
0x1f0: {  	v16 =	vmul.u32 $0x5B, v16;
	v18 =	vsel vm5, $0xFFFFFFFF, v1  }
0x1f1: {  	v18 =	vxor.u32 v17, v18  }
0x1f2: {  	vm5 =	vlt.u32 v19, $0x5B;
	v17 =	vadd.s32 v16, v19;
	vm6 =	vge.u32 v18, v13  }
0x1f3: {  	vm5 =	vmand vm5, vm6;
	vm6 =	vne.s32 v17, v15  }
0x1f4: {  	vm5 =	vmand vm6, vm5  }
0x1f5: {  	v19 =	vsel vm5, $0x3F800000, v7  }
0x1f6: {  	(xrf0) =	vmax.scan.msk.f32 $0xffff, v19;
	_ =	sdelay $0x5  }
0x1f7: {  	v19, _, _ =	vpop (xrf0)  }
0x1f8: {  	(v2sf) =	vpush v19, $0xF;
	_ =	sdelay $0x2  }
0x1f9: {  	s25 =	simm.s32 $0x10  }
.LBB2_19:
0x1fa: {  	_ =	sdelay $0x9  }
0x1fb: {  	v19 =	vor.u32 s25, v3;
	s25 =	sadd.s32 $0x10, s25  }
0x1fc: {  	vm6 =	vlt.s32 v19, $0x5B;
	p0 =	sne.s32 s25, $0x60;
	s18 =	spop (v2sf)  }
0x1fd: {  	v20 =	vnsel vm6, $0x5B, v19;
	p1 =	sgt.f32 s18, $0.0e+00  }
0x1fe: {  	v20 =	vshll.u32 v20, $0x7  }
0x1ff: {  	v20 =	vadd.s32 v14, v20;
	p2 =	slt.s32 @p1 s0, $0x1F0;
	v21 =	vmpcnt.ones.xlane @p1 vm5  }
0x200: {  	s18 =	smov.u32 s0;
	p2 =	por !p2, !p1  }
0x201: {  	s18 =	simm.s32 @p2 $0x1F0;
	v21 =	vxor.u32 @p1 $0x80000000, v21  }
0x202: {  	[tilespmem:s18+$0x7C00] =	vst.msk @p1 vm5, v18;
	(xrf0) =	vmax.scan.msk.u32 @p1 $0xffff, v21  }
0x203: {  	[tilespmem:s18+$0x7E00] =	vst.msk @p1 vm5, v17  }
0x204: {  	v17 =	vld.idx.msk [tilespmem:v20+s24+$0x0], $0xffff;
	_ =	sdelay $0x3  }
0x205: {  	v18, _, _ =	vpop @p1 (xrf0)  }
0x206: {  	(v2sf) =	vpush @p1 v18, $0xF  }
0x207: {  	vm5 =	vlt.f32 v17, $0.0e+00  }
0x208: {  	v18 =	vsel vm5, $0xFFFFFFFF, v1  }
0x209: {  	v18 =	vxor.u32 v17, v18  }
0x20a: {  	vm5 =	vlt.u32 v19, $0x5B;
	v17 =	vadd.s32 v16, v19;
	vm6 =	vge.u32 v18, v13  }
0x20b: {  	vm5 =	vmand vm5, vm6;
	vm6 =	vne.s32 v17, v15  }
0x20c: {  	vm5 =	vmand vm6, vm5  }
0x20d: {  	v19 =	vsel vm5, $0x3F800000, v7  }
0x20e: {  	(xrf0) =	vmax.scan.msk.f32 $0xffff, v19;
	_ =	sdelay $0x5  }
.Ltmp9:
0x20f: {  	v19, _, _ =	vpop (xrf0);
	(pc) =	sbr.rel @p0 .LBB2_19-.Ltmp9, $4  }
0x210: {  	(v2sf) =	vpush v19, $0xF;
	s18 =	spop @p1 (v2sf)  }
0x211: {  	s18 =	sadd.s32 @p1 s18, s0  }
0x212: {  	s18 =	sadd.s32 @p1 $0x80000000, s18  }
0x213: {  	s0 =	smov.u32 @p1 s18  }
0x214: {  	_ =	sdelay $0xa  }
0x215: {  	s18 =	spop (v2sf)  }
0x216: {  	p0 =	sgt.f32 s18, $0.0e+00;
	_ =	sdelay $0x1  }
0x217: {  	v14 =	vmpcnt.ones.xlane @p0 vm5;
	_ =	sdelay $0x1  }
0x218: {  	v14 =	vxor.u32 @p0 $0x80000000, v14  }
0x219: {  	(xrf0) =	vmax.scan.msk.u32 @p0 $0xffff, v14;
	_ =	sdelay $0x5  }
0x21a: {  	v14, _, _ =	vpop @p0 (xrf0)  }
0x21b: {  	(v2sf) =	vpush @p0 v14, $0xF;
	_ =	sdelay $0xa  }
0x21c: {  	p1 =	slt.s32 @p0 s0, $0x1F0  }
0x21d: {  	s14 =	sadd.s32 $0x1, s14;
	s18 =	smov.u32 s0;
	p1 =	por !p1, !p0  }
0x21e: {  	s18 =	simm.s32 @p1 $0x1F0;
	p1 =	sne.s32 s14, s31  }
.Ltmp10:
0x21f: {  	_ = 	snop;
	(pc) =	sbr.rel @p1 .LBB2_18-.Ltmp10, $4  }
0x220: {  	s19 =	spop @p0 (v2sf)  }
0x221: {  	s19 =	sadd.s32 @p0 s19, s0  }
0x222: {  	[tilespmem:s18+$0x7C00] =	vst.msk @p0 vm5, v18;
	s19 =	sadd.s32 @p0 $0x80000000, s19  }
0x223: {  	[tilespmem:s18+$0x7E00] =	vst.msk @p0 vm5, v17;
	s0 =	smov.u32 @p0 s19  }
.LBB2_21:
0x224: {  	s0 =	simm.s32 $0x0  }
0x225: {  	v13 =	vld [tilespmem:s0+$0x7C00]  }
0x226: {  	v14 =	vld [tilespmem:s0+$0x7E00];
	_ =	sdelay $0x3  }
0x227: {  	v15 =	vperm.xlane v13, v8  }
0x228: {  	v16 =	vperm.xlane v14, v8  }
0x229: {  	v17 =	vsel vm0, v13, v15  }
0x22a: {  	v18 =	vsel vm0, v15, v13;
	v19 =	vsel vm0, v14, v16;
	v20 =	vsel vm0, v16, v14  }
0x22b: {  	vm5 =	veq.s32 v17, v18;
	vm6 =	vlt.s32 v19, v20  }
0x22c: {  	vm7 =	vgt.u32 v17, v18;
	vm5 =	vmand vm5, vm6  }
0x22d: {  	vm5 =	vmor vm7, vm5  }
0x22e: {  	s14 =	simm.s32 $0x40;
	s3 =	simm.s32 $0x0;
	vm5 =	vmxor vm5, vm1  }
.LBB2_22:
0x22f: {  	p0 =	sne.s32 s14, $0x7C0;
	v13 =	vsel vm5, v15, v13;
	v14 =	vsel vm5, v16, v14;
	s18 =	smov.u32 s14;
	s14 =	sadd.s32 $0x40, s14  }
0x230: {  	s18 =	sshra.s32 s18, $0x2;
	[tilespmem:s3+$0x7C00] =	vst v13  }
0x231: {  	v13 =	vld [tilespmem:s18+$0x7C00];
	[tilespmem:s3+$0x7E00] =	vst v14;
	s3 =	smov.u32 s18  }
0x232: {  	v14 =	vld [tilespmem:s3+$0x7E00];
	_ =	sdelay $0x3  }
0x233: {  	v15 =	vperm.xlane v13, v8  }
0x234: {  	v16 =	vperm.xlane v14, v8  }
0x235: {  	v17 =	vsel vm0, v13, v15;
	v18 =	vsel vm0, v15, v13  }
.Ltmp11:
0x236: {  	v19 =	vsel vm0, v14, v16;
	v20 =	vsel vm0, v16, v14;
	vm5 =	veq.s32 v17, v18;
	(pc) =	sbr.rel @p0 .LBB2_22-.Ltmp11, $4  }
0x237: {  	vm6 =	vgt.u32 v17, v18;
	vm7 =	vlt.s32 v19, v20  }
0x238: {  	vm5 =	vmand vm5, vm7  }
0x239: {  	vm5 =	vmor vm6, vm5  }
0x23a: {  	vm5 =	vmxor vm5, vm1  }
0x23b: {  	v13 =	vsel vm5, v15, v13  }
0x23c: {  	v14 =	vsel vm5, v16, v14;
	[tilespmem:s3+$0x7C00] =	vst v13  }
0x23d: {  	[tilespmem:s3+$0x7E00] =	vst v14  }
0x23e: {  	v13 =	vld [tilespmem:s0+$0x7C00]  }
0x23f: {  	v14 =	vld [tilespmem:s0+$0x7E00];
	_ =	sdelay $0x3  }
0x240: {  	v15 =	vperm.xlane v13, v10  }
0x241: {  	v16 =	vperm.xlane v14, v10  }
0x242: {  	v17 =	vsel vm1, v13, v15  }
0x243: {  	v18 =	vsel vm1, v15, v13;
	v19 =	vsel vm1, v14, v16;
	v20 =	vsel vm1, v16, v14  }
0x244: {  	vm5 =	veq.s32 v17, v18;
	vm6 =	vlt.s32 v19, v20  }
0x245: {  	vm7 =	vgt.u32 v17, v18;
	vm5 =	vmand vm5, vm6  }
0x246: {  	vm5 =	vmor vm7, vm5  }
0x247: {  	s3 =	simm.s32 $0x40;
	vm5 =	vmxor vm5, vm2  }
.LBB2_24:
0x248: {  	p0 =	sne.s32 s3, $0x7C0;
	v13 =	vsel vm5, v15, v13;
	v14 =	vsel vm5, v16, v14;
	s14 =	smov.u32 s3;
	s3 =	sadd.s32 $0x40, s3  }
0x249: {  	s14 =	sshra.s32 s14, $0x2;
	[tilespmem:s0+$0x7C00] =	vst v13  }
0x24a: {  	v13 =	vld [tilespmem:s14+$0x7C00];
	[tilespmem:s0+$0x7E00] =	vst v14;
	s0 =	smov.u32 s14  }
0x24b: {  	v14 =	vld [tilespmem:s0+$0x7E00];
	_ =	sdelay $0x3  }
0x24c: {  	v15 =	vperm.xlane v13, v10  }
0x24d: {  	v16 =	vperm.xlane v14, v10  }
0x24e: {  	v17 =	vsel vm1, v13, v15;
	v18 =	vsel vm1, v15, v13  }
.Ltmp12:
0x24f: {  	v19 =	vsel vm1, v14, v16;
	v20 =	vsel vm1, v16, v14;
	vm5 =	veq.s32 v17, v18;
	(pc) =	sbr.rel @p0 .LBB2_24-.Ltmp12, $4  }
0x250: {  	vm6 =	vgt.u32 v17, v18;
	vm7 =	vlt.s32 v19, v20  }
0x251: {  	vm5 =	vmand vm5, vm7  }
0x252: {  	vm5 =	vmor vm6, vm5  }
0x253: {  	vm5 =	vmxor vm5, vm2  }
0x254: {  	v13 =	vsel vm5, v15, v13  }
0x255: {  	v14 =	vsel vm5, v16, v14;
	[tilespmem:s0+$0x7C00] =	vst v13  }
0x256: {  	[tilespmem:s0+$0x7E00] =	vst v14;
	s0 =	simm.s32 $0x0  }
0x257: {  	v13 =	vld [tilespmem:s0+$0x7C00]  }
0x258: {  	v14 =	vld [tilespmem:s0+$0x7E00];
	_ =	sdelay $0x3  }
0x259: {  	v15 =	vperm.xlane v13, v8  }
0x25a: {  	v16 =	vperm.xlane v14, v8  }
0x25b: {  	v17 =	vsel vm0, v13, v15  }
0x25c: {  	v18 =	vsel vm0, v15, v13;
	v19 =	vsel vm0, v14, v16;
	v20 =	vsel vm0, v16, v14  }
0x25d: {  	vm5 =	veq.s32 v17, v18;
	vm6 =	vlt.s32 v19, v20  }
0x25e: {  	vm7 =	vgt.u32 v17, v18;
	vm5 =	vmand vm5, vm6  }
0x25f: {  	vm5 =	vmor vm7, vm5  }
0x260: {  	s14 =	simm.s32 $0x40;
	s3 =	simm.s32 $0x0;
	vm5 =	vmxor vm5, vm2  }
.LBB2_26:
0x261: {  	p0 =	sne.s32 s14, $0x7C0;
	v13 =	vsel vm5, v15, v13;
	v14 =	vsel vm5, v16, v14;
	s18 =	smov.u32 s14;
	s14 =	sadd.s32 $0x40, s14  }
0x262: {  	s18 =	sshra.s32 s18, $0x2;
	[tilespmem:s3+$0x7C00] =	vst v13  }
0x263: {  	v13 =	vld [tilespmem:s18+$0x7C00];
	[tilespmem:s3+$0x7E00] =	vst v14;
	s3 =	smov.u32 s18  }
0x264: {  	v14 =	vld [tilespmem:s3+$0x7E00];
	_ =	sdelay $0x3  }
0x265: {  	v15 =	vperm.xlane v13, v8  }
0x266: {  	v16 =	vperm.xlane v14, v8  }
0x267: {  	v17 =	vsel vm0, v13, v15;
	v18 =	vsel vm0, v15, v13  }
.Ltmp13:
0x268: {  	v19 =	vsel vm0, v14, v16;
	v20 =	vsel vm0, v16, v14;
	vm5 =	veq.s32 v17, v18;
	(pc) =	sbr.rel @p0 .LBB2_26-.Ltmp13, $4  }
0x269: {  	vm6 =	vgt.u32 v17, v18;
	vm7 =	vlt.s32 v19, v20  }
0x26a: {  	vm5 =	vmand vm5, vm7  }
0x26b: {  	vm5 =	vmor vm6, vm5  }
0x26c: {  	vm5 =	vmxor vm5, vm2  }
0x26d: {  	v13 =	vsel vm5, v15, v13  }
0x26e: {  	v14 =	vsel vm5, v16, v14;
	[tilespmem:s3+$0x7C00] =	vst v13  }
0x26f: {  	[tilespmem:s3+$0x7E00] =	vst v14  }
0x270: {  	v13 =	vld [tilespmem:s0+$0x7C00]  }
0x271: {  	v14 =	vld [tilespmem:s0+$0x7E00];
	_ =	sdelay $0x3  }
0x272: {  	v15 =	vperm.xlane v13, v11  }
0x273: {  	v16 =	vperm.xlane v14, v11  }
0x274: {  	v17 =	vsel vm2, v13, v15  }
0x275: {  	v18 =	vsel vm2, v15, v13;
	v19 =	vsel vm2, v14, v16;
	v20 =	vsel vm2, v16, v14  }
0x276: {  	vm5 =	veq.s32 v17, v18;
	vm6 =	vlt.s32 v19, v20  }
0x277: {  	vm7 =	vgt.u32 v17, v18;
	vm5 =	vmand vm5, vm6  }
0x278: {  	vm5 =	vmor vm7, vm5  }
0x279: {  	s3 =	simm.s32 $0x40;
	vm5 =	vmxor vm5, vm3  }
.LBB2_28:
0x27a: {  	p0 =	sne.s32 s3, $0x7C0;
	v13 =	vsel vm5, v15, v13;
	v14 =	vsel vm5, v16, v14;
	s14 =	smov.u32 s3;
	s3 =	sadd.s32 $0x40, s3  }
0x27b: {  	s14 =	sshra.s32 s14, $0x2;
	[tilespmem:s0+$0x7C00] =	vst v13  }
0x27c: {  	v13 =	vld [tilespmem:s14+$0x7C00];
	[tilespmem:s0+$0x7E00] =	vst v14;
	s0 =	smov.u32 s14  }
0x27d: {  	v14 =	vld [tilespmem:s0+$0x7E00];
	_ =	sdelay $0x3  }
0x27e: {  	v15 =	vperm.xlane v13, v11  }
0x27f: {  	v16 =	vperm.xlane v14, v11  }
0x280: {  	v17 =	vsel vm2, v13, v15;
	v18 =	vsel vm2, v15, v13  }
.Ltmp14:
0x281: {  	v19 =	vsel vm2, v14, v16;
	v20 =	vsel vm2, v16, v14;
	vm5 =	veq.s32 v17, v18;
	(pc) =	sbr.rel @p0 .LBB2_28-.Ltmp14, $4  }
0x282: {  	vm6 =	vgt.u32 v17, v18;
	vm7 =	vlt.s32 v19, v20  }
0x283: {  	vm5 =	vmand vm5, vm7  }
0x284: {  	vm5 =	vmor vm6, vm5  }
0x285: {  	vm5 =	vmxor vm5, vm3  }
0x286: {  	v13 =	vsel vm5, v15, v13  }
0x287: {  	v14 =	vsel vm5, v16, v14;
	[tilespmem:s0+$0x7C00] =	vst v13  }
0x288: {  	s14 =	simm.s32 $0x0;
	[tilespmem:s0+$0x7E00] =	vst v14  }
0x289: {  	v13 =	vld [tilespmem:s14+$0x7C00]  }
0x28a: {  	v14 =	vld [tilespmem:s14+$0x7E00];
	_ =	sdelay $0x3  }
0x28b: {  	v15 =	vperm.xlane v13, v10  }
0x28c: {  	v16 =	vperm.xlane v14, v10  }
0x28d: {  	v17 =	vsel vm1, v13, v15  }
0x28e: {  	v18 =	vsel vm1, v15, v13;
	v19 =	vsel vm1, v14, v16;
	v20 =	vsel vm1, v16, v14  }
0x28f: {  	vm5 =	veq.s32 v17, v18;
	vm6 =	vlt.s32 v19, v20  }
0x290: {  	vm7 =	vgt.u32 v17, v18;
	vm5 =	vmand vm5, vm6  }
0x291: {  	vm5 =	vmor vm7, vm5  }
0x292: {  	s3 =	simm.s32 $0x40;
	s0 =	simm.s32 $0x0;
	vm5 =	vmxor vm5, vm3  }
.LBB2_30:
0x293: {  	p0 =	sne.s32 s3, $0x7C0;
	v13 =	vsel vm5, v15, v13;
	v14 =	vsel vm5, v16, v14;
	s18 =	smov.u32 s3;
	s3 =	sadd.s32 $0x40, s3  }
0x294: {  	s18 =	sshra.s32 s18, $0x2;
	[tilespmem:s0+$0x7C00] =	vst v13  }
0x295: {  	v13 =	vld [tilespmem:s18+$0x7C00];
	[tilespmem:s0+$0x7E00] =	vst v14;
	s0 =	smov.u32 s18  }
0x296: {  	v14 =	vld [tilespmem:s0+$0x7E00];
	_ =	sdelay $0x3  }
0x297: {  	v15 =	vperm.xlane v13, v10  }
0x298: {  	v16 =	vperm.xlane v14, v10  }
0x299: {  	v17 =	vsel vm1, v13, v15;
	v18 =	vsel vm1, v15, v13  }
.Ltmp15:
0x29a: {  	v19 =	vsel vm1, v14, v16;
	v20 =	vsel vm1, v16, v14;
	vm5 =	veq.s32 v17, v18;
	(pc) =	sbr.rel @p0 .LBB2_30-.Ltmp15, $4  }
0x29b: {  	vm6 =	vgt.u32 v17, v18;
	vm7 =	vlt.s32 v19, v20  }
0x29c: {  	vm5 =	vmand vm5, vm7  }
0x29d: {  	vm5 =	vmor vm6, vm5  }
0x29e: {  	vm5 =	vmxor vm5, vm3  }
0x29f: {  	v13 =	vsel vm5, v15, v13  }
0x2a0: {  	v14 =	vsel vm5, v16, v14;
	[tilespmem:s0+$0x7C00] =	vst v13  }
0x2a1: {  	[tilespmem:s0+$0x7E00] =	vst v14  }
0x2a2: {  	v13 =	vld [tilespmem:s14+$0x7C00]  }
0x2a3: {  	v14 =	vld [tilespmem:s14+$0x7E00];
	_ =	sdelay $0x3  }
0x2a4: {  	v15 =	vperm.xlane v13, v8  }
0x2a5: {  	v16 =	vperm.xlane v14, v8  }
0x2a6: {  	v17 =	vsel vm0, v13, v15  }
0x2a7: {  	v18 =	vsel vm0, v15, v13;
	v19 =	vsel vm0, v14, v16;
	v20 =	vsel vm0, v16, v14  }
0x2a8: {  	vm5 =	veq.s32 v17, v18;
	vm6 =	vlt.s32 v19, v20  }
0x2a9: {  	vm7 =	vgt.u32 v17, v18;
	vm5 =	vmand vm5, vm6  }
0x2aa: {  	vm5 =	vmor vm7, vm5  }
0x2ab: {  	s25 =	simm.s32 $0x40;
	s3 =	simm.s32 $0x7C00;
	s0 =	simm.s32 $0x7E00;
	vm5 =	vmxor vm5, vm3  }
.LBB2_32:
0x2ac: {  	p0 =	sne.s32 s25, $0x7C0;
	v13 =	vsel vm5, v15, v13;
	v14 =	vsel vm5, v16, v14;
	s18 =	smov.u32 s25;
	s25 =	sadd.s32 $0x40, s25  }
0x2ad: {  	s18 =	sshra.s32 s18, $0x2;
	[tilespmem:s14+$0x7C00] =	vst v13  }
0x2ae: {  	v13 =	vld [tilespmem:s18+$0x7C00];
	[tilespmem:s14+$0x7E00] =	vst v14;
	s14 =	smov.u32 s18  }
0x2af: {  	v14 =	vld [tilespmem:s14+$0x7E00];
	_ =	sdelay $0x3  }
0x2b0: {  	v15 =	vperm.xlane v13, v8  }
0x2b1: {  	v16 =	vperm.xlane v14, v8  }
0x2b2: {  	v17 =	vsel vm0, v13, v15;
	v18 =	vsel vm0, v15, v13  }
.Ltmp16:
0x2b3: {  	v19 =	vsel vm0, v14, v16;
	v20 =	vsel vm0, v16, v14;
	vm5 =	veq.s32 v17, v18;
	(pc) =	sbr.rel @p0 .LBB2_32-.Ltmp16, $4  }
0x2b4: {  	vm6 =	vgt.u32 v17, v18;
	vm7 =	vlt.s32 v19, v20  }
0x2b5: {  	vm5 =	vmand vm5, vm7  }
0x2b6: {  	vm5 =	vmor vm6, vm5  }
0x2b7: {  	vm5 =	vmxor vm5, vm3  }
0x2b8: {  	v13 =	vsel vm5, v15, v13  }
0x2b9: {  	v14 =	vsel vm5, v16, v14;
	[tilespmem:s14+$0x7C00] =	vst v13  }
0x2ba: {  	[tilespmem:s14+$0x7E00] =	vst v14  }
0x2bb: {  	v13 =	vld [tilespmem:s0+$0x0]  }
0x2bc: {  	s30 =	simm.s32 $0x10;
	s31 =	simm.s32 $0x0;
	v14 =	vld [tilespmem:s3+$0x0]  }
0x2bd: {  	s25 =	simm.s32 $0x7C00;
	s26 =	simm.s32 $0x7E00;
	s14 =	simm.s32 $0x0  }
.LBB2_34:
0x2be: {  	p0 =	sne.s32 s30, $0x1F0;
	v15 =	vmov s31;
	s31 =	smov.u32 s30  }
0x2bf: {  	v15 =	vand.u32 $0x10, v15  }
0x2c0: {  	v16 =	vperm.xlane v13, v9;
	vm5 =	veq.s32 v15, $0x0  }
0x2c1: {  	v15 =	vperm.xlane v14, v9;
	v17 =	vsel vm5, $0x1, v2  }
0x2c2: {  	v18 =	vsel vm3, v13, v16;
	v17 =	vbroadcast v17, $0x0  }
0x2c3: {  	v21 =	vsel vm3, v16, v13;
	v19 =	vsel vm3, v14, v15;
	v20 =	vsel vm3, v15, v14  }
0x2c4: {  	vm6 =	vlt.s32 v18, v21;
	vm5 =	veq.s32 v19, v20  }
0x2c5: {  	v17 =	vand.u32 $0x1, v17;
	vm7 =	vgt.u32 v19, v20;
	vm5 =	vmand vm5, vm6  }
0x2c6: {  	vm6 =	veq.s32 v17, $0x1;
	vm5 =	vmor vm7, vm5  }
0x2c7: {  	vm5 =	vmxor vm6, vm5  }
0x2c8: {  	v14 =	vsel vm5, v15, v14;
	v13 =	vsel vm5, v16, v13  }
.Ltmp17:
0x2c9: {  	[tilespmem:s25+$0x0] =	vst v14;
	(pc) =	sbr.rel @p0 .LBB2_34-.Ltmp17, $4  }
0x2ca: {  	[tilespmem:s26+$0x0] =	vst v13;
	s26 =	sadd.s32 $0x10, s26  }
0x2cb: {  	s25 =	sadd.s32 $0x10, s25;
	v13 =	vld [tilespmem:s26+$0x0]  }
0x2cc: {  	v14 =	vld [tilespmem:s25+$0x0]  }
0x2cd: {  	s30 =	sadd.s32 $0x10, s30  }
0x2ce: {  	v15 =	vmov s31  }
0x2cf: {  	v15 =	vand.u32 $0x10, v15  }
0x2d0: {  	v16 =	vperm.xlane v13, v9;
	vm5 =	veq.s32 v15, $0x0  }
0x2d1: {  	v15 =	vperm.xlane v14, v9;
	v17 =	vsel vm5, $0x1, v2  }
0x2d2: {  	v18 =	vsel vm3, v13, v16;
	v17 =	vbroadcast v17, $0x0  }
0x2d3: {  	v21 =	vsel vm3, v16, v13;
	v19 =	vsel vm3, v14, v15;
	v20 =	vsel vm3, v15, v14  }
0x2d4: {  	vm6 =	vlt.s32 v18, v21;
	vm5 =	veq.s32 v19, v20  }
0x2d5: {  	v17 =	vand.u32 $0x1, v17;
	vm7 =	vgt.u32 v19, v20;
	vm5 =	vmand vm5, vm6  }
0x2d6: {  	vm6 =	veq.s32 v17, $0x1;
	vm5 =	vmor vm7, vm5  }
0x2d7: {  	vm5 =	vmxor vm6, vm5  }
0x2d8: {  	v14 =	vsel vm5, v15, v14  }
0x2d9: {  	v13 =	vsel vm5, v16, v13;
	[tilespmem:s25+$0x0] =	vst v14  }
0x2da: {  	[tilespmem:s26+$0x0] =	vst v13  }
0x2db: {  	v13 =	vld [tilespmem:s0+$0x0]  }
0x2dc: {  	v14 =	vld [tilespmem:s3+$0x0]  }
0x2dd: {  	s25 =	simm.s32 $0x10  }
.LBB2_36:
0x2de: {  	p0 =	sne.s32 s25, $0x1F0;
	v15 =	vmov s14;
	s14 =	smov.u32 s25  }
0x2df: {  	v15 =	vand.u32 $0x10, v15  }
0x2e0: {  	v16 =	vperm.xlane v13, v11;
	vm5 =	veq.s32 v15, $0x0  }
0x2e1: {  	v15 =	vperm.xlane v14, v11;
	v17 =	vsel vm5, $0x1, v2  }
0x2e2: {  	v18 =	vsel vm2, v13, v16;
	v17 =	vbroadcast v17, $0x0  }
0x2e3: {  	v21 =	vsel vm2, v16, v13;
	v19 =	vsel vm2, v14, v15;
	v20 =	vsel vm2, v15, v14  }
0x2e4: {  	vm6 =	vlt.s32 v18, v21;
	vm5 =	veq.s32 v19, v20  }
0x2e5: {  	v17 =	vand.u32 $0x1, v17;
	vm7 =	vgt.u32 v19, v20;
	vm5 =	vmand vm5, vm6  }
0x2e6: {  	vm6 =	veq.s32 v17, $0x1;
	vm5 =	vmor vm7, vm5  }
0x2e7: {  	vm5 =	vmxor vm6, vm5  }
0x2e8: {  	v14 =	vsel vm5, v15, v14;
	v13 =	vsel vm5, v16, v13  }
.Ltmp18:
0x2e9: {  	[tilespmem:s3+$0x0] =	vst v14;
	(pc) =	sbr.rel @p0 .LBB2_36-.Ltmp18, $4  }
0x2ea: {  	[tilespmem:s0+$0x0] =	vst v13;
	s0 =	sadd.s32 $0x10, s0  }
0x2eb: {  	s3 =	sadd.s32 $0x10, s3;
	v13 =	vld [tilespmem:s0+$0x0]  }
0x2ec: {  	v14 =	vld [tilespmem:s3+$0x0]  }
0x2ed: {  	s25 =	sadd.s32 $0x10, s25  }
0x2ee: {  	v15 =	vmov s14  }
0x2ef: {  	v15 =	vand.u32 $0x10, v15  }
0x2f0: {  	v16 =	vperm.xlane v13, v11;
	vm5 =	veq.s32 v15, $0x0  }
0x2f1: {  	v15 =	vperm.xlane v14, v11;
	v17 =	vsel vm5, $0x1, v2  }
0x2f2: {  	v18 =	vsel vm2, v13, v16;
	v17 =	vbroadcast v17, $0x0  }
0x2f3: {  	v21 =	vsel vm2, v16, v13;
	v19 =	vsel vm2, v14, v15;
	v20 =	vsel vm2, v15, v14  }
0x2f4: {  	vm6 =	vlt.s32 v18, v21;
	vm5 =	veq.s32 v19, v20  }
0x2f5: {  	v17 =	vand.u32 $0x1, v17;
	vm7 =	vgt.u32 v19, v20;
	vm5 =	vmand vm5, vm6  }
0x2f6: {  	vm6 =	veq.s32 v17, $0x1;
	vm5 =	vmor vm7, vm5  }
0x2f7: {  	vm5 =	vmxor vm6, vm5  }
0x2f8: {  	v14 =	vsel vm5, v15, v14  }
0x2f9: {  	v13 =	vsel vm5, v16, v13;
	[tilespmem:s3+$0x0] =	vst v14  }
0x2fa: {  	s3 =	simm.s32 $0x7E00;
	[tilespmem:s0+$0x0] =	vst v13  }
0x2fb: {  	s0 =	simm.s32 $0x7C00;
	v13 =	vld [tilespmem:s3+$0x0]  }
0x2fc: {  	s14 =	simm.s32 $0x0;
	s30 =	simm.s32 $0x10;
	v14 =	vld [tilespmem:s0+$0x0]  }
0x2fd: {  	s31 =	simm.s32 $0x0;
	s25 =	simm.s32 $0x7C00;
	s26 =	simm.s32 $0x7E00  }
.LBB2_38:
0x2fe: {  	p0 =	sne.s32 s30, $0x1F0;
	v15 =	vmov s31;
	s31 =	smov.u32 s30  }
0x2ff: {  	v15 =	vand.u32 $0x10, v15  }
0x300: {  	v16 =	vperm.xlane v13, v10;
	vm5 =	veq.s32 v15, $0x0  }
0x301: {  	v15 =	vperm.xlane v14, v10;
	v17 =	vsel vm5, $0x1, v2  }
0x302: {  	v18 =	vsel vm1, v13, v16;
	v17 =	vbroadcast v17, $0x0  }
0x303: {  	v21 =	vsel vm1, v16, v13;
	v19 =	vsel vm1, v14, v15;
	v20 =	vsel vm1, v15, v14  }
0x304: {  	vm6 =	vlt.s32 v18, v21;
	vm5 =	veq.s32 v19, v20  }
0x305: {  	v17 =	vand.u32 $0x1, v17;
	vm7 =	vgt.u32 v19, v20;
	vm5 =	vmand vm5, vm6  }
0x306: {  	vm6 =	veq.s32 v17, $0x1;
	vm5 =	vmor vm7, vm5  }
0x307: {  	vm5 =	vmxor vm6, vm5  }
0x308: {  	v14 =	vsel vm5, v15, v14;
	v13 =	vsel vm5, v16, v13  }
.Ltmp19:
0x309: {  	[tilespmem:s25+$0x0] =	vst v14;
	(pc) =	sbr.rel @p0 .LBB2_38-.Ltmp19, $4  }
0x30a: {  	[tilespmem:s26+$0x0] =	vst v13;
	s26 =	sadd.s32 $0x10, s26  }
0x30b: {  	s25 =	sadd.s32 $0x10, s25;
	v13 =	vld [tilespmem:s26+$0x0]  }
0x30c: {  	v14 =	vld [tilespmem:s25+$0x0]  }
0x30d: {  	s30 =	sadd.s32 $0x10, s30  }
0x30e: {  	v15 =	vmov s31  }
0x30f: {  	v15 =	vand.u32 $0x10, v15  }
0x310: {  	v16 =	vperm.xlane v13, v10;
	vm5 =	veq.s32 v15, $0x0  }
0x311: {  	v15 =	vperm.xlane v14, v10;
	v17 =	vsel vm5, $0x1, v2  }
0x312: {  	v18 =	vsel vm1, v13, v16;
	v17 =	vbroadcast v17, $0x0  }
0x313: {  	v21 =	vsel vm1, v16, v13;
	v19 =	vsel vm1, v14, v15;
	v20 =	vsel vm1, v15, v14  }
0x314: {  	vm6 =	vlt.s32 v18, v21;
	vm5 =	veq.s32 v19, v20  }
0x315: {  	v17 =	vand.u32 $0x1, v17;
	vm7 =	vgt.u32 v19, v20;
	vm5 =	vmand vm5, vm6  }
0x316: {  	vm6 =	veq.s32 v17, $0x1;
	vm5 =	vmor vm7, vm5  }
0x317: {  	vm5 =	vmxor vm6, vm5  }
0x318: {  	v14 =	vsel vm5, v15, v14  }
0x319: {  	v13 =	vsel vm5, v16, v13;
	[tilespmem:s25+$0x0] =	vst v14  }
0x31a: {  	[tilespmem:s26+$0x0] =	vst v13  }
0x31b: {  	v13 =	vld [tilespmem:s3+$0x0]  }
0x31c: {  	v14 =	vld [tilespmem:s0+$0x0]  }
0x31d: {  	s25 =	simm.s32 $0x10  }
.LBB2_40:
0x31e: {  	p0 =	sne.s32 s25, $0x1F0;
	v15 =	vmov s14;
	s14 =	smov.u32 s25  }
0x31f: {  	v15 =	vand.u32 $0x10, v15  }
0x320: {  	v16 =	vperm.xlane v13, v8;
	vm5 =	veq.s32 v15, $0x0  }
0x321: {  	v15 =	vperm.xlane v14, v8;
	v17 =	vsel vm5, $0x1, v2  }
0x322: {  	v18 =	vsel vm0, v13, v16;
	v17 =	vbroadcast v17, $0x0  }
0x323: {  	v21 =	vsel vm0, v16, v13;
	v19 =	vsel vm0, v14, v15;
	v20 =	vsel vm0, v15, v14  }
0x324: {  	vm6 =	vlt.s32 v18, v21;
	vm5 =	veq.s32 v19, v20  }
0x325: {  	v17 =	vand.u32 $0x1, v17;
	vm7 =	vgt.u32 v19, v20;
	vm5 =	vmand vm5, vm6  }
0x326: {  	vm6 =	veq.s32 v17, $0x1;
	vm5 =	vmor vm7, vm5  }
0x327: {  	vm5 =	vmxor vm6, vm5  }
0x328: {  	v14 =	vsel vm5, v15, v14;
	v13 =	vsel vm5, v16, v13  }
.Ltmp20:
0x329: {  	[tilespmem:s0+$0x0] =	vst v14;
	(pc) =	sbr.rel @p0 .LBB2_40-.Ltmp20, $4  }
0x32a: {  	[tilespmem:s3+$0x0] =	vst v13;
	s3 =	sadd.s32 $0x10, s3  }
0x32b: {  	s0 =	sadd.s32 $0x10, s0;
	v13 =	vld [tilespmem:s3+$0x0]  }
0x32c: {  	v14 =	vld [tilespmem:s0+$0x0]  }
0x32d: {  	s25 =	sadd.s32 $0x10, s25  }
0x32e: {  	v15 =	vmov s14  }
0x32f: {  	v15 =	vand.u32 $0x10, v15  }
0x330: {  	v16 =	vperm.xlane v13, v8;
	vm5 =	veq.s32 v15, $0x0  }
0x331: {  	v15 =	vperm.xlane v14, v8;
	v17 =	vsel vm5, $0x1, v2  }
0x332: {  	v18 =	vsel vm0, v13, v16;
	v17 =	vbroadcast v17, $0x0  }
0x333: {  	v21 =	vsel vm0, v16, v13;
	v19 =	vsel vm0, v14, v15;
	v20 =	vsel vm0, v15, v14  }
0x334: {  	vm6 =	vlt.s32 v18, v21;
	vm5 =	veq.s32 v19, v20  }
0x335: {  	v17 =	vand.u32 $0x1, v17;
	vm7 =	vgt.u32 v19, v20;
	vm5 =	vmand vm5, vm6  }
0x336: {  	vm6 =	veq.s32 v17, $0x1;
	vm5 =	vmor vm7, vm5  }
0x337: {  	vm5 =	vmxor vm6, vm5  }
0x338: {  	v14 =	vsel vm5, v15, v14  }
0x339: {  	v13 =	vsel vm5, v16, v13;
	[tilespmem:s0+$0x0] =	vst v14  }
0x33a: {  	s26 =	simm.s32 $0x7E10;
	[tilespmem:s3+$0x0] =	vst v13  }
0x33b: {  	v13 =	vld [tilespmem:s26+$0xFFFFFFF0]  }
0x33c: {  	s25 =	simm.s32 $0x7C10;
	v14 =	vld [tilespmem:s26+$0x0]  }
0x33d: {  	v15 =	vld [tilespmem:s25+$0x0]  }
0x33e: {  	v61 =	vld [tilespmem:s25+$0xFFFFFFF0];
	_ =	sdelay $0x2  }
0x33f: {  	s14 =	simm.s32 $0x0  }
0x340: {  	s19 =	sand.u32 $0x1, s14  }
0x341: {  	p0 =	seq.s32 s19, $0x1;
	vm5 =	veq.s32 v61, v15;
	vm6 =	vlt.s32 v13, v14  }
0x342: {  	p0 =	por !p0, !p0;
	vm7 =	vgt.u32 v61, v15;
	vm5 =	vmand vm5, vm6;
	vm6 =	vmmov vm4  }
0x343: {  	vm5 =	vmor vm7, vm5;
	vm6 =	vmneg @p0 vm6  }
0x344: {  	vm5 =	vmxor vm6, vm5  }
0x345: {  	v62 =	vsel vm5, v15, v61  }
0x346: {  	v63 =	vsel vm5, v14, v13;
	[tilespmem:s25+$0xFFFFFFF0] =	vst v62  }
0x347: {  	v15 =	vsel vm5, v61, v15;
	[tilespmem:s26+$0xFFFFFFF0] =	vst v63  }
0x348: {  	s30 =	simm.s32 $0x1;
	s31 =	simm.s32 $0x7E30;
	v13 =	vsel vm5, v13, v14;
	[tilespmem:s25+$0x0] =	vst v15  }
.LBB2_42:
0x349: {  	p0 =	sne.s32 s30, $0xF;
	s25 =	sadd.s32 $0x20, s25  }
0x34a: {  	v14 =	vld [tilespmem:s31+$0xFFFFFFF0];
	[tilespmem:s26+$0x0] =	vst v13;
	s0 =	smov.u32 s30;
	s30 =	sadd.s32 $0x1, s30;
	s26 =	smov.u32 s31  }
0x34b: {  	v13 =	vld [tilespmem:s31+$0x0]  }
0x34c: {  	v15 =	vld [tilespmem:s25+$0x0]  }
0x34d: {  	v16 =	vld [tilespmem:s25+$0xFFFFFFF0];
	_ =	sdelay $0x4  }
0x34e: {  	s0 =	sand.u32 $0x1, s0;
	vm7 =	vlt.s32 v14, v13;
	vm6 =	veq.s32 v16, v15  }
0x34f: {  	p1 =	seq.s32 s0, $0x1;
	vm5 =	vgt.u32 v16, v15;
	vm6 =	vmand vm6, vm7  }
0x350: {  	p1 =	por !p1, !p1;
	vm5 =	vmor vm5, vm6;
	vm6 =	vmmov vm4  }
0x351: {  	vm6 =	vmneg @p1 vm6  }
.Ltmp21:
0x352: {  	vm5 =	vmxor vm6, vm5;
	(pc) =	sbr.rel @p0 .LBB2_42-.Ltmp21, $4  }
0x353: {  	v17 =	vsel vm5, v15, v16;
	v18 =	vsel vm5, v13, v14;
	v15 =	vsel vm5, v16, v15  }
0x354: {  	v13 =	vsel vm5, v14, v13;
	[tilespmem:s25+$0xFFFFFFF0] =	vst v17  }
0x355: {  	[tilespmem:s31+$0xFFFFFFF0] =	vst v18  }
0x356: {  	s3 =	simm.s32 $0x7E00;
	s0 =	simm.s32 $0x7C00;
	s31 =	sadd.s32 $0x20, s31;
	[tilespmem:s25+$0x0] =	vst v15  }
0x357: {  	[tilespmem:s26+$0x0] =	vst v13  }
0x358: {  	v13 =	vld [tilespmem:s3+$0x0]  }
0x359: {  	v14 =	vld [tilespmem:s0+$0x0]  }
0x35a: {  	s30 =	simm.s32 $0x10;
	s25 =	simm.s32 $0x7C00;
	s26 =	simm.s32 $0x7E00  }
.LBB2_44:
0x35b: {  	p0 =	sne.s32 s30, $0x1F0;
	v15 =	vmov s14;
	s14 =	smov.u32 s30  }
0x35c: {  	v15 =	vand.u32 $0x20, v15  }
0x35d: {  	v16 =	vperm.xlane v13, v9;
	vm5 =	veq.s32 v15, $0x0  }
0x35e: {  	v15 =	vperm.xlane v14, v9;
	v17 =	vsel vm5, $0x1, v2  }
0x35f: {  	v18 =	vsel vm3, v13, v16;
	v17 =	vbroadcast v17, $0x0  }
0x360: {  	v21 =	vsel vm3, v16, v13;
	v19 =	vsel vm3, v14, v15;
	v20 =	vsel vm3, v15, v14  }
0x361: {  	vm6 =	vlt.s32 v18, v21;
	vm5 =	veq.s32 v19, v20  }
0x362: {  	v17 =	vand.u32 $0x1, v17;
	vm7 =	vgt.u32 v19, v20;
	vm5 =	vmand vm5, vm6  }
0x363: {  	vm6 =	veq.s32 v17, $0x1;
	vm5 =	vmor vm7, vm5  }
0x364: {  	vm5 =	vmxor vm6, vm5  }
0x365: {  	v14 =	vsel vm5, v15, v14;
	v13 =	vsel vm5, v16, v13  }
.Ltmp22:
0x366: {  	[tilespmem:s25+$0x0] =	vst v14;
	(pc) =	sbr.rel @p0 .LBB2_44-.Ltmp22, $4  }
0x367: {  	[tilespmem:s26+$0x0] =	vst v13;
	s26 =	sadd.s32 $0x10, s26  }
0x368: {  	s25 =	sadd.s32 $0x10, s25;
	v13 =	vld [tilespmem:s26+$0x0]  }
0x369: {  	v14 =	vld [tilespmem:s25+$0x0]  }
0x36a: {  	s30 =	sadd.s32 $0x10, s30  }
0x36b: {  	v15 =	vmov s14  }
0x36c: {  	v15 =	vand.u32 $0x20, v15  }
0x36d: {  	v16 =	vperm.xlane v13, v9;
	vm5 =	veq.s32 v15, $0x0  }
0x36e: {  	v15 =	vperm.xlane v14, v9;
	v17 =	vsel vm5, $0x1, v2  }
0x36f: {  	v18 =	vsel vm3, v13, v16;
	v17 =	vbroadcast v17, $0x0  }
0x370: {  	v21 =	vsel vm3, v16, v13;
	v19 =	vsel vm3, v14, v15;
	v20 =	vsel vm3, v15, v14  }
0x371: {  	vm6 =	vlt.s32 v18, v21;
	vm5 =	veq.s32 v19, v20  }
0x372: {  	v17 =	vand.u32 $0x1, v17;
	vm7 =	vgt.u32 v19, v20;
	vm5 =	vmand vm5, vm6  }
0x373: {  	vm6 =	veq.s32 v17, $0x1;
	vm5 =	vmor vm7, vm5  }
0x374: {  	vm5 =	vmxor vm6, vm5  }
0x375: {  	v14 =	vsel vm5, v15, v14  }
0x376: {  	v13 =	vsel vm5, v16, v13;
	[tilespmem:s25+$0x0] =	vst v14  }
0x377: {  	[tilespmem:s26+$0x0] =	vst v13  }
0x378: {  	v13 =	vld [tilespmem:s3+$0x0]  }
0x379: {  	v14 =	vld [tilespmem:s0+$0x0]  }
0x37a: {  	s14 =	simm.s32 $0x0;
	s25 =	simm.s32 $0x10;
	s26 =	simm.s32 $0x0  }
.LBB2_46:
0x37b: {  	p0 =	sne.s32 s25, $0x1F0;
	v15 =	vmov s26;
	s26 =	smov.u32 s25  }
0x37c: {  	v15 =	vand.u32 $0x20, v15  }
0x37d: {  	v16 =	vperm.xlane v13, v11;
	vm5 =	veq.s32 v15, $0x0  }
0x37e: {  	v15 =	vperm.xlane v14, v11;
	v17 =	vsel vm5, $0x1, v2  }
0x37f: {  	v18 =	vsel vm2, v13, v16;
	v17 =	vbroadcast v17, $0x0  }
0x380: {  	v21 =	vsel vm2, v16, v13;
	v19 =	vsel vm2, v14, v15;
	v20 =	vsel vm2, v15, v14  }
0x381: {  	vm6 =	vlt.s32 v18, v21;
	vm5 =	veq.s32 v19, v20  }
0x382: {  	v17 =	vand.u32 $0x1, v17;
	vm7 =	vgt.u32 v19, v20;
	vm5 =	vmand vm5, vm6  }
0x383: {  	vm6 =	veq.s32 v17, $0x1;
	vm5 =	vmor vm7, vm5  }
0x384: {  	vm5 =	vmxor vm6, vm5  }
0x385: {  	v14 =	vsel vm5, v15, v14;
	v13 =	vsel vm5, v16, v13  }
.Ltmp23:
0x386: {  	[tilespmem:s0+$0x0] =	vst v14;
	(pc) =	sbr.rel @p0 .LBB2_46-.Ltmp23, $4  }
0x387: {  	[tilespmem:s3+$0x0] =	vst v13;
	s3 =	sadd.s32 $0x10, s3  }
0x388: {  	s0 =	sadd.s32 $0x10, s0;
	v13 =	vld [tilespmem:s3+$0x0]  }
0x389: {  	v14 =	vld [tilespmem:s0+$0x0]  }
0x38a: {  	s25 =	sadd.s32 $0x10, s25  }
0x38b: {  	v15 =	vmov s26  }
0x38c: {  	v15 =	vand.u32 $0x20, v15  }
0x38d: {  	v16 =	vperm.xlane v13, v11;
	vm5 =	veq.s32 v15, $0x0  }
0x38e: {  	v15 =	vperm.xlane v14, v11;
	v17 =	vsel vm5, $0x1, v2  }
0x38f: {  	v18 =	vsel vm2, v13, v16;
	v17 =	vbroadcast v17, $0x0  }
0x390: {  	v21 =	vsel vm2, v16, v13;
	v19 =	vsel vm2, v14, v15;
	v20 =	vsel vm2, v15, v14  }
0x391: {  	vm6 =	vlt.s32 v18, v21;
	vm5 =	veq.s32 v19, v20  }
0x392: {  	v17 =	vand.u32 $0x1, v17;
	vm7 =	vgt.u32 v19, v20;
	vm5 =	vmand vm5, vm6  }
0x393: {  	vm6 =	veq.s32 v17, $0x1;
	vm5 =	vmor vm7, vm5  }
0x394: {  	vm5 =	vmxor vm6, vm5  }
0x395: {  	v14 =	vsel vm5, v15, v14  }
0x396: {  	v13 =	vsel vm5, v16, v13;
	[tilespmem:s0+$0x0] =	vst v14  }
0x397: {  	s0 =	simm.s32 $0x7E00;
	[tilespmem:s3+$0x0] =	vst v13  }
0x398: {  	s3 =	simm.s32 $0x7C00;
	v13 =	vld [tilespmem:s0+$0x0]  }
0x399: {  	v14 =	vld [tilespmem:s3+$0x0]  }
0x39a: {  	s30 =	simm.s32 $0x10;
	s25 =	simm.s32 $0x7C00;
	s26 =	simm.s32 $0x7E00  }
.LBB2_48:
0x39b: {  	p0 =	sne.s32 s30, $0x1F0;
	v15 =	vmov s14;
	s14 =	smov.u32 s30  }
0x39c: {  	v15 =	vand.u32 $0x20, v15  }
0x39d: {  	v16 =	vperm.xlane v13, v10;
	vm5 =	veq.s32 v15, $0x0  }
0x39e: {  	v15 =	vperm.xlane v14, v10;
	v17 =	vsel vm5, $0x1, v2  }
0x39f: {  	v18 =	vsel vm1, v13, v16;
	v17 =	vbroadcast v17, $0x0  }
0x3a0: {  	v21 =	vsel vm1, v16, v13;
	v19 =	vsel vm1, v14, v15;
	v20 =	vsel vm1, v15, v14  }
0x3a1: {  	vm6 =	vlt.s32 v18, v21;
	vm5 =	veq.s32 v19, v20  }
0x3a2: {  	v17 =	vand.u32 $0x1, v17;
	vm7 =	vgt.u32 v19, v20;
	vm5 =	vmand vm5, vm6  }
0x3a3: {  	vm6 =	veq.s32 v17, $0x1;
	vm5 =	vmor vm7, vm5  }
0x3a4: {  	vm5 =	vmxor vm6, vm5  }
0x3a5: {  	v14 =	vsel vm5, v15, v14;
	v13 =	vsel vm5, v16, v13  }
.Ltmp24:
0x3a6: {  	[tilespmem:s25+$0x0] =	vst v14;
	(pc) =	sbr.rel @p0 .LBB2_48-.Ltmp24, $4  }
0x3a7: {  	[tilespmem:s26+$0x0] =	vst v13;
	s26 =	sadd.s32 $0x10, s26  }
0x3a8: {  	s25 =	sadd.s32 $0x10, s25;
	v13 =	vld [tilespmem:s26+$0x0]  }
0x3a9: {  	v14 =	vld [tilespmem:s25+$0x0]  }
0x3aa: {  	s30 =	sadd.s32 $0x10, s30  }
0x3ab: {  	v15 =	vmov s14  }
0x3ac: {  	v15 =	vand.u32 $0x20, v15  }
0x3ad: {  	v16 =	vperm.xlane v13, v10;
	vm5 =	veq.s32 v15, $0x0  }
0x3ae: {  	v15 =	vperm.xlane v14, v10;
	v17 =	vsel vm5, $0x1, v2  }
0x3af: {  	v18 =	vsel vm1, v13, v16;
	v17 =	vbroadcast v17, $0x0  }
0x3b0: {  	v21 =	vsel vm1, v16, v13;
	v19 =	vsel vm1, v14, v15;
	v20 =	vsel vm1, v15, v14  }
0x3b1: {  	vm6 =	vlt.s32 v18, v21;
	vm5 =	veq.s32 v19, v20  }
0x3b2: {  	v17 =	vand.u32 $0x1, v17;
	vm7 =	vgt.u32 v19, v20;
	vm5 =	vmand vm5, vm6  }
0x3b3: {  	vm6 =	veq.s32 v17, $0x1;
	vm5 =	vmor vm7, vm5  }
0x3b4: {  	vm5 =	vmxor vm6, vm5  }
0x3b5: {  	v14 =	vsel vm5, v15, v14  }
0x3b6: {  	v13 =	vsel vm5, v16, v13;
	[tilespmem:s25+$0x0] =	vst v14  }
0x3b7: {  	[tilespmem:s26+$0x0] =	vst v13  }
0x3b8: {  	v13 =	vld [tilespmem:s0+$0x0]  }
0x3b9: {  	v14 =	vld [tilespmem:s3+$0x0]  }
0x3ba: {  	s14 =	simm.s32 $0x0;
	s25 =	simm.s32 $0x10;
	s26 =	simm.s32 $0x0  }
.LBB2_50:
0x3bb: {  	p0 =	sne.s32 s25, $0x1F0;
	v15 =	vmov s26;
	s26 =	smov.u32 s25  }
0x3bc: {  	v15 =	vand.u32 $0x20, v15  }
0x3bd: {  	v16 =	vperm.xlane v13, v8;
	vm5 =	veq.s32 v15, $0x0  }
0x3be: {  	v15 =	vperm.xlane v14, v8;
	v17 =	vsel vm5, $0x1, v2  }
0x3bf: {  	v18 =	vsel vm0, v13, v16;
	v17 =	vbroadcast v17, $0x0  }
0x3c0: {  	v21 =	vsel vm0, v16, v13;
	v19 =	vsel vm0, v14, v15;
	v20 =	vsel vm0, v15, v14  }
0x3c1: {  	vm6 =	vlt.s32 v18, v21;
	vm5 =	veq.s32 v19, v20  }
0x3c2: {  	v17 =	vand.u32 $0x1, v17;
	vm7 =	vgt.u32 v19, v20;
	vm5 =	vmand vm5, vm6  }
0x3c3: {  	vm6 =	veq.s32 v17, $0x1;
	vm5 =	vmor vm7, vm5  }
0x3c4: {  	vm5 =	vmxor vm6, vm5  }
0x3c5: {  	v14 =	vsel vm5, v15, v14;
	v13 =	vsel vm5, v16, v13  }
.Ltmp25:
0x3c6: {  	[tilespmem:s3+$0x0] =	vst v14;
	(pc) =	sbr.rel @p0 .LBB2_50-.Ltmp25, $4  }
0x3c7: {  	[tilespmem:s0+$0x0] =	vst v13;
	s0 =	sadd.s32 $0x10, s0  }
0x3c8: {  	s3 =	sadd.s32 $0x10, s3;
	v13 =	vld [tilespmem:s0+$0x0]  }
0x3c9: {  	v14 =	vld [tilespmem:s3+$0x0]  }
0x3ca: {  	s25 =	sadd.s32 $0x10, s25  }
0x3cb: {  	v15 =	vmov s26  }
0x3cc: {  	v15 =	vand.u32 $0x20, v15  }
0x3cd: {  	v16 =	vperm.xlane v13, v8;
	vm5 =	veq.s32 v15, $0x0  }
0x3ce: {  	v15 =	vperm.xlane v14, v8;
	v17 =	vsel vm5, $0x1, v2  }
0x3cf: {  	v18 =	vsel vm0, v13, v16;
	v17 =	vbroadcast v17, $0x0  }
0x3d0: {  	v21 =	vsel vm0, v16, v13;
	v19 =	vsel vm0, v14, v15;
	v20 =	vsel vm0, v15, v14  }
0x3d1: {  	vm6 =	vlt.s32 v18, v21;
	vm5 =	veq.s32 v19, v20  }
0x3d2: {  	v17 =	vand.u32 $0x1, v17;
	vm7 =	vgt.u32 v19, v20;
	vm5 =	vmand vm5, vm6  }
0x3d3: {  	vm6 =	veq.s32 v17, $0x1;
	vm5 =	vmor vm7, vm5  }
0x3d4: {  	vm5 =	vmxor vm6, vm5  }
0x3d5: {  	s18 =	sand.u32 $0x1C, s14;
	s19 =	sand.u32 $0x1, s14;
	v14 =	vsel vm5, v15, v14  }
0x3d6: {  	s30 =	sor.u32 s19, s18;
	v13 =	vsel vm5, v16, v13;
	[tilespmem:s3+$0x0] =	vst v14  }
0x3d7: {  	[tilespmem:s0+$0x0] =	vst v13;
	s0 =	sshll.u32 s30, $0x4  }
0x3d8: {  	v13 =	vld [tilespmem:s0+$0x7C00]  }
0x3d9: {  	v14 =	vld [tilespmem:s0+$0x7E20]  }
0x3da: {  	v15 =	vld [tilespmem:s0+$0x7C20]  }
0x3db: {  	v16 =	vld [tilespmem:s0+$0x7E00];
	_ =	sdelay $0x4  }
0x3dc: {  	s31 =	sand.u32 $0x2, s14;
	vm6 =	veq.s32 v13, v15;
	vm7 =	vlt.s32 v16, v14  }
0x3dd: {  	p1 =	seq.s32 s31, $0x0;
	s3 =	simm.s32 $0x1;
	vm5 =	vgt.u32 v13, v15;
	vm6 =	vmand vm6, vm7  }
.LBB2_52:
0x3de: {  	p0 =	sne.s32 s3, $0xF;
	vm5 =	vmor vm5, vm6;
	vm6 =	vmmov vm4  }
0x3df: {  	s14 =	sadd.s32 $0x2, s14;
	s18 =	smov.u32 s3;
	s3 =	sadd.s32 $0x1, s3;
	vm6 =	vmneg @p1 vm6  }
0x3e0: {  	s19 =	sand.u32 $0x1C, s14;
	s25 =	sand.u32 $0x1, s18;
	vm5 =	vmxor vm6, vm5  }
0x3e1: {  	s19 =	sor.u32 s25, s19;
	v17 =	vsel vm5, v15, v13;
	v18 =	vsel vm5, v14, v16;
	v14 =	vsel vm5, v16, v14  }
0x3e2: {  	s19 =	sshll.u32 s19, $0x4;
	v15 =	vsel vm5, v13, v15;
	[tilespmem:s0+$0x7C00] =	vst v17  }
0x3e3: {  	v13 =	vld [tilespmem:s19+$0x7C00];
	[tilespmem:s0+$0x7E20] =	vst v14  }
0x3e4: {  	v14 =	vld [tilespmem:s19+$0x7E20];
	[tilespmem:s0+$0x7C20] =	vst v15  }
0x3e5: {  	v15 =	vld [tilespmem:s19+$0x7C20];
	[tilespmem:s0+$0x7E00] =	vst v18;
	s0 =	smov.u32 s19  }
0x3e6: {  	v16 =	vld [tilespmem:s0+$0x7E00];
	_ =	sdelay $0x1  }
.Ltmp26:
0x3e7: {  	(pc) =	sbr.rel @p0 .LBB2_52-.Ltmp26, $4  }
0x3e8: {  	_ = 	snop  }
0x3e9: {  	vm5 =	vgt.u32 v13, v15;
	vm6 =	veq.s32 v13, v15  }
0x3ea: {  	s18 =	sand.u32 $0x2, s18;
	vm7 =	vlt.s32 v16, v14  }
0x3eb: {  	p1 =	seq.s32 s18, $0x0;
	vm6 =	vmand vm6, vm7  }
0x3ec: {  	vm7 =	vmmov vm4  }
0x3ed: {  	vm5 =	vmor vm5, vm6;
	vm7 =	vmneg @p1 vm7  }
0x3ee: {  	vm5 =	vmxor vm7, vm5  }
0x3ef: {  	v17 =	vsel vm5, v15, v13  }
0x3f0: {  	v18 =	vsel vm5, v16, v14;
	[tilespmem:s0+$0x7C00] =	vst v17  }
0x3f1: {  	v13 =	vsel vm5, v13, v15;
	[tilespmem:s0+$0x7E20] =	vst v18  }
0x3f2: {  	v14 =	vsel vm5, v14, v16;
	[tilespmem:s0+$0x7C20] =	vst v13  }
0x3f3: {  	s26 =	simm.s32 $0x7E10;
	[tilespmem:s0+$0x7E00] =	vst v14  }
0x3f4: {  	v13 =	vld [tilespmem:s26+$0xFFFFFFF0]  }
0x3f5: {  	s25 =	simm.s32 $0x7C10;
	v14 =	vld [tilespmem:s26+$0x0]  }
0x3f6: {  	v15 =	vld [tilespmem:s25+$0x0]  }
0x3f7: {  	v61 =	vld [tilespmem:s25+$0xFFFFFFF0];
	_ =	sdelay $0x3  }
0x3f8: {  	s14 =	simm.s32 $0x0  }
0x3f9: {  	s19 =	sand.u32 $0x2, s14;
	vm5 =	veq.s32 v61, v15;
	vm6 =	vlt.s32 v13, v14  }
0x3fa: {  	p0 =	seq.s32 s19, $0x0;
	vm7 =	vgt.u32 v61, v15;
	vm5 =	vmand vm5, vm6;
	vm6 =	vmmov vm4  }
0x3fb: {  	vm5 =	vmor vm7, vm5;
	vm6 =	vmneg @p0 vm6  }
0x3fc: {  	vm5 =	vmxor vm6, vm5  }
0x3fd: {  	v62 =	vsel vm5, v15, v61  }
0x3fe: {  	v63 =	vsel vm5, v14, v13;
	[tilespmem:s25+$0xFFFFFFF0] =	vst v62  }
0x3ff: {  	v15 =	vsel vm5, v61, v15;
	[tilespmem:s26+$0xFFFFFFF0] =	vst v63  }
0x400: {  	s30 =	simm.s32 $0x1;
	s31 =	simm.s32 $0x7E30;
	v13 =	vsel vm5, v13, v14;
	[tilespmem:s25+$0x0] =	vst v15  }
.LBB2_54:
0x401: {  	p0 =	sne.s32 s30, $0xF;
	s25 =	sadd.s32 $0x20, s25  }
0x402: {  	v14 =	vld [tilespmem:s31+$0xFFFFFFF0];
	[tilespmem:s26+$0x0] =	vst v13;
	s0 =	smov.u32 s30;
	s30 =	sadd.s32 $0x1, s30;
	s26 =	smov.u32 s31  }
0x403: {  	v13 =	vld [tilespmem:s31+$0x0]  }
0x404: {  	v15 =	vld [tilespmem:s25+$0x0]  }
0x405: {  	v16 =	vld [tilespmem:s25+$0xFFFFFFF0];
	_ =	sdelay $0x4  }
0x406: {  	vm7 =	vlt.s32 v14, v13;
	vm6 =	veq.s32 v16, v15  }
0x407: {  	s0 =	sand.u32 $0x2, s0;
	vm5 =	vgt.u32 v16, v15;
	vm6 =	vmand vm6, vm7  }
0x408: {  	p1 =	seq.s32 s0, $0x0;
	vm5 =	vmor vm5, vm6;
	vm6 =	vmmov vm4  }
0x409: {  	vm6 =	vmneg @p1 vm6  }
.Ltmp27:
0x40a: {  	vm5 =	vmxor vm6, vm5;
	(pc) =	sbr.rel @p0 .LBB2_54-.Ltmp27, $4  }
0x40b: {  	v17 =	vsel vm5, v15, v16;
	v18 =	vsel vm5, v13, v14;
	v15 =	vsel vm5, v16, v15  }
0x40c: {  	v13 =	vsel vm5, v14, v13;
	[tilespmem:s25+$0xFFFFFFF0] =	vst v17  }
0x40d: {  	[tilespmem:s31+$0xFFFFFFF0] =	vst v18  }
0x40e: {  	s3 =	simm.s32 $0x7E00;
	s0 =	simm.s32 $0x7C00;
	s31 =	sadd.s32 $0x20, s31;
	[tilespmem:s25+$0x0] =	vst v15  }
0x40f: {  	[tilespmem:s26+$0x0] =	vst v13  }
0x410: {  	v13 =	vld [tilespmem:s3+$0x0]  }
0x411: {  	v14 =	vld [tilespmem:s0+$0x0]  }
0x412: {  	s30 =	simm.s32 $0x10;
	s25 =	simm.s32 $0x7C00;
	s26 =	simm.s32 $0x7E00  }
.LBB2_56:
0x413: {  	p0 =	sne.s32 s30, $0x1F0;
	v15 =	vmov s14;
	s14 =	smov.u32 s30  }
0x414: {  	v15 =	vand.u32 $0x40, v15  }
0x415: {  	v16 =	vperm.xlane v13, v9;
	vm5 =	veq.s32 v15, $0x0  }
0x416: {  	v15 =	vperm.xlane v14, v9;
	v17 =	vsel vm5, $0x1, v2  }
0x417: {  	v18 =	vsel vm3, v13, v16;
	v17 =	vbroadcast v17, $0x0  }
0x418: {  	v21 =	vsel vm3, v16, v13;
	v19 =	vsel vm3, v14, v15;
	v20 =	vsel vm3, v15, v14  }
0x419: {  	vm6 =	vlt.s32 v18, v21;
	vm5 =	veq.s32 v19, v20  }
0x41a: {  	v17 =	vand.u32 $0x1, v17;
	vm7 =	vgt.u32 v19, v20;
	vm5 =	vmand vm5, vm6  }
0x41b: {  	vm6 =	veq.s32 v17, $0x1;
	vm5 =	vmor vm7, vm5  }
0x41c: {  	vm5 =	vmxor vm6, vm5  }
0x41d: {  	v14 =	vsel vm5, v15, v14;
	v13 =	vsel vm5, v16, v13  }
.Ltmp28:
0x41e: {  	[tilespmem:s25+$0x0] =	vst v14;
	(pc) =	sbr.rel @p0 .LBB2_56-.Ltmp28, $4  }
0x41f: {  	[tilespmem:s26+$0x0] =	vst v13;
	s26 =	sadd.s32 $0x10, s26  }
0x420: {  	s25 =	sadd.s32 $0x10, s25;
	v13 =	vld [tilespmem:s26+$0x0]  }
0x421: {  	v14 =	vld [tilespmem:s25+$0x0]  }
0x422: {  	s30 =	sadd.s32 $0x10, s30  }
0x423: {  	v15 =	vmov s14  }
0x424: {  	v15 =	vand.u32 $0x40, v15  }
0x425: {  	v16 =	vperm.xlane v13, v9;
	vm5 =	veq.s32 v15, $0x0  }
0x426: {  	v15 =	vperm.xlane v14, v9;
	v17 =	vsel vm5, $0x1, v2  }
0x427: {  	v18 =	vsel vm3, v13, v16;
	v17 =	vbroadcast v17, $0x0  }
0x428: {  	v21 =	vsel vm3, v16, v13;
	v19 =	vsel vm3, v14, v15;
	v20 =	vsel vm3, v15, v14  }
0x429: {  	vm6 =	vlt.s32 v18, v21;
	vm5 =	veq.s32 v19, v20  }
0x42a: {  	v17 =	vand.u32 $0x1, v17;
	vm7 =	vgt.u32 v19, v20;
	vm5 =	vmand vm5, vm6  }
0x42b: {  	vm6 =	veq.s32 v17, $0x1;
	vm5 =	vmor vm7, vm5  }
0x42c: {  	vm5 =	vmxor vm6, vm5  }
0x42d: {  	v14 =	vsel vm5, v15, v14  }
0x42e: {  	v13 =	vsel vm5, v16, v13;
	[tilespmem:s25+$0x0] =	vst v14  }
0x42f: {  	[tilespmem:s26+$0x0] =	vst v13  }
0x430: {  	v13 =	vld [tilespmem:s3+$0x0]  }
0x431: {  	v14 =	vld [tilespmem:s0+$0x0]  }
0x432: {  	s14 =	simm.s32 $0x0;
	s25 =	simm.s32 $0x10;
	s26 =	simm.s32 $0x0  }
.LBB2_58:
0x433: {  	p0 =	sne.s32 s25, $0x1F0;
	v15 =	vmov s26;
	s26 =	smov.u32 s25  }
0x434: {  	v15 =	vand.u32 $0x40, v15  }
0x435: {  	v16 =	vperm.xlane v13, v11;
	vm5 =	veq.s32 v15, $0x0  }
0x436: {  	v15 =	vperm.xlane v14, v11;
	v17 =	vsel vm5, $0x1, v2  }
0x437: {  	v18 =	vsel vm2, v13, v16;
	v17 =	vbroadcast v17, $0x0  }
0x438: {  	v21 =	vsel vm2, v16, v13;
	v19 =	vsel vm2, v14, v15;
	v20 =	vsel vm2, v15, v14  }
0x439: {  	vm6 =	vlt.s32 v18, v21;
	vm5 =	veq.s32 v19, v20  }
0x43a: {  	v17 =	vand.u32 $0x1, v17;
	vm7 =	vgt.u32 v19, v20;
	vm5 =	vmand vm5, vm6  }
0x43b: {  	vm6 =	veq.s32 v17, $0x1;
	vm5 =	vmor vm7, vm5  }
0x43c: {  	vm5 =	vmxor vm6, vm5  }
0x43d: {  	v14 =	vsel vm5, v15, v14;
	v13 =	vsel vm5, v16, v13  }
.Ltmp29:
0x43e: {  	[tilespmem:s0+$0x0] =	vst v14;
	(pc) =	sbr.rel @p0 .LBB2_58-.Ltmp29, $4  }
0x43f: {  	[tilespmem:s3+$0x0] =	vst v13;
	s3 =	sadd.s32 $0x10, s3  }
0x440: {  	s0 =	sadd.s32 $0x10, s0;
	v13 =	vld [tilespmem:s3+$0x0]  }
0x441: {  	v14 =	vld [tilespmem:s0+$0x0]  }
0x442: {  	s25 =	sadd.s32 $0x10, s25  }
0x443: {  	v15 =	vmov s26  }
0x444: {  	v15 =	vand.u32 $0x40, v15  }
0x445: {  	v16 =	vperm.xlane v13, v11;
	vm5 =	veq.s32 v15, $0x0  }
0x446: {  	v15 =	vperm.xlane v14, v11;
	v17 =	vsel vm5, $0x1, v2  }
0x447: {  	v18 =	vsel vm2, v13, v16;
	v17 =	vbroadcast v17, $0x0  }
0x448: {  	v21 =	vsel vm2, v16, v13;
	v19 =	vsel vm2, v14, v15;
	v20 =	vsel vm2, v15, v14  }
0x449: {  	vm6 =	vlt.s32 v18, v21;
	vm5 =	veq.s32 v19, v20  }
0x44a: {  	v17 =	vand.u32 $0x1, v17;
	vm7 =	vgt.u32 v19, v20;
	vm5 =	vmand vm5, vm6  }
0x44b: {  	vm6 =	veq.s32 v17, $0x1;
	vm5 =	vmor vm7, vm5  }
0x44c: {  	vm5 =	vmxor vm6, vm5  }
0x44d: {  	v14 =	vsel vm5, v15, v14  }
0x44e: {  	v13 =	vsel vm5, v16, v13;
	[tilespmem:s0+$0x0] =	vst v14  }
0x44f: {  	s0 =	simm.s32 $0x7E00;
	[tilespmem:s3+$0x0] =	vst v13  }
0x450: {  	s3 =	simm.s32 $0x7C00;
	v13 =	vld [tilespmem:s0+$0x0]  }
0x451: {  	v14 =	vld [tilespmem:s3+$0x0]  }
0x452: {  	s30 =	simm.s32 $0x10;
	s25 =	simm.s32 $0x7C00;
	s26 =	simm.s32 $0x7E00  }
.LBB2_60:
0x453: {  	p0 =	sne.s32 s30, $0x1F0;
	v15 =	vmov s14;
	s14 =	smov.u32 s30  }
0x454: {  	v15 =	vand.u32 $0x40, v15  }
0x455: {  	v16 =	vperm.xlane v13, v10;
	vm5 =	veq.s32 v15, $0x0  }
0x456: {  	v15 =	vperm.xlane v14, v10;
	v17 =	vsel vm5, $0x1, v2  }
0x457: {  	v18 =	vsel vm1, v13, v16;
	v17 =	vbroadcast v17, $0x0  }
0x458: {  	v21 =	vsel vm1, v16, v13;
	v19 =	vsel vm1, v14, v15;
	v20 =	vsel vm1, v15, v14  }
0x459: {  	vm6 =	vlt.s32 v18, v21;
	vm5 =	veq.s32 v19, v20  }
0x45a: {  	v17 =	vand.u32 $0x1, v17;
	vm7 =	vgt.u32 v19, v20;
	vm5 =	vmand vm5, vm6  }
0x45b: {  	vm6 =	veq.s32 v17, $0x1;
	vm5 =	vmor vm7, vm5  }
0x45c: {  	vm5 =	vmxor vm6, vm5  }
0x45d: {  	v14 =	vsel vm5, v15, v14;
	v13 =	vsel vm5, v16, v13  }
.Ltmp30:
0x45e: {  	[tilespmem:s25+$0x0] =	vst v14;
	(pc) =	sbr.rel @p0 .LBB2_60-.Ltmp30, $4  }
0x45f: {  	[tilespmem:s26+$0x0] =	vst v13;
	s26 =	sadd.s32 $0x10, s26  }
0x460: {  	s25 =	sadd.s32 $0x10, s25;
	v13 =	vld [tilespmem:s26+$0x0]  }
0x461: {  	v14 =	vld [tilespmem:s25+$0x0]  }
0x462: {  	s30 =	sadd.s32 $0x10, s30  }
0x463: {  	v15 =	vmov s14  }
0x464: {  	v15 =	vand.u32 $0x40, v15  }
0x465: {  	v16 =	vperm.xlane v13, v10;
	vm5 =	veq.s32 v15, $0x0  }
0x466: {  	v15 =	vperm.xlane v14, v10;
	v17 =	vsel vm5, $0x1, v2  }
0x467: {  	v18 =	vsel vm1, v13, v16;
	v17 =	vbroadcast v17, $0x0  }
0x468: {  	v21 =	vsel vm1, v16, v13;
	v19 =	vsel vm1, v14, v15;
	v20 =	vsel vm1, v15, v14  }
0x469: {  	vm6 =	vlt.s32 v18, v21;
	vm5 =	veq.s32 v19, v20  }
0x46a: {  	v17 =	vand.u32 $0x1, v17;
	vm7 =	vgt.u32 v19, v20;
	vm5 =	vmand vm5, vm6  }
0x46b: {  	vm6 =	veq.s32 v17, $0x1;
	vm5 =	vmor vm7, vm5  }
0x46c: {  	vm5 =	vmxor vm6, vm5  }
0x46d: {  	v14 =	vsel vm5, v15, v14  }
0x46e: {  	v13 =	vsel vm5, v16, v13;
	[tilespmem:s25+$0x0] =	vst v14  }
0x46f: {  	[tilespmem:s26+$0x0] =	vst v13  }
0x470: {  	v13 =	vld [tilespmem:s0+$0x0]  }
0x471: {  	v14 =	vld [tilespmem:s3+$0x0]  }
0x472: {  	s14 =	simm.s32 $0x0;
	s25 =	simm.s32 $0x10;
	s26 =	simm.s32 $0x0  }
.LBB2_62:
0x473: {  	p0 =	sne.s32 s25, $0x1F0;
	v15 =	vmov s26;
	s26 =	smov.u32 s25  }
0x474: {  	v15 =	vand.u32 $0x40, v15  }
0x475: {  	v16 =	vperm.xlane v13, v8;
	vm5 =	veq.s32 v15, $0x0  }
0x476: {  	v15 =	vperm.xlane v14, v8;
	v17 =	vsel vm5, $0x1, v2  }
0x477: {  	v18 =	vsel vm0, v13, v16;
	v17 =	vbroadcast v17, $0x0  }
0x478: {  	v21 =	vsel vm0, v16, v13;
	v19 =	vsel vm0, v14, v15;
	v20 =	vsel vm0, v15, v14  }
0x479: {  	vm6 =	vlt.s32 v18, v21;
	vm5 =	veq.s32 v19, v20  }
0x47a: {  	v17 =	vand.u32 $0x1, v17;
	vm7 =	vgt.u32 v19, v20;
	vm5 =	vmand vm5, vm6  }
0x47b: {  	vm6 =	veq.s32 v17, $0x1;
	vm5 =	vmor vm7, vm5  }
0x47c: {  	vm5 =	vmxor vm6, vm5  }
0x47d: {  	v14 =	vsel vm5, v15, v14;
	v13 =	vsel vm5, v16, v13  }
.Ltmp31:
0x47e: {  	[tilespmem:s3+$0x0] =	vst v14;
	(pc) =	sbr.rel @p0 .LBB2_62-.Ltmp31, $4  }
0x47f: {  	[tilespmem:s0+$0x0] =	vst v13;
	s0 =	sadd.s32 $0x10, s0  }
0x480: {  	s3 =	sadd.s32 $0x10, s3;
	v13 =	vld [tilespmem:s0+$0x0]  }
0x481: {  	v14 =	vld [tilespmem:s3+$0x0]  }
0x482: {  	s25 =	sadd.s32 $0x10, s25  }
0x483: {  	v15 =	vmov s26  }
0x484: {  	v15 =	vand.u32 $0x40, v15  }
0x485: {  	v16 =	vperm.xlane v13, v8;
	vm5 =	veq.s32 v15, $0x0  }
0x486: {  	v15 =	vperm.xlane v14, v8;
	v17 =	vsel vm5, $0x1, v2  }
0x487: {  	v18 =	vsel vm0, v13, v16;
	v17 =	vbroadcast v17, $0x0  }
0x488: {  	v21 =	vsel vm0, v16, v13;
	v19 =	vsel vm0, v14, v15;
	v20 =	vsel vm0, v15, v14  }
0x489: {  	vm6 =	vlt.s32 v18, v21;
	vm5 =	veq.s32 v19, v20  }
0x48a: {  	v17 =	vand.u32 $0x1, v17;
	vm7 =	vgt.u32 v19, v20;
	vm5 =	vmand vm5, vm6  }
0x48b: {  	vm6 =	veq.s32 v17, $0x1;
	vm5 =	vmor vm7, vm5  }
0x48c: {  	vm5 =	vmxor vm6, vm5  }
0x48d: {  	s18 =	sand.u32 $0x18, s14;
	s19 =	sand.u32 $0x3, s14;
	v14 =	vsel vm5, v15, v14  }
0x48e: {  	s30 =	sor.u32 s19, s18;
	v13 =	vsel vm5, v16, v13;
	[tilespmem:s3+$0x0] =	vst v14  }
0x48f: {  	s3 =	sshll.u32 s30, $0x4;
	[tilespmem:s0+$0x0] =	vst v13  }
0x490: {  	v13 =	vld [tilespmem:s3+$0x7C00]  }
0x491: {  	v14 =	vld [tilespmem:s3+$0x7E40]  }
0x492: {  	v15 =	vld [tilespmem:s3+$0x7C40]  }
0x493: {  	v16 =	vld [tilespmem:s3+$0x7E00];
	_ =	sdelay $0x4  }
0x494: {  	s31 =	sand.u32 $0x4, s14;
	vm6 =	veq.s32 v13, v15;
	vm7 =	vlt.s32 v16, v14  }
0x495: {  	s25 =	simm.s32 $0x1;
	p1 =	seq.s32 s31, $0x0;
	vm5 =	vgt.u32 v13, v15;
	vm6 =	vmand vm6, vm7  }
.LBB2_64:
0x496: {  	p0 =	sne.s32 s25, $0xF;
	vm5 =	vmor vm5, vm6;
	vm6 =	vmmov vm4  }
0x497: {  	s14 =	sadd.s32 $0x2, s14;
	s0 =	smov.u32 s25;
	s25 =	sadd.s32 $0x1, s25;
	vm6 =	vmneg @p1 vm6  }
0x498: {  	s18 =	sand.u32 $0x18, s14;
	s19 =	sand.u32 $0x3, s0;
	vm5 =	vmxor vm6, vm5  }
0x499: {  	s18 =	sor.u32 s19, s18;
	v17 =	vsel vm5, v15, v13;
	v18 =	vsel vm5, v14, v16;
	v14 =	vsel vm5, v16, v14  }
0x49a: {  	s18 =	sshll.u32 s18, $0x4;
	v15 =	vsel vm5, v13, v15;
	[tilespmem:s3+$0x7C00] =	vst v17  }
0x49b: {  	v13 =	vld [tilespmem:s18+$0x7C00];
	[tilespmem:s3+$0x7E40] =	vst v14  }
0x49c: {  	v14 =	vld [tilespmem:s18+$0x7E40];
	[tilespmem:s3+$0x7C40] =	vst v15  }
0x49d: {  	v15 =	vld [tilespmem:s18+$0x7C40];
	[tilespmem:s3+$0x7E00] =	vst v18;
	s3 =	smov.u32 s18  }
0x49e: {  	v16 =	vld [tilespmem:s3+$0x7E00];
	_ =	sdelay $0x1  }
.Ltmp32:
0x49f: {  	(pc) =	sbr.rel @p0 .LBB2_64-.Ltmp32, $4  }
0x4a0: {  	_ = 	snop  }
0x4a1: {  	vm5 =	vgt.u32 v13, v15;
	vm6 =	veq.s32 v13, v15  }
0x4a2: {  	s0 =	sand.u32 $0x4, s0;
	vm7 =	vlt.s32 v16, v14  }
0x4a3: {  	p1 =	seq.s32 s0, $0x0;
	s0 =	simm.s32 $0x0;
	vm6 =	vmand vm6, vm7  }
0x4a4: {  	vm7 =	vmmov vm4  }
0x4a5: {  	vm5 =	vmor vm5, vm6;
	vm7 =	vmneg @p1 vm7  }
0x4a6: {  	vm5 =	vmxor vm7, vm5  }
0x4a7: {  	v17 =	vsel vm5, v15, v13  }
0x4a8: {  	v18 =	vsel vm5, v16, v14;
	[tilespmem:s3+$0x7C00] =	vst v17  }
0x4a9: {  	s14 =	sand.u32 $0x1C, s0;
	s18 =	sand.u32 $0x1, s0;
	v13 =	vsel vm5, v13, v15;
	[tilespmem:s3+$0x7E40] =	vst v18  }
0x4aa: {  	s14 =	sor.u32 s18, s14;
	v14 =	vsel vm5, v14, v16;
	[tilespmem:s3+$0x7C40] =	vst v13  }
0x4ab: {  	s14 =	sshll.u32 s14, $0x4;
	[tilespmem:s3+$0x7E00] =	vst v14  }
0x4ac: {  	v13 =	vld [tilespmem:s14+$0x7C00]  }
0x4ad: {  	v14 =	vld [tilespmem:s14+$0x7E20]  }
0x4ae: {  	v15 =	vld [tilespmem:s14+$0x7C20]  }
0x4af: {  	v16 =	vld [tilespmem:s14+$0x7E00];
	_ =	sdelay $0x4  }
0x4b0: {  	s3 =	sand.u32 $0x4, s0;
	vm6 =	veq.s32 v13, v15;
	vm7 =	vlt.s32 v16, v14  }
0x4b1: {  	s25 =	simm.s32 $0x1;
	p1 =	seq.s32 s3, $0x0;
	vm5 =	vgt.u32 v13, v15;
	vm6 =	vmand vm6, vm7  }
.LBB2_66:
0x4b2: {  	p0 =	sne.s32 s25, $0xF;
	vm5 =	vmor vm5, vm6;
	vm6 =	vmmov vm4  }
0x4b3: {  	s0 =	sadd.s32 $0x2, s0;
	s18 =	smov.u32 s25;
	s25 =	sadd.s32 $0x1, s25;
	vm6 =	vmneg @p1 vm6  }
0x4b4: {  	s19 =	sand.u32 $0x1C, s0;
	s26 =	sand.u32 $0x1, s18;
	vm5 =	vmxor vm6, vm5  }
0x4b5: {  	s19 =	sor.u32 s26, s19;
	v17 =	vsel vm5, v15, v13;
	v18 =	vsel vm5, v14, v16;
	v14 =	vsel vm5, v16, v14  }
0x4b6: {  	s19 =	sshll.u32 s19, $0x4;
	v15 =	vsel vm5, v13, v15;
	[tilespmem:s14+$0x7C00] =	vst v17  }
0x4b7: {  	v13 =	vld [tilespmem:s19+$0x7C00];
	[tilespmem:s14+$0x7E20] =	vst v14  }
0x4b8: {  	v14 =	vld [tilespmem:s19+$0x7E20];
	[tilespmem:s14+$0x7C20] =	vst v15  }
0x4b9: {  	v15 =	vld [tilespmem:s19+$0x7C20];
	[tilespmem:s14+$0x7E00] =	vst v18;
	s14 =	smov.u32 s19  }
0x4ba: {  	v16 =	vld [tilespmem:s14+$0x7E00];
	_ =	sdelay $0x1  }
.Ltmp33:
0x4bb: {  	(pc) =	sbr.rel @p0 .LBB2_66-.Ltmp33, $4  }
0x4bc: {  	_ = 	snop  }
0x4bd: {  	vm5 =	vgt.u32 v13, v15;
	vm6 =	veq.s32 v13, v15  }
0x4be: {  	s18 =	sand.u32 $0x4, s18;
	vm7 =	vlt.s32 v16, v14  }
0x4bf: {  	p1 =	seq.s32 s18, $0x0;
	vm6 =	vmand vm6, vm7  }
0x4c0: {  	vm7 =	vmmov vm4  }
0x4c1: {  	vm5 =	vmor vm5, vm6;
	vm7 =	vmneg @p1 vm7  }
0x4c2: {  	vm5 =	vmxor vm7, vm5  }
0x4c3: {  	v17 =	vsel vm5, v15, v13  }
0x4c4: {  	v18 =	vsel vm5, v16, v14;
	[tilespmem:s14+$0x7C00] =	vst v17  }
0x4c5: {  	v13 =	vsel vm5, v13, v15;
	[tilespmem:s14+$0x7E20] =	vst v18  }
0x4c6: {  	v14 =	vsel vm5, v14, v16;
	[tilespmem:s14+$0x7C20] =	vst v13  }
0x4c7: {  	s26 =	simm.s32 $0x7E10;
	[tilespmem:s14+$0x7E00] =	vst v14  }
0x4c8: {  	v13 =	vld [tilespmem:s26+$0xFFFFFFF0]  }
0x4c9: {  	s25 =	simm.s32 $0x7C10;
	v14 =	vld [tilespmem:s26+$0x0]  }
0x4ca: {  	v15 =	vld [tilespmem:s25+$0x0]  }
0x4cb: {  	v61 =	vld [tilespmem:s25+$0xFFFFFFF0];
	_ =	sdelay $0x4  }
0x4cc: {  	vm5 =	veq.s32 v61, v15;
	vm6 =	vlt.s32 v13, v14  }
0x4cd: {  	p0 =	seq.s32 s3, $0x0;
	vm7 =	vgt.u32 v61, v15;
	vm5 =	vmand vm5, vm6;
	vm6 =	vmmov vm4  }
0x4ce: {  	vm5 =	vmor vm7, vm5;
	vm6 =	vmneg @p0 vm6  }
0x4cf: {  	vm5 =	vmxor vm6, vm5  }
0x4d0: {  	v62 =	vsel vm5, v15, v61  }
0x4d1: {  	v63 =	vsel vm5, v14, v13;
	[tilespmem:s25+$0xFFFFFFF0] =	vst v62  }
0x4d2: {  	v15 =	vsel vm5, v61, v15;
	[tilespmem:s26+$0xFFFFFFF0] =	vst v63  }
0x4d3: {  	s30 =	simm.s32 $0x1;
	s31 =	simm.s32 $0x7E30;
	v13 =	vsel vm5, v13, v14;
	[tilespmem:s25+$0x0] =	vst v15  }
.LBB2_68:
0x4d4: {  	p0 =	sne.s32 s30, $0xF;
	s25 =	sadd.s32 $0x20, s25  }
0x4d5: {  	v14 =	vld [tilespmem:s31+$0xFFFFFFF0];
	[tilespmem:s26+$0x0] =	vst v13;
	s0 =	smov.u32 s30;
	s30 =	sadd.s32 $0x1, s30;
	s26 =	smov.u32 s31  }
0x4d6: {  	v13 =	vld [tilespmem:s31+$0x0]  }
0x4d7: {  	v15 =	vld [tilespmem:s25+$0x0]  }
0x4d8: {  	v16 =	vld [tilespmem:s25+$0xFFFFFFF0];
	_ =	sdelay $0x4  }
0x4d9: {  	vm7 =	vlt.s32 v14, v13;
	vm6 =	veq.s32 v16, v15  }
0x4da: {  	s0 =	sand.u32 $0x4, s0;
	vm5 =	vgt.u32 v16, v15;
	vm6 =	vmand vm6, vm7  }
0x4db: {  	p1 =	seq.s32 s0, $0x0;
	vm5 =	vmor vm5, vm6;
	vm6 =	vmmov vm4  }
0x4dc: {  	vm6 =	vmneg @p1 vm6  }
.Ltmp34:
0x4dd: {  	vm5 =	vmxor vm6, vm5;
	(pc) =	sbr.rel @p0 .LBB2_68-.Ltmp34, $4  }
0x4de: {  	v17 =	vsel vm5, v15, v16;
	v18 =	vsel vm5, v13, v14;
	v15 =	vsel vm5, v16, v15  }
0x4df: {  	v13 =	vsel vm5, v14, v13;
	[tilespmem:s25+$0xFFFFFFF0] =	vst v17  }
0x4e0: {  	s0 =	simm.s32 $0x7E00;
	[tilespmem:s31+$0xFFFFFFF0] =	vst v18  }
0x4e1: {  	s14 =	simm.s32 $0x0;
	s3 =	simm.s32 $0x7C00;
	s31 =	sadd.s32 $0x20, s31;
	[tilespmem:s25+$0x0] =	vst v15  }
0x4e2: {  	[tilespmem:s26+$0x0] =	vst v13  }
0x4e3: {  	v13 =	vld [tilespmem:s0+$0x0]  }
0x4e4: {  	s30 =	simm.s32 $0x10;
	v14 =	vld [tilespmem:s3+$0x0]  }
0x4e5: {  	s31 =	simm.s32 $0x0;
	s25 =	simm.s32 $0x7C00;
	s26 =	simm.s32 $0x7E00  }
.LBB2_70:
0x4e6: {  	p0 =	sne.s32 s30, $0x1F0;
	v15 =	vmov s31;
	s31 =	smov.u32 s30  }
0x4e7: {  	v15 =	vand.u32 $0x80, v15  }
0x4e8: {  	v16 =	vperm.xlane v13, v9;
	vm5 =	veq.s32 v15, $0x0  }
0x4e9: {  	v15 =	vperm.xlane v14, v9;
	v17 =	vsel vm5, $0x1, v2  }
0x4ea: {  	v18 =	vsel vm3, v13, v16;
	v17 =	vbroadcast v17, $0x0  }
0x4eb: {  	v21 =	vsel vm3, v16, v13;
	v19 =	vsel vm3, v14, v15;
	v20 =	vsel vm3, v15, v14  }
0x4ec: {  	vm6 =	vlt.s32 v18, v21;
	vm5 =	veq.s32 v19, v20  }
0x4ed: {  	v17 =	vand.u32 $0x1, v17;
	vm7 =	vgt.u32 v19, v20;
	vm5 =	vmand vm5, vm6  }
0x4ee: {  	vm6 =	veq.s32 v17, $0x1;
	vm5 =	vmor vm7, vm5  }
0x4ef: {  	vm5 =	vmxor vm6, vm5  }
0x4f0: {  	v14 =	vsel vm5, v15, v14;
	v13 =	vsel vm5, v16, v13  }
.Ltmp35:
0x4f1: {  	[tilespmem:s25+$0x0] =	vst v14;
	(pc) =	sbr.rel @p0 .LBB2_70-.Ltmp35, $4  }
0x4f2: {  	[tilespmem:s26+$0x0] =	vst v13;
	s26 =	sadd.s32 $0x10, s26  }
0x4f3: {  	s25 =	sadd.s32 $0x10, s25;
	v13 =	vld [tilespmem:s26+$0x0]  }
0x4f4: {  	v14 =	vld [tilespmem:s25+$0x0]  }
0x4f5: {  	s30 =	sadd.s32 $0x10, s30  }
0x4f6: {  	v15 =	vmov s31  }
0x4f7: {  	v15 =	vand.u32 $0x80, v15  }
0x4f8: {  	v16 =	vperm.xlane v13, v9;
	vm5 =	veq.s32 v15, $0x0  }
0x4f9: {  	v15 =	vperm.xlane v14, v9;
	v17 =	vsel vm5, $0x1, v2  }
0x4fa: {  	v18 =	vsel vm3, v13, v16;
	v17 =	vbroadcast v17, $0x0  }
0x4fb: {  	v21 =	vsel vm3, v16, v13;
	v19 =	vsel vm3, v14, v15;
	v20 =	vsel vm3, v15, v14  }
0x4fc: {  	vm6 =	vlt.s32 v18, v21;
	vm5 =	veq.s32 v19, v20  }
0x4fd: {  	v17 =	vand.u32 $0x1, v17;
	vm7 =	vgt.u32 v19, v20;
	vm5 =	vmand vm5, vm6  }
0x4fe: {  	vm6 =	veq.s32 v17, $0x1;
	vm5 =	vmor vm7, vm5  }
0x4ff: {  	vm5 =	vmxor vm6, vm5  }
0x500: {  	v14 =	vsel vm5, v15, v14  }
0x501: {  	v13 =	vsel vm5, v16, v13;
	[tilespmem:s25+$0x0] =	vst v14  }
0x502: {  	[tilespmem:s26+$0x0] =	vst v13  }
0x503: {  	v13 =	vld [tilespmem:s0+$0x0]  }
0x504: {  	v14 =	vld [tilespmem:s3+$0x0]  }
0x505: {  	s25 =	simm.s32 $0x10  }
.LBB2_72:
0x506: {  	p0 =	sne.s32 s25, $0x1F0;
	v15 =	vmov s14;
	s14 =	smov.u32 s25  }
0x507: {  	v15 =	vand.u32 $0x80, v15  }
0x508: {  	v16 =	vperm.xlane v13, v11;
	vm5 =	veq.s32 v15, $0x0  }
0x509: {  	v15 =	vperm.xlane v14, v11;
	v17 =	vsel vm5, $0x1, v2  }
0x50a: {  	v18 =	vsel vm2, v13, v16;
	v17 =	vbroadcast v17, $0x0  }
0x50b: {  	v21 =	vsel vm2, v16, v13;
	v19 =	vsel vm2, v14, v15;
	v20 =	vsel vm2, v15, v14  }
0x50c: {  	vm6 =	vlt.s32 v18, v21;
	vm5 =	veq.s32 v19, v20  }
0x50d: {  	v17 =	vand.u32 $0x1, v17;
	vm7 =	vgt.u32 v19, v20;
	vm5 =	vmand vm5, vm6  }
0x50e: {  	vm6 =	veq.s32 v17, $0x1;
	vm5 =	vmor vm7, vm5  }
0x50f: {  	vm5 =	vmxor vm6, vm5  }
0x510: {  	v14 =	vsel vm5, v15, v14;
	v13 =	vsel vm5, v16, v13  }
.Ltmp36:
0x511: {  	[tilespmem:s3+$0x0] =	vst v14;
	(pc) =	sbr.rel @p0 .LBB2_72-.Ltmp36, $4  }
0x512: {  	[tilespmem:s0+$0x0] =	vst v13;
	s0 =	sadd.s32 $0x10, s0  }
0x513: {  	s3 =	sadd.s32 $0x10, s3;
	v13 =	vld [tilespmem:s0+$0x0]  }
0x514: {  	v14 =	vld [tilespmem:s3+$0x0]  }
0x515: {  	s25 =	sadd.s32 $0x10, s25  }
0x516: {  	v15 =	vmov s14  }
0x517: {  	v15 =	vand.u32 $0x80, v15  }
0x518: {  	v16 =	vperm.xlane v13, v11;
	vm5 =	veq.s32 v15, $0x0  }
0x519: {  	v15 =	vperm.xlane v14, v11;
	v17 =	vsel vm5, $0x1, v2  }
0x51a: {  	v18 =	vsel vm2, v13, v16;
	v17 =	vbroadcast v17, $0x0  }
0x51b: {  	v21 =	vsel vm2, v16, v13;
	v19 =	vsel vm2, v14, v15;
	v20 =	vsel vm2, v15, v14  }
0x51c: {  	vm6 =	vlt.s32 v18, v21;
	vm5 =	veq.s32 v19, v20  }
0x51d: {  	v17 =	vand.u32 $0x1, v17;
	vm7 =	vgt.u32 v19, v20;
	vm5 =	vmand vm5, vm6  }
0x51e: {  	vm6 =	veq.s32 v17, $0x1;
	vm5 =	vmor vm7, vm5  }
0x51f: {  	vm5 =	vmxor vm6, vm5  }
0x520: {  	v14 =	vsel vm5, v15, v14  }
0x521: {  	v13 =	vsel vm5, v16, v13;
	[tilespmem:s3+$0x0] =	vst v14  }
0x522: {  	s3 =	simm.s32 $0x7E00;
	[tilespmem:s0+$0x0] =	vst v13  }
0x523: {  	s0 =	simm.s32 $0x7C00;
	v13 =	vld [tilespmem:s3+$0x0]  }
0x524: {  	s14 =	simm.s32 $0x0;
	s30 =	simm.s32 $0x10;
	v14 =	vld [tilespmem:s0+$0x0]  }
0x525: {  	s31 =	simm.s32 $0x0;
	s25 =	simm.s32 $0x7C00;
	s26 =	simm.s32 $0x7E00  }
.LBB2_74:
0x526: {  	p0 =	sne.s32 s30, $0x1F0;
	v15 =	vmov s31;
	s31 =	smov.u32 s30  }
0x527: {  	v15 =	vand.u32 $0x80, v15  }
0x528: {  	v16 =	vperm.xlane v13, v10;
	vm5 =	veq.s32 v15, $0x0  }
0x529: {  	v15 =	vperm.xlane v14, v10;
	v17 =	vsel vm5, $0x1, v2  }
0x52a: {  	v18 =	vsel vm1, v13, v16;
	v17 =	vbroadcast v17, $0x0  }
0x52b: {  	v21 =	vsel vm1, v16, v13;
	v19 =	vsel vm1, v14, v15;
	v20 =	vsel vm1, v15, v14  }
0x52c: {  	vm6 =	vlt.s32 v18, v21;
	vm5 =	veq.s32 v19, v20  }
0x52d: {  	v17 =	vand.u32 $0x1, v17;
	vm7 =	vgt.u32 v19, v20;
	vm5 =	vmand vm5, vm6  }
0x52e: {  	vm6 =	veq.s32 v17, $0x1;
	vm5 =	vmor vm7, vm5  }
0x52f: {  	vm5 =	vmxor vm6, vm5  }
0x530: {  	v14 =	vsel vm5, v15, v14;
	v13 =	vsel vm5, v16, v13  }
.Ltmp37:
0x531: {  	[tilespmem:s25+$0x0] =	vst v14;
	(pc) =	sbr.rel @p0 .LBB2_74-.Ltmp37, $4  }
0x532: {  	[tilespmem:s26+$0x0] =	vst v13;
	s26 =	sadd.s32 $0x10, s26  }
0x533: {  	s25 =	sadd.s32 $0x10, s25;
	v13 =	vld [tilespmem:s26+$0x0]  }
0x534: {  	v14 =	vld [tilespmem:s25+$0x0]  }
0x535: {  	s30 =	sadd.s32 $0x10, s30  }
0x536: {  	v15 =	vmov s31  }
0x537: {  	v15 =	vand.u32 $0x80, v15  }
0x538: {  	v16 =	vperm.xlane v13, v10;
	vm5 =	veq.s32 v15, $0x0  }
0x539: {  	v15 =	vperm.xlane v14, v10;
	v17 =	vsel vm5, $0x1, v2  }
0x53a: {  	v18 =	vsel vm1, v13, v16;
	v17 =	vbroadcast v17, $0x0  }
0x53b: {  	v21 =	vsel vm1, v16, v13;
	v19 =	vsel vm1, v14, v15;
	v20 =	vsel vm1, v15, v14  }
0x53c: {  	vm6 =	vlt.s32 v18, v21;
	vm5 =	veq.s32 v19, v20  }
0x53d: {  	v17 =	vand.u32 $0x1, v17;
	vm7 =	vgt.u32 v19, v20;
	vm5 =	vmand vm5, vm6  }
0x53e: {  	vm6 =	veq.s32 v17, $0x1;
	vm5 =	vmor vm7, vm5  }
0x53f: {  	vm5 =	vmxor vm6, vm5  }
0x540: {  	v14 =	vsel vm5, v15, v14  }
0x541: {  	v13 =	vsel vm5, v16, v13;
	[tilespmem:s25+$0x0] =	vst v14  }
0x542: {  	[tilespmem:s26+$0x0] =	vst v13  }
0x543: {  	v13 =	vld [tilespmem:s3+$0x0]  }
0x544: {  	v14 =	vld [tilespmem:s0+$0x0]  }
0x545: {  	s25 =	simm.s32 $0x10  }
.LBB2_76:
0x546: {  	p0 =	sne.s32 s25, $0x1F0;
	v15 =	vmov s14;
	s14 =	smov.u32 s25  }
0x547: {  	v15 =	vand.u32 $0x80, v15  }
0x548: {  	v16 =	vperm.xlane v13, v8;
	vm5 =	veq.s32 v15, $0x0  }
0x549: {  	v15 =	vperm.xlane v14, v8;
	v17 =	vsel vm5, $0x1, v2  }
0x54a: {  	v18 =	vsel vm0, v13, v16;
	v17 =	vbroadcast v17, $0x0  }
0x54b: {  	v21 =	vsel vm0, v16, v13;
	v19 =	vsel vm0, v14, v15;
	v20 =	vsel vm0, v15, v14  }
0x54c: {  	vm6 =	vlt.s32 v18, v21;
	vm5 =	veq.s32 v19, v20  }
0x54d: {  	v17 =	vand.u32 $0x1, v17;
	vm7 =	vgt.u32 v19, v20;
	vm5 =	vmand vm5, vm6  }
0x54e: {  	vm6 =	veq.s32 v17, $0x1;
	vm5 =	vmor vm7, vm5  }
0x54f: {  	vm5 =	vmxor vm6, vm5  }
0x550: {  	v14 =	vsel vm5, v15, v14;
	v13 =	vsel vm5, v16, v13  }
.Ltmp38:
0x551: {  	[tilespmem:s0+$0x0] =	vst v14;
	(pc) =	sbr.rel @p0 .LBB2_76-.Ltmp38, $4  }
0x552: {  	[tilespmem:s3+$0x0] =	vst v13;
	s3 =	sadd.s32 $0x10, s3  }
0x553: {  	s0 =	sadd.s32 $0x10, s0;
	v13 =	vld [tilespmem:s3+$0x0]  }
0x554: {  	v14 =	vld [tilespmem:s0+$0x0]  }
0x555: {  	s25 =	sadd.s32 $0x10, s25  }
0x556: {  	v15 =	vmov s14  }
0x557: {  	v15 =	vand.u32 $0x80, v15  }
0x558: {  	v16 =	vperm.xlane v13, v8;
	vm5 =	veq.s32 v15, $0x0  }
0x559: {  	v15 =	vperm.xlane v14, v8;
	v17 =	vsel vm5, $0x1, v2  }
0x55a: {  	v18 =	vsel vm0, v13, v16;
	v17 =	vbroadcast v17, $0x0  }
0x55b: {  	v21 =	vsel vm0, v16, v13;
	v19 =	vsel vm0, v14, v15;
	v20 =	vsel vm0, v15, v14  }
0x55c: {  	vm6 =	vlt.s32 v18, v21;
	vm5 =	veq.s32 v19, v20  }
0x55d: {  	v17 =	vand.u32 $0x1, v17;
	vm7 =	vgt.u32 v19, v20;
	vm5 =	vmand vm5, vm6  }
0x55e: {  	vm6 =	veq.s32 v17, $0x1;
	vm5 =	vmor vm7, vm5  }
0x55f: {  	s14 =	simm.s32 $0x0;
	vm5 =	vmxor vm6, vm5  }
0x560: {  	s18 =	sand.u32 $0x10, s14;
	s19 =	sand.u32 $0x7, s14;
	v14 =	vsel vm5, v15, v14  }
0x561: {  	s31 =	sor.u32 s19, s18;
	v13 =	vsel vm5, v16, v13;
	[tilespmem:s0+$0x0] =	vst v14  }
0x562: {  	s0 =	sshll.u32 s31, $0x4;
	[tilespmem:s3+$0x0] =	vst v13  }
0x563: {  	v13 =	vld [tilespmem:s0+$0x7C00]  }
0x564: {  	v14 =	vld [tilespmem:s0+$0x7E80]  }
0x565: {  	v15 =	vld [tilespmem:s0+$0x7C80]  }
0x566: {  	v16 =	vld [tilespmem:s0+$0x7E00];
	_ =	sdelay $0x4  }
0x567: {  	vm6 =	veq.s32 v13, v15;
	vm7 =	vlt.s32 v16, v14  }
0x568: {  	p1 =	por $0x1, $0x1;
	s25 =	simm.s32 $0x0;
	s3 =	simm.s32 $0x1;
	vm5 =	vgt.u32 v13, v15;
	vm6 =	vmand vm6, vm7  }
.LBB2_78:
0x569: {  	p0 =	sne.s32 s3, $0xF;
	vm5 =	vmor vm5, vm6;
	vm6 =	vmmov vm4  }
0x56a: {  	s25 =	sadd.s32 $0x2, s25;
	s18 =	smov.u32 s3;
	s3 =	sadd.s32 $0x1, s3;
	vm6 =	vmneg @p1 vm6  }
0x56b: {  	s19 =	sand.u32 $0x10, s25;
	s26 =	sand.u32 $0x7, s18;
	vm5 =	vmxor vm6, vm5  }
0x56c: {  	s19 =	sor.u32 s26, s19;
	v17 =	vsel vm5, v15, v13;
	v18 =	vsel vm5, v14, v16;
	v14 =	vsel vm5, v16, v14  }
0x56d: {  	s19 =	sshll.u32 s19, $0x4;
	v15 =	vsel vm5, v13, v15;
	[tilespmem:s0+$0x7C00] =	vst v17  }
0x56e: {  	v13 =	vld [tilespmem:s19+$0x7C00];
	[tilespmem:s0+$0x7E80] =	vst v14  }
0x56f: {  	v14 =	vld [tilespmem:s19+$0x7E80];
	[tilespmem:s0+$0x7C80] =	vst v15  }
0x570: {  	v15 =	vld [tilespmem:s19+$0x7C80];
	[tilespmem:s0+$0x7E00] =	vst v18;
	s0 =	smov.u32 s19  }
0x571: {  	v16 =	vld [tilespmem:s0+$0x7E00];
	_ =	sdelay $0x1  }
.Ltmp39:
0x572: {  	(pc) =	sbr.rel @p0 .LBB2_78-.Ltmp39, $3  }
0x573: {  	_ =	sdelay $0x1  }
0x574: {  	vm5 =	vgt.u32 v13, v15;
	vm6 =	veq.s32 v13, v15;
	vm7 =	vlt.s32 v16, v14  }
0x575: {  	p1 =	slt.u32 s18, $0x8;
	vm6 =	vmand vm6, vm7  }
0x576: {  	vm7 =	vmmov vm4  }
0x577: {  	vm5 =	vmor vm5, vm6;
	vm7 =	vmneg @p1 vm7  }
0x578: {  	vm5 =	vmxor vm7, vm5  }
0x579: {  	v17 =	vsel vm5, v15, v13  }
0x57a: {  	v18 =	vsel vm5, v16, v14;
	[tilespmem:s0+$0x7C00] =	vst v17  }
0x57b: {  	s3 =	sand.u32 $0x18, s14;
	s18 =	sand.u32 $0x3, s14;
	v13 =	vsel vm5, v13, v15;
	[tilespmem:s0+$0x7E80] =	vst v18  }
0x57c: {  	s3 =	sor.u32 s18, s3;
	v14 =	vsel vm5, v14, v16;
	[tilespmem:s0+$0x7C80] =	vst v13  }
0x57d: {  	s3 =	sshll.u32 s3, $0x4;
	[tilespmem:s0+$0x7E00] =	vst v14  }
0x57e: {  	v13 =	vld [tilespmem:s3+$0x7C00]  }
0x57f: {  	v14 =	vld [tilespmem:s3+$0x7E40]  }
0x580: {  	v15 =	vld [tilespmem:s3+$0x7C40]  }
0x581: {  	v16 =	vld [tilespmem:s3+$0x7E00];
	_ =	sdelay $0x4  }
0x582: {  	vm6 =	veq.s32 v13, v15;
	vm7 =	vlt.s32 v16, v14  }
0x583: {  	s25 =	simm.s32 $0x1;
	p1 =	por $0x1, $0x1;
	vm5 =	vgt.u32 v13, v15;
	vm6 =	vmand vm6, vm7  }
.LBB2_80:
0x584: {  	p0 =	sne.s32 s25, $0xF;
	vm5 =	vmor vm5, vm6;
	vm6 =	vmmov vm4  }
0x585: {  	s14 =	sadd.s32 $0x2, s14;
	s0 =	smov.u32 s25;
	s25 =	sadd.s32 $0x1, s25;
	vm6 =	vmneg @p1 vm6  }
0x586: {  	s18 =	sand.u32 $0x18, s14;
	s19 =	sand.u32 $0x3, s0;
	vm5 =	vmxor vm6, vm5  }
0x587: {  	s18 =	sor.u32 s19, s18;
	v17 =	vsel vm5, v15, v13;
	v18 =	vsel vm5, v14, v16;
	v14 =	vsel vm5, v16, v14  }
0x588: {  	s18 =	sshll.u32 s18, $0x4;
	v15 =	vsel vm5, v13, v15;
	[tilespmem:s3+$0x7C00] =	vst v17  }
0x589: {  	v13 =	vld [tilespmem:s18+$0x7C00];
	[tilespmem:s3+$0x7E40] =	vst v14  }
0x58a: {  	v14 =	vld [tilespmem:s18+$0x7E40];
	[tilespmem:s3+$0x7C40] =	vst v15  }
0x58b: {  	v15 =	vld [tilespmem:s18+$0x7C40];
	[tilespmem:s3+$0x7E00] =	vst v18;
	s3 =	smov.u32 s18  }
0x58c: {  	v16 =	vld [tilespmem:s3+$0x7E00];
	_ =	sdelay $0x1  }
.Ltmp40:
0x58d: {  	(pc) =	sbr.rel @p0 .LBB2_80-.Ltmp40, $3  }
0x58e: {  	_ =	sdelay $0x1  }
0x58f: {  	vm5 =	vgt.u32 v13, v15;
	vm6 =	veq.s32 v13, v15;
	vm7 =	vlt.s32 v16, v14  }
0x590: {  	p1 =	slt.u32 s0, $0x8;
	s0 =	simm.s32 $0x0;
	vm6 =	vmand vm6, vm7  }
0x591: {  	vm7 =	vmmov vm4  }
0x592: {  	vm5 =	vmor vm5, vm6;
	vm7 =	vmneg @p1 vm7  }
0x593: {  	vm5 =	vmxor vm7, vm5  }
0x594: {  	v17 =	vsel vm5, v15, v13  }
0x595: {  	v18 =	vsel vm5, v16, v14;
	[tilespmem:s3+$0x7C00] =	vst v17  }
0x596: {  	s14 =	sand.u32 $0x1C, s0;
	s18 =	sand.u32 $0x1, s0;
	v13 =	vsel vm5, v13, v15;
	[tilespmem:s3+$0x7E40] =	vst v18  }
0x597: {  	s14 =	sor.u32 s18, s14;
	v14 =	vsel vm5, v14, v16;
	[tilespmem:s3+$0x7C40] =	vst v13  }
0x598: {  	[tilespmem:s3+$0x7E00] =	vst v14;
	s3 =	sshll.u32 s14, $0x4  }
0x599: {  	v13 =	vld [tilespmem:s3+$0x7C00]  }
0x59a: {  	v14 =	vld [tilespmem:s3+$0x7E20]  }
0x59b: {  	v15 =	vld [tilespmem:s3+$0x7C20]  }
0x59c: {  	v16 =	vld [tilespmem:s3+$0x7E00];
	_ =	sdelay $0x4  }
0x59d: {  	vm6 =	veq.s32 v13, v15;
	vm7 =	vlt.s32 v16, v14  }
0x59e: {  	p1 =	por $0x1, $0x1;
	s14 =	simm.s32 $0x1;
	vm5 =	vgt.u32 v13, v15;
	vm6 =	vmand vm6, vm7  }
.LBB2_82:
0x59f: {  	p0 =	sne.s32 s14, $0xF;
	vm5 =	vmor vm5, vm6;
	vm6 =	vmmov vm4  }
0x5a0: {  	s0 =	sadd.s32 $0x2, s0;
	s18 =	smov.u32 s14;
	s14 =	sadd.s32 $0x1, s14;
	vm6 =	vmneg @p1 vm6  }
0x5a1: {  	s19 =	sand.u32 $0x1C, s0;
	s25 =	sand.u32 $0x1, s18;
	vm5 =	vmxor vm6, vm5  }
0x5a2: {  	s19 =	sor.u32 s25, s19;
	v17 =	vsel vm5, v15, v13;
	v18 =	vsel vm5, v14, v16;
	v14 =	vsel vm5, v16, v14  }
0x5a3: {  	s19 =	sshll.u32 s19, $0x4;
	v15 =	vsel vm5, v13, v15;
	[tilespmem:s3+$0x7C00] =	vst v17  }
0x5a4: {  	v13 =	vld [tilespmem:s19+$0x7C00];
	[tilespmem:s3+$0x7E20] =	vst v14  }
0x5a5: {  	v14 =	vld [tilespmem:s19+$0x7E20];
	[tilespmem:s3+$0x7C20] =	vst v15  }
0x5a6: {  	v15 =	vld [tilespmem:s19+$0x7C20];
	[tilespmem:s3+$0x7E00] =	vst v18;
	s3 =	smov.u32 s19  }
0x5a7: {  	v16 =	vld [tilespmem:s3+$0x7E00];
	_ =	sdelay $0x1  }
.Ltmp41:
0x5a8: {  	(pc) =	sbr.rel @p0 .LBB2_82-.Ltmp41, $3  }
0x5a9: {  	_ =	sdelay $0x1  }
0x5aa: {  	vm5 =	vgt.u32 v13, v15;
	vm6 =	veq.s32 v13, v15;
	vm7 =	vlt.s32 v16, v14  }
0x5ab: {  	p1 =	slt.u32 s18, $0x8;
	vm6 =	vmand vm6, vm7  }
0x5ac: {  	vm7 =	vmmov vm4  }
0x5ad: {  	vm5 =	vmor vm5, vm6;
	vm7 =	vmneg @p1 vm7  }
0x5ae: {  	vm5 =	vmxor vm7, vm5  }
0x5af: {  	v17 =	vsel vm5, v15, v13  }
0x5b0: {  	v18 =	vsel vm5, v16, v14;
	[tilespmem:s3+$0x7C00] =	vst v17  }
0x5b1: {  	v13 =	vsel vm5, v13, v15;
	[tilespmem:s3+$0x7E20] =	vst v18  }
0x5b2: {  	v14 =	vsel vm5, v14, v16;
	[tilespmem:s3+$0x7C20] =	vst v13  }
0x5b3: {  	s26 =	simm.s32 $0x7E10;
	[tilespmem:s3+$0x7E00] =	vst v14  }
0x5b4: {  	v13 =	vld [tilespmem:s26+$0xFFFFFFF0]  }
0x5b5: {  	s25 =	simm.s32 $0x7C10;
	v14 =	vld [tilespmem:s26+$0x0]  }
0x5b6: {  	v15 =	vld [tilespmem:s25+$0x0]  }
0x5b7: {  	v61 =	vld [tilespmem:s25+$0xFFFFFFF0];
	_ =	sdelay $0x4  }
0x5b8: {  	vm5 =	veq.s32 v61, v15;
	vm6 =	vlt.s32 v13, v14  }
0x5b9: {  	p0 =	por $0x1, $0x1;
	vm7 =	vgt.u32 v61, v15;
	vm5 =	vmand vm5, vm6;
	vm6 =	vmmov vm4  }
0x5ba: {  	vm5 =	vmor vm7, vm5;
	vm6 =	vmneg @p0 vm6  }
0x5bb: {  	vm5 =	vmxor vm6, vm5  }
0x5bc: {  	v62 =	vsel vm5, v15, v61  }
0x5bd: {  	v63 =	vsel vm5, v14, v13;
	[tilespmem:s25+$0xFFFFFFF0] =	vst v62  }
0x5be: {  	v15 =	vsel vm5, v61, v15;
	[tilespmem:s26+$0xFFFFFFF0] =	vst v63  }
0x5bf: {  	s30 =	simm.s32 $0x1;
	s31 =	simm.s32 $0x7E30;
	v13 =	vsel vm5, v13, v14;
	[tilespmem:s25+$0x0] =	vst v15  }
.LBB2_84:
0x5c0: {  	p0 =	sne.s32 s30, $0xF;
	s25 =	sadd.s32 $0x20, s25  }
0x5c1: {  	v14 =	vld [tilespmem:s31+$0xFFFFFFF0];
	[tilespmem:s26+$0x0] =	vst v13;
	s0 =	smov.u32 s30;
	s30 =	sadd.s32 $0x1, s30;
	s26 =	smov.u32 s31  }
0x5c2: {  	v13 =	vld [tilespmem:s31+$0x0]  }
0x5c3: {  	v15 =	vld [tilespmem:s25+$0x0]  }
0x5c4: {  	v16 =	vld [tilespmem:s25+$0xFFFFFFF0];
	_ =	sdelay $0x4  }
0x5c5: {  	vm7 =	vlt.s32 v14, v13;
	vm6 =	veq.s32 v16, v15  }
0x5c6: {  	vm5 =	vgt.u32 v16, v15;
	vm6 =	vmand vm6, vm7  }
0x5c7: {  	p1 =	slt.u32 s0, $0x8;
	vm5 =	vmor vm5, vm6;
	vm6 =	vmmov vm4  }
0x5c8: {  	vm6 =	vmneg @p1 vm6  }
.Ltmp42:
0x5c9: {  	vm5 =	vmxor vm6, vm5;
	(pc) =	sbr.rel @p0 .LBB2_84-.Ltmp42, $4  }
0x5ca: {  	v17 =	vsel vm5, v15, v16;
	v18 =	vsel vm5, v13, v14;
	v15 =	vsel vm5, v16, v15  }
0x5cb: {  	v13 =	vsel vm5, v14, v13;
	[tilespmem:s25+$0xFFFFFFF0] =	vst v17  }
0x5cc: {  	s0 =	simm.s32 $0x7E00;
	[tilespmem:s31+$0xFFFFFFF0] =	vst v18  }
0x5cd: {  	s14 =	simm.s32 $0x0;
	s3 =	simm.s32 $0x7C00;
	s31 =	sadd.s32 $0x20, s31;
	[tilespmem:s25+$0x0] =	vst v15  }
0x5ce: {  	[tilespmem:s26+$0x0] =	vst v13  }
0x5cf: {  	v13 =	vld [tilespmem:s0+$0x0]  }
0x5d0: {  	s30 =	simm.s32 $0x10;
	v14 =	vld [tilespmem:s3+$0x0]  }
0x5d1: {  	s31 =	simm.s32 $0x0;
	s25 =	simm.s32 $0x7C00;
	s26 =	simm.s32 $0x7E00  }
.LBB2_86:
0x5d2: {  	p0 =	sne.s32 s30, $0x1F0;
	v15 =	vmov s31;
	s31 =	smov.u32 s30  }
0x5d3: {  	v15 =	vand.u32 $0x100, v15  }
0x5d4: {  	v16 =	vperm.xlane v13, v9;
	vm5 =	veq.s32 v15, $0x0  }
0x5d5: {  	v15 =	vperm.xlane v14, v9;
	v17 =	vsel vm5, $0x1, v2  }
0x5d6: {  	v18 =	vsel vm3, v13, v16;
	v17 =	vbroadcast v17, $0x0  }
0x5d7: {  	v21 =	vsel vm3, v16, v13;
	v19 =	vsel vm3, v14, v15;
	v20 =	vsel vm3, v15, v14  }
0x5d8: {  	vm6 =	vlt.s32 v18, v21;
	vm5 =	veq.s32 v19, v20  }
0x5d9: {  	v17 =	vand.u32 $0x1, v17;
	vm7 =	vgt.u32 v19, v20;
	vm5 =	vmand vm5, vm6  }
0x5da: {  	vm6 =	veq.s32 v17, $0x1;
	vm5 =	vmor vm7, vm5  }
0x5db: {  	vm5 =	vmxor vm6, vm5  }
0x5dc: {  	v14 =	vsel vm5, v15, v14;
	v13 =	vsel vm5, v16, v13  }
.Ltmp43:
0x5dd: {  	[tilespmem:s25+$0x0] =	vst v14;
	(pc) =	sbr.rel @p0 .LBB2_86-.Ltmp43, $4  }
0x5de: {  	[tilespmem:s26+$0x0] =	vst v13;
	s26 =	sadd.s32 $0x10, s26  }
0x5df: {  	s25 =	sadd.s32 $0x10, s25;
	v13 =	vld [tilespmem:s26+$0x0]  }
0x5e0: {  	v14 =	vld [tilespmem:s25+$0x0]  }
0x5e1: {  	s30 =	sadd.s32 $0x10, s30  }
0x5e2: {  	v15 =	vmov s31  }
0x5e3: {  	v15 =	vand.u32 $0x100, v15  }
0x5e4: {  	v16 =	vperm.xlane v13, v9;
	vm5 =	veq.s32 v15, $0x0  }
0x5e5: {  	v15 =	vperm.xlane v14, v9;
	v17 =	vsel vm5, $0x1, v2  }
0x5e6: {  	v18 =	vsel vm3, v13, v16;
	v17 =	vbroadcast v17, $0x0  }
0x5e7: {  	v21 =	vsel vm3, v16, v13;
	v19 =	vsel vm3, v14, v15;
	v20 =	vsel vm3, v15, v14  }
0x5e8: {  	vm6 =	vlt.s32 v18, v21;
	vm5 =	veq.s32 v19, v20  }
0x5e9: {  	v17 =	vand.u32 $0x1, v17;
	vm7 =	vgt.u32 v19, v20;
	vm5 =	vmand vm5, vm6  }
0x5ea: {  	vm6 =	veq.s32 v17, $0x1;
	vm5 =	vmor vm7, vm5  }
0x5eb: {  	vm5 =	vmxor vm6, vm5  }
0x5ec: {  	v14 =	vsel vm5, v15, v14  }
0x5ed: {  	v13 =	vsel vm5, v16, v13;
	[tilespmem:s25+$0x0] =	vst v14  }
0x5ee: {  	[tilespmem:s26+$0x0] =	vst v13  }
0x5ef: {  	v13 =	vld [tilespmem:s0+$0x0]  }
0x5f0: {  	v14 =	vld [tilespmem:s3+$0x0]  }
0x5f1: {  	s25 =	simm.s32 $0x10  }
.LBB2_88:
0x5f2: {  	p0 =	sne.s32 s25, $0x1F0;
	v15 =	vmov s14;
	s14 =	smov.u32 s25  }
0x5f3: {  	v15 =	vand.u32 $0x100, v15  }
0x5f4: {  	v16 =	vperm.xlane v13, v11;
	vm5 =	veq.s32 v15, $0x0  }
0x5f5: {  	v15 =	vperm.xlane v14, v11;
	v17 =	vsel vm5, $0x1, v2  }
0x5f6: {  	v18 =	vsel vm2, v13, v16;
	v17 =	vbroadcast v17, $0x0  }
0x5f7: {  	v21 =	vsel vm2, v16, v13;
	v19 =	vsel vm2, v14, v15;
	v20 =	vsel vm2, v15, v14  }
0x5f8: {  	vm6 =	vlt.s32 v18, v21;
	vm5 =	veq.s32 v19, v20  }
0x5f9: {  	v17 =	vand.u32 $0x1, v17;
	vm7 =	vgt.u32 v19, v20;
	vm5 =	vmand vm5, vm6  }
0x5fa: {  	vm6 =	veq.s32 v17, $0x1;
	vm5 =	vmor vm7, vm5  }
0x5fb: {  	vm5 =	vmxor vm6, vm5  }
0x5fc: {  	v14 =	vsel vm5, v15, v14;
	v13 =	vsel vm5, v16, v13  }
.Ltmp44:
0x5fd: {  	[tilespmem:s3+$0x0] =	vst v14;
	(pc) =	sbr.rel @p0 .LBB2_88-.Ltmp44, $4  }
0x5fe: {  	[tilespmem:s0+$0x0] =	vst v13;
	s0 =	sadd.s32 $0x10, s0  }
0x5ff: {  	s3 =	sadd.s32 $0x10, s3;
	v13 =	vld [tilespmem:s0+$0x0]  }
0x600: {  	v14 =	vld [tilespmem:s3+$0x0]  }
0x601: {  	s25 =	sadd.s32 $0x10, s25  }
0x602: {  	v15 =	vmov s14  }
0x603: {  	v15 =	vand.u32 $0x100, v15  }
0x604: {  	v16 =	vperm.xlane v13, v11;
	vm5 =	veq.s32 v15, $0x0  }
0x605: {  	v15 =	vperm.xlane v14, v11;
	v17 =	vsel vm5, $0x1, v2  }
0x606: {  	v18 =	vsel vm2, v13, v16;
	v17 =	vbroadcast v17, $0x0  }
0x607: {  	v21 =	vsel vm2, v16, v13;
	v19 =	vsel vm2, v14, v15;
	v20 =	vsel vm2, v15, v14  }
0x608: {  	vm6 =	vlt.s32 v18, v21;
	vm5 =	veq.s32 v19, v20  }
0x609: {  	v17 =	vand.u32 $0x1, v17;
	vm7 =	vgt.u32 v19, v20;
	vm5 =	vmand vm5, vm6  }
0x60a: {  	vm6 =	veq.s32 v17, $0x1;
	vm5 =	vmor vm7, vm5  }
0x60b: {  	vm5 =	vmxor vm6, vm5  }
0x60c: {  	v14 =	vsel vm5, v15, v14  }
0x60d: {  	v13 =	vsel vm5, v16, v13;
	[tilespmem:s3+$0x0] =	vst v14  }
0x60e: {  	s3 =	simm.s32 $0x7E00;
	[tilespmem:s0+$0x0] =	vst v13  }
0x60f: {  	s0 =	simm.s32 $0x7C00;
	v13 =	vld [tilespmem:s3+$0x0]  }
0x610: {  	s14 =	simm.s32 $0x0;
	s30 =	simm.s32 $0x10;
	v14 =	vld [tilespmem:s0+$0x0]  }
0x611: {  	s31 =	simm.s32 $0x0;
	s25 =	simm.s32 $0x7C00;
	s26 =	simm.s32 $0x7E00  }
.LBB2_90:
0x612: {  	p0 =	sne.s32 s30, $0x1F0;
	v15 =	vmov s31;
	s31 =	smov.u32 s30  }
0x613: {  	v15 =	vand.u32 $0x100, v15  }
0x614: {  	v16 =	vperm.xlane v13, v10;
	vm5 =	veq.s32 v15, $0x0  }
0x615: {  	v15 =	vperm.xlane v14, v10;
	v17 =	vsel vm5, $0x1, v2  }
0x616: {  	v18 =	vsel vm1, v13, v16;
	v17 =	vbroadcast v17, $0x0  }
0x617: {  	v21 =	vsel vm1, v16, v13;
	v19 =	vsel vm1, v14, v15;
	v20 =	vsel vm1, v15, v14  }
0x618: {  	vm6 =	vlt.s32 v18, v21;
	vm5 =	veq.s32 v19, v20  }
0x619: {  	v17 =	vand.u32 $0x1, v17;
	vm7 =	vgt.u32 v19, v20;
	vm5 =	vmand vm5, vm6  }
0x61a: {  	vm6 =	veq.s32 v17, $0x1;
	vm5 =	vmor vm7, vm5  }
0x61b: {  	vm5 =	vmxor vm6, vm5  }
0x61c: {  	v14 =	vsel vm5, v15, v14;
	v13 =	vsel vm5, v16, v13  }
.Ltmp45:
0x61d: {  	[tilespmem:s25+$0x0] =	vst v14;
	(pc) =	sbr.rel @p0 .LBB2_90-.Ltmp45, $4  }
0x61e: {  	[tilespmem:s26+$0x0] =	vst v13;
	s26 =	sadd.s32 $0x10, s26  }
0x61f: {  	s25 =	sadd.s32 $0x10, s25;
	v13 =	vld [tilespmem:s26+$0x0]  }
0x620: {  	v14 =	vld [tilespmem:s25+$0x0]  }
0x621: {  	s30 =	sadd.s32 $0x10, s30  }
0x622: {  	v15 =	vmov s31  }
0x623: {  	v15 =	vand.u32 $0x100, v15  }
0x624: {  	v16 =	vperm.xlane v13, v10;
	vm5 =	veq.s32 v15, $0x0  }
0x625: {  	v15 =	vperm.xlane v14, v10;
	v17 =	vsel vm5, $0x1, v2  }
0x626: {  	v18 =	vsel vm1, v13, v16;
	v17 =	vbroadcast v17, $0x0  }
0x627: {  	v21 =	vsel vm1, v16, v13;
	v19 =	vsel vm1, v14, v15;
	v20 =	vsel vm1, v15, v14  }
0x628: {  	vm6 =	vlt.s32 v18, v21;
	vm5 =	veq.s32 v19, v20  }
0x629: {  	v17 =	vand.u32 $0x1, v17;
	vm7 =	vgt.u32 v19, v20;
	vm5 =	vmand vm5, vm6  }
0x62a: {  	vm6 =	veq.s32 v17, $0x1;
	vm5 =	vmor vm7, vm5  }
0x62b: {  	vm5 =	vmxor vm6, vm5  }
0x62c: {  	v14 =	vsel vm5, v15, v14  }
0x62d: {  	v13 =	vsel vm5, v16, v13;
	[tilespmem:s25+$0x0] =	vst v14  }
0x62e: {  	[tilespmem:s26+$0x0] =	vst v13  }
0x62f: {  	v13 =	vld [tilespmem:s3+$0x0]  }
0x630: {  	v14 =	vld [tilespmem:s0+$0x0]  }
0x631: {  	s25 =	simm.s32 $0x10  }
.LBB2_92:
0x632: {  	p0 =	sne.s32 s25, $0x1F0;
	v15 =	vmov s14;
	s14 =	smov.u32 s25  }
0x633: {  	v15 =	vand.u32 $0x100, v15  }
0x634: {  	v16 =	vperm.xlane v13, v8;
	vm5 =	veq.s32 v15, $0x0  }
0x635: {  	v15 =	vperm.xlane v14, v8;
	v17 =	vsel vm5, $0x1, v2  }
0x636: {  	v18 =	vsel vm0, v13, v16;
	v17 =	vbroadcast v17, $0x0  }
0x637: {  	v21 =	vsel vm0, v16, v13;
	v19 =	vsel vm0, v14, v15;
	v20 =	vsel vm0, v15, v14  }
0x638: {  	vm6 =	vlt.s32 v18, v21;
	vm5 =	veq.s32 v19, v20  }
0x639: {  	v17 =	vand.u32 $0x1, v17;
	vm7 =	vgt.u32 v19, v20;
	vm5 =	vmand vm5, vm6  }
0x63a: {  	vm6 =	veq.s32 v17, $0x1;
	vm5 =	vmor vm7, vm5  }
0x63b: {  	vm5 =	vmxor vm6, vm5  }
0x63c: {  	v14 =	vsel vm5, v15, v14;
	v13 =	vsel vm5, v16, v13  }
.Ltmp46:
0x63d: {  	[tilespmem:s0+$0x0] =	vst v14;
	(pc) =	sbr.rel @p0 .LBB2_92-.Ltmp46, $4  }
0x63e: {  	[tilespmem:s3+$0x0] =	vst v13;
	s3 =	sadd.s32 $0x10, s3  }
0x63f: {  	s0 =	sadd.s32 $0x10, s0;
	v13 =	vld [tilespmem:s3+$0x0]  }
0x640: {  	v14 =	vld [tilespmem:s0+$0x0]  }
0x641: {  	s25 =	sadd.s32 $0x10, s25  }
0x642: {  	v15 =	vmov s14  }
0x643: {  	v15 =	vand.u32 $0x100, v15  }
0x644: {  	v16 =	vperm.xlane v13, v8;
	vm5 =	veq.s32 v15, $0x0  }
0x645: {  	v15 =	vperm.xlane v14, v8;
	v17 =	vsel vm5, $0x1, v2  }
0x646: {  	v18 =	vsel vm0, v13, v16;
	v17 =	vbroadcast v17, $0x0  }
0x647: {  	v21 =	vsel vm0, v16, v13;
	v19 =	vsel vm0, v14, v15;
	v20 =	vsel vm0, v15, v14  }
0x648: {  	vm6 =	vlt.s32 v18, v21;
	vm5 =	veq.s32 v19, v20  }
0x649: {  	v17 =	vand.u32 $0x1, v17;
	vm7 =	vgt.u32 v19, v20;
	vm5 =	vmand vm5, vm6  }
0x64a: {  	vm6 =	veq.s32 v17, $0x1;
	vm5 =	vmor vm7, vm5  }
0x64b: {  	vm5 =	vmxor vm6, vm5  }
0x64c: {  	v14 =	vsel vm5, v15, v14  }
0x64d: {  	v13 =	vsel vm5, v16, v13;
	[tilespmem:s0+$0x0] =	vst v14  }
0x64e: {  	s0 =	simm.s32 $0x0;
	[tilespmem:s3+$0x0] =	vst v13  }
0x64f: {  	v14 =	vld [tilespmem:s0+$0x7C00]  }
0x650: {  	v16 =	vld [tilespmem:s0+$0x7D00]  }
0x651: {  	v13 =	vld [tilespmem:s0+$0x7F00]  }
0x652: {  	v15 =	vld [tilespmem:s0+$0x7E00];
	_ =	sdelay $0x4  }
0x653: {  	s14 =	simm.s32 $0x40;
	s3 =	simm.s32 $0x0;
	vm5 =	vle.u32 v14, v16;
	vm6 =	vne.s32 v14, v16;
	vm7 =	vge.s32 v15, v13  }
.LBB2_94:
0x654: {  	p0 =	sne.s32 s14, $0x3C0;
	vm6 =	vmor vm6, vm7;
	s18 =	smov.u32 s14;
	s14 =	sadd.s32 $0x40, s14  }
0x655: {  	vm5 =	vmand vm5, vm6  }
0x656: {  	v17 =	vsel vm5, v16, v14;
	v18 =	vsel vm5, v13, v15;
	v16 =	vsel vm5, v14, v16  }
0x657: {  	s18 =	sshra.s32 s18, $0x2;
	v13 =	vsel vm5, v15, v13;
	[tilespmem:s0+$0x7C00] =	vst v17  }
0x658: {  	v14 =	vld [tilespmem:s18+$0x7C00];
	[tilespmem:s0+$0x7D00] =	vst v16  }
0x659: {  	v16 =	vld [tilespmem:s18+$0x7D00];
	[tilespmem:s0+$0x7F00] =	vst v13  }
0x65a: {  	v13 =	vld [tilespmem:s18+$0x7F00];
	[tilespmem:s0+$0x7E00] =	vst v18;
	s0 =	smov.u32 s18  }
0x65b: {  	v15 =	vld [tilespmem:s0+$0x7E00]  }
.Ltmp47:
0x65c: {  	(pc) =	sbr.rel @p0 .LBB2_94-.Ltmp47, $4  }
0x65d: {  	_ = 	snop  }
0x65e: {  	vm5 =	vle.u32 v14, v16  }
0x65f: {  	vm6 =	vne.s32 v14, v16  }
0x660: {  	vm7 =	vge.s32 v15, v13  }
0x661: {  	vm6 =	vmor vm6, vm7  }
0x662: {  	vm5 =	vmand vm5, vm6  }
0x663: {  	v17 =	vsel vm5, v16, v14  }
0x664: {  	v14 =	vsel vm5, v14, v16;
	[tilespmem:s0+$0x7C00] =	vst v17  }
0x665: {  	s14 =	sand.u32 $0x10, s3;
	s18 =	sand.u32 $0x7, s3;
	v16 =	vsel vm5, v15, v13;
	[tilespmem:s0+$0x7D00] =	vst v14  }
0x666: {  	s14 =	sor.u32 s18, s14;
	v13 =	vsel vm5, v13, v15;
	[tilespmem:s0+$0x7F00] =	vst v16  }
0x667: {  	s14 =	sshll.u32 s14, $0x4;
	[tilespmem:s0+$0x7E00] =	vst v13  }
0x668: {  	v13 =	vld [tilespmem:s14+$0x7C00]  }
0x669: {  	v14 =	vld [tilespmem:s14+$0x7E80]  }
0x66a: {  	v15 =	vld [tilespmem:s14+$0x7C80]  }
0x66b: {  	v16 =	vld [tilespmem:s14+$0x7E00];
	_ =	sdelay $0x4  }
0x66c: {  	s25 =	simm.s32 $0x1;
	vm5 =	vle.u32 v13, v15;
	vm6 =	vne.s32 v13, v15;
	vm7 =	vge.s32 v16, v14  }
.LBB2_96:
0x66d: {  	p0 =	sne.s32 s25, $0xF  }
0x66e: {  	vm6 =	vmor vm6, vm7;
	s3 =	sadd.s32 $0x2, s3;
	s0 =	smov.u32 s25;
	s25 =	sadd.s32 $0x1, s25  }
0x66f: {  	s18 =	sand.u32 $0x10, s3;
	s0 =	sand.u32 $0x7, s0;
	vm5 =	vmand vm5, vm6  }
0x670: {  	s0 =	sor.u32 s0, s18;
	v17 =	vsel vm5, v15, v13;
	v18 =	vsel vm5, v14, v16;
	v14 =	vsel vm5, v16, v14  }
0x671: {  	v15 =	vsel vm5, v13, v15;
	s0 =	sshll.u32 s0, $0x4;
	[tilespmem:s14+$0x7C00] =	vst v17  }
0x672: {  	v13 =	vld [tilespmem:s0+$0x7C00];
	[tilespmem:s14+$0x7E80] =	vst v14  }
0x673: {  	v14 =	vld [tilespmem:s0+$0x7E80];
	[tilespmem:s14+$0x7C80] =	vst v15  }
0x674: {  	v15 =	vld [tilespmem:s0+$0x7C80];
	[tilespmem:s14+$0x7E00] =	vst v18;
	s14 =	smov.u32 s0  }
0x675: {  	v16 =	vld [tilespmem:s14+$0x7E00]  }
.Ltmp48:
0x676: {  	(pc) =	sbr.rel @p0 .LBB2_96-.Ltmp48, $3  }
0x677: {  	_ =	sdelay $0x1  }
0x678: {  	vm5 =	vle.u32 v13, v15;
	vm6 =	vne.s32 v13, v15  }
0x679: {  	s0 =	simm.s32 $0x0;
	vm7 =	vge.s32 v16, v14  }
0x67a: {  	vm6 =	vmor vm6, vm7  }
0x67b: {  	vm5 =	vmand vm5, vm6  }
0x67c: {  	v17 =	vsel vm5, v15, v13  }
0x67d: {  	v18 =	vsel vm5, v16, v14;
	[tilespmem:s14+$0x7C00] =	vst v17  }
0x67e: {  	s3 =	sand.u32 $0x18, s0;
	s18 =	sand.u32 $0x3, s0;
	v13 =	vsel vm5, v13, v15;
	[tilespmem:s14+$0x7E80] =	vst v18  }
0x67f: {  	s3 =	sor.u32 s18, s3;
	v14 =	vsel vm5, v14, v16;
	[tilespmem:s14+$0x7C80] =	vst v13  }
0x680: {  	s3 =	sshll.u32 s3, $0x4;
	[tilespmem:s14+$0x7E00] =	vst v14  }
0x681: {  	v13 =	vld [tilespmem:s3+$0x7C00]  }
0x682: {  	v14 =	vld [tilespmem:s3+$0x7E40]  }
0x683: {  	v15 =	vld [tilespmem:s3+$0x7C40]  }
0x684: {  	v16 =	vld [tilespmem:s3+$0x7E00];
	_ =	sdelay $0x4  }
0x685: {  	s18 =	simm.s32 $0x0;
	s14 =	simm.s32 $0x1;
	vm5 =	vle.u32 v13, v15;
	vm6 =	vne.s32 v13, v15;
	vm7 =	vge.s32 v16, v14  }
.LBB2_98:
0x686: {  	p0 =	sne.s32 s14, $0xF  }
0x687: {  	vm6 =	vmor vm6, vm7;
	s18 =	sadd.s32 $0x2, s18;
	s19 =	smov.u32 s14;
	s14 =	sadd.s32 $0x1, s14  }
0x688: {  	s25 =	sand.u32 $0x18, s18;
	s19 =	sand.u32 $0x3, s19;
	vm5 =	vmand vm5, vm6  }
0x689: {  	s19 =	sor.u32 s19, s25;
	v17 =	vsel vm5, v15, v13;
	v18 =	vsel vm5, v14, v16;
	v14 =	vsel vm5, v16, v14  }
0x68a: {  	v15 =	vsel vm5, v13, v15;
	s19 =	sshll.u32 s19, $0x4;
	[tilespmem:s3+$0x7C00] =	vst v17  }
0x68b: {  	v13 =	vld [tilespmem:s19+$0x7C00];
	[tilespmem:s3+$0x7E40] =	vst v14  }
0x68c: {  	v14 =	vld [tilespmem:s19+$0x7E40];
	[tilespmem:s3+$0x7C40] =	vst v15  }
0x68d: {  	v15 =	vld [tilespmem:s19+$0x7C40];
	[tilespmem:s3+$0x7E00] =	vst v18;
	s3 =	smov.u32 s19  }
0x68e: {  	v16 =	vld [tilespmem:s3+$0x7E00]  }
.Ltmp49:
0x68f: {  	(pc) =	sbr.rel @p0 .LBB2_98-.Ltmp49, $3  }
0x690: {  	_ =	sdelay $0x1  }
0x691: {  	vm5 =	vle.u32 v13, v15;
	vm6 =	vne.s32 v13, v15  }
0x692: {  	vm7 =	vge.s32 v16, v14  }
0x693: {  	vm6 =	vmor vm6, vm7  }
0x694: {  	vm5 =	vmand vm5, vm6  }
0x695: {  	v17 =	vsel vm5, v15, v13  }
0x696: {  	v18 =	vsel vm5, v16, v14;
	[tilespmem:s3+$0x7C00] =	vst v17  }
0x697: {  	s14 =	sand.u32 $0x1C, s0;
	s18 =	sand.u32 $0x1, s0;
	v13 =	vsel vm5, v13, v15;
	[tilespmem:s3+$0x7E40] =	vst v18  }
0x698: {  	s14 =	sor.u32 s18, s14;
	v14 =	vsel vm5, v14, v16;
	[tilespmem:s3+$0x7C40] =	vst v13  }
0x699: {  	[tilespmem:s3+$0x7E00] =	vst v14;
	s3 =	sshll.u32 s14, $0x4  }
0x69a: {  	v13 =	vld [tilespmem:s3+$0x7C00]  }
0x69b: {  	v14 =	vld [tilespmem:s3+$0x7E20]  }
0x69c: {  	v15 =	vld [tilespmem:s3+$0x7C20]  }
0x69d: {  	v16 =	vld [tilespmem:s3+$0x7E00];
	_ =	sdelay $0x4  }
0x69e: {  	s25 =	simm.s32 $0x1;
	vm5 =	vle.u32 v13, v15;
	vm6 =	vne.s32 v13, v15;
	vm7 =	vge.s32 v16, v14  }
.LBB2_100:
0x69f: {  	p0 =	sne.s32 s25, $0xF  }
0x6a0: {  	vm6 =	vmor vm6, vm7;
	s0 =	sadd.s32 $0x2, s0;
	s14 =	smov.u32 s25;
	s25 =	sadd.s32 $0x1, s25  }
0x6a1: {  	s18 =	sand.u32 $0x1C, s0;
	s14 =	sand.u32 $0x1, s14;
	vm5 =	vmand vm5, vm6  }
0x6a2: {  	s14 =	sor.u32 s14, s18;
	v17 =	vsel vm5, v15, v13;
	v18 =	vsel vm5, v14, v16;
	v14 =	vsel vm5, v16, v14  }
0x6a3: {  	v15 =	vsel vm5, v13, v15;
	s14 =	sshll.u32 s14, $0x4;
	[tilespmem:s3+$0x7C00] =	vst v17  }
0x6a4: {  	v13 =	vld [tilespmem:s14+$0x7C00];
	[tilespmem:s3+$0x7E20] =	vst v14  }
0x6a5: {  	v14 =	vld [tilespmem:s14+$0x7E20];
	[tilespmem:s3+$0x7C20] =	vst v15  }
0x6a6: {  	v15 =	vld [tilespmem:s14+$0x7C20];
	[tilespmem:s3+$0x7E00] =	vst v18;
	s3 =	smov.u32 s14  }
0x6a7: {  	v16 =	vld [tilespmem:s3+$0x7E00]  }
.Ltmp50:
0x6a8: {  	(pc) =	sbr.rel @p0 .LBB2_100-.Ltmp50, $3  }
0x6a9: {  	_ =	sdelay $0x1  }
0x6aa: {  	vm5 =	vle.u32 v13, v15;
	vm6 =	vne.s32 v13, v15  }
0x6ab: {  	s14 =	simm.s32 $0x0;
	vm7 =	vge.s32 v16, v14  }
0x6ac: {  	vm6 =	vmor vm6, vm7  }
0x6ad: {  	vm5 =	vmand vm5, vm6  }
0x6ae: {  	v17 =	vsel vm5, v15, v13  }
0x6af: {  	v18 =	vsel vm5, v16, v14;
	[tilespmem:s3+$0x7C00] =	vst v17  }
0x6b0: {  	v13 =	vsel vm5, v13, v15;
	[tilespmem:s3+$0x7E20] =	vst v18  }
0x6b1: {  	v14 =	vsel vm5, v14, v16;
	[tilespmem:s3+$0x7C20] =	vst v13  }
0x6b2: {  	[tilespmem:s3+$0x7E00] =	vst v14;
	s3 =	simm.s32 $0x0  }
0x6b3: {  	v13 =	vld [tilespmem:s3+$0x7C00]  }
0x6b4: {  	v15 =	vld [tilespmem:s3+$0x7C10]  }
0x6b5: {  	v14 =	vld [tilespmem:s3+$0x7E10]  }
0x6b6: {  	v16 =	vld [tilespmem:s3+$0x7E00];
	_ =	sdelay $0x4  }
0x6b7: {  	s18 =	simm.s32 $0x80;
	s19 =	simm.s32 $0x2800;
	vm5 =	vle.u32 v13, v15;
	vm6 =	vne.s32 v13, v15;
	vm7 =	vge.s32 v16, v14  }
.LBB2_102:
0x6b8: {  	p0 =	sne.s32 s18, $0x780;
	vm6 =	vmor vm6, vm7;
	s0 =	smov.u32 s18;
	s18 =	sadd.s32 $0x80, s18  }
0x6b9: {  	vm5 =	vmand vm5, vm6  }
0x6ba: {  	v17 =	vsel vm5, v15, v13;
	v18 =	vsel vm5, v14, v16;
	v15 =	vsel vm5, v13, v15  }
0x6bb: {  	s0 =	sshra.s32 s0, $0x2;
	v14 =	vsel vm5, v16, v14;
	[tilespmem:s3+$0x7C00] =	vst v17  }
0x6bc: {  	v13 =	vld [tilespmem:s0+$0x7C00];
	[tilespmem:s3+$0x7C10] =	vst v15  }
0x6bd: {  	v15 =	vld [tilespmem:s0+$0x7C10];
	[tilespmem:s3+$0x7E10] =	vst v14  }
0x6be: {  	v14 =	vld [tilespmem:s0+$0x7E10];
	[tilespmem:s3+$0x7E00] =	vst v18;
	s3 =	smov.u32 s0  }
0x6bf: {  	v16 =	vld [tilespmem:s3+$0x7E00]  }
.Ltmp51:
0x6c0: {  	(pc) =	sbr.rel @p0 .LBB2_102-.Ltmp51, $4  }
0x6c1: {  	_ = 	snop  }
0x6c2: {  	vm5 =	vle.u32 v13, v15  }
0x6c3: {  	vm6 =	vne.s32 v13, v15  }
0x6c4: {  	s0 =	simm.s32 $0x7E00;
	vm7 =	vge.s32 v16, v14  }
0x6c5: {  	vm6 =	vmor vm6, vm7  }
0x6c6: {  	vm5 =	vmand vm5, vm6  }
0x6c7: {  	v17 =	vsel vm5, v15, v13  }
0x6c8: {  	v13 =	vsel vm5, v13, v15;
	[tilespmem:s3+$0x7C00] =	vst v17  }
0x6c9: {  	v15 =	vsel vm5, v16, v14;
	[tilespmem:s3+$0x7C10] =	vst v13  }
0x6ca: {  	v13 =	vsel vm5, v14, v16;
	[tilespmem:s3+$0x7E10] =	vst v15  }
0x6cb: {  	[tilespmem:s3+$0x7E00] =	vst v13  }
0x6cc: {  	s3 =	simm.s32 $0x7C00;
	v13 =	vld [tilespmem:s0+$0x0]  }
0x6cd: {  	v14 =	vld [tilespmem:s3+$0x0]  }
0x6ce: {  	s30 =	simm.s32 $0x10;
	s25 =	simm.s32 $0x7C00;
	s26 =	simm.s32 $0x7E00  }
.LBB2_104:
0x6cf: {  	p0 =	sne.s32 s30, $0x1F0;
	v15 =	vmov s14;
	s14 =	smov.u32 s30  }
0x6d0: {  	v15 =	vand.u32 $0x200, v15  }
0x6d1: {  	v16 =	vperm.xlane v13, v9;
	vm5 =	veq.s32 v15, $0x0  }
0x6d2: {  	v15 =	vperm.xlane v14, v9;
	v17 =	vsel vm5, $0x1, v2  }
0x6d3: {  	v18 =	vsel vm3, v13, v16;
	v17 =	vbroadcast v17, $0x0  }
0x6d4: {  	v21 =	vsel vm3, v16, v13;
	v19 =	vsel vm3, v14, v15;
	v20 =	vsel vm3, v15, v14  }
0x6d5: {  	vm6 =	vlt.s32 v18, v21;
	vm5 =	veq.s32 v19, v20  }
0x6d6: {  	v17 =	vand.u32 $0x1, v17;
	vm7 =	vgt.u32 v19, v20;
	vm5 =	vmand vm5, vm6  }
0x6d7: {  	vm6 =	veq.s32 v17, $0x1;
	vm5 =	vmor vm7, vm5  }
0x6d8: {  	vm5 =	vmxor vm6, vm5  }
0x6d9: {  	v14 =	vsel vm5, v15, v14;
	v13 =	vsel vm5, v16, v13  }
.Ltmp52:
0x6da: {  	[tilespmem:s25+$0x0] =	vst v14;
	(pc) =	sbr.rel @p0 .LBB2_104-.Ltmp52, $4  }
0x6db: {  	[tilespmem:s26+$0x0] =	vst v13;
	s26 =	sadd.s32 $0x10, s26  }
0x6dc: {  	s25 =	sadd.s32 $0x10, s25;
	v13 =	vld [tilespmem:s26+$0x0]  }
0x6dd: {  	v14 =	vld [tilespmem:s25+$0x0]  }
0x6de: {  	s30 =	sadd.s32 $0x10, s30  }
0x6df: {  	v15 =	vmov s14  }
0x6e0: {  	v15 =	vand.u32 $0x200, v15  }
0x6e1: {  	v16 =	vperm.xlane v13, v9;
	vm5 =	veq.s32 v15, $0x0  }
0x6e2: {  	v15 =	vperm.xlane v14, v9;
	v17 =	vsel vm5, $0x1, v2  }
0x6e3: {  	v18 =	vsel vm3, v13, v16;
	v17 =	vbroadcast v17, $0x0  }
0x6e4: {  	v21 =	vsel vm3, v16, v13;
	v19 =	vsel vm3, v14, v15;
	v20 =	vsel vm3, v15, v14  }
0x6e5: {  	vm6 =	vlt.s32 v18, v21;
	vm5 =	veq.s32 v19, v20  }
0x6e6: {  	v17 =	vand.u32 $0x1, v17;
	vm7 =	vgt.u32 v19, v20;
	vm5 =	vmand vm5, vm6  }
0x6e7: {  	vm6 =	veq.s32 v17, $0x1;
	vm5 =	vmor vm7, vm5  }
0x6e8: {  	vm5 =	vmxor vm6, vm5  }
0x6e9: {  	v14 =	vsel vm5, v15, v14  }
0x6ea: {  	v13 =	vsel vm5, v16, v13;
	[tilespmem:s25+$0x0] =	vst v14  }
0x6eb: {  	[tilespmem:s26+$0x0] =	vst v13  }
0x6ec: {  	v13 =	vld [tilespmem:s0+$0x0]  }
0x6ed: {  	v14 =	vld [tilespmem:s3+$0x0]  }
0x6ee: {  	s14 =	simm.s32 $0x0;
	s25 =	simm.s32 $0x10;
	s26 =	simm.s32 $0x0  }
.LBB2_106:
0x6ef: {  	p0 =	sne.s32 s25, $0x1F0;
	v15 =	vmov s26;
	s26 =	smov.u32 s25  }
0x6f0: {  	v15 =	vand.u32 $0x200, v15  }
0x6f1: {  	v16 =	vperm.xlane v13, v11;
	vm5 =	veq.s32 v15, $0x0  }
0x6f2: {  	v15 =	vperm.xlane v14, v11;
	v17 =	vsel vm5, $0x1, v2  }
0x6f3: {  	v18 =	vsel vm2, v13, v16;
	v17 =	vbroadcast v17, $0x0  }
0x6f4: {  	v21 =	vsel vm2, v16, v13;
	v19 =	vsel vm2, v14, v15;
	v20 =	vsel vm2, v15, v14  }
0x6f5: {  	vm6 =	vlt.s32 v18, v21;
	vm5 =	veq.s32 v19, v20  }
0x6f6: {  	v17 =	vand.u32 $0x1, v17;
	vm7 =	vgt.u32 v19, v20;
	vm5 =	vmand vm5, vm6  }
0x6f7: {  	vm6 =	veq.s32 v17, $0x1;
	vm5 =	vmor vm7, vm5  }
0x6f8: {  	vm5 =	vmxor vm6, vm5  }
0x6f9: {  	v14 =	vsel vm5, v15, v14;
	v13 =	vsel vm5, v16, v13  }
.Ltmp53:
0x6fa: {  	[tilespmem:s3+$0x0] =	vst v14;
	(pc) =	sbr.rel @p0 .LBB2_106-.Ltmp53, $4  }
0x6fb: {  	[tilespmem:s0+$0x0] =	vst v13;
	s0 =	sadd.s32 $0x10, s0  }
0x6fc: {  	s3 =	sadd.s32 $0x10, s3;
	v13 =	vld [tilespmem:s0+$0x0]  }
0x6fd: {  	v14 =	vld [tilespmem:s3+$0x0]  }
0x6fe: {  	s25 =	sadd.s32 $0x10, s25  }
0x6ff: {  	v15 =	vmov s26  }
0x700: {  	v15 =	vand.u32 $0x200, v15  }
0x701: {  	v16 =	vperm.xlane v13, v11;
	vm5 =	veq.s32 v15, $0x0  }
0x702: {  	v15 =	vperm.xlane v14, v11;
	v17 =	vsel vm5, $0x1, v2  }
0x703: {  	v18 =	vsel vm2, v13, v16;
	v17 =	vbroadcast v17, $0x0  }
0x704: {  	v21 =	vsel vm2, v16, v13;
	v19 =	vsel vm2, v14, v15;
	v20 =	vsel vm2, v15, v14  }
0x705: {  	vm6 =	vlt.s32 v18, v21;
	vm5 =	veq.s32 v19, v20  }
0x706: {  	v17 =	vand.u32 $0x1, v17;
	vm7 =	vgt.u32 v19, v20;
	vm5 =	vmand vm5, vm6  }
0x707: {  	vm6 =	veq.s32 v17, $0x1;
	vm5 =	vmor vm7, vm5  }
0x708: {  	vm5 =	vmxor vm6, vm5  }
0x709: {  	v14 =	vsel vm5, v15, v14  }
0x70a: {  	v13 =	vsel vm5, v16, v13;
	[tilespmem:s3+$0x0] =	vst v14  }
0x70b: {  	[tilespmem:s0+$0x0] =	vst v13;
	s0 =	simm.s32 $0x7E00  }
0x70c: {  	s3 =	simm.s32 $0x7C00;
	v13 =	vld [tilespmem:s0+$0x0]  }
0x70d: {  	v14 =	vld [tilespmem:s3+$0x0]  }
0x70e: {  	s30 =	simm.s32 $0x10;
	s25 =	simm.s32 $0x7C00;
	s26 =	simm.s32 $0x7E00  }
.LBB2_108:
0x70f: {  	p0 =	sne.s32 s30, $0x1F0;
	v15 =	vmov s14;
	s14 =	smov.u32 s30  }
0x710: {  	v15 =	vand.u32 $0x200, v15  }
0x711: {  	v16 =	vperm.xlane v13, v10;
	vm5 =	veq.s32 v15, $0x0  }
0x712: {  	v15 =	vperm.xlane v14, v10;
	v17 =	vsel vm5, $0x1, v2  }
0x713: {  	v18 =	vsel vm1, v13, v16;
	v17 =	vbroadcast v17, $0x0  }
0x714: {  	v21 =	vsel vm1, v16, v13;
	v19 =	vsel vm1, v14, v15;
	v20 =	vsel vm1, v15, v14  }
0x715: {  	vm6 =	vlt.s32 v18, v21;
	vm5 =	veq.s32 v19, v20  }
0x716: {  	v17 =	vand.u32 $0x1, v17;
	vm7 =	vgt.u32 v19, v20;
	vm5 =	vmand vm5, vm6  }
0x717: {  	vm6 =	veq.s32 v17, $0x1;
	vm5 =	vmor vm7, vm5  }
0x718: {  	vm5 =	vmxor vm6, vm5  }
0x719: {  	v14 =	vsel vm5, v15, v14;
	v13 =	vsel vm5, v16, v13  }
.Ltmp54:
0x71a: {  	[tilespmem:s25+$0x0] =	vst v14;
	(pc) =	sbr.rel @p0 .LBB2_108-.Ltmp54, $4  }
0x71b: {  	[tilespmem:s26+$0x0] =	vst v13;
	s26 =	sadd.s32 $0x10, s26  }
0x71c: {  	s25 =	sadd.s32 $0x10, s25;
	v13 =	vld [tilespmem:s26+$0x0]  }
0x71d: {  	v14 =	vld [tilespmem:s25+$0x0]  }
0x71e: {  	s30 =	sadd.s32 $0x10, s30  }
0x71f: {  	v15 =	vmov s14  }
0x720: {  	v15 =	vand.u32 $0x200, v15  }
0x721: {  	v16 =	vperm.xlane v13, v10;
	vm5 =	veq.s32 v15, $0x0  }
0x722: {  	v15 =	vperm.xlane v14, v10;
	v17 =	vsel vm5, $0x1, v2  }
0x723: {  	v18 =	vsel vm1, v13, v16;
	v17 =	vbroadcast v17, $0x0  }
0x724: {  	v21 =	vsel vm1, v16, v13;
	v19 =	vsel vm1, v14, v15;
	v20 =	vsel vm1, v15, v14  }
0x725: {  	vm6 =	vlt.s32 v18, v21;
	vm5 =	veq.s32 v19, v20  }
0x726: {  	v17 =	vand.u32 $0x1, v17;
	vm7 =	vgt.u32 v19, v20;
	vm5 =	vmand vm5, vm6  }
0x727: {  	vm6 =	veq.s32 v17, $0x1;
	vm5 =	vmor vm7, vm5  }
0x728: {  	vm5 =	vmxor vm6, vm5  }
0x729: {  	v14 =	vsel vm5, v15, v14  }
0x72a: {  	v13 =	vsel vm5, v16, v13;
	[tilespmem:s25+$0x0] =	vst v14  }
0x72b: {  	[tilespmem:s26+$0x0] =	vst v13  }
0x72c: {  	v13 =	vld [tilespmem:s0+$0x0]  }
0x72d: {  	v14 =	vld [tilespmem:s3+$0x0]  }
0x72e: {  	s14 =	simm.s32 $0x0;
	s25 =	simm.s32 $0x10  }
.LBB2_110:
0x72f: {  	p0 =	sne.s32 s25, $0x1F0;
	v15 =	vmov s14;
	s14 =	smov.u32 s25  }
0x730: {  	v15 =	vand.u32 $0x200, v15  }
0x731: {  	v16 =	vperm.xlane v13, v8;
	vm5 =	veq.s32 v15, $0x0  }
0x732: {  	v15 =	vperm.xlane v14, v8;
	v17 =	vsel vm5, $0x1, v2  }
0x733: {  	v18 =	vsel vm0, v13, v16;
	v17 =	vbroadcast v17, $0x0  }
0x734: {  	v21 =	vsel vm0, v16, v13;
	v19 =	vsel vm0, v14, v15;
	v20 =	vsel vm0, v15, v14  }
0x735: {  	vm6 =	vlt.s32 v18, v21;
	vm5 =	veq.s32 v19, v20  }
0x736: {  	v17 =	vand.u32 $0x1, v17;
	vm7 =	vgt.u32 v19, v20;
	vm5 =	vmand vm5, vm6  }
0x737: {  	vm6 =	veq.s32 v17, $0x1;
	vm5 =	vmor vm7, vm5  }
0x738: {  	vm5 =	vmxor vm6, vm5  }
0x739: {  	v14 =	vsel vm5, v15, v14;
	v13 =	vsel vm5, v16, v13  }
.Ltmp55:
0x73a: {  	[tilespmem:s3+$0x0] =	vst v14;
	(pc) =	sbr.rel @p0 .LBB2_110-.Ltmp55, $4  }
0x73b: {  	[tilespmem:s0+$0x0] =	vst v13;
	s0 =	sadd.s32 $0x10, s0  }
0x73c: {  	s3 =	sadd.s32 $0x10, s3;
	v13 =	vld [tilespmem:s0+$0x0]  }
0x73d: {  	v14 =	vld [tilespmem:s3+$0x0]  }
0x73e: {  	s25 =	sadd.s32 $0x10, s25  }
0x73f: {  	v15 =	vmov s14  }
0x740: {  	v15 =	vand.u32 $0x200, v15  }
0x741: {  	v16 =	vperm.xlane v13, v8;
	vm5 =	veq.s32 v15, $0x0  }
0x742: {  	v15 =	vperm.xlane v14, v8;
	v17 =	vsel vm5, $0x1, v2  }
0x743: {  	v18 =	vsel vm0, v13, v16;
	v17 =	vbroadcast v17, $0x0  }
0x744: {  	v21 =	vsel vm0, v16, v13;
	v19 =	vsel vm0, v14, v15;
	v20 =	vsel vm0, v15, v14  }
0x745: {  	vm6 =	vlt.s32 v18, v21;
	vm5 =	veq.s32 v19, v20  }
0x746: {  	v17 =	vand.u32 $0x1, v17;
	vm7 =	vgt.u32 v19, v20;
	vm5 =	vmand vm5, vm6  }
0x747: {  	vm6 =	veq.s32 v17, $0x1;
	vm5 =	vmor vm7, vm5  }
0x748: {  	vm5 =	vmxor vm6, vm5  }
0x749: {  	v14 =	vsel vm5, v15, v14  }
0x74a: {  	v13 =	vsel vm5, v16, v13;
	[tilespmem:s3+$0x0] =	vst v14  }
0x74b: {  	s3 =	simm.s32 $0x0;
	[tilespmem:s0+$0x0] =	vst v13  }
0x74c: {  	v13 =	vld [tilespmem:s3+$0x7C00]  }
0x74d: {  	v14 =	vld [tilespmem:s3+$0x7E00];
	_ =	sdelay $0x2  }
0x74e: {  	s0 =	simm.s32 $0x10  }
0x74f: {  	v15 =	vld [tilespmem:s0+$0x7C00];
	vm5 =	vgt.s32 v13, $0xFFFFFFFF  }
0x750: {  	v18 =	vld [tilespmem:s0+$0x7E00];
	v17 =	vcvt.s32.f32 v14;
	v16 =	vsel vm5, $0xFFFFFFFF, v1  }
0x751: {  	v13 =	vxor.u32 v13, v16  }
0x752: {  	v16 =	vmul.f32 v17, v0;
	v13 =	vsub.f32 $0.0e+00, v13;
	_ =	sdelay $0x1  }
0x753: {  	s14 =	simm.s32 $0x20;
	v16 =	vtrunc.f32 v16;
	v13 =	vmul.f32 $1.442695020e+00, v13  }
0x754: {  	v19 =	vcvt.s32.f32 v18;
	vm5 =	vgt.s32 v15, $0xFFFFFFFF;
	v17 =	vld [tilespmem:s14+$0x7C00];
	v16 =	vcvt.f32.s32 v16  }
0x755: {  	v20 =	vld [tilespmem:s14+$0x7E00];
	(erf) = vpow2.f32 v13;
	v13 =	vsel vm5, $0xFFFFFFFF, v1  }
0x756: {  	v19 =	vmul.f32 v19, v0;
	v13 =	vxor.u32 v15, v13;
	v15 =	vmul.u32 $0xFFFFFFA5, v16;
	_ =	sdelay $0x1  }
0x757: {  	[tilespmem:s3+$0x1EB00] =	vst v16;
	v14 =	vadd.s32 v14, v15;
	v15 =	vtrunc.f32 v19  }
0x758: {  	s31 =	simm.s32 $0x30;
	vm5 =	vgt.s32 v17, $0xFFFFFFFF;
	v13 =	vsub.f32 $0.0e+00, v13;
	[tilespmem:s3+$0x1EE00] =	vst v14;
	v14 =	vcvt.f32.s32 v15  }
0x759: {  	v16 =	vcvt.s32.f32 v20;
	v15 =	vsel vm5, $0xFFFFFFFF, v1;
	v19 =	vld [tilespmem:s31+$0x7E00]  }
0x75a: {  	v13 =	vmul.f32 $1.442695020e+00, v13;
	v15 =	vxor.u32 v17, v15;
	v62 =	vmul.u32 $0xFFFFFFA5, v14  }
0x75b: {  	v17 =	vld [tilespmem:s31+$0x7C00];
	v15 =	vsub.f32 $0.0e+00, v15  }
0x75c: {  	(erf) = vpow2.f32 v13;
	[tilespmem:s0+$0x1EB00] =	vst v14;
	v14 =	vadd.s32 v18, v62  }
0x75d: {  	s25 =	simm.s32 $0x40;
	v13 =	vmul.f32 v16, v0;
	v15 =	vmul.f32 $1.442695020e+00, v15;
	v16 =	vpop (erf);
	[tilespmem:s0+$0x1EE00] =	vst v14  }
0x75e: {  	v14 =	vadd.f32 $1.000000000e+00, v16;
	v16 =	vld [tilespmem:s25+$0x7C00];
	v18 =	vcvt.s32.f32 v19  }
0x75f: {  	v13 =	vtrunc.f32 v13;
	(erf) = vpow2.f32 v15  }
0x760: {  	vm5 =	vgt.s32 v17, $0xFFFFFFFF;
	v15 =	vcvt.f32.s32 v13;
	v18 =	vmul.f32 v18, v0  }
0x761: {  	v13 =	vld [tilespmem:s25+$0x7E00];
	(erf) = vrcp.f32 v14;
	v14 =	vsel vm5, $0xFFFFFFFF, v1  }
0x762: {  	v14 =	vxor.u32 v17, v14;
	v17 =	vmul.u32 $0xFFFFFFA5, v15;
	v18 =	vtrunc.f32 v18  }
0x763: {  	v14 =	vsub.f32 $0.0e+00, v14;
	vm5 =	vgt.s32 v16, $0xFFFFFFFF  }
0x764: {  	[tilespmem:s14+$0x1EB00] =	vst v15;
	v15 =	vadd.s32 v20, v17;
	v20 =	vsel vm5, $0xFFFFFFFF, v1  }
0x765: {  	v17 =	vcvt.f32.s32 v18;
	v14 =	vmul.f32 $1.442695020e+00, v14;
	v18 =	vpop (erf);
	v16 =	vxor.u32 v16, v20  }
0x766: {  	s26 =	simm.s32 $0x50;
	v63 =	vcvt.s32.f32 v13;
	[tilespmem:s14+$0x1EE00] =	vst v15;
	v18 =	vadd.f32 $1.000000000e+00, v18;
	v16 =	vsub.f32 $0.0e+00, v16  }
0x767: {  	v15 =	vld [tilespmem:s26+$0x7C00];
	v20 =	vmul.u32 $0xFFFFFFA5, v17;
	(erf) = vpow2.f32 v14  }
0x768: {  	v21 =	vmul.f32 v63, v0;
	v14 =	vld [tilespmem:s26+$0x7E00];
	(erf) = vrcp.f32 v18  }
0x769: {  	[tilespmem:s31+$0x1EB00] =	vst v17;
	v20 =	vadd.s32 v19, v20;
	v19 =	vpop (erf)  }
0x76a: {  	s30 =	simm.s32 $0x180;
	v17 =	vmul.f32 $1.442695020e+00, v16;
	v18 =	vtrunc.f32 v21;
	[tilespmem:s31+$0x1EE00] =	vst v20;
	v16 =	vpop (erf)  }
.LBB2_112:
0x76b: {  	s18 =	sshra.s32 s30, $0x2  }
0x76c: {  	vm5 =	vgt.s32 v15, $0xFFFFFFFF;
	v18 =	vcvt.f32.s32 v18;
	v19 =	vadd.f32 $1.000000000e+00, v19;
	[tilespmem:s3+$0x1EC80] =	vst v16;
	v16 =	vmovc v15;
	s3 =	smov.u32 s0;
	s0 =	smov.u32 s14;
	p0 =	sne.s32 s30, $0x480  }
.Ltmp56:
0x76d: {  	s30 =	sadd.s32 $0x40, s30;
	v15 =	vld [tilespmem:s18+$0x7C00];
	v20 =	vsel vm5, $0xFFFFFFFF, v1;
	v21 =	vcvt.s32.f32 v14;
	(erf) = vpow2.f32 v17;
	v17 =	vmovc v14;
	(pc) =	sbr.rel @p0 .LBB2_112-.Ltmp56, $4  }
0x76e: {  	s14 =	smov.u32 s31;
	s31 =	smov.u32 s25;
	v14 =	vld [tilespmem:s18+$0x7E00];
	v16 =	vxor.u32 v16, v20;
	v20 =	vmul.u32 $0xFFFFFFA5, v18;
	[tilespmem:s25+$0x1EB00] =	vst v18;
	(erf) = vrcp.f32 v19;
	s25 =	smov.u32 s26  }
0x76f: {  	s26 =	smov.u32 s18;
	v22 =	vsub.f32 $0.0e+00, v16;
	v18 =	vmul.f32 v21, v0  }
0x770: {  	v20 =	vadd.s32 v13, v20;
	v19 =	vpop (erf);
	v13 =	vmov v17  }
0x771: {  	v17 =	vmul.f32 $1.442695020e+00, v22;
	v18 =	vtrunc.f32 v18;
	[tilespmem:s31+$0x1EE00] =	vst v20;
	v16 =	vpop (erf)  }
0x772: {  	vm5 =	vgt.s32 v15, $0xFFFFFFFF  }
0x773: {  	v20 =	vsel vm5, $0xFFFFFFFF, v1  }
0x774: {  	v15 =	vxor.u32 v15, v20  }
0x775: {  	v15 =	vsub.f32 $0.0e+00, v15  }
0x776: {  	v19 =	vadd.f32 $1.000000000e+00, v19  }
0x777: {  	(erf) = vpow2.f32 v17;
	v15 =	vmul.f32 $1.442695020e+00, v15  }
0x778: {  	(erf) = vrcp.f32 v19  }
0x779: {  	(erf) = vpow2.f32 v15;
	_ =	sdelay $0x4  }
0x77a: {  	v15 =	vpop (erf)  }
0x77b: {  	v17 =	vpop (erf)  }
0x77c: {  	v15 =	vadd.f32 $1.000000000e+00, v15;
	v19 =	vpop (erf)  }
0x77d: {  	v62 =	vcvt.s32.f32 v14;
	v21 =	vpop (erf)  }
0x77e: {  	(erf) = vrcp.f32 v15;
	v15 =	vadd.f32 $1.000000000e+00, v19;
	v19 =	vpop (erf)  }
0x77f: {  	v18 =	vcvt.f32.s32 v18;
	v20 =	vmul.f32 v62, v0;
	v19 =	vadd.f32 $1.000000000e+00, v19  }
0x780: {  	(erf) = vrcp.f32 v15  }
0x781: {  	v15 =	vmul.u32 $0xFFFFFFA5, v18;
	(erf) = vrcp.f32 v19;
	v19 =	vtrunc.f32 v20  }
0x782: {  	[tilespmem:s3+$0x1EC80] =	vst v16;
	v16 =	vcvt.f32.s32 v19  }
0x783: {  	v13 =	vadd.s32 v13, v15  }
0x784: {  	[tilespmem:s25+$0x1EE00] =	vst v13;
	v13 =	vmul.u32 $0xFFFFFFA5, v16  }
0x785: {  	[tilespmem:s25+$0x1EB00] =	vst v18  }
0x786: {  	[tilespmem:s0+$0x1EC80] =	vst v17;
	v13 =	vadd.s32 v14, v13  }
0x787: {  	[tilespmem:s26+$0x1EB00] =	vst v16  }
0x788: {  	[tilespmem:s26+$0x1EE00] =	vst v13  }
0x789: {  	[tilespmem:s14+$0x1EC80] =	vst v21;
	v13 =	vpop (erf)  }
0x78a: {  	[tilespmem:s31+$0x1EC80] =	vst v13;
	v13 =	vpop (erf)  }
0x78b: {  	[tilespmem:s25+$0x1EC80] =	vst v13;
	v13 =	vpop (erf)  }
0x78c: {  	s18 =	simm.s32 $0x1EC80;
	[tilespmem:s26+$0x1EC80] =	vst v13  }
0x78d: {  	[hbm4b:s8+s16] =	stream.strided.scatter [tilespmem:s18], [sflag:$0x1], $0x180, s17, s16, $0x38;
	[tilespmem:$0x1F500] =	vst v63  }
0x78e: {  	_ =	swait.ge [sflag:s15], $0x180  }
0x78f: {  	[sflag:s15] =	ssyncset.done $0x0  }
0x790: {  	s25 =	simm.s32 $0x1EE00;
	[sflag:s15] =	ssyncadd.s32 $0xFFFFFE80  }
0x791: {  	[hbm4b:s9+s16] =	stream.strided.scatter [tilespmem:s25], [sflag:$0x1], $0x180, s17, s16, $0x38;
	[tilespmem:$0x1F500] =	vst v63  }
0x792: {  	s26 =	simm.s32 $0x0;
	_ =	swait.ge [sflag:s15], $0x180  }
0x793: {  	v13 =	vor.u32 s26, v3;
	[sflag:s15] =	ssyncset.done $0x0  }
0x794: {  	v13 =	vshrl.u32 v13, $0x2;
	[sflag:s15] =	ssyncadd.s32 $0xFFFFFE80  }
0x795: {  	[tilespmem:s28], [sflag:$0x1] =	stream.linear.gather [hbm4b:s10+s26], $0x13A00, $0x38;
	[tilespmem:$0x1F500] =	vst v63  }
0x796: {  	_ =	swait.ge [sflag:s15], $0x13A00  }
0x797: {  	[sflag:s15] =	ssyncset.done $0x0  }
0x798: {  	[sflag:s15] =	ssyncadd.s32 $0xFFFEC600  }
0x799: {  	v13 =	vld.idx.msk [tilespmem:v13+s29+$0x0], $0xffff;
	_ =	sdelay $0x4  }
0x79a: {  	v15 =	vand.u32 $0x3, v3;
	v14 =	vshll.u32 v13, $0x2  }
0x79b: {  	v16 =	vand.u32 $0x7F, v13;
	v13 =	vmul.u32 $0x80, v15;
	v14 =	vand.u32 $0xFFFFFE00, v14  }
0x79c: {  	v14 =	vor.u32 v16, v14  }
0x79d: {  	v15 =	vor.u32 v13, v14  }
0x79e: {  	v14 =	vor.u32 v12, v14;
	_ =	sdelay $0x3  }
0x79f: {  	v15 =	vld.idx.msk [tilespmem:v15+s28+$0x0], $0xffff  }
0x7a0: {  	v14 =	vld.idx.msk [tilespmem:v14+s28+$0x0], $0xffff;
	_ =	sdelay $0x2  }
0x7a1: {  	v16 =	vld [tilespmem:$0x1F480]  }
0x7a2: {  	v17 =	vand.u32 $0x1, v3  }
0x7a3: {  	s30 =	simm.s32 $0x10;
	v17 =	vmul.u32 $0xFFFFFFFF, v17;
	v18 =	vmul.f32 $-5.000000000e-01, v14;
	v19 =	vmul.f32 $5.000000000e-01, v15  }
0x7a4: {  	v63 =	vor.u32 s30, v3  }
0x7a5: {  	v17 =	vadd.s32 $0x1, v17;
	v15 =	vadd.f32 v18, v15;
	v18 =	vadd.f32 v19, v14  }
0x7a6: {  	v14 =	vperm.xlane v16, v17;
	v16 =	vshrl.u32 v63, $0x2  }
0x7a7: {  	v15 =	vsel vm1, v15, v18  }
0x7a8: {  	v15 =	vmul.f32 v15, v14  }
0x7a9: {  	s0 =	simm.s32 $0x1EF80  }
0x7aa: {  	[tilespmem:s0+$0x0] =	vst v15  }
0x7ab: {  	v15 =	vld.idx.msk [tilespmem:v16+s29+$0x0], $0xffff;
	_ =	sdelay $0x4  }
0x7ac: {  	v16 =	vshll.u32 v15, $0x2  }
0x7ad: {  	v15 =	vand.u32 $0x7F, v15;
	v16 =	vand.u32 $0xFFFFFE00, v16  }
0x7ae: {  	v15 =	vor.u32 v15, v16  }
0x7af: {  	v16 =	vor.u32 v13, v15  }
0x7b0: {  	v15 =	vor.u32 v12, v15;
	_ =	sdelay $0x3  }
0x7b1: {  	v16 =	vld.idx.msk [tilespmem:v16+s28+$0x0], $0xffff  }
0x7b2: {  	v15 =	vld.idx.msk [tilespmem:v15+s28+$0x0], $0xffff;
	_ =	sdelay $0x4  }
0x7b3: {  	v17 =	vmul.f32 $-5.000000000e-01, v15;
	v18 =	vmul.f32 $5.000000000e-01, v16  }
0x7b4: {  	s31 =	simm.s32 $0x20  }
0x7b5: {  	v19 =	vor.u32 s31, v3;
	v16 =	vadd.f32 v17, v16;
	v17 =	vadd.f32 v18, v15  }
0x7b6: {  	s3 =	simm.s32 $0x30;
	v15 =	vshrl.u32 v19, $0x2  }
.LBB2_114:
0x7b7: {  	p0 =	sne.s32 s3, $0x4B0;
	v16 =	vsel vm1, v16, v17  }
0x7b8: {  	v16 =	vmul.f32 v16, v14  }
0x7b9: {  	s0 =	sadd.s32 $0x10, s0  }
0x7ba: {  	[tilespmem:s0+$0x0] =	vst v16  }
0x7bb: {  	v15 =	vld.idx.msk [tilespmem:v15+s29+$0x0], $0xffff;
	_ =	sdelay $0x5  }
0x7bc: {  	v16 =	vshll.u32 v15, $0x2  }
0x7bd: {  	v15 =	vand.u32 $0x7F, v15;
	v16 =	vand.u32 $0xFFFFFE00, v16  }
0x7be: {  	v15 =	vor.u32 v15, v16  }
0x7bf: {  	v16 =	vor.u32 v13, v15  }
0x7c0: {  	v15 =	vor.u32 v12, v15;
	_ =	sdelay $0x3  }
0x7c1: {  	v16 =	vld.idx.msk [tilespmem:v16+s28+$0x0], $0xffff  }
0x7c2: {  	v15 =	vld.idx.msk [tilespmem:v15+s28+$0x0], $0xffff;
	_ =	sdelay $0x4  }
.Ltmp57:
0x7c3: {  	(pc) =	sbr.rel @p0 .LBB2_114-.Ltmp57, $3  }
0x7c4: {  	v18 =	vmul.f32 $5.000000000e-01, v16;
	v17 =	vmul.f32 $-5.000000000e-01, v15;
	_ =	sdelay $0x1  }
0x7c5: {  	v19 =	vor.u32 s3, v3;
	v16 =	vadd.f32 v17, v16;
	v17 =	vadd.f32 v18, v15  }
0x7c6: {  	s3 =	sadd.s32 $0x10, s3;
	v15 =	vshrl.u32 v19, $0x2  }
0x7c7: {  	v16 =	vsel vm1, v16, v17  }
0x7c8: {  	v16 =	vmul.f32 v16, v14  }
0x7c9: {  	s0 =	sadd.s32 $0x10, s0  }
0x7ca: {  	[tilespmem:s0+$0x0] =	vst v16  }
0x7cb: {  	v15 =	vld.idx.msk [tilespmem:v15+s29+$0x0], $0xffff;
	_ =	sdelay $0x4  }
0x7cc: {  	v61 =	vshll.u32 v15, $0x2  }
0x7cd: {  	v15 =	vand.u32 $0x7F, v15;
	v16 =	vand.u32 $0xFFFFFE00, v61  }
0x7ce: {  	v15 =	vor.u32 v15, v16  }
0x7cf: {  	v13 =	vor.u32 v13, v15  }
0x7d0: {  	v15 =	vor.u32 v12, v15;
	_ =	sdelay $0x3  }
0x7d1: {  	v13 =	vld.idx.msk [tilespmem:v13+s28+$0x0], $0xffff  }
0x7d2: {  	v15 =	vld.idx.msk [tilespmem:v15+s28+$0x0], $0xffff;
	_ =	sdelay $0x4  }
0x7d3: {  	v62 =	vmul.f32 $-5.000000000e-01, v15;
	v63 =	vmul.f32 $5.000000000e-01, v13;
	_ =	sdelay $0x1  }
0x7d4: {  	v13 =	vadd.f32 v62, v13;
	v15 =	vadd.f32 v63, v15;
	_ =	sdelay $0x1  }
0x7d5: {  	v13 =	vsel vm1, v13, v15  }
0x7d6: {  	s2 =	sadd.s32 $0x1, s2;
	v13 =	vmul.f32 v13, v14  }
0x7d7: {  	p0 =	sne.s32 s2, s13;
	s0 =	sadd.s32 $0x10, s0  }
.Ltmp58:
0x7d8: {  	s31 =	simm.s32 $0x1EF80;
	[tilespmem:s0+$0x0] =	vst v13;
	(pc) =	sbr.rel @p0 .LBB2_2-.Ltmp58, $4  }
0x7d9: {  	[hbm4b:s11+s16] =	stream.strided.scatter [tilespmem:s31], [sflag:$0x1], $0x500, s17, s16, $0x38;
	[tilespmem:$0x1F500] =	vst v63  }
0x7da: {  	_ =	swait.ge [sflag:s15], $0x500  }
0x7db: {  	[sflag:s15] =	ssyncset.done $0x0  }
0x7dc: {  	s25 =	simm.s32 $0x5000;
	[sflag:s15] =	ssyncadd.s32 $0xFFFFFB00  }
.LBB2_116:
0x7dd: {  	_ =	sfence.sel $0x180000  }
0x7de: {  	[bflag:$0x0] =	sbarrier.arrive $0xFFFF  }
0x7df: {  	_ =	strace $0x90000047  }
0x7e0: {  	s0 =	stileid.u32;
	[bflag:$0x2] =	sbarrier.arrive $0xFFFF  }
0x7e1: {  	p0 =	sne.s32 s0, $0x0;
	s0 =	rddreg [dreg:$0x6]  }
0x7e2: {  	s0 =	sadd.s32 @!p0 $0x100000, s0  }
0x7e3: {  	[sflag:s0] =	ssyncadd.tile.s32 @!p0 $0x1;
	_ =	shalt  }
.Lfunc_end2:
_tile_overlayer_lowered:
.L_overlay_start_2:
0x7e4: {  	(tag) =	ssettag $0x2  }
0x7e5: {  	s0 =	rddreg [dreg:$0x0];
	s2 =	stileid.u32  }
0x7e6: {  	s1 =	rddreg [dreg:$0x1];
	p0 =	sne.s32 s2, $0x0  }
0x7e7: {  	s3 =	rddreg [dreg:$0x2];
	[bflag:$0x3] =	sbarrier.arrive $0xFFFF;
	s2 =	simm.s32 @!p0 $0x1C01  }
0x7e8: {  	[timem:s3], [sflag:s2] =	dma.local @!p0 [hbm:s0], s1  }
0x7e9: {  	s0 =	simm.s32 @!p0 $0x1  }
0x7ea: {  	_ =	swait.ge @!p0 [sflag:s0], s1  }
0x7eb: {  	s1 =	ssub.s32 @!p0 $0x0, s1;
	[sflag:s0] =	ssyncset.done @!p0 $0x0  }
0x7ec: {  	[sflag:s0] =	ssyncadd.s32 @!p0 s1  }
0x7ed: {  	[bflag:$0x3] =	sbarrier.arrive $0xFFFF  }
0x7ee: {  	_ =	shalt  }

</sc_bundles>
